<compile_context>
chip_gen: v7x
topology: tpu7x:2x2x1
jax: 0.10.2.dev20260603
libtpu: 0.0.44.dev20260713+nightly
codegen_flags: <defaults>
</compile_context>

<pallas_src>
import functools

import jax
import jax.numpy as jnp
from jax import lax
from jax.experimental import pallas as pl
from jax.experimental.pallas import tpu as pltpu
from jax.experimental.pallas import tpu_sc as plsc

_NUM_FEATURES = 26
_VOCAB = 100000
_EMBED_DIM = 16
_BATCH = 1024
_SEQ = 50

_NC = 2
_NS = 16
_NW = _NC * _NS
_NTASK = _NUM_FEATURES * _EMBED_DIM
_TPW = _NTASK // _NW
_SCHUNK = 5
_NCHUNK = _SEQ // _SCHUNK


@functools.lru_cache(maxsize=None)
def _make_kernel():
    mesh = plsc.VectorSubcoreMesh(core_axis_name="c", subcore_axis_name="s")

    @functools.partial(
        pl.kernel,
        mesh=mesh,
        out_type=jax.ShapeDtypeStruct(
            (_SEQ, _NUM_FEATURES * _EMBED_DIM // 8, _BATCH // 128, 8, 128),
            jnp.float32,
        ),
        scratch_types=[
            pltpu.VMEM((_VOCAB,), jnp.float32),
            pltpu.VMEM((2, _SCHUNK, _BATCH), jnp.int32),
            pltpu.VMEM((2, _SCHUNK, _BATCH // 128, 128), jnp.float32),
            pltpu.SemaphoreType.DMA,
            pltpu.SemaphoreType.DMA,
            pltpu.SemaphoreType.DMA,
        ],
        compiler_params=pltpu.CompilerParams(
            use_tc_tiling_on_sc=False, needs_layout_passes=False
        ),
    )
    def k(tab_hbm, feat_hbm, out_hbm, slab_v, idx_v, outb_v, slab_sem,
          idx_sem, out_sem):
        wid = lax.axis_index("s") * _NC + lax.axis_index("c")

        def task(j, carry):
            t = wid * _TPW + j
            i = t // _EMBED_DIM
            d = t % _EMBED_DIM
            c = i * _EMBED_DIM + d
            slab_cp = pltpu.async_copy(tab_hbm.at[i, d], slab_v, slab_sem)
            idx_cps = [None] * _NCHUNK
            out_cps = [None] * _NCHUNK
            for ch in (0, 1):
                idx_cps[ch] = pltpu.async_copy(
                    feat_hbm.at[i, pl.ds(ch * _SCHUNK, _SCHUNK)],
                    idx_v.at[ch], idx_sem,
                )
            slab_cp.wait()

            for ch in range(_NCHUNK):
                b = ch % 2
                idx_cps[ch].wait()
                if out_cps[ch - 2] is not None:
                    out_cps[ch - 2].wait()

                def srow(sl, carry3, _b=b):
                    @plsc.parallel_loop(0, _BATCH // 128, 1, unroll=2)
                    def grp(g):
                        for kk in range(8):
                            off = g * 128 + kk * 16
                            iv = idx_v.at[_b][sl, pl.ds(off, 16)]
                            vals = plsc.load_gather(slab_v, [iv])
                            outb_v.at[_b][sl, g, pl.ds(kk * 16, 16)] = vals

                    return carry3

                lax.fori_loop(0, _SCHUNK, srow, 0)
                out_cps[ch] = pltpu.async_copy(
                    outb_v.at[b],
                    out_hbm.at[pl.ds(ch * _SCHUNK, _SCHUNK), c // 8, :, c % 8],
                    out_sem,
                )
                if ch + 2 < _NCHUNK:
                    idx_cps[ch + 2] = pltpu.async_copy(
                        feat_hbm.at[i, pl.ds((ch + 2) * _SCHUNK, _SCHUNK)],
                        idx_v.at[b], idx_sem,
                    )
            out_cps[_NCHUNK - 2].wait()
            out_cps[_NCHUNK - 1].wait()
            return carry

        lax.fori_loop(0, _TPW, task, 0)

    return k


def kernel(features, tables):
    feat_t = jnp.transpose(features, (2, 1, 0))
    tab_t = jnp.transpose(tables, (0, 2, 1))
    out5 = _make_kernel()(tab_t, feat_t)
    out = jnp.transpose(out5, (2, 4, 0, 1, 3)).reshape(
        _BATCH, _SEQ, _NUM_FEATURES * _EMBED_DIM
    )
    return out

# --- scband reference (transcript-rebuilt; emitter-appended) ---
"""Pipeline reference for scband-time-series-feature-embedder-28028956574116 (READ-ONLY COPY).

The authoritative reference and input builder live on the scoring server;
editing this copy changes nothing except your own understanding.
"""

import jax, jax.numpy as jnp
import numpy as np

NUM_FEATURES = 26
VOCAB = 100000
EMBED_DIM = 16
BATCH = 1024
SEQ = 50


def setup_inputs(seed: int = 0) -> dict:
    key = jax.random.key(seed)
    k1, k2 = jax.random.split(key)
    features = jax.random.randint(k1, (BATCH, SEQ, NUM_FEATURES), 0, VOCAB, dtype=jnp.int32)
    # All 26 embedding tables have identical shape (vocab=100000, dim=16),
    # so we stack them into one [num_features, vocab, dim] array.
    tables = jax.random.normal(k2, (NUM_FEATURES, VOCAB, EMBED_DIM), dtype=jnp.float32) * 0.02
    return {"features": features, "tables": tables}


def reference(features, tables):
    # Faithful translation of TimeSeriesFeatureEmbedder.forward:
    # chunk features along last dim, embed each slice with its own table,
    # concatenate embeddings along the last dim.
    outs = []
    for i in range(NUM_FEATURES):
        idx = features[..., i]  # squeeze(-1) of the i-th chunk -> [B, S]
        outs.append(jnp.take(tables[i], idx, axis=0))  # [B, S, EMBED_DIM]
    return jnp.concatenate(outs, axis=-1)  # [B, S, NUM_FEATURES * EMBED_DIM]

if __name__ == "__main__":
    import jax
    _d = setup_inputs()
    print(jax.jit(kernel)(*tuple(_d.values())))

</pallas_src>

<mosaic_0001>
#map = affine_map<(d0, d1) -> (0, 0, 0)>
#map1 = affine_map<(d0, d1) -> (0, 0, 0, 0, 0)>
module attributes {stable_mosaic.version = 14 : i64} {
  func.func @k(%arg0: i32, %arg1: i32, %arg2: memref<26x16x100000xf32, #tpu.memory_space<hbm>>, %arg3: memref<26x50x1024xi32, #tpu.memory_space<hbm>>, %arg4: memref<50x52x8x8x128xf32, #tpu.memory_space<hbm>>, %arg5: memref<100000xf32, #tpu.memory_space<vmem>>, %arg6: memref<2x5x1024xi32, #tpu.memory_space<vmem>>, %arg7: memref<2x5x8x128xf32, #tpu.memory_space<vmem>>, %arg8: memref<!tpu.dma_semaphore, #tpu.memory_space<semaphore_mem>>, %arg9: memref<!tpu.dma_semaphore, #tpu.memory_space<semaphore_mem>>, %arg10: memref<!tpu.dma_semaphore, #tpu.memory_space<semaphore_mem>>) attributes {dimension_semantics = [#tpu.dimension_semantics<core_parallel>, #tpu.dimension_semantics<subcore_parallel>], iteration_bounds = array<i64: 2, 16>, scalar_prefetch = 0 : i64, scratch_operands = 6 : i64, tpu.core_type = #tpu.core_type<sc_vector_subcore>, window_params = [{transform_indices = #map}, {transform_indices = #map}, {transform_indices = #map1}]} {
    %mul3A = arith.constant 2 : i32
    %mul3A_0 = arith.muli %arg1, %mul3A : i32
    %add3A = arith.addi %mul3A_0, %arg0 : i32
    %scan3A = arith.constant 0 : i32
    %scan3A_1 = arith.constant 0 : i32
    %scan3A_2 = arith.constant 13 : i32
    %scan3A_3 = arith.addi %scan3A_1, %scan3A_2 : i32
    %scan3A_4 = arith.constant 1 : i32
    scf.for %scan3A_6 = %scan3A_1 to %scan3A_3 step %scan3A_4  : i32 {
      %mul3A_7 = arith.constant 13 : i32
      %mul3A_8 = arith.muli %add3A, %mul3A_7 : i32
      %add3A_9 = arith.addi %mul3A_8, %scan3A_6 : i32
      %jit3A = arith.constant 16 : i32
      %div3A = arith.divsi %add3A_9, %jit3A : i32
      %sign3A = arith.constant 0 : i32
      %sign3A_10 = arith.cmpi sgt, %add3A_9, %sign3A : i32
      %sign3A_11 = arith.extui %sign3A_10 : i1 to i32
      %sign3A_12 = arith.constant 0 : i32
      %sign3A_13 = arith.cmpi slt, %add3A_9, %sign3A_12 : i32
      %sign3A_14 = arith.extui %sign3A_13 : i1 to i32
      %sign3A_15 = arith.subi %sign3A_11, %sign3A_14 : i32
      %sign3A_16 = arith.constant 0 : i32
      %sign3A_17 = arith.cmpi sgt, %jit3A, %sign3A_16 : i32
      %sign3A_18 = arith.extui %sign3A_17 : i1 to i32
      %sign3A_19 = arith.constant 0 : i32
      %sign3A_20 = arith.cmpi slt, %jit3A, %sign3A_19 : i32
      %sign3A_21 = arith.extui %sign3A_20 : i1 to i32
      %sign3A_22 = arith.subi %sign3A_18, %sign3A_21 : i32
      %ne3A = arith.cmpi ne, %sign3A_15, %sign3A_22 : i32
      %rem3A = arith.remsi %add3A_9, %jit3A : i32
      %ne3A_23 = arith.constant 0 : i32
      %ne3A_24 = arith.cmpi ne, %rem3A, %ne3A_23 : i32
      %and3A = arith.andi %ne3A, %ne3A_24 : i1
      %sub3A = arith.constant 1 : i32
      %sub3A_25 = arith.subi %div3A, %sub3A : i32
      %select_n3A = arith.select %and3A, %sub3A_25, %div3A : i32
      %jit3A_26 = arith.constant 16 : i32
      %eq3A = arith.constant 0 : i32
      %eq3A_27 = arith.cmpi eq, %jit3A_26, %eq3A : i32
      %jit3A_28 = arith.constant 1 : i32
      %select_n3A_29 = arith.select %eq3A_27, %jit3A_28, %jit3A_26 : i32
      %rem3A_30 = arith.remsi %add3A_9, %select_n3A_29 : i32
      %ne3A_31 = arith.constant 0 : i32
      %ne3A_32 = arith.cmpi ne, %rem3A_30, %ne3A_31 : i32
      %lt3A = arith.constant 0 : i32
      %lt3A_33 = arith.cmpi slt, %rem3A_30, %lt3A : i32
      %lt3A_34 = arith.constant 0 : i32
      %lt3A_35 = arith.cmpi slt, %select_n3A_29, %lt3A_34 : i32
      %ne3A_36 = arith.xori %lt3A_33, %lt3A_35 : i1
      %and3A_37 = arith.andi %ne3A_36, %ne3A_32 : i1
      %add3A_38 = arith.addi %rem3A_30, %select_n3A_29 : i32
      %select_n3A_39 = arith.select %and3A_37, %add3A_38, %rem3A_30 : i32
      %mul3A_40 = arith.constant 16 : i32
      %mul3A_41 = arith.muli %select_n3A, %mul3A_40 : i32
      %add3A_42 = arith.addi %mul3A_41, %select_n3A_39 : i32
      %dma_start3A = arith.constant 0 : i32
      %dma_start3A_43 = tpu.memref_slice %arg2[%select_n3A, %select_n3A_39, %dma_start3A] : memref<26x16x100000xf32, #tpu.memory_space<hbm>> -> memref<1x1x100000xf32, #tpu.memory_space<hbm>>
      %dma_start3A_44 = tpu.memref_squeeze %dma_start3A_43 : memref<1x1x100000xf32, #tpu.memory_space<hbm>> -> memref<100000xf32, #tpu.memory_space<hbm>>
      %dma_start3A_45 = arith.constant 0 : i32
      %dma_start3A_46 = tpu.memref_slice %arg2[%select_n3A, %select_n3A_39, %dma_start3A_45] : memref<26x16x100000xf32, #tpu.memory_space<hbm>> -> memref<1x1x100000xf32, #tpu.memory_space<hbm>>
      %dma_start3A_47 = tpu.memref_squeeze %dma_start3A_46 : memref<1x1x100000xf32, #tpu.memory_space<hbm>> -> memref<100000xf32, #tpu.memory_space<hbm>>
      tpu.enqueue_dma source(%dma_start3A_47 : memref<100000xf32, #tpu.memory_space<hbm>>) target(%arg5 : memref<100000xf32, #tpu.memory_space<vmem>>) target_semaphore(%arg8 : memref<!tpu.dma_semaphore, #tpu.memory_space<semaphore_mem>>)
      %dma_start3A_48 = arith.constant 0 : i32
      %dma_start3A_49 = arith.constant 0 : i32
      %dma_start3A_50 = arith.constant 0 : i32
      %dma_start3A_51 = tpu.memref_slice %arg6[%dma_start3A_48, %dma_start3A_49, %dma_start3A_50] : memref<2x5x1024xi32, #tpu.memory_space<vmem>> -> memref<1x5x1024xi32, #tpu.memory_space<vmem>>
      %dma_start3A_52 = tpu.memref_squeeze %dma_start3A_51 : memref<1x5x1024xi32, #tpu.memory_space<vmem>> -> memref<5x1024xi32, #tpu.memory_space<vmem>>
      %dma_start3A_53 = arith.constant 0 : i32
      %dma_start3A_54 = arith.constant 0 : i32
      %dma_start3A_55 = tpu.memref_slice %arg3[%select_n3A, %dma_start3A_53, %dma_start3A_54] : memref<26x50x1024xi32, #tpu.memory_space<hbm>> -> memref<1x5x1024xi32, #tpu.memory_space<hbm>>
      %dma_start3A_56 = tpu.memref_squeeze %dma_start3A_55 : memref<1x5x1024xi32, #tpu.memory_space<hbm>> -> memref<5x1024xi32, #tpu.memory_space<hbm>>
      %dma_start3A_57 = arith.constant 0 : i32
      %dma_start3A_58 = arith.constant 0 : i32
      %dma_start3A_59 = tpu.memref_slice %arg6[%dma_start3A_48, %dma_start3A_57, %dma_start3A_58] : memref<2x5x1024xi32, #tpu.memory_space<vmem>> -> memref<1x5x1024xi32, #tpu.memory_space<vmem>>
      %dma_start3A_60 = tpu.memref_squeeze %dma_start3A_59 : memref<1x5x1024xi32, #tpu.memory_space<vmem>> -> memref<5x1024xi32, #tpu.memory_space<vmem>>
      %dma_start3A_61 = arith.constant 0 : i32
      %dma_start3A_62 = arith.constant 0 : i32
      %dma_start3A_63 = tpu.memref_slice %arg3[%select_n3A, %dma_start3A_61, %dma_start3A_62] : memref<26x50x1024xi32, #tpu.memory_space<hbm>> -> memref<1x5x1024xi32, #tpu.memory_space<hbm>>
      %dma_start3A_64 = tpu.memref_squeeze %dma_start3A_63 : memref<1x5x1024xi32, #tpu.memory_space<hbm>> -> memref<5x1024xi32, #tpu.memory_space<hbm>>
      tpu.enqueue_dma source(%dma_start3A_64 : memref<5x1024xi32, #tpu.memory_space<hbm>>) target(%dma_start3A_60 : memref<5x1024xi32, #tpu.memory_space<vmem>>) target_semaphore(%arg9 : memref<!tpu.dma_semaphore, #tpu.memory_space<semaphore_mem>>)
      %dma_start3A_65 = arith.constant 1 : i32
      %dma_start3A_66 = arith.constant 0 : i32
      %dma_start3A_67 = arith.constant 0 : i32
      %dma_start3A_68 = tpu.memref_slice %arg6[%dma_start3A_65, %dma_start3A_66, %dma_start3A_67] : memref<2x5x1024xi32, #tpu.memory_space<vmem>> -> memref<1x5x1024xi32, #tpu.memory_space<vmem>>
      %dma_start3A_69 = tpu.memref_squeeze %dma_start3A_68 : memref<1x5x1024xi32, #tpu.memory_space<vmem>> -> memref<5x1024xi32, #tpu.memory_space<vmem>>
      %dma_start3A_70 = arith.constant 5 : i32
      %dma_start3A_71 = arith.constant 0 : i32
      %dma_start3A_72 = tpu.memref_slice %arg3[%select_n3A, %dma_start3A_70, %dma_start3A_71] : memref<26x50x1024xi32, #tpu.memory_space<hbm>> -> memref<1x5x1024xi32, #tpu.memory_space<hbm>>
      %dma_start3A_73 = tpu.memref_squeeze %dma_start3A_72 : memref<1x5x1024xi32, #tpu.memory_space<hbm>> -> memref<5x1024xi32, #tpu.memory_space<hbm>>
      %dma_start3A_74 = arith.constant 0 : i32
      %dma_start3A_75 = arith.constant 0 : i32
      %dma_start3A_76 = tpu.memref_slice %arg6[%dma_start3A_65, %dma_start3A_74, %dma_start3A_75] : memref<2x5x1024xi32, #tpu.memory_space<vmem>> -> memref<1x5x1024xi32, #tpu.memory_space<vmem>>
      %dma_start3A_77 = tpu.memref_squeeze %dma_start3A_76 : memref<1x5x1024xi32, #tpu.memory_space<vmem>> -> memref<5x1024xi32, #tpu.memory_space<vmem>>
      %dma_start3A_78 = arith.constant 5 : i32
      %dma_start3A_79 = arith.constant 0 : i32
      %dma_start3A_80 = tpu.memref_slice %arg3[%select_n3A, %dma_start3A_78, %dma_start3A_79] : memref<26x50x1024xi32, #tpu.memory_space<hbm>> -> memref<1x5x1024xi32, #tpu.memory_space<hbm>>
      %dma_start3A_81 = tpu.memref_squeeze %dma_start3A_80 : memref<1x5x1024xi32, #tpu.memory_space<hbm>> -> memref<5x1024xi32, #tpu.memory_space<hbm>>
      tpu.enqueue_dma source(%dma_start3A_81 : memref<5x1024xi32, #tpu.memory_space<hbm>>) target(%dma_start3A_77 : memref<5x1024xi32, #tpu.memory_space<vmem>>) target_semaphore(%arg9 : memref<!tpu.dma_semaphore, #tpu.memory_space<semaphore_mem>>)
      %dma_wait3A = arith.constant 0 : i32
      %dma_wait3A_82 = tpu.memref_slice %arg2[%select_n3A, %select_n3A_39, %dma_wait3A] : memref<26x16x100000xf32, #tpu.memory_space<hbm>> -> memref<1x1x100000xf32, #tpu.memory_space<hbm>>
      %dma_wait3A_83 = tpu.memref_squeeze %dma_wait3A_82 : memref<1x1x100000xf32, #tpu.memory_space<hbm>> -> memref<100000xf32, #tpu.memory_space<hbm>>
      %dma_wait3A_84 = arith.constant 0 : i32
      %dma_wait3A_85 = tpu.memref_slice %arg2[%select_n3A, %select_n3A_39, %dma_wait3A_84] : memref<26x16x100000xf32, #tpu.memory_space<hbm>> -> memref<1x1x100000xf32, #tpu.memory_space<hbm>>
      %dma_wait3A_86 = tpu.memref_squeeze %dma_wait3A_85 : memref<1x1x100000xf32, #tpu.memory_space<hbm>> -> memref<100000xf32, #tpu.memory_space<hbm>>
      tpu.wait_dma2 semaphore(%arg8 : memref<!tpu.dma_semaphore, #tpu.memory_space<semaphore_mem>>) src(%dma_wait3A_86 : memref<100000xf32, #tpu.memory_space<hbm>>) dst(%arg5 : memref<100000xf32, #tpu.memory_space<vmem>>)
      %dma_wait3A_87 = arith.constant 0 : i32
      %dma_wait3A_88 = arith.constant 0 : i32
      %dma_wait3A_89 = arith.constant 0 : i32
      %dma_wait3A_90 = tpu.memref_slice %arg6[%dma_wait3A_87, %dma_wait3A_88, %dma_wait3A_89] : memref<2x5x1024xi32, #tpu.memory_space<vmem>> -> memref<1x5x1024xi32, #tpu.memory_space<vmem>>
      %dma_wait3A_91 = tpu.memref_squeeze %dma_wait3A_90 : memref<1x5x1024xi32, #tpu.memory_space<vmem>> -> memref<5x1024xi32, #tpu.memory_space<vmem>>
      %dma_wait3A_92 = arith.constant 0 : i32
      %dma_wait3A_93 = arith.constant 0 : i32
      %dma_wait3A_94 = tpu.memref_slice %arg3[%select_n3A, %dma_wait3A_92, %dma_wait3A_93] : memref<26x50x1024xi32, #tpu.memory_space<hbm>> -> memref<1x5x1024xi32, #tpu.memory_space<hbm>>
      %dma_wait3A_95 = tpu.memref_squeeze %dma_wait3A_94 : memref<1x5x1024xi32, #tpu.memory_space<hbm>> -> memref<5x1024xi32, #tpu.memory_space<hbm>>
      %dma_wait3A_96 = arith.constant 0 : i32
      %dma_wait3A_97 = arith.constant 0 : i32
      %dma_wait3A_98 = tpu.memref_slice %arg6[%dma_wait3A_87, %dma_wait3A_96, %dma_wait3A_97] : memref<2x5x1024xi32, #tpu.memory_space<vmem>> -> memref<1x5x1024xi32, #tpu.memory_space<vmem>>
      %dma_wait3A_99 = tpu.memref_squeeze %dma_wait3A_98 : memref<1x5x1024xi32, #tpu.memory_space<vmem>> -> memref<5x1024xi32, #tpu.memory_space<vmem>>
      %dma_wait3A_100 = arith.constant 0 : i32
      %dma_wait3A_101 = arith.constant 0 : i32
      %dma_wait3A_102 = tpu.memref_slice %arg3[%select_n3A, %dma_wait3A_100, %dma_wait3A_101] : memref<26x50x1024xi32, #tpu.memory_space<hbm>> -> memref<1x5x1024xi32, #tpu.memory_space<hbm>>
      %dma_wait3A_103 = tpu.memref_squeeze %dma_wait3A_102 : memref<1x5x1024xi32, #tpu.memory_space<hbm>> -> memref<5x1024xi32, #tpu.memory_space<hbm>>
      tpu.wait_dma2 semaphore(%arg9 : memref<!tpu.dma_semaphore, #tpu.memory_space<semaphore_mem>>) src(%dma_wait3A_103 : memref<5x1024xi32, #tpu.memory_space<hbm>>) dst(%dma_wait3A_99 : memref<5x1024xi32, #tpu.memory_space<vmem>>)
      %scan3A_104 = arith.constant 0 : i32
      %scan3A_105 = arith.constant 0 : i32
      %scan3A_106 = arith.constant 5 : i32
      %scan3A_107 = arith.addi %scan3A_105, %scan3A_106 : i32
      %scan3A_108 = arith.constant 1 : i32
      scf.for %scan3A_1273 = %scan3A_105 to %scan3A_107 step %scan3A_108  : i32 {
        %parallel_loop3A = arith.constant 0 : i32
        %parallel_loop3A_1274 = arith.constant 8 : i32
        %parallel_loop3A_1275 = arith.constant 1 : i32
        scf.for %parallel_loop3A_1276 = %parallel_loop3A to %parallel_loop3A_1274 step %parallel_loop3A_1275  : i32 {
          %parallel_loop3A_1277 = arith.constant 128 : i32
          %parallel_loop3A_1278 = arith.muli %parallel_loop3A_1276, %parallel_loop3A_1277 : i32
          %parallel_loop3A_1279 = arith.constant 0 : i32
          %parallel_loop3A_1280 = arith.addi %parallel_loop3A_1278, %parallel_loop3A_1279 : i32
          %parallel_loop3A_1281 = arith.constant 0 : i32
          %parallel_loop3A_1282 = arith.constant 0 : i32
          %parallel_loop3A_1283 = arith.constant 0 : i32
          %parallel_loop3A_1284 = tpu.memref_slice %arg6[%parallel_loop3A_1281, %parallel_loop3A_1282, %parallel_loop3A_1283] : memref<2x5x1024xi32, #tpu.memory_space<vmem>> -> memref<1x5x1024xi32, #tpu.memory_space<vmem>>
          %parallel_loop3A_1285 = tpu.memref_squeeze %parallel_loop3A_1284 : memref<1x5x1024xi32, #tpu.memory_space<vmem>> -> memref<5x1024xi32, #tpu.memory_space<vmem>>
          %parallel_loop3A_1286 = arith.index_cast %scan3A_1273 : i32 to index
          %parallel_loop3A_1287 = arith.index_cast %parallel_loop3A_1280 : i32 to index
          %parallel_loop3A_1288 = tpu.vector_load %parallel_loop3A_1285[%parallel_loop3A_1286, %parallel_loop3A_1287] {strides = array<i32>} : memref<5x1024xi32, #tpu.memory_space<vmem>>, vector<16xi32>,
          %parallel_loop3A_1289 = tpu.vector_load_idx %arg5[%parallel_loop3A_1288] : memref<100000xf32, #tpu.memory_space<vmem>>[vector<16xi32>], vector<16xf32>,
          %parallel_loop3A_1290 = arith.constant 0 : i32
          %parallel_loop3A_1291 = arith.constant 0 : i32
          %parallel_loop3A_1292 = arith.constant 0 : i32
          %parallel_loop3A_1293 = arith.constant 0 : i32
          %parallel_loop3A_1294 = tpu.memref_slice %arg7[%parallel_loop3A_1290, %parallel_loop3A_1291, %parallel_loop3A_1292, %parallel_loop3A_1293] : memref<2x5x8x128xf32, #tpu.memory_space<vmem>> -> memref<1x5x8x128xf32, #tpu.memory_space<vmem>>
          %parallel_loop3A_1295 = tpu.memref_squeeze %parallel_loop3A_1294 : memref<1x5x8x128xf32, #tpu.memory_space<vmem>> -> memref<5x8x128xf32, #tpu.memory_space<vmem>>
          %parallel_loop3A_1296 = arith.index_cast %scan3A_1273 : i32 to index
          %parallel_loop3A_1297 = arith.index_cast %parallel_loop3A_1276 : i32 to index
          %parallel_loop3A_1298 = arith.constant 0 : index
          %parallel_loop3A_1299 = tpu.vector_load %parallel_loop3A_1295[%parallel_loop3A_1296, %parallel_loop3A_1297, %parallel_loop3A_1298] {strides = array<i32>} : memref<5x8x128xf32, #tpu.memory_space<vmem>>, vector<16xf32>,
          tpu.vector_store %parallel_loop3A_1295[%parallel_loop3A_1296, %parallel_loop3A_1297, %parallel_loop3A_1298], %parallel_loop3A_1289 {strides = array<i32>} : memref<5x8x128xf32, #tpu.memory_space<vmem>>, vector<16xf32>,
          %parallel_loop3A_1300 = arith.constant 128 : i32
          %parallel_loop3A_1301 = arith.muli %parallel_loop3A_1276, %parallel_loop3A_1300 : i32
          %parallel_loop3A_1302 = arith.constant 16 : i32
          %parallel_loop3A_1303 = arith.addi %parallel_loop3A_1301, %parallel_loop3A_1302 : i32
          %parallel_loop3A_1304 = arith.constant 0 : i32
          %parallel_loop3A_1305 = arith.constant 0 : i32
          %parallel_loop3A_1306 = arith.constant 0 : i32
          %parallel_loop3A_1307 = tpu.memref_slice %arg6[%parallel_loop3A_1304, %parallel_loop3A_1305, %parallel_loop3A_1306] : memref<2x5x1024xi32, #tpu.memory_space<vmem>> -> memref<1x5x1024xi32, #tpu.memory_space<vmem>>
          %parallel_loop3A_1308 = tpu.memref_squeeze %parallel_loop3A_1307 : memref<1x5x1024xi32, #tpu.memory_space<vmem>> -> memref<5x1024xi32, #tpu.memory_space<vmem>>
          %parallel_loop3A_1309 = arith.index_cast %scan3A_1273 : i32 to index
          %parallel_loop3A_1310 = arith.index_cast %parallel_loop3A_1303 : i32 to index
          %parallel_loop3A_1311 = tpu.vector_load %parallel_loop3A_1308[%parallel_loop3A_1309, %parallel_loop3A_1310] {strides = array<i32>} : memref<5x1024xi32, #tpu.memory_space<vmem>>, vector<16xi32>,
          %parallel_loop3A_1312 = tpu.vector_load_idx %arg5[%parallel_loop3A_1311] : memref<100000xf32, #tpu.memory_space<vmem>>[vector<16xi32>], vector<16xf32>,
          %parallel_loop3A_1313 = arith.constant 0 : i32
          %parallel_loop3A_1314 = arith.constant 0 : i32
          %parallel_loop3A_1315 = arith.constant 0 : i32
          %parallel_loop3A_1316 = arith.constant 0 : i32
          %parallel_loop3A_1317 = tpu.memref_slice %arg7[%parallel_loop3A_1313, %parallel_loop3A_1314, %parallel_loop3A_1315, %parallel_loop3A_1316] : memref<2x5x8x128xf32, #tpu.memory_space<vmem>> -> memref<1x5x8x128xf32, #tpu.memory_space<vmem>>
          %parallel_loop3A_1318 = tpu.memref_squeeze %parallel_loop3A_1317 : memref<1x5x8x128xf32, #tpu.memory_space<vmem>> -> memref<5x8x128xf32, #tpu.memory_space<vmem>>
          %parallel_loop3A_1319 = arith.index_cast %scan3A_1273 : i32 to index
          %parallel_loop3A_1320 = arith.index_cast %parallel_loop3A_1276 : i32 to index
          %parallel_loop3A_1321 = arith.constant 16 : index
          %parallel_loop3A_1322 = tpu.vector_load %parallel_loop3A_1318[%parallel_loop3A_1319, %parallel_loop3A_1320, %parallel_loop3A_1321] {strides = array<i32>} : memref<5x8x128xf32, #tpu.memory_space<vmem>>, vector<16xf32>,
          tpu.vector_store %parallel_loop3A_1318[%parallel_loop3A_1319, %parallel_loop3A_1320, %parallel_loop3A_1321], %parallel_loop3A_1312 {strides = array<i32>} : memref<5x8x128xf32, #tpu.memory_space<vmem>>, vector<16xf32>,
          %parallel_loop3A_1323 = arith.constant 128 : i32
          %parallel_loop3A_1324 = arith.muli %parallel_loop3A_1276, %parallel_loop3A_1323 : i32
          %parallel_loop3A_1325 = arith.constant 32 : i32
          %parallel_loop3A_1326 = arith.addi %parallel_loop3A_1324, %parallel_loop3A_1325 : i32
          %parallel_loop3A_1327 = arith.constant 0 : i32
          %parallel_loop3A_1328 = arith.constant 0 : i32
          %parallel_loop3A_1329 = arith.constant 0 : i32
          %parallel_loop3A_1330 = tpu.memref_slice %arg6[%parallel_loop3A_1327, %parallel_loop3A_1328, %parallel_loop3A_1329] : memref<2x5x1024xi32, #tpu.memory_space<vmem>> -> memref<1x5x1024xi32, #tpu.memory_space<vmem>>
          %parallel_loop3A_1331 = tpu.memref_squeeze %parallel_loop3A_1330 : memref<1x5x1024xi32, #tpu.memory_space<vmem>> -> memref<5x1024xi32, #tpu.memory_space<vmem>>
          %parallel_loop3A_1332 = arith.index_cast %scan3A_1273 : i32 to index
          %parallel_loop3A_1333 = arith.index_cast %parallel_loop3A_1326 : i32 to index
          %parallel_loop3A_1334 = tpu.vector_load %parallel_loop3A_1331[%parallel_loop3A_1332, %parallel_loop3A_1333] {strides = array<i32>} : memref<5x1024xi32, #tpu.memory_space<vmem>>, vector<16xi32>,
          %parallel_loop3A_1335 = tpu.vector_load_idx %arg5[%parallel_loop3A_1334] : memref<100000xf32, #tpu.memory_space<vmem>>[vector<16xi32>], vector<16xf32>,
          %parallel_loop3A_1336 = arith.constant 0 : i32
          %parallel_loop3A_1337 = arith.constant 0 : i32
          %parallel_loop3A_1338 = arith.constant 0 : i32
          %parallel_loop3A_1339 = arith.constant 0 : i32
          %parallel_loop3A_1340 = tpu.memref_slice %arg7[%parallel_loop3A_1336, %parallel_loop3A_1337, %parallel_loop3A_1338, %parallel_loop3A_1339] : memref<2x5x8x128xf32, #tpu.memory_space<vmem>> -> memref<1x5x8x128xf32, #tpu.memory_space<vmem>>
          %parallel_loop3A_1341 = tpu.memref_squeeze %parallel_loop3A_1340 : memref<1x5x8x128xf32, #tpu.memory_space<vmem>> -> memref<5x8x128xf32, #tpu.memory_space<vmem>>
          %parallel_loop3A_1342 = arith.index_cast %scan3A_1273 : i32 to index
          %parallel_loop3A_1343 = arith.index_cast %parallel_loop3A_1276 : i32 to index
          %parallel_loop3A_1344 = arith.constant 32 : index
          %parallel_loop3A_1345 = tpu.vector_load %parallel_loop3A_1341[%parallel_loop3A_1342, %parallel_loop3A_1343, %parallel_loop3A_1344] {strides = array<i32>} : memref<5x8x128xf32, #tpu.memory_space<vmem>>, vector<16xf32>,
          tpu.vector_store %parallel_loop3A_1341[%parallel_loop3A_1342, %parallel_loop3A_1343, %parallel_loop3A_1344], %parallel_loop3A_1335 {strides = array<i32>} : memref<5x8x128xf32, #tpu.memory_space<vmem>>, vector<16xf32>,
          %parallel_loop3A_1346 = arith.constant 128 : i32
          %parallel_loop3A_1347 = arith.muli %parallel_loop3A_1276, %parallel_loop3A_1346 : i32
          %parallel_loop3A_1348 = arith.constant 48 : i32
          %parallel_loop3A_1349 = arith.addi %parallel_loop3A_1347, %parallel_loop3A_1348 : i32
          %parallel_loop3A_1350 = arith.constant 0 : i32
          %parallel_loop3A_1351 = arith.constant 0 : i32
          %parallel_loop3A_1352 = arith.constant 0 : i32
          %parallel_loop3A_1353 = tpu.memref_slice %arg6[%parallel_loop3A_1350, %parallel_loop3A_1351, %parallel_loop3A_1352] : memref<2x5x1024xi32, #tpu.memory_space<vmem>> -> memref<1x5x1024xi32, #tpu.memory_space<vmem>>
          %parallel_loop3A_1354 = tpu.memref_squeeze %parallel_loop3A_1353 : memref<1x5x1024xi32, #tpu.memory_space<vmem>> -> memref<5x1024xi32, #tpu.memory_space<vmem>>
          %parallel_loop3A_1355 = arith.index_cast %scan3A_1273 : i32 to index
          %parallel_loop3A_1356 = arith.index_cast %parallel_loop3A_1349 : i32 to index
          %parallel_loop3A_1357 = tpu.vector_load %parallel_loop3A_1354[%parallel_loop3A_1355, %parallel_loop3A_1356] {strides = array<i32>} : memref<5x1024xi32, #tpu.memory_space<vmem>>, vector<16xi32>,
          %parallel_loop3A_1358 = tpu.vector_load_idx %arg5[%parallel_loop3A_1357] : memref<100000xf32, #tpu.memory_space<vmem>>[vector<16xi32>], vector<16xf32>,
          %parallel_loop3A_1359 = arith.constant 0 : i32
          %parallel_loop3A_1360 = arith.constant 0 : i32
          %parallel_loop3A_1361 = arith.constant 0 : i32
          %parallel_loop3A_1362 = arith.constant 0 : i32
          %parallel_loop3A_1363 = tpu.memref_slice %arg7[%parallel_loop3A_1359, %parallel_loop3A_1360, %parallel_loop3A_1361, %parallel_loop3A_1362] : memref<2x5x8x128xf32, #tpu.memory_space<vmem>> -> memref<1x5x8x128xf32, #tpu.memory_space<vmem>>
          %parallel_loop3A_1364 = tpu.memref_squeeze %parallel_loop3A_1363 : memref<1x5x8x128xf32, #tpu.memory_space<vmem>> -> memref<5x8x128xf32, #tpu.memory_space<vmem>>
          %parallel_loop3A_1365 = arith.index_cast %scan3A_1273 : i32 to index
          %parallel_loop3A_1366 = arith.index_cast %parallel_loop3A_1276 : i32 to index
          %parallel_loop3A_1367 = arith.constant 48 : index
          %parallel_loop3A_1368 = tpu.vector_load %parallel_loop3A_1364[%parallel_loop3A_1365, %parallel_loop3A_1366, %parallel_loop3A_1367] {strides = array<i32>} : memref<5x8x128xf32, #tpu.memory_space<vmem>>, vector<16xf32>,
          tpu.vector_store %parallel_loop3A_1364[%parallel_loop3A_1365, %parallel_loop3A_1366, %parallel_loop3A_1367], %parallel_loop3A_1358 {strides = array<i32>} : memref<5x8x128xf32, #tpu.memory_space<vmem>>, vector<16xf32>,
          %parallel_loop3A_1369 = arith.constant 128 : i32
          %parallel_loop3A_1370 = arith.muli %parallel_loop3A_1276, %parallel_loop3A_1369 : i32
          %parallel_loop3A_1371 = arith.constant 64 : i32
          %parallel_loop3A_1372 = arith.addi %parallel_loop3A_1370, %parallel_loop3A_1371 : i32
          %parallel_loop3A_1373 = arith.constant 0 : i32
          %parallel_loop3A_1374 = arith.constant 0 : i32
          %parallel_loop3A_1375 = arith.constant 0 : i32
          %parallel_loop3A_1376 = tpu.memref_slice %arg6[%parallel_loop3A_1373, %parallel_loop3A_1374, %parallel_loop3A_1375] : memref<2x5x1024xi32, #tpu.memory_space<vmem>> -> memref<1x5x1024xi32, #tpu.memory_space<vmem>>
          %parallel_loop3A_1377 = tpu.memref_squeeze %parallel_loop3A_1376 : memref<1x5x1024xi32, #tpu.memory_space<vmem>> -> memref<5x1024xi32, #tpu.memory_space<vmem>>
          %parallel_loop3A_1378 = arith.index_cast %scan3A_1273 : i32 to index
          %parallel_loop3A_1379 = arith.index_cast %parallel_loop3A_1372 : i32 to index
          %parallel_loop3A_1380 = tpu.vector_load %parallel_loop3A_1377[%parallel_loop3A_1378, %parallel_loop3A_1379] {strides = array<i32>} : memref<5x1024xi32, #tpu.memory_space<vmem>>, vector<16xi32>,
          %parallel_loop3A_1381 = tpu.vector_load_idx %arg5[%parallel_loop3A_1380] : memref<100000xf32, #tpu.memory_space<vmem>>[vector<16xi32>], vector<16xf32>,
          %parallel_loop3A_1382 = arith.constant 0 : i32
          %parallel_loop3A_1383 = arith.constant 0 : i32
          %parallel_loop3A_1384 = arith.constant 0 : i32
          %parallel_loop3A_1385 = arith.constant 0 : i32
          %parallel_loop3A_1386 = tpu.memref_slice %arg7[%parallel_loop3A_1382, %parallel_loop3A_1383, %parallel_loop3A_1384, %parallel_loop3A_1385] : memref<2x5x8x128xf32, #tpu.memory_space<vmem>> -> memref<1x5x8x128xf32, #tpu.memory_space<vmem>>
          %parallel_loop3A_1387 = tpu.memref_squeeze %parallel_loop3A_1386 : memref<1x5x8x128xf32, #tpu.memory_space<vmem>> -> memref<5x8x128xf32, #tpu.memory_space<vmem>>
          %parallel_loop3A_1388 = arith.index_cast %scan3A_1273 : i32 to index
          %parallel_loop3A_1389 = arith.index_cast %parallel_loop3A_1276 : i32 to index
          %parallel_loop3A_1390 = arith.constant 64 : index
          %parallel_loop3A_1391 = tpu.vector_load %parallel_loop3A_1387[%parallel_loop3A_1388, %parallel_loop3A_1389, %parallel_loop3A_1390] {strides = array<i32>} : memref<5x8x128xf32, #tpu.memory_space<vmem>>, vector<16xf32>,
          tpu.vector_store %parallel_loop3A_1387[%parallel_loop3A_1388, %parallel_loop3A_1389, %parallel_loop3A_1390], %parallel_loop3A_1381 {strides = array<i32>} : memref<5x8x128xf32, #tpu.memory_space<vmem>>, vector<16xf32>,
          %parallel_loop3A_1392 = arith.constant 128 : i32
          %parallel_loop3A_1393 = arith.muli %parallel_loop3A_1276, %parallel_loop3A_1392 : i32
          %parallel_loop3A_1394 = arith.constant 80 : i32
          %parallel_loop3A_1395 = arith.addi %parallel_loop3A_1393, %parallel_loop3A_1394 : i32
          %parallel_loop3A_1396 = arith.constant 0 : i32
          %parallel_loop3A_1397 = arith.constant 0 : i32
          %parallel_loop3A_1398 = arith.constant 0 : i32
          %parallel_loop3A_1399 = tpu.memref_slice %arg6[%parallel_loop3A_1396, %parallel_loop3A_1397, %parallel_loop3A_1398] : memref<2x5x1024xi32, #tpu.memory_space<vmem>> -> memref<1x5x1024xi32, #tpu.memory_space<vmem>>
          %parallel_loop3A_1400 = tpu.memref_squeeze %parallel_loop3A_1399 : memref<1x5x1024xi32, #tpu.memory_space<vmem>> -> memref<5x1024xi32, #tpu.memory_space<vmem>>
          %parallel_loop3A_1401 = arith.index_cast %scan3A_1273 : i32 to index
          %parallel_loop3A_1402 = arith.index_cast %parallel_loop3A_1395 : i32 to index
          %parallel_loop3A_1403 = tpu.vector_load %parallel_loop3A_1400[%parallel_loop3A_1401, %parallel_loop3A_1402] {strides = array<i32>} : memref<5x1024xi32, #tpu.memory_space<vmem>>, vector<16xi32>,
          %parallel_loop3A_1404 = tpu.vector_load_idx %arg5[%parallel_loop3A_1403] : memref<100000xf32, #tpu.memory_space<vmem>>[vector<16xi32>], vector<16xf32>,
          %parallel_loop3A_1405 = arith.constant 0 : i32
          %parallel_loop3A_1406 = arith.constant 0 : i32
          %parallel_loop3A_1407 = arith.constant 0 : i32
          %parallel_loop3A_1408 = arith.constant 0 : i32
          %parallel_loop3A_1409 = tpu.memref_slice %arg7[%parallel_loop3A_1405, %parallel_loop3A_1406, %parallel_loop3A_1407, %parallel_loop3A_1408] : memref<2x5x8x128xf32, #tpu.memory_space<vmem>> -> memref<1x5x8x128xf32, #tpu.memory_space<vmem>>
          %parallel_loop3A_1410 = tpu.memref_squeeze %parallel_loop3A_1409 : memref<1x5x8x128xf32, #tpu.memory_space<vmem>> -> memref<5x8x128xf32, #tpu.memory_space<vmem>>
          %parallel_loop3A_1411 = arith.index_cast %scan3A_1273 : i32 to index
          %parallel_loop3A_1412 = arith.index_cast %parallel_loop3A_1276 : i32 to index
          %parallel_loop3A_1413 = arith.constant 80 : index
          %parallel_loop3A_1414 = tpu.vector_load %parallel_loop3A_1410[%parallel_loop3A_1411, %parallel_loop3A_1412, %parallel_loop3A_1413] {strides = array<i32>} : memref<5x8x128xf32, #tpu.memory_space<vmem>>, vector<16xf32>,
          tpu.vector_store %parallel_loop3A_1410[%parallel_loop3A_1411, %parallel_loop3A_1412, %parallel_loop3A_1413], %parallel_loop3A_1404 {strides = array<i32>} : memref<5x8x128xf32, #tpu.memory_space<vmem>>, vector<16xf32>,
          %parallel_loop3A_1415 = arith.constant 128 : i32
          %parallel_loop3A_1416 = arith.muli %parallel_loop3A_1276, %parallel_loop3A_1415 : i32
          %parallel_loop3A_1417 = arith.constant 96 : i32
          %parallel_loop3A_1418 = arith.addi %parallel_loop3A_1416, %parallel_loop3A_1417 : i32
          %parallel_loop3A_1419 = arith.constant 0 : i32
          %parallel_loop3A_1420 = arith.constant 0 : i32
          %parallel_loop3A_1421 = arith.constant 0 : i32
          %parallel_loop3A_1422 = tpu.memref_slice %arg6[%parallel_loop3A_1419, %parallel_loop3A_1420, %parallel_loop3A_1421] : memref<2x5x1024xi32, #tpu.memory_space<vmem>> -> memref<1x5x1024xi32, #tpu.memory_space<vmem>>
          %parallel_loop3A_1423 = tpu.memref_squeeze %parallel_loop3A_1422 : memref<1x5x1024xi32, #tpu.memory_space<vmem>> -> memref<5x1024xi32, #tpu.memory_space<vmem>>
          %parallel_loop3A_1424 = arith.index_cast %scan3A_1273 : i32 to index
          %parallel_loop3A_1425 = arith.index_cast %parallel_loop3A_1418 : i32 to index
          %parallel_loop3A_1426 = tpu.vector_load %parallel_loop3A_1423[%parallel_loop3A_1424, %parallel_loop3A_1425] {strides = array<i32>} : memref<5x1024xi32, #tpu.memory_space<vmem>>, vector<16xi32>,
          %parallel_loop3A_1427 = tpu.vector_load_idx %arg5[%parallel_loop3A_1426] : memref<100000xf32, #tpu.memory_space<vmem>>[vector<16xi32>], vector<16xf32>,
          %parallel_loop3A_1428 = arith.constant 0 : i32
          %parallel_loop3A_1429 = arith.constant 0 : i32
          %parallel_loop3A_1430 = arith.constant 0 : i32
          %parallel_loop3A_1431 = arith.constant 0 : i32
          %parallel_loop3A_1432 = tpu.memref_slice %arg7[%parallel_loop3A_1428, %parallel_loop3A_1429, %parallel_loop3A_1430, %parallel_loop3A_1431] : memref<2x5x8x128xf32, #tpu.memory_space<vmem>> -> memref<1x5x8x128xf32, #tpu.memory_space<vmem>>
          %parallel_loop3A_1433 = tpu.memref_squeeze %parallel_loop3A_1432 : memref<1x5x8x128xf32, #tpu.memory_space<vmem>> -> memref<5x8x128xf32, #tpu.memory_space<vmem>>
          %parallel_loop3A_1434 = arith.index_cast %scan3A_1273 : i32 to index
          %parallel_loop3A_1435 = arith.index_cast %parallel_loop3A_1276 : i32 to index
          %parallel_loop3A_1436 = arith.constant 96 : index
          %parallel_loop3A_1437 = tpu.vector_load %parallel_loop3A_1433[%parallel_loop3A_1434, %parallel_loop3A_1435, %parallel_loop3A_1436] {strides = array<i32>} : memref<5x8x128xf32, #tpu.memory_space<vmem>>, vector<16xf32>,
          tpu.vector_store %parallel_loop3A_1433[%parallel_loop3A_1434, %parallel_loop3A_1435, %parallel_loop3A_1436], %parallel_loop3A_1427 {strides = array<i32>} : memref<5x8x128xf32, #tpu.memory_space<vmem>>, vector<16xf32>,
          %parallel_loop3A_1438 = arith.constant 128 : i32
          %parallel_loop3A_1439 = arith.muli %parallel_loop3A_1276, %parallel_loop3A_1438 : i32
          %parallel_loop3A_1440 = arith.constant 112 : i32
          %parallel_loop3A_1441 = arith.addi %parallel_loop3A_1439, %parallel_loop3A_1440 : i32
          %parallel_loop3A_1442 = arith.constant 0 : i32
          %parallel_loop3A_1443 = arith.constant 0 : i32
          %parallel_loop3A_1444 = arith.constant 0 : i32
          %parallel_loop3A_1445 = tpu.memref_slice %arg6[%parallel_loop3A_1442, %parallel_loop3A_1443, %parallel_loop3A_1444] : memref<2x5x1024xi32, #tpu.memory_space<vmem>> -> memref<1x5x1024xi32, #tpu.memory_space<vmem>>
          %parallel_loop3A_1446 = tpu.memref_squeeze %parallel_loop3A_1445 : memref<1x5x1024xi32, #tpu.memory_space<vmem>> -> memref<5x1024xi32, #tpu.memory_space<vmem>>
          %parallel_loop3A_1447 = arith.index_cast %scan3A_1273 : i32 to index
          %parallel_loop3A_1448 = arith.index_cast %parallel_loop3A_1441 : i32 to index
          %parallel_loop3A_1449 = tpu.vector_load %parallel_loop3A_1446[%parallel_loop3A_1447, %parallel_loop3A_1448] {strides = array<i32>} : memref<5x1024xi32, #tpu.memory_space<vmem>>, vector<16xi32>,
          %parallel_loop3A_1450 = tpu.vector_load_idx %arg5[%parallel_loop3A_1449] : memref<100000xf32, #tpu.memory_space<vmem>>[vector<16xi32>], vector<16xf32>,
          %parallel_loop3A_1451 = arith.constant 0 : i32
          %parallel_loop3A_1452 = arith.constant 0 : i32
          %parallel_loop3A_1453 = arith.constant 0 : i32
          %parallel_loop3A_1454 = arith.constant 0 : i32
          %parallel_loop3A_1455 = tpu.memref_slice %arg7[%parallel_loop3A_1451, %parallel_loop3A_1452, %parallel_loop3A_1453, %parallel_loop3A_1454] : memref<2x5x8x128xf32, #tpu.memory_space<vmem>> -> memref<1x5x8x128xf32, #tpu.memory_space<vmem>>
          %parallel_loop3A_1456 = tpu.memref_squeeze %parallel_loop3A_1455 : memref<1x5x8x128xf32, #tpu.memory_space<vmem>> -> memref<5x8x128xf32, #tpu.memory_space<vmem>>
          %parallel_loop3A_1457 = arith.index_cast %scan3A_1273 : i32 to index
          %parallel_loop3A_1458 = arith.index_cast %parallel_loop3A_1276 : i32 to index
          %parallel_loop3A_1459 = arith.constant 112 : index
          %parallel_loop3A_1460 = tpu.vector_load %parallel_loop3A_1456[%parallel_loop3A_1457, %parallel_loop3A_1458, %parallel_loop3A_1459] {strides = array<i32>} : memref<5x8x128xf32, #tpu.memory_space<vmem>>, vector<16xf32>,
          tpu.vector_store %parallel_loop3A_1456[%parallel_loop3A_1457, %parallel_loop3A_1458, %parallel_loop3A_1459], %parallel_loop3A_1450 {strides = array<i32>} : memref<5x8x128xf32, #tpu.memory_space<vmem>>, vector<16xf32>,
        } {sc.loop_unroll_factor = 2 : i64, sc.parallel_access}
      }
      %scan3A_109 = arith.constant 5 : i32
      %jit3A_110 = arith.constant 8 : i32
      %div3A_111 = arith.divsi %add3A_42, %jit3A_110 : i32
      %sign3A_112 = arith.constant 0 : i32
      %sign3A_113 = arith.cmpi sgt, %add3A_42, %sign3A_112 : i32
      %sign3A_114 = arith.extui %sign3A_113 : i1 to i32
      %sign3A_115 = arith.constant 0 : i32
      %sign3A_116 = arith.cmpi slt, %add3A_42, %sign3A_115 : i32
      %sign3A_117 = arith.extui %sign3A_116 : i1 to i32
      %sign3A_118 = arith.subi %sign3A_114, %sign3A_117 : i32
      %sign3A_119 = arith.constant 0 : i32
      %sign3A_120 = arith.cmpi sgt, %jit3A_110, %sign3A_119 : i32
      %sign3A_121 = arith.extui %sign3A_120 : i1 to i32
      %sign3A_122 = arith.constant 0 : i32
      %sign3A_123 = arith.cmpi slt, %jit3A_110, %sign3A_122 : i32
      %sign3A_124 = arith.extui %sign3A_123 : i1 to i32
      %sign3A_125 = arith.subi %sign3A_121, %sign3A_124 : i32
      %ne3A_126 = arith.cmpi ne, %sign3A_118, %sign3A_125 : i32
      %rem3A_127 = arith.remsi %add3A_42, %jit3A_110 : i32
      %ne3A_128 = arith.constant 0 : i32
      %ne3A_129 = arith.cmpi ne, %rem3A_127, %ne3A_128 : i32
      %and3A_130 = arith.andi %ne3A_126, %ne3A_129 : i1
      %sub3A_131 = arith.constant 1 : i32
      %sub3A_132 = arith.subi %div3A_111, %sub3A_131 : i32
      %select_n3A_133 = arith.select %and3A_130, %sub3A_132, %div3A_111 : i32
      %jit3A_134 = arith.constant 8 : i32
      %eq3A_135 = arith.constant 0 : i32
      %eq3A_136 = arith.cmpi eq, %jit3A_134, %eq3A_135 : i32
      %jit3A_137 = arith.constant 1 : i32
      %select_n3A_138 = arith.select %eq3A_136, %jit3A_137, %jit3A_134 : i32
      %rem3A_139 = arith.remsi %add3A_42, %select_n3A_138 : i32
      %ne3A_140 = arith.constant 0 : i32
      %ne3A_141 = arith.cmpi ne, %rem3A_139, %ne3A_140 : i32
      %lt3A_142 = arith.constant 0 : i32
      %lt3A_143 = arith.cmpi slt, %rem3A_139, %lt3A_142 : i32
      %lt3A_144 = arith.constant 0 : i32
      %lt3A_145 = arith.cmpi slt, %select_n3A_138, %lt3A_144 : i32
      %ne3A_146 = arith.xori %lt3A_143, %lt3A_145 : i1
      %and3A_147 = arith.andi %ne3A_146, %ne3A_141 : i1
      %add3A_148 = arith.addi %rem3A_139, %select_n3A_138 : i32
      %select_n3A_149 = arith.select %and3A_147, %add3A_148, %rem3A_139 : i32
      %dma_start3A_150 = arith.constant 0 : i32
      %dma_start3A_151 = arith.constant 0 : i32
      %dma_start3A_152 = arith.constant 0 : i32
      %dma_start3A_153 = arith.constant 0 : i32
      %dma_start3A_154 = tpu.memref_slice %arg7[%dma_start3A_150, %dma_start3A_151, %dma_start3A_152, %dma_start3A_153] : memref<2x5x8x128xf32, #tpu.memory_space<vmem>> -> memref<1x5x8x128xf32, #tpu.memory_space<vmem>>
      %dma_start3A_155 = tpu.memref_squeeze %dma_start3A_154 : memref<1x5x8x128xf32, #tpu.memory_space<vmem>> -> memref<5x8x128xf32, #tpu.memory_space<vmem>>
      %dma_start3A_156 = arith.constant 0 : i32
      %dma_start3A_157 = arith.constant 0 : i32
      %dma_start3A_158 = arith.constant 0 : i32
      %dma_start3A_159 = tpu.memref_slice %arg4[%dma_start3A_156, %select_n3A_133, %dma_start3A_157, %select_n3A_149, %dma_start3A_158] : memref<50x52x8x8x128xf32, #tpu.memory_space<hbm>> -> memref<5x1x8x1x128xf32, #tpu.memory_space<hbm>>
      %dma_start3A_160 = tpu.memref_squeeze %dma_start3A_159 : memref<5x1x8x1x128xf32, #tpu.memory_space<hbm>> -> memref<5x8x128xf32, #tpu.memory_space<hbm>>
      %dma_start3A_161 = arith.constant 0 : i32
      %dma_start3A_162 = arith.constant 0 : i32
      %dma_start3A_163 = arith.constant 0 : i32
      %dma_start3A_164 = tpu.memref_slice %arg4[%dma_start3A_161, %select_n3A_133, %dma_start3A_162, %select_n3A_149, %dma_start3A_163] : memref<50x52x8x8x128xf32, #tpu.memory_space<hbm>> -> memref<5x1x8x1x128xf32, #tpu.memory_space<hbm>>
      %dma_start3A_165 = tpu.memref_squeeze %dma_start3A_164 : memref<5x1x8x1x128xf32, #tpu.memory_space<hbm>> -> memref<5x8x128xf32, #tpu.memory_space<hbm>>
      %dma_start3A_166 = arith.constant 0 : i32
      %dma_start3A_167 = arith.constant 0 : i32
      %dma_start3A_168 = arith.constant 0 : i32
      %dma_start3A_169 = tpu.memref_slice %arg7[%dma_start3A_150, %dma_start3A_166, %dma_start3A_167, %dma_start3A_168] : memref<2x5x8x128xf32, #tpu.memory_space<vmem>> -> memref<1x5x8x128xf32, #tpu.memory_space<vmem>>
      %dma_start3A_170 = tpu.memref_squeeze %dma_start3A_169 : memref<1x5x8x128xf32, #tpu.memory_space<vmem>> -> memref<5x8x128xf32, #tpu.memory_space<vmem>>
      tpu.enqueue_dma source(%dma_start3A_170 : memref<5x8x128xf32, #tpu.memory_space<vmem>>) target(%dma_start3A_165 : memref<5x8x128xf32, #tpu.memory_space<hbm>>) target_semaphore(%arg10 : memref<!tpu.dma_semaphore, #tpu.memory_space<semaphore_mem>>)
      %dma_start3A_171 = arith.constant 0 : i32
      %dma_start3A_172 = arith.constant 0 : i32
      %dma_start3A_173 = arith.constant 0 : i32
      %dma_start3A_174 = tpu.memref_slice %arg6[%dma_start3A_171, %dma_start3A_172, %dma_start3A_173] : memref<2x5x1024xi32, #tpu.memory_space<vmem>> -> memref<1x5x1024xi32, #tpu.memory_space<vmem>>
      %dma_start3A_175 = tpu.memref_squeeze %dma_start3A_174 : memref<1x5x1024xi32, #tpu.memory_space<vmem>> -> memref<5x1024xi32, #tpu.memory_space<vmem>>
      %dma_start3A_176 = arith.constant 10 : i32
      %dma_start3A_177 = arith.constant 0 : i32
      %dma_start3A_178 = tpu.memref_slice %arg3[%select_n3A, %dma_start3A_176, %dma_start3A_177] : memref<26x50x1024xi32, #tpu.memory_space<hbm>> -> memref<1x5x1024xi32, #tpu.memory_space<hbm>>
      %dma_start3A_179 = tpu.memref_squeeze %dma_start3A_178 : memref<1x5x1024xi32, #tpu.memory_space<hbm>> -> memref<5x1024xi32, #tpu.memory_space<hbm>>
      %dma_start3A_180 = arith.constant 0 : i32
      %dma_start3A_181 = arith.constant 0 : i32
      %dma_start3A_182 = tpu.memref_slice %arg6[%dma_start3A_171, %dma_start3A_180, %dma_start3A_181] : memref<2x5x1024xi32, #tpu.memory_space<vmem>> -> memref<1x5x1024xi32, #tpu.memory_space<vmem>>
      %dma_start3A_183 = tpu.memref_squeeze %dma_start3A_182 : memref<1x5x1024xi32, #tpu.memory_space<vmem>> -> memref<5x1024xi32, #tpu.memory_space<vmem>>
      %dma_start3A_184 = arith.constant 10 : i32
      %dma_start3A_185 = arith.constant 0 : i32
      %dma_start3A_186 = tpu.memref_slice %arg3[%select_n3A, %dma_start3A_184, %dma_start3A_185] : memref<26x50x1024xi32, #tpu.memory_space<hbm>> -> memref<1x5x1024xi32, #tpu.memory_space<hbm>>
      %dma_start3A_187 = tpu.memref_squeeze %dma_start3A_186 : memref<1x5x1024xi32, #tpu.memory_space<hbm>> -> memref<5x1024xi32, #tpu.memory_space<hbm>>
      tpu.enqueue_dma source(%dma_start3A_187 : memref<5x1024xi32, #tpu.memory_space<hbm>>) target(%dma_start3A_183 : memref<5x1024xi32, #tpu.memory_space<vmem>>) target_semaphore(%arg9 : memref<!tpu.dma_semaphore, #tpu.memory_space<semaphore_mem>>)
      %dma_wait3A_188 = arith.constant 1 : i32
      %dma_wait3A_189 = arith.constant 0 : i32
      %dma_wait3A_190 = arith.constant 0 : i32
      %dma_wait3A_191 = tpu.memref_slice %arg6[%dma_wait3A_188, %dma_wait3A_189, %dma_wait3A_190] : memref<2x5x1024xi32, #tpu.memory_space<vmem>> -> memref<1x5x1024xi32, #tpu.memory_space<vmem>>
      %dma_wait3A_192 = tpu.memref_squeeze %dma_wait3A_191 : memref<1x5x1024xi32, #tpu.memory_space<vmem>> -> memref<5x1024xi32, #tpu.memory_space<vmem>>
      %dma_wait3A_193 = arith.constant 5 : i32
      %dma_wait3A_194 = arith.constant 0 : i32
      %dma_wait3A_195 = tpu.memref_slice %arg3[%select_n3A, %dma_wait3A_193, %dma_wait3A_194] : memref<26x50x1024xi32, #tpu.memory_space<hbm>> -> memref<1x5x1024xi32, #tpu.memory_space<hbm>>
      %dma_wait3A_196 = tpu.memref_squeeze %dma_wait3A_195 : memref<1x5x1024xi32, #tpu.memory_space<hbm>> -> memref<5x1024xi32, #tpu.memory_space<hbm>>
      %dma_wait3A_197 = arith.constant 0 : i32
      %dma_wait3A_198 = arith.constant 0 : i32
      %dma_wait3A_199 = tpu.memref_slice %arg6[%dma_wait3A_188, %dma_wait3A_197, %dma_wait3A_198] : memref<2x5x1024xi32, #tpu.memory_space<vmem>> -> memref<1x5x1024xi32, #tpu.memory_space<vmem>>
      %dma_wait3A_200 = tpu.memref_squeeze %dma_wait3A_199 : memref<1x5x1024xi32, #tpu.memory_space<vmem>> -> memref<5x1024xi32, #tpu.memory_space<vmem>>
      %dma_wait3A_201 = arith.constant 5 : i32
      %dma_wait3A_202 = arith.constant 0 : i32
      %dma_wait3A_203 = tpu.memref_slice %arg3[%select_n3A, %dma_wait3A_201, %dma_wait3A_202] : memref<26x50x1024xi32, #tpu.memory_space<hbm>> -> memref<1x5x1024xi32, #tpu.memory_space<hbm>>
      %dma_wait3A_204 = tpu.memref_squeeze %dma_wait3A_203 : memref<1x5x1024xi32, #tpu.memory_space<hbm>> -> memref<5x1024xi32, #tpu.memory_space<hbm>>
      tpu.wait_dma2 semaphore(%arg9 : memref<!tpu.dma_semaphore, #tpu.memory_space<semaphore_mem>>) src(%dma_wait3A_204 : memref<5x1024xi32, #tpu.memory_space<hbm>>) dst(%dma_wait3A_200 : memref<5x1024xi32, #tpu.memory_space<vmem>>)
      %scan3A_205 = arith.constant 0 : i32
      %scan3A_206 = arith.constant 0 : i32
      %scan3A_207 = arith.constant 5 : i32
      %scan3A_208 = arith.addi %scan3A_206, %scan3A_207 : i32
      %scan3A_209 = arith.constant 1 : i32
      scf.for %scan3A_1273 = %scan3A_206 to %scan3A_208 step %scan3A_209  : i32 {
        %parallel_loop3A = arith.constant 0 : i32
        %parallel_loop3A_1274 = arith.constant 8 : i32
        %parallel_loop3A_1275 = arith.constant 1 : i32
        scf.for %parallel_loop3A_1276 = %parallel_loop3A to %parallel_loop3A_1274 step %parallel_loop3A_1275  : i32 {
          %parallel_loop3A_1277 = arith.constant 128 : i32
          %parallel_loop3A_1278 = arith.muli %parallel_loop3A_1276, %parallel_loop3A_1277 : i32
          %parallel_loop3A_1279 = arith.constant 0 : i32
          %parallel_loop3A_1280 = arith.addi %parallel_loop3A_1278, %parallel_loop3A_1279 : i32
          %parallel_loop3A_1281 = arith.constant 1 : i32
          %parallel_loop3A_1282 = arith.constant 0 : i32
          %parallel_loop3A_1283 = arith.constant 0 : i32
          %parallel_loop3A_1284 = tpu.memref_slice %arg6[%parallel_loop3A_1281, %parallel_loop3A_1282, %parallel_loop3A_1283] : memref<2x5x1024xi32, #tpu.memory_space<vmem>> -> memref<1x5x1024xi32, #tpu.memory_space<vmem>>
          %parallel_loop3A_1285 = tpu.memref_squeeze %parallel_loop3A_1284 : memref<1x5x1024xi32, #tpu.memory_space<vmem>> -> memref<5x1024xi32, #tpu.memory_space<vmem>>
          %parallel_loop3A_1286 = arith.index_cast %scan3A_1273 : i32 to index
          %parallel_loop3A_1287 = arith.index_cast %parallel_loop3A_1280 : i32 to index
          %parallel_loop3A_1288 = tpu.vector_load %parallel_loop3A_1285[%parallel_loop3A_1286, %parallel_loop3A_1287] {strides = array<i32>} : memref<5x1024xi32, #tpu.memory_space<vmem>>, vector<16xi32>,
          %parallel_loop3A_1289 = tpu.vector_load_idx %arg5[%parallel_loop3A_1288] : memref<100000xf32, #tpu.memory_space<vmem>>[vector<16xi32>], vector<16xf32>,
          %parallel_loop3A_1290 = arith.constant 1 : i32
          %parallel_loop3A_1291 = arith.constant 0 : i32
          %parallel_loop3A_1292 = arith.constant 0 : i32
          %parallel_loop3A_1293 = arith.constant 0 : i32
          %parallel_loop3A_1294 = tpu.memref_slice %arg7[%parallel_loop3A_1290, %parallel_loop3A_1291, %parallel_loop3A_1292, %parallel_loop3A_1293] : memref<2x5x8x128xf32, #tpu.memory_space<vmem>> -> memref<1x5x8x128xf32, #tpu.memory_space<vmem>>
          %parallel_loop3A_1295 = tpu.memref_squeeze %parallel_loop3A_1294 : memref<1x5x8x128xf32, #tpu.memory_space<vmem>> -> memref<5x8x128xf32, #tpu.memory_space<vmem>>
          %parallel_loop3A_1296 = arith.index_cast %scan3A_1273 : i32 to index
          %parallel_loop3A_1297 = arith.index_cast %parallel_loop3A_1276 : i32 to index
          %parallel_loop3A_1298 = arith.constant 0 : index
          %parallel_loop3A_1299 = tpu.vector_load %parallel_loop3A_1295[%parallel_loop3A_1296, %parallel_loop3A_1297, %parallel_loop3A_1298] {strides = array<i32>} : memref<5x8x128xf32, #tpu.memory_space<vmem>>, vector<16xf32>,
          tpu.vector_store %parallel_loop3A_1295[%parallel_loop3A_1296, %parallel_loop3A_1297, %parallel_loop3A_1298], %parallel_loop3A_1289 {strides = array<i32>} : memref<5x8x128xf32, #tpu.memory_space<vmem>>, vector<16xf32>,
          %parallel_loop3A_1300 = arith.constant 128 : i32
          %parallel_loop3A_1301 = arith.muli %parallel_loop3A_1276, %parallel_loop3A_1300 : i32
          %parallel_loop3A_1302 = arith.constant 16 : i32
          %parallel_loop3A_1303 = arith.addi %parallel_loop3A_1301, %parallel_loop3A_1302 : i32
          %parallel_loop3A_1304 = arith.constant 1 : i32
          %parallel_loop3A_1305 = arith.constant 0 : i32
          %parallel_loop3A_1306 = arith.constant 0 : i32
          %parallel_loop3A_1307 = tpu.memref_slice %arg6[%parallel_loop3A_1304, %parallel_loop3A_1305, %parallel_loop3A_1306] : memref<2x5x1024xi32, #tpu.memory_space<vmem>> -> memref<1x5x1024xi32, #tpu.memory_space<vmem>>
          %parallel_loop3A_1308 = tpu.memref_squeeze %parallel_loop3A_1307 : memref<1x5x1024xi32, #tpu.memory_space<vmem>> -> memref<5x1024xi32, #tpu.memory_space<vmem>>
          %parallel_loop3A_1309 = arith.index_cast %scan3A_1273 : i32 to index
          %parallel_loop3A_1310 = arith.index_cast %parallel_loop3A_1303 : i32 to index
          %parallel_loop3A_1311 = tpu.vector_load %parallel_loop3A_1308[%parallel_loop3A_1309, %parallel_loop3A_1310] {strides = array<i32>} : memref<5x1024xi32, #tpu.memory_space<vmem>>, vector<16xi32>,
          %parallel_loop3A_1312 = tpu.vector_load_idx %arg5[%parallel_loop3A_1311] : memref<100000xf32, #tpu.memory_space<vmem>>[vector<16xi32>], vector<16xf32>,
          %parallel_loop3A_1313 = arith.constant 1 : i32
          %parallel_loop3A_1314 = arith.constant 0 : i32
          %parallel_loop3A_1315 = arith.constant 0 : i32
          %parallel_loop3A_1316 = arith.constant 0 : i32
          %parallel_loop3A_1317 = tpu.memref_slice %arg7[%parallel_loop3A_1313, %parallel_loop3A_1314, %parallel_loop3A_1315, %parallel_loop3A_1316] : memref<2x5x8x128xf32, #tpu.memory_space<vmem>> -> memref<1x5x8x128xf32, #tpu.memory_space<vmem>>
          %parallel_loop3A_1318 = tpu.memref_squeeze %parallel_loop3A_1317 : memref<1x5x8x128xf32, #tpu.memory_space<vmem>> -> memref<5x8x128xf32, #tpu.memory_space<vmem>>
          %parallel_loop3A_1319 = arith.index_cast %scan3A_1273 : i32 to index
          %parallel_loop3A_1320 = arith.index_cast %parallel_loop3A_1276 : i32 to index
          %parallel_loop3A_1321 = arith.constant 16 : index
          %parallel_loop3A_1322 = tpu.vector_load %parallel_loop3A_1318[%parallel_loop3A_1319, %parallel_loop3A_1320, %parallel_loop3A_1321] {strides = array<i32>} : memref<5x8x128xf32, #tpu.memory_space<vmem>>, vector<16xf32>,
          tpu.vector_store %parallel_loop3A_1318[%parallel_loop3A_1319, %parallel_loop3A_1320, %parallel_loop3A_1321], %parallel_loop3A_1312 {strides = array<i32>} : memref<5x8x128xf32, #tpu.memory_space<vmem>>, vector<16xf32>,
          %parallel_loop3A_1323 = arith.constant 128 : i32
          %parallel_loop3A_1324 = arith.muli %parallel_loop3A_1276, %parallel_loop3A_1323 : i32
          %parallel_loop3A_1325 = arith.constant 32 : i32
          %parallel_loop3A_1326 = arith.addi %parallel_loop3A_1324, %parallel_loop3A_1325 : i32
          %parallel_loop3A_1327 = arith.constant 1 : i32
          %parallel_loop3A_1328 = arith.constant 0 : i32
          %parallel_loop3A_1329 = arith.constant 0 : i32
          %parallel_loop3A_1330 = tpu.memref_slice %arg6[%parallel_loop3A_1327, %parallel_loop3A_1328, %parallel_loop3A_1329] : memref<2x5x1024xi32, #tpu.memory_space<vmem>> -> memref<1x5x1024xi32, #tpu.memory_space<vmem>>
          %parallel_loop3A_1331 = tpu.memref_squeeze %parallel_loop3A_1330 : memref<1x5x1024xi32, #tpu.memory_space<vmem>> -> memref<5x1024xi32, #tpu.memory_space<vmem>>
          %parallel_loop3A_1332 = arith.index_cast %scan3A_1273 : i32 to index
          %parallel_loop3A_1333 = arith.index_cast %parallel_loop3A_1326 : i32 to index
          %parallel_loop3A_1334 = tpu.vector_load %parallel_loop3A_1331[%parallel_loop3A_1332, %parallel_loop3A_1333] {strides = array<i32>} : memref<5x1024xi32, #tpu.memory_space<vmem>>, vector<16xi32>,
          %parallel_loop3A_1335 = tpu.vector_load_idx %arg5[%parallel_loop3A_1334] : memref<100000xf32, #tpu.memory_space<vmem>>[vector<16xi32>], vector<16xf32>,
          %parallel_loop3A_1336 = arith.constant 1 : i32
          %parallel_loop3A_1337 = arith.constant 0 : i32
          %parallel_loop3A_1338 = arith.constant 0 : i32
          %parallel_loop3A_1339 = arith.constant 0 : i32
          %parallel_loop3A_1340 = tpu.memref_slice %arg7[%parallel_loop3A_1336, %parallel_loop3A_1337, %parallel_loop3A_1338, %parallel_loop3A_1339] : memref<2x5x8x128xf32, #tpu.memory_space<vmem>> -> memref<1x5x8x128xf32, #tpu.memory_space<vmem>>
          %parallel_loop3A_1341 = tpu.memref_squeeze %parallel_loop3A_1340 : memref<1x5x8x128xf32, #tpu.memory_space<vmem>> -> memref<5x8x128xf32, #tpu.memory_space<vmem>>
          %parallel_loop3A_1342 = arith.index_cast %scan3A_1273 : i32 to index
          %parallel_loop3A_1343 = arith.index_cast %parallel_loop3A_1276 : i32 to index
          %parallel_loop3A_1344 = arith.constant 32 : index
          %parallel_loop3A_1345 = tpu.vector_load %parallel_loop3A_1341[%parallel_loop3A_1342, %parallel_loop3A_1343, %parallel_loop3A_1344] {strides = array<i32>} : memref<5x8x128xf32, #tpu.memory_space<vmem>>, vector<16xf32>,
          tpu.vector_store %parallel_loop3A_1341[%parallel_loop3A_1342, %parallel_loop3A_1343, %parallel_loop3A_1344], %parallel_loop3A_1335 {strides = array<i32>} : memref<5x8x128xf32, #tpu.memory_space<vmem>>, vector<16xf32>,
          %parallel_loop3A_1346 = arith.constant 128 : i32
          %parallel_loop3A_1347 = arith.muli %parallel_loop3A_1276, %parallel_loop3A_1346 : i32
          %parallel_loop3A_1348 = arith.constant 48 : i32
          %parallel_loop3A_1349 = arith.addi %parallel_loop3A_1347, %parallel_loop3A_1348 : i32
          %parallel_loop3A_1350 = arith.constant 1 : i32
          %parallel_loop3A_1351 = arith.constant 0 : i32
          %parallel_loop3A_1352 = arith.constant 0 : i32
          %parallel_loop3A_1353 = tpu.memref_slice %arg6[%parallel_loop3A_1350, %parallel_loop3A_1351, %parallel_loop3A_1352] : memref<2x5x1024xi32, #tpu.memory_space<vmem>> -> memref<1x5x1024xi32, #tpu.memory_space<vmem>>
          %parallel_loop3A_1354 = tpu.memref_squeeze %parallel_loop3A_1353 : memref<1x5x1024xi32, #tpu.memory_space<vmem>> -> memref<5x1024xi32, #tpu.memory_space<vmem>>
          %parallel_loop3A_1355 = arith.index_cast %scan3A_1273 : i32 to index
          %parallel_loop3A_1356 = arith.index_cast %parallel_loop3A_1349 : i32 to index
          %parallel_loop3A_1357 = tpu.vector_load %parallel_loop3A_1354[%parallel_loop3A_1355, %parallel_loop3A_1356] {strides = array<i32>} : memref<5x1024xi32, #tpu.memory_space<vmem>>, vector<16xi32>,
          %parallel_loop3A_1358 = tpu.vector_load_idx %arg5[%parallel_loop3A_1357] : memref<100000xf32, #tpu.memory_space<vmem>>[vector<16xi32>], vector<16xf32>,
          %parallel_loop3A_1359 = arith.constant 1 : i32
          %parallel_loop3A_1360 = arith.constant 0 : i32
          %parallel_loop3A_1361 = arith.constant 0 : i32
          %parallel_loop3A_1362 = arith.constant 0 : i32
          %parallel_loop3A_1363 = tpu.memref_slice %arg7[%parallel_loop3A_1359, %parallel_loop3A_1360, %parallel_loop3A_1361, %parallel_loop3A_1362] : memref<2x5x8x128xf32, #tpu.memory_space<vmem>> -> memref<1x5x8x128xf32, #tpu.memory_space<vmem>>
          %parallel_loop3A_1364 = tpu.memref_squeeze %parallel_loop3A_1363 : memref<1x5x8x128xf32, #tpu.memory_space<vmem>> -> memref<5x8x128xf32, #tpu.memory_space<vmem>>
          %parallel_loop3A_1365 = arith.index_cast %scan3A_1273 : i32 to index
          %parallel_loop3A_1366 = arith.index_cast %parallel_loop3A_1276 : i32 to index
          %parallel_loop3A_1367 = arith.constant 48 : index
          %parallel_loop3A_1368 = tpu.vector_load %parallel_loop3A_1364[%parallel_loop3A_1365, %parallel_loop3A_1366, %parallel_loop3A_1367] {strides = array<i32>} : memref<5x8x128xf32, #tpu.memory_space<vmem>>, vector<16xf32>,
          tpu.vector_store %parallel_loop3A_1364[%parallel_loop3A_1365, %parallel_loop3A_1366, %parallel_loop3A_1367], %parallel_loop3A_1358 {strides = array<i32>} : memref<5x8x128xf32, #tpu.memory_space<vmem>>, vector<16xf32>,
          %parallel_loop3A_1369 = arith.constant 128 : i32
          %parallel_loop3A_1370 = arith.muli %parallel_loop3A_1276, %parallel_loop3A_1369 : i32
          %parallel_loop3A_1371 = arith.constant 64 : i32
          %parallel_loop3A_1372 = arith.addi %parallel_loop3A_1370, %parallel_loop3A_1371 : i32
          %parallel_loop3A_1373 = arith.constant 1 : i32
          %parallel_loop3A_1374 = arith.constant 0 : i32
          %parallel_loop3A_1375 = arith.constant 0 : i32
          %parallel_loop3A_1376 = tpu.memref_slice %arg6[%parallel_loop3A_1373, %parallel_loop3A_1374, %parallel_loop3A_1375] : memref<2x5x1024xi32, #tpu.memory_space<vmem>> -> memref<1x5x1024xi32, #tpu.memory_space<vmem>>
          %parallel_loop3A_1377 = tpu.memref_squeeze %parallel_loop3A_1376 : memref<1x5x1024xi32, #tpu.memory_space<vmem>> -> memref<5x1024xi32, #tpu.memory_space<vmem>>
          %parallel_loop3A_1378 = arith.index_cast %scan3A_1273 : i32 to index
          %parallel_loop3A_1379 = arith.index_cast %parallel_loop3A_1372 : i32 to index
          %parallel_loop3A_1380 = tpu.vector_load %parallel_loop3A_1377[%parallel_loop3A_1378, %parallel_loop3A_1379] {strides = array<i32>} : memref<5x1024xi32, #tpu.memory_space<vmem>>, vector<16xi32>,
          %parallel_loop3A_1381 = tpu.vector_load_idx %arg5[%parallel_loop3A_1380] : memref<100000xf32, #tpu.memory_space<vmem>>[vector<16xi32>], vector<16xf32>,
          %parallel_loop3A_1382 = arith.constant 1 : i32
          %parallel_loop3A_1383 = arith.constant 0 : i32
          %parallel_loop3A_1384 = arith.constant 0 : i32
          %parallel_loop3A_1385 = arith.constant 0 : i32
          %parallel_loop3A_1386 = tpu.memref_slice %arg7[%parallel_loop3A_1382, %parallel_loop3A_1383, %parallel_loop3A_1384, %parallel_loop3A_1385] : memref<2x5x8x128xf32, #tpu.memory_space<vmem>> -> memref<1x5x8x128xf32, #tpu.memory_space<vmem>>
          %parallel_loop3A_1387 = tpu.memref_squeeze %parallel_loop3A_1386 : memref<1x5x8x128xf32, #tpu.memory_space<vmem>> -> memref<5x8x128xf32, #tpu.memory_space<vmem>>
          %parallel_loop3A_1388 = arith.index_cast %scan3A_1273 : i32 to index
          %parallel_loop3A_1389 = arith.index_cast %parallel_loop3A_1276 : i32 to index
          %parallel_loop3A_1390 = arith.constant 64 : index
          %parallel_loop3A_1391 = tpu.vector_load %parallel_loop3A_1387[%parallel_loop3A_1388, %parallel_loop3A_1389, %parallel_loop3A_1390] {strides = array<i32>} : memref<5x8x128xf32, #tpu.memory_space<vmem>>, vector<16xf32>,
          tpu.vector_store %parallel_loop3A_1387[%parallel_loop3A_1388, %parallel_loop3A_1389, %parallel_loop3A_1390], %parallel_loop3A_1381 {strides = array<i32>} : memref<5x8x128xf32, #tpu.memory_space<vmem>>, vector<16xf32>,
          %parallel_loop3A_1392 = arith.constant 128 : i32
          %parallel_loop3A_1393 = arith.muli %parallel_loop3A_1276, %parallel_loop3A_1392 : i32
          %parallel_loop3A_1394 = arith.constant 80 : i32
          %parallel_loop3A_1395 = arith.addi %parallel_loop3A_1393, %parallel_loop3A_1394 : i32
          %parallel_loop3A_1396 = arith.constant 1 : i32
          %parallel_loop3A_1397 = arith.constant 0 : i32
          %parallel_loop3A_1398 = arith.constant 0 : i32
          %parallel_loop3A_1399 = tpu.memref_slice %arg6[%parallel_loop3A_1396, %parallel_loop3A_1397, %parallel_loop3A_1398] : memref<2x5x1024xi32, #tpu.memory_space<vmem>> -> memref<1x5x1024xi32, #tpu.memory_space<vmem>>
          %parallel_loop3A_1400 = tpu.memref_squeeze %parallel_loop3A_1399 : memref<1x5x1024xi32, #tpu.memory_space<vmem>> -> memref<5x1024xi32, #tpu.memory_space<vmem>>
          %parallel_loop3A_1401 = arith.index_cast %scan3A_1273 : i32 to index
          %parallel_loop3A_1402 = arith.index_cast %parallel_loop3A_1395 : i32 to index
          %parallel_loop3A_1403 = tpu.vector_load %parallel_loop3A_1400[%parallel_loop3A_1401, %parallel_loop3A_1402] {strides = array<i32>} : memref<5x1024xi32, #tpu.memory_space<vmem>>, vector<16xi32>,
          %parallel_loop3A_1404 = tpu.vector_load_idx %arg5[%parallel_loop3A_1403] : memref<100000xf32, #tpu.memory_space<vmem>>[vector<16xi32>], vector<16xf32>,
          %parallel_loop3A_1405 = arith.constant 1 : i32
          %parallel_loop3A_1406 = arith.constant 0 : i32
          %parallel_loop3A_1407 = arith.constant 0 : i32
          %parallel_loop3A_1408 = arith.constant 0 : i32
          %parallel_loop3A_1409 = tpu.memref_slice %arg7[%parallel_loop3A_1405, %parallel_loop3A_1406, %parallel_loop3A_1407, %parallel_loop3A_1408] : memref<2x5x8x128xf32, #tpu.memory_space<vmem>> -> memref<1x5x8x128xf32, #tpu.memory_space<vmem>>
          %parallel_loop3A_1410 = tpu.memref_squeeze %parallel_loop3A_1409 : memref<1x5x8x128xf32, #tpu.memory_space<vmem>> -> memref<5x8x128xf32, #tpu.memory_space<vmem>>
          %parallel_loop3A_1411 = arith.index_cast %scan3A_1273 : i32 to index
          %parallel_loop3A_1412 = arith.index_cast %parallel_loop3A_1276 : i32 to index
          %parallel_loop3A_1413 = arith.constant 80 : index
          %parallel_loop3A_1414 = tpu.vector_load %parallel_loop3A_1410[%parallel_loop3A_1411, %parallel_loop3A_1412, %parallel_loop3A_1413] {strides = array<i32>} : memref<5x8x128xf32, #tpu.memory_space<vmem>>, vector<16xf32>,
          tpu.vector_store %parallel_loop3A_1410[%parallel_loop3A_1411, %parallel_loop3A_1412, %parallel_loop3A_1413], %parallel_loop3A_1404 {strides = array<i32>} : memref<5x8x128xf32, #tpu.memory_space<vmem>>, vector<16xf32>,
          %parallel_loop3A_1415 = arith.constant 128 : i32
          %parallel_loop3A_1416 = arith.muli %parallel_loop3A_1276, %parallel_loop3A_1415 : i32
          %parallel_loop3A_1417 = arith.constant 96 : i32
          %parallel_loop3A_1418 = arith.addi %parallel_loop3A_1416, %parallel_loop3A_1417 : i32
          %parallel_loop3A_1419 = arith.constant 1 : i32
          %parallel_loop3A_1420 = arith.constant 0 : i32
          %parallel_loop3A_1421 = arith.constant 0 : i32
          %parallel_loop3A_1422 = tpu.memref_slice %arg6[%parallel_loop3A_1419, %parallel_loop3A_1420, %parallel_loop3A_1421] : memref<2x5x1024xi32, #tpu.memory_space<vmem>> -> memref<1x5x1024xi32, #tpu.memory_space<vmem>>
          %parallel_loop3A_1423 = tpu.memref_squeeze %parallel_loop3A_1422 : memref<1x5x1024xi32, #tpu.memory_space<vmem>> -> memref<5x1024xi32, #tpu.memory_space<vmem>>
          %parallel_loop3A_1424 = arith.index_cast %scan3A_1273 : i32 to index
          %parallel_loop3A_1425 = arith.index_cast %parallel_loop3A_1418 : i32 to index
          %parallel_loop3A_1426 = tpu.vector_load %parallel_loop3A_1423[%parallel_loop3A_1424, %parallel_loop3A_1425] {strides = array<i32>} : memref<5x1024xi32, #tpu.memory_space<vmem>>, vector<16xi32>,
          %parallel_loop3A_1427 = tpu.vector_load_idx %arg5[%parallel_loop3A_1426] : memref<100000xf32, #tpu.memory_space<vmem>>[vector<16xi32>], vector<16xf32>,
          %parallel_loop3A_1428 = arith.constant 1 : i32
          %parallel_loop3A_1429 = arith.constant 0 : i32
          %parallel_loop3A_1430 = arith.constant 0 : i32
          %parallel_loop3A_1431 = arith.constant 0 : i32
          %parallel_loop3A_1432 = tpu.memref_slice %arg7[%parallel_loop3A_1428, %parallel_loop3A_1429, %parallel_loop3A_1430, %parallel_loop3A_1431] : memref<2x5x8x128xf32, #tpu.memory_space<vmem>> -> memref<1x5x8x128xf32, #tpu.memory_space<vmem>>
          %parallel_loop3A_1433 = tpu.memref_squeeze %parallel_loop3A_1432 : memref<1x5x8x128xf32, #tpu.memory_space<vmem>> -> memref<5x8x128xf32, #tpu.memory_space<vmem>>
          %parallel_loop3A_1434 = arith.index_cast %scan3A_1273 : i32 to index
          %parallel_loop3A_1435 = arith.index_cast %parallel_loop3A_1276 : i32 to index
          %parallel_loop3A_1436 = arith.constant 96 : index
          %parallel_loop3A_1437 = tpu.vector_load %parallel_loop3A_1433[%parallel_loop3A_1434, %parallel_loop3A_1435, %parallel_loop3A_1436] {strides = array<i32>} : memref<5x8x128xf32, #tpu.memory_space<vmem>>, vector<16xf32>,
          tpu.vector_store %parallel_loop3A_1433[%parallel_loop3A_1434, %parallel_loop3A_1435, %parallel_loop3A_1436], %parallel_loop3A_1427 {strides = array<i32>} : memref<5x8x128xf32, #tpu.memory_space<vmem>>, vector<16xf32>,
          %parallel_loop3A_1438 = arith.constant 128 : i32
          %parallel_loop3A_1439 = arith.muli %parallel_loop3A_1276, %parallel_loop3A_1438 : i32
          %parallel_loop3A_1440 = arith.constant 112 : i32
          %parallel_loop3A_1441 = arith.addi %parallel_loop3A_1439, %parallel_loop3A_1440 : i32
          %parallel_loop3A_1442 = arith.constant 1 : i32
          %parallel_loop3A_1443 = arith.constant 0 : i32
          %parallel_loop3A_1444 = arith.constant 0 : i32
          %parallel_loop3A_1445 = tpu.memref_slice %arg6[%parallel_loop3A_1442, %parallel_loop3A_1443, %parallel_loop3A_1444] : memref<2x5x1024xi32, #tpu.memory_space<vmem>> -> memref<1x5x1024xi32, #tpu.memory_space<vmem>>
          %parallel_loop3A_1446 = tpu.memref_squeeze %parallel_loop3A_1445 : memref<1x5x1024xi32, #tpu.memory_space<vmem>> -> memref<5x1024xi32, #tpu.memory_space<vmem>>
          %parallel_loop3A_1447 = arith.index_cast %scan3A_1273 : i32 to index
          %parallel_loop3A_1448 = arith.index_cast %parallel_loop3A_1441 : i32 to index
          %parallel_loop3A_1449 = tpu.vector_load %parallel_loop3A_1446[%parallel_loop3A_1447, %parallel_loop3A_1448] {strides = array<i32>} : memref<5x1024xi32, #tpu.memory_space<vmem>>, vector<16xi32>,
          %parallel_loop3A_1450 = tpu.vector_load_idx %arg5[%parallel_loop3A_1449] : memref<100000xf32, #tpu.memory_space<vmem>>[vector<16xi32>], vector<16xf32>,
          %parallel_loop3A_1451 = arith.constant 1 : i32
          %parallel_loop3A_1452 = arith.constant 0 : i32
          %parallel_loop3A_1453 = arith.constant 0 : i32
          %parallel_loop3A_1454 = arith.constant 0 : i32
          %parallel_loop3A_1455 = tpu.memref_slice %arg7[%parallel_loop3A_1451, %parallel_loop3A_1452, %parallel_loop3A_1453, %parallel_loop3A_1454] : memref<2x5x8x128xf32, #tpu.memory_space<vmem>> -> memref<1x5x8x128xf32, #tpu.memory_space<vmem>>
          %parallel_loop3A_1456 = tpu.memref_squeeze %parallel_loop3A_1455 : memref<1x5x8x128xf32, #tpu.memory_space<vmem>> -> memref<5x8x128xf32, #tpu.memory_space<vmem>>
          %parallel_loop3A_1457 = arith.index_cast %scan3A_1273 : i32 to index
          %parallel_loop3A_1458 = arith.index_cast %parallel_loop3A_1276 : i32 to index
          %parallel_loop3A_1459 = arith.constant 112 : index
          %parallel_loop3A_1460 = tpu.vector_load %parallel_loop3A_1456[%parallel_loop3A_1457, %parallel_loop3A_1458, %parallel_loop3A_1459] {strides = array<i32>} : memref<5x8x128xf32, #tpu.memory_space<vmem>>, vector<16xf32>,
          tpu.vector_store %parallel_loop3A_1456[%parallel_loop3A_1457, %parallel_loop3A_1458, %parallel_loop3A_1459], %parallel_loop3A_1450 {strides = array<i32>} : memref<5x8x128xf32, #tpu.memory_space<vmem>>, vector<16xf32>,
        } {sc.loop_unroll_factor = 2 : i64, sc.parallel_access}
      }
      %scan3A_210 = arith.constant 5 : i32
      %jit3A_211 = arith.constant 8 : i32
      %div3A_212 = arith.divsi %add3A_42, %jit3A_211 : i32
      %sign3A_213 = arith.constant 0 : i32
      %sign3A_214 = arith.cmpi sgt, %add3A_42, %sign3A_213 : i32
      %sign3A_215 = arith.extui %sign3A_214 : i1 to i32
      %sign3A_216 = arith.constant 0 : i32
      %sign3A_217 = arith.cmpi slt, %add3A_42, %sign3A_216 : i32
      %sign3A_218 = arith.extui %sign3A_217 : i1 to i32
      %sign3A_219 = arith.subi %sign3A_215, %sign3A_218 : i32
      %sign3A_220 = arith.constant 0 : i32
      %sign3A_221 = arith.cmpi sgt, %jit3A_211, %sign3A_220 : i32
      %sign3A_222 = arith.extui %sign3A_221 : i1 to i32
      %sign3A_223 = arith.constant 0 : i32
      %sign3A_224 = arith.cmpi slt, %jit3A_211, %sign3A_223 : i32
      %sign3A_225 = arith.extui %sign3A_224 : i1 to i32
      %sign3A_226 = arith.subi %sign3A_222, %sign3A_225 : i32
      %ne3A_227 = arith.cmpi ne, %sign3A_219, %sign3A_226 : i32
      %rem3A_228 = arith.remsi %add3A_42, %jit3A_211 : i32
      %ne3A_229 = arith.constant 0 : i32
      %ne3A_230 = arith.cmpi ne, %rem3A_228, %ne3A_229 : i32
      %and3A_231 = arith.andi %ne3A_227, %ne3A_230 : i1
      %sub3A_232 = arith.constant 1 : i32
      %sub3A_233 = arith.subi %div3A_212, %sub3A_232 : i32
      %select_n3A_234 = arith.select %and3A_231, %sub3A_233, %div3A_212 : i32
      %jit3A_235 = arith.constant 8 : i32
      %eq3A_236 = arith.constant 0 : i32
      %eq3A_237 = arith.cmpi eq, %jit3A_235, %eq3A_236 : i32
      %jit3A_238 = arith.constant 1 : i32
      %select_n3A_239 = arith.select %eq3A_237, %jit3A_238, %jit3A_235 : i32
      %rem3A_240 = arith.remsi %add3A_42, %select_n3A_239 : i32
      %ne3A_241 = arith.constant 0 : i32
      %ne3A_242 = arith.cmpi ne, %rem3A_240, %ne3A_241 : i32
      %lt3A_243 = arith.constant 0 : i32
      %lt3A_244 = arith.cmpi slt, %rem3A_240, %lt3A_243 : i32
      %lt3A_245 = arith.constant 0 : i32
      %lt3A_246 = arith.cmpi slt, %select_n3A_239, %lt3A_245 : i32
      %ne3A_247 = arith.xori %lt3A_244, %lt3A_246 : i1
      %and3A_248 = arith.andi %ne3A_247, %ne3A_242 : i1
      %add3A_249 = arith.addi %rem3A_240, %select_n3A_239 : i32
      %select_n3A_250 = arith.select %and3A_248, %add3A_249, %rem3A_240 : i32
      %dma_start3A_251 = arith.constant 1 : i32
      %dma_start3A_252 = arith.constant 0 : i32
      %dma_start3A_253 = arith.constant 0 : i32
      %dma_start3A_254 = arith.constant 0 : i32
      %dma_start3A_255 = tpu.memref_slice %arg7[%dma_start3A_251, %dma_start3A_252, %dma_start3A_253, %dma_start3A_254] : memref<2x5x8x128xf32, #tpu.memory_space<vmem>> -> memref<1x5x8x128xf32, #tpu.memory_space<vmem>>
      %dma_start3A_256 = tpu.memref_squeeze %dma_start3A_255 : memref<1x5x8x128xf32, #tpu.memory_space<vmem>> -> memref<5x8x128xf32, #tpu.memory_space<vmem>>
      %dma_start3A_257 = arith.constant 5 : i32
      %dma_start3A_258 = arith.constant 0 : i32
      %dma_start3A_259 = arith.constant 0 : i32
      %dma_start3A_260 = tpu.memref_slice %arg4[%dma_start3A_257, %select_n3A_234, %dma_start3A_258, %select_n3A_250, %dma_start3A_259] : memref<50x52x8x8x128xf32, #tpu.memory_space<hbm>> -> memref<5x1x8x1x128xf32, #tpu.memory_space<hbm>>
      %dma_start3A_261 = tpu.memref_squeeze %dma_start3A_260 : memref<5x1x8x1x128xf32, #tpu.memory_space<hbm>> -> memref<5x8x128xf32, #tpu.memory_space<hbm>>
      %dma_start3A_262 = arith.constant 5 : i32
      %dma_start3A_263 = arith.constant 0 : i32
      %dma_start3A_264 = arith.constant 0 : i32
      %dma_start3A_265 = tpu.memref_slice %arg4[%dma_start3A_262, %select_n3A_234, %dma_start3A_263, %select_n3A_250, %dma_start3A_264] : memref<50x52x8x8x128xf32, #tpu.memory_space<hbm>> -> memref<5x1x8x1x128xf32, #tpu.memory_space<hbm>>
      %dma_start3A_266 = tpu.memref_squeeze %dma_start3A_265 : memref<5x1x8x1x128xf32, #tpu.memory_space<hbm>> -> memref<5x8x128xf32, #tpu.memory_space<hbm>>
      %dma_start3A_267 = arith.constant 0 : i32
      %dma_start3A_268 = arith.constant 0 : i32
      %dma_start3A_269 = arith.constant 0 : i32
      %dma_start3A_270 = tpu.memref_slice %arg7[%dma_start3A_251, %dma_start3A_267, %dma_start3A_268, %dma_start3A_269] : memref<2x5x8x128xf32, #tpu.memory_space<vmem>> -> memref<1x5x8x128xf32, #tpu.memory_space<vmem>>
      %dma_start3A_271 = tpu.memref_squeeze %dma_start3A_270 : memref<1x5x8x128xf32, #tpu.memory_space<vmem>> -> memref<5x8x128xf32, #tpu.memory_space<vmem>>
      tpu.enqueue_dma source(%dma_start3A_271 : memref<5x8x128xf32, #tpu.memory_space<vmem>>) target(%dma_start3A_266 : memref<5x8x128xf32, #tpu.memory_space<hbm>>) target_semaphore(%arg10 : memref<!tpu.dma_semaphore, #tpu.memory_space<semaphore_mem>>)
      %dma_start3A_272 = arith.constant 1 : i32
      %dma_start3A_273 = arith.constant 0 : i32
      %dma_start3A_274 = arith.constant 0 : i32
      %dma_start3A_275 = tpu.memref_slice %arg6[%dma_start3A_272, %dma_start3A_273, %dma_start3A_274] : memref<2x5x1024xi32, #tpu.memory_space<vmem>> -> memref<1x5x1024xi32, #tpu.memory_space<vmem>>
      %dma_start3A_276 = tpu.memref_squeeze %dma_start3A_275 : memref<1x5x1024xi32, #tpu.memory_space<vmem>> -> memref<5x1024xi32, #tpu.memory_space<vmem>>
      %dma_start3A_277 = arith.constant 15 : i32
      %dma_start3A_278 = arith.constant 0 : i32
      %dma_start3A_279 = tpu.memref_slice %arg3[%select_n3A, %dma_start3A_277, %dma_start3A_278] : memref<26x50x1024xi32, #tpu.memory_space<hbm>> -> memref<1x5x1024xi32, #tpu.memory_space<hbm>>
      %dma_start3A_280 = tpu.memref_squeeze %dma_start3A_279 : memref<1x5x1024xi32, #tpu.memory_space<hbm>> -> memref<5x1024xi32, #tpu.memory_space<hbm>>
      %dma_start3A_281 = arith.constant 0 : i32
      %dma_start3A_282 = arith.constant 0 : i32
      %dma_start3A_283 = tpu.memref_slice %arg6[%dma_start3A_272, %dma_start3A_281, %dma_start3A_282] : memref<2x5x1024xi32, #tpu.memory_space<vmem>> -> memref<1x5x1024xi32, #tpu.memory_space<vmem>>
      %dma_start3A_284 = tpu.memref_squeeze %dma_start3A_283 : memref<1x5x1024xi32, #tpu.memory_space<vmem>> -> memref<5x1024xi32, #tpu.memory_space<vmem>>
      %dma_start3A_285 = arith.constant 15 : i32
      %dma_start3A_286 = arith.constant 0 : i32
      %dma_start3A_287 = tpu.memref_slice %arg3[%select_n3A, %dma_start3A_285, %dma_start3A_286] : memref<26x50x1024xi32, #tpu.memory_space<hbm>> -> memref<1x5x1024xi32, #tpu.memory_space<hbm>>
      %dma_start3A_288 = tpu.memref_squeeze %dma_start3A_287 : memref<1x5x1024xi32, #tpu.memory_space<hbm>> -> memref<5x1024xi32, #tpu.memory_space<hbm>>
      tpu.enqueue_dma source(%dma_start3A_288 : memref<5x1024xi32, #tpu.memory_space<hbm>>) target(%dma_start3A_284 : memref<5x1024xi32, #tpu.memory_space<vmem>>) target_semaphore(%arg9 : memref<!tpu.dma_semaphore, #tpu.memory_space<semaphore_mem>>)
      %dma_wait3A_289 = arith.constant 0 : i32
      %dma_wait3A_290 = arith.constant 0 : i32
      %dma_wait3A_291 = arith.constant 0 : i32
      %dma_wait3A_292 = tpu.memref_slice %arg6[%dma_wait3A_289, %dma_wait3A_290, %dma_wait3A_291] : memref<2x5x1024xi32, #tpu.memory_space<vmem>> -> memref<1x5x1024xi32, #tpu.memory_space<vmem>>
      %dma_wait3A_293 = tpu.memref_squeeze %dma_wait3A_292 : memref<1x5x1024xi32, #tpu.memory_space<vmem>> -> memref<5x1024xi32, #tpu.memory_space<vmem>>
      %dma_wait3A_294 = arith.constant 10 : i32
      %dma_wait3A_295 = arith.constant 0 : i32
      %dma_wait3A_296 = tpu.memref_slice %arg3[%select_n3A, %dma_wait3A_294, %dma_wait3A_295] : memref<26x50x1024xi32, #tpu.memory_space<hbm>> -> memref<1x5x1024xi32, #tpu.memory_space<hbm>>
      %dma_wait3A_297 = tpu.memref_squeeze %dma_wait3A_296 : memref<1x5x1024xi32, #tpu.memory_space<hbm>> -> memref<5x1024xi32, #tpu.memory_space<hbm>>
      %dma_wait3A_298 = arith.constant 0 : i32
      %dma_wait3A_299 = arith.constant 0 : i32
      %dma_wait3A_300 = tpu.memref_slice %arg6[%dma_wait3A_289, %dma_wait3A_298, %dma_wait3A_299] : memref<2x5x1024xi32, #tpu.memory_space<vmem>> -> memref<1x5x1024xi32, #tpu.memory_space<vmem>>
      %dma_wait3A_301 = tpu.memref_squeeze %dma_wait3A_300 : memref<1x5x1024xi32, #tpu.memory_space<vmem>> -> memref<5x1024xi32, #tpu.memory_space<vmem>>
      %dma_wait3A_302 = arith.constant 10 : i32
      %dma_wait3A_303 = arith.constant 0 : i32
      %dma_wait3A_304 = tpu.memref_slice %arg3[%select_n3A, %dma_wait3A_302, %dma_wait3A_303] : memref<26x50x1024xi32, #tpu.memory_space<hbm>> -> memref<1x5x1024xi32, #tpu.memory_space<hbm>>
      %dma_wait3A_305 = tpu.memref_squeeze %dma_wait3A_304 : memref<1x5x1024xi32, #tpu.memory_space<hbm>> -> memref<5x1024xi32, #tpu.memory_space<hbm>>
      tpu.wait_dma2 semaphore(%arg9 : memref<!tpu.dma_semaphore, #tpu.memory_space<semaphore_mem>>) src(%dma_wait3A_305 : memref<5x1024xi32, #tpu.memory_space<hbm>>) dst(%dma_wait3A_301 : memref<5x1024xi32, #tpu.memory_space<vmem>>)
      %dma_wait3A_306 = arith.constant 0 : i32
      %dma_wait3A_307 = arith.constant 0 : i32
      %dma_wait3A_308 = arith.constant 0 : i32
      %dma_wait3A_309 = arith.constant 0 : i32
      %dma_wait3A_310 = tpu.memref_slice %arg7[%dma_wait3A_306, %dma_wait3A_307, %dma_wait3A_308, %dma_wait3A_309] : memref<2x5x8x128xf32, #tpu.memory_space<vmem>> -> memref<1x5x8x128xf32, #tpu.memory_space<vmem>>
      %dma_wait3A_311 = tpu.memref_squeeze %dma_wait3A_310 : memref<1x5x8x128xf32, #tpu.memory_space<vmem>> -> memref<5x8x128xf32, #tpu.memory_space<vmem>>
      %dma_wait3A_312 = arith.constant 0 : i32
      %dma_wait3A_313 = arith.constant 0 : i32
      %dma_wait3A_314 = arith.constant 0 : i32
      %dma_wait3A_315 = tpu.memref_slice %arg4[%dma_wait3A_312, %select_n3A_133, %dma_wait3A_313, %select_n3A_149, %dma_wait3A_314] : memref<50x52x8x8x128xf32, #tpu.memory_space<hbm>> -> memref<5x1x8x1x128xf32, #tpu.memory_space<hbm>>
      %dma_wait3A_316 = tpu.memref_squeeze %dma_wait3A_315 : memref<5x1x8x1x128xf32, #tpu.memory_space<hbm>> -> memref<5x8x128xf32, #tpu.memory_space<hbm>>
      %dma_wait3A_317 = arith.constant 0 : i32
      %dma_wait3A_318 = arith.constant 0 : i32
      %dma_wait3A_319 = arith.constant 0 : i32
      %dma_wait3A_320 = tpu.memref_slice %arg4[%dma_wait3A_317, %select_n3A_133, %dma_wait3A_318, %select_n3A_149, %dma_wait3A_319] : memref<50x52x8x8x128xf32, #tpu.memory_space<hbm>> -> memref<5x1x8x1x128xf32, #tpu.memory_space<hbm>>
      %dma_wait3A_321 = tpu.memref_squeeze %dma_wait3A_320 : memref<5x1x8x1x128xf32, #tpu.memory_space<hbm>> -> memref<5x8x128xf32, #tpu.memory_space<hbm>>
      %dma_wait3A_322 = arith.constant 0 : i32
      %dma_wait3A_323 = arith.constant 0 : i32
      %dma_wait3A_324 = arith.constant 0 : i32
      %dma_wait3A_325 = tpu.memref_slice %arg7[%dma_wait3A_306, %dma_wait3A_322, %dma_wait3A_323, %dma_wait3A_324] : memref<2x5x8x128xf32, #tpu.memory_space<vmem>> -> memref<1x5x8x128xf32, #tpu.memory_space<vmem>>
      %dma_wait3A_326 = tpu.memref_squeeze %dma_wait3A_325 : memref<1x5x8x128xf32, #tpu.memory_space<vmem>> -> memref<5x8x128xf32, #tpu.memory_space<vmem>>
      tpu.wait_dma2 semaphore(%arg10 : memref<!tpu.dma_semaphore, #tpu.memory_space<semaphore_mem>>) src(%dma_wait3A_326 : memref<5x8x128xf32, #tpu.memory_space<vmem>>) dst(%dma_wait3A_321 : memref<5x8x128xf32, #tpu.memory_space<hbm>>)
      %scan3A_327 = arith.constant 0 : i32
      %scan3A_328 = arith.constant 0 : i32
      %scan3A_329 = arith.constant 5 : i32
      %scan3A_330 = arith.addi %scan3A_328, %scan3A_329 : i32
      %scan3A_331 = arith.constant 1 : i32
      scf.for %scan3A_1273 = %scan3A_328 to %scan3A_330 step %scan3A_331  : i32 {
        %parallel_loop3A = arith.constant 0 : i32
        %parallel_loop3A_1274 = arith.constant 8 : i32
        %parallel_loop3A_1275 = arith.constant 1 : i32
        scf.for %parallel_loop3A_1276 = %parallel_loop3A to %parallel_loop3A_1274 step %parallel_loop3A_1275  : i32 {
          %parallel_loop3A_1277 = arith.constant 128 : i32
          %parallel_loop3A_1278 = arith.muli %parallel_loop3A_1276, %parallel_loop3A_1277 : i32
          %parallel_loop3A_1279 = arith.constant 0 : i32
          %parallel_loop3A_1280 = arith.addi %parallel_loop3A_1278, %parallel_loop3A_1279 : i32
          %parallel_loop3A_1281 = arith.constant 0 : i32
          %parallel_loop3A_1282 = arith.constant 0 : i32
          %parallel_loop3A_1283 = arith.constant 0 : i32
          %parallel_loop3A_1284 = tpu.memref_slice %arg6[%parallel_loop3A_1281, %parallel_loop3A_1282, %parallel_loop3A_1283] : memref<2x5x1024xi32, #tpu.memory_space<vmem>> -> memref<1x5x1024xi32, #tpu.memory_space<vmem>>
          %parallel_loop3A_1285 = tpu.memref_squeeze %parallel_loop3A_1284 : memref<1x5x1024xi32, #tpu.memory_space<vmem>> -> memref<5x1024xi32, #tpu.memory_space<vmem>>
          %parallel_loop3A_1286 = arith.index_cast %scan3A_1273 : i32 to index
          %parallel_loop3A_1287 = arith.index_cast %parallel_loop3A_1280 : i32 to index
          %parallel_loop3A_1288 = tpu.vector_load %parallel_loop3A_1285[%parallel_loop3A_1286, %parallel_loop3A_1287] {strides = array<i32>} : memref<5x1024xi32, #tpu.memory_space<vmem>>, vector<16xi32>,
          %parallel_loop3A_1289 = tpu.vector_load_idx %arg5[%parallel_loop3A_1288] : memref<100000xf32, #tpu.memory_space<vmem>>[vector<16xi32>], vector<16xf32>,
          %parallel_loop3A_1290 = arith.constant 0 : i32
          %parallel_loop3A_1291 = arith.constant 0 : i32
          %parallel_loop3A_1292 = arith.constant 0 : i32
          %parallel_loop3A_1293 = arith.constant 0 : i32
          %parallel_loop3A_1294 = tpu.memref_slice %arg7[%parallel_loop3A_1290, %parallel_loop3A_1291, %parallel_loop3A_1292, %parallel_loop3A_1293] : memref<2x5x8x128xf32, #tpu.memory_space<vmem>> -> memref<1x5x8x128xf32, #tpu.memory_space<vmem>>
          %parallel_loop3A_1295 = tpu.memref_squeeze %parallel_loop3A_1294 : memref<1x5x8x128xf32, #tpu.memory_space<vmem>> -> memref<5x8x128xf32, #tpu.memory_space<vmem>>
          %parallel_loop3A_1296 = arith.index_cast %scan3A_1273 : i32 to index
          %parallel_loop3A_1297 = arith.index_cast %parallel_loop3A_1276 : i32 to index
          %parallel_loop3A_1298 = arith.constant 0 : index
          %parallel_loop3A_1299 = tpu.vector_load %parallel_loop3A_1295[%parallel_loop3A_1296, %parallel_loop3A_1297, %parallel_loop3A_1298] {strides = array<i32>} : memref<5x8x128xf32, #tpu.memory_space<vmem>>, vector<16xf32>,
          tpu.vector_store %parallel_loop3A_1295[%parallel_loop3A_1296, %parallel_loop3A_1297, %parallel_loop3A_1298], %parallel_loop3A_1289 {strides = array<i32>} : memref<5x8x128xf32, #tpu.memory_space<vmem>>, vector<16xf32>,
          %parallel_loop3A_1300 = arith.constant 128 : i32
          %parallel_loop3A_1301 = arith.muli %parallel_loop3A_1276, %parallel_loop3A_1300 : i32
          %parallel_loop3A_1302 = arith.constant 16 : i32
          %parallel_loop3A_1303 = arith.addi %parallel_loop3A_1301, %parallel_loop3A_1302 : i32
          %parallel_loop3A_1304 = arith.constant 0 : i32
          %parallel_loop3A_1305 = arith.constant 0 : i32
          %parallel_loop3A_1306 = arith.constant 0 : i32
          %parallel_loop3A_1307 = tpu.memref_slice %arg6[%parallel_loop3A_1304, %parallel_loop3A_1305, %parallel_loop3A_1306] : memref<2x5x1024xi32, #tpu.memory_space<vmem>> -> memref<1x5x1024xi32, #tpu.memory_space<vmem>>
          %parallel_loop3A_1308 = tpu.memref_squeeze %parallel_loop3A_1307 : memref<1x5x1024xi32, #tpu.memory_space<vmem>> -> memref<5x1024xi32, #tpu.memory_space<vmem>>
          %parallel_loop3A_1309 = arith.index_cast %scan3A_1273 : i32 to index
          %parallel_loop3A_1310 = arith.index_cast %parallel_loop3A_1303 : i32 to index
          %parallel_loop3A_1311 = tpu.vector_load %parallel_loop3A_1308[%parallel_loop3A_1309, %parallel_loop3A_1310] {strides = array<i32>} : memref<5x1024xi32, #tpu.memory_space<vmem>>, vector<16xi32>,
          %parallel_loop3A_1312 = tpu.vector_load_idx %arg5[%parallel_loop3A_1311] : memref<100000xf32, #tpu.memory_space<vmem>>[vector<16xi32>], vector<16xf32>,
          %parallel_loop3A_1313 = arith.constant 0 : i32
          %parallel_loop3A_1314 = arith.constant 0 : i32
          %parallel_loop3A_1315 = arith.constant 0 : i32
          %parallel_loop3A_1316 = arith.constant 0 : i32
          %parallel_loop3A_1317 = tpu.memref_slice %arg7[%parallel_loop3A_1313, %parallel_loop3A_1314, %parallel_loop3A_1315, %parallel_loop3A_1316] : memref<2x5x8x128xf32, #tpu.memory_space<vmem>> -> memref<1x5x8x128xf32, #tpu.memory_space<vmem>>
          %parallel_loop3A_1318 = tpu.memref_squeeze %parallel_loop3A_1317 : memref<1x5x8x128xf32, #tpu.memory_space<vmem>> -> memref<5x8x128xf32, #tpu.memory_space<vmem>>
          %parallel_loop3A_1319 = arith.index_cast %scan3A_1273 : i32 to index
          %parallel_loop3A_1320 = arith.index_cast %parallel_loop3A_1276 : i32 to index
          %parallel_loop3A_1321 = arith.constant 16 : index
          %parallel_loop3A_1322 = tpu.vector_load %parallel_loop3A_1318[%parallel_loop3A_1319, %parallel_loop3A_1320, %parallel_loop3A_1321] {strides = array<i32>} : memref<5x8x128xf32, #tpu.memory_space<vmem>>, vector<16xf32>,
          tpu.vector_store %parallel_loop3A_1318[%parallel_loop3A_1319, %parallel_loop3A_1320, %parallel_loop3A_1321], %parallel_loop3A_1312 {strides = array<i32>} : memref<5x8x128xf32, #tpu.memory_space<vmem>>, vector<16xf32>,
          %parallel_loop3A_1323 = arith.constant 128 : i32
          %parallel_loop3A_1324 = arith.muli %parallel_loop3A_1276, %parallel_loop3A_1323 : i32
          %parallel_loop3A_1325 = arith.constant 32 : i32
          %parallel_loop3A_1326 = arith.addi %parallel_loop3A_1324, %parallel_loop3A_1325 : i32
          %parallel_loop3A_1327 = arith.constant 0 : i32
          %parallel_loop3A_1328 = arith.constant 0 : i32
          %parallel_loop3A_1329 = arith.constant 0 : i32
          %parallel_loop3A_1330 = tpu.memref_slice %arg6[%parallel_loop3A_1327, %parallel_loop3A_1328, %parallel_loop3A_1329] : memref<2x5x1024xi32, #tpu.memory_space<vmem>> -> memref<1x5x1024xi32, #tpu.memory_space<vmem>>
          %parallel_loop3A_1331 = tpu.memref_squeeze %parallel_loop3A_1330 : memref<1x5x1024xi32, #tpu.memory_space<vmem>> -> memref<5x1024xi32, #tpu.memory_space<vmem>>
          %parallel_loop3A_1332 = arith.index_cast %scan3A_1273 : i32 to index
          %parallel_loop3A_1333 = arith.index_cast %parallel_loop3A_1326 : i32 to index
          %parallel_loop3A_1334 = tpu.vector_load %parallel_loop3A_1331[%parallel_loop3A_1332, %parallel_loop3A_1333] {strides = array<i32>} : memref<5x1024xi32, #tpu.memory_space<vmem>>, vector<16xi32>,
          %parallel_loop3A_1335 = tpu.vector_load_idx %arg5[%parallel_loop3A_1334] : memref<100000xf32, #tpu.memory_space<vmem>>[vector<16xi32>], vector<16xf32>,
          %parallel_loop3A_1336 = arith.constant 0 : i32
          %parallel_loop3A_1337 = arith.constant 0 : i32
          %parallel_loop3A_1338 = arith.constant 0 : i32
          %parallel_loop3A_1339 = arith.constant 0 : i32
          %parallel_loop3A_1340 = tpu.memref_slice %arg7[%parallel_loop3A_1336, %parallel_loop3A_1337, %parallel_loop3A_1338, %parallel_loop3A_1339] : memref<2x5x8x128xf32, #tpu.memory_space<vmem>> -> memref<1x5x8x128xf32, #tpu.memory_space<vmem>>
          %parallel_loop3A_1341 = tpu.memref_squeeze %parallel_loop3A_1340 : memref<1x5x8x128xf32, #tpu.memory_space<vmem>> -> memref<5x8x128xf32, #tpu.memory_space<vmem>>
          %parallel_loop3A_1342 = arith.index_cast %scan3A_1273 : i32 to index
          %parallel_loop3A_1343 = arith.index_cast %parallel_loop3A_1276 : i32 to index
          %parallel_loop3A_1344 = arith.constant 32 : index
          %parallel_loop3A_1345 = tpu.vector_load %parallel_loop3A_1341[%parallel_loop3A_1342, %parallel_loop3A_1343, %parallel_loop3A_1344] {strides = array<i32>} : memref<5x8x128xf32, #tpu.memory_space<vmem>>, vector<16xf32>,
          tpu.vector_store %parallel_loop3A_1341[%parallel_loop3A_1342, %parallel_loop3A_1343, %parallel_loop3A_1344], %parallel_loop3A_1335 {strides = array<i32>} : memref<5x8x128xf32, #tpu.memory_space<vmem>>, vector<16xf32>,
          %parallel_loop3A_1346 = arith.constant 128 : i32
          %parallel_loop3A_1347 = arith.muli %parallel_loop3A_1276, %parallel_loop3A_1346 : i32
          %parallel_loop3A_1348 = arith.constant 48 : i32
          %parallel_loop3A_1349 = arith.addi %parallel_loop3A_1347, %parallel_loop3A_1348 : i32
          %parallel_loop3A_1350 = arith.constant 0 : i32
          %parallel_loop3A_1351 = arith.constant 0 : i32
          %parallel_loop3A_1352 = arith.constant 0 : i32
          %parallel_loop3A_1353 = tpu.memref_slice %arg6[%parallel_loop3A_1350, %parallel_loop3A_1351, %parallel_loop3A_1352] : memref<2x5x1024xi32, #tpu.memory_space<vmem>> -> memref<1x5x1024xi32, #tpu.memory_space<vmem>>
          %parallel_loop3A_1354 = tpu.memref_squeeze %parallel_loop3A_1353 : memref<1x5x1024xi32, #tpu.memory_space<vmem>> -> memref<5x1024xi32, #tpu.memory_space<vmem>>
          %parallel_loop3A_1355 = arith.index_cast %scan3A_1273 : i32 to index
          %parallel_loop3A_1356 = arith.index_cast %parallel_loop3A_1349 : i32 to index
          %parallel_loop3A_1357 = tpu.vector_load %parallel_loop3A_1354[%parallel_loop3A_1355, %parallel_loop3A_1356] {strides = array<i32>} : memref<5x1024xi32, #tpu.memory_space<vmem>>, vector<16xi32>,
          %parallel_loop3A_1358 = tpu.vector_load_idx %arg5[%parallel_loop3A_1357] : memref<100000xf32, #tpu.memory_space<vmem>>[vector<16xi32>], vector<16xf32>,
          %parallel_loop3A_1359 = arith.constant 0 : i32
          %parallel_loop3A_1360 = arith.constant 0 : i32
          %parallel_loop3A_1361 = arith.constant 0 : i32
          %parallel_loop3A_1362 = arith.constant 0 : i32
          %parallel_loop3A_1363 = tpu.memref_slice %arg7[%parallel_loop3A_1359, %parallel_loop3A_1360, %parallel_loop3A_1361, %parallel_loop3A_1362] : memref<2x5x8x128xf32, #tpu.memory_space<vmem>> -> memref<1x5x8x128xf32, #tpu.memory_space<vmem>>
          %parallel_loop3A_1364 = tpu.memref_squeeze %parallel_loop3A_1363 : memref<1x5x8x128xf32, #tpu.memory_space<vmem>> -> memref<5x8x128xf32, #tpu.memory_space<vmem>>
          %parallel_loop3A_1365 = arith.index_cast %scan3A_1273 : i32 to index
          %parallel_loop3A_1366 = arith.index_cast %parallel_loop3A_1276 : i32 to index
          %parallel_loop3A_1367 = arith.constant 48 : index
          %parallel_loop3A_1368 = tpu.vector_load %parallel_loop3A_1364[%parallel_loop3A_1365, %parallel_loop3A_1366, %parallel_loop3A_1367] {strides = array<i32>} : memref<5x8x128xf32, #tpu.memory_space<vmem>>, vector<16xf32>,
          tpu.vector_store %parallel_loop3A_1364[%parallel_loop3A_1365, %parallel_loop3A_1366, %parallel_loop3A_1367], %parallel_loop3A_1358 {strides = array<i32>} : memref<5x8x128xf32, #tpu.memory_space<vmem>>, vector<16xf32>,
          %parallel_loop3A_1369 = arith.constant 128 : i32
          %parallel_loop3A_1370 = arith.muli %parallel_loop3A_1276, %parallel_loop3A_1369 : i32
          %parallel_loop3A_1371 = arith.constant 64 : i32
          %parallel_loop3A_1372 = arith.addi %parallel_loop3A_1370, %parallel_loop3A_1371 : i32
          %parallel_loop3A_1373 = arith.constant 0 : i32
          %parallel_loop3A_1374 = arith.constant 0 : i32
          %parallel_loop3A_1375 = arith.constant 0 : i32
          %parallel_loop3A_1376 = tpu.memref_slice %arg6[%parallel_loop3A_1373, %parallel_loop3A_1374, %parallel_loop3A_1375] : memref<2x5x1024xi32, #tpu.memory_space<vmem>> -> memref<1x5x1024xi32, #tpu.memory_space<vmem>>
          %parallel_loop3A_1377 = tpu.memref_squeeze %parallel_loop3A_1376 : memref<1x5x1024xi32, #tpu.memory_space<vmem>> -> memref<5x1024xi32, #tpu.memory_space<vmem>>
          %parallel_loop3A_1378 = arith.index_cast %scan3A_1273 : i32 to index
          %parallel_loop3A_1379 = arith.index_cast %parallel_loop3A_1372 : i32 to index
          %parallel_loop3A_1380 = tpu.vector_load %parallel_loop3A_1377[%parallel_loop3A_1378, %parallel_loop3A_1379] {strides = array<i32>} : memref<5x1024xi32, #tpu.memory_space<vmem>>, vector<16xi32>,
          %parallel_loop3A_1381 = tpu.vector_load_idx %arg5[%parallel_loop3A_1380] : memref<100000xf32, #tpu.memory_space<vmem>>[vector<16xi32>], vector<16xf32>,
          %parallel_loop3A_1382 = arith.constant 0 : i32
          %parallel_loop3A_1383 = arith.constant 0 : i32
          %parallel_loop3A_1384 = arith.constant 0 : i32
          %parallel_loop3A_1385 = arith.constant 0 : i32
          %parallel_loop3A_1386 = tpu.memref_slice %arg7[%parallel_loop3A_1382, %parallel_loop3A_1383, %parallel_loop3A_1384, %parallel_loop3A_1385] : memref<2x5x8x128xf32, #tpu.memory_space<vmem>> -> memref<1x5x8x128xf32, #tpu.memory_space<vmem>>
          %parallel_loop3A_1387 = tpu.memref_squeeze %parallel_loop3A_1386 : memref<1x5x8x128xf32, #tpu.memory_space<vmem>> -> memref<5x8x128xf32, #tpu.memory_space<vmem>>
          %parallel_loop3A_1388 = arith.index_cast %scan3A_1273 : i32 to index
          %parallel_loop3A_1389 = arith.index_cast %parallel_loop3A_1276 : i32 to index
          %parallel_loop3A_1390 = arith.constant 64 : index
          %parallel_loop3A_1391 = tpu.vector_load %parallel_loop3A_1387[%parallel_loop3A_1388, %parallel_loop3A_1389, %parallel_loop3A_1390] {strides = array<i32>} : memref<5x8x128xf32, #tpu.memory_space<vmem>>, vector<16xf32>,
          tpu.vector_store %parallel_loop3A_1387[%parallel_loop3A_1388, %parallel_loop3A_1389, %parallel_loop3A_1390], %parallel_loop3A_1381 {strides = array<i32>} : memref<5x8x128xf32, #tpu.memory_space<vmem>>, vector<16xf32>,
          %parallel_loop3A_1392 = arith.constant 128 : i32
          %parallel_loop3A_1393 = arith.muli %parallel_loop3A_1276, %parallel_loop3A_1392 : i32
          %parallel_loop3A_1394 = arith.constant 80 : i32
          %parallel_loop3A_1395 = arith.addi %parallel_loop3A_1393, %parallel_loop3A_1394 : i32
          %parallel_loop3A_1396 = arith.constant 0 : i32
          %parallel_loop3A_1397 = arith.constant 0 : i32
          %parallel_loop3A_1398 = arith.constant 0 : i32
          %parallel_loop3A_1399 = tpu.memref_slice %arg6[%parallel_loop3A_1396, %parallel_loop3A_1397, %parallel_loop3A_1398] : memref<2x5x1024xi32, #tpu.memory_space<vmem>> -> memref<1x5x1024xi32, #tpu.memory_space<vmem>>
          %parallel_loop3A_1400 = tpu.memref_squeeze %parallel_loop3A_1399 : memref<1x5x1024xi32, #tpu.memory_space<vmem>> -> memref<5x1024xi32, #tpu.memory_space<vmem>>
          %parallel_loop3A_1401 = arith.index_cast %scan3A_1273 : i32 to index
          %parallel_loop3A_1402 = arith.index_cast %parallel_loop3A_1395 : i32 to index
          %parallel_loop3A_1403 = tpu.vector_load %parallel_loop3A_1400[%parallel_loop3A_1401, %parallel_loop3A_1402] {strides = array<i32>} : memref<5x1024xi32, #tpu.memory_space<vmem>>, vector<16xi32>,
          %parallel_loop3A_1404 = tpu.vector_load_idx %arg5[%parallel_loop3A_1403] : memref<100000xf32, #tpu.memory_space<vmem>>[vector<16xi32>], vector<16xf32>,
          %parallel_loop3A_1405 = arith.constant 0 : i32
          %parallel_loop3A_1406 = arith.constant 0 : i32
          %parallel_loop3A_1407 = arith.constant 0 : i32
          %parallel_loop3A_1408 = arith.constant 0 : i32
          %parallel_loop3A_1409 = tpu.memref_slice %arg7[%parallel_loop3A_1405, %parallel_loop3A_1406, %parallel_loop3A_1407, %parallel_loop3A_1408] : memref<2x5x8x128xf32, #tpu.memory_space<vmem>> -> memref<1x5x8x128xf32, #tpu.memory_space<vmem>>
          %parallel_loop3A_1410 = tpu.memref_squeeze %parallel_loop3A_1409 : memref<1x5x8x128xf32, #tpu.memory_space<vmem>> -> memref<5x8x128xf32, #tpu.memory_space<vmem>>
          %parallel_loop3A_1411 = arith.index_cast %scan3A_1273 : i32 to index
          %parallel_loop3A_1412 = arith.index_cast %parallel_loop3A_1276 : i32 to index
          %parallel_loop3A_1413 = arith.constant 80 : index
          %parallel_loop3A_1414 = tpu.vector_load %parallel_loop3A_1410[%parallel_loop3A_1411, %parallel_loop3A_1412, %parallel_loop3A_1413] {strides = array<i32>} : memref<5x8x128xf32, #tpu.memory_space<vmem>>, vector<16xf32>,
          tpu.vector_store %parallel_loop3A_1410[%parallel_loop3A_1411, %parallel_loop3A_1412, %parallel_loop3A_1413], %parallel_loop3A_1404 {strides = array<i32>} : memref<5x8x128xf32, #tpu.memory_space<vmem>>, vector<16xf32>,
          %parallel_loop3A_1415 = arith.constant 128 : i32
          %parallel_loop3A_1416 = arith.muli %parallel_loop3A_1276, %parallel_loop3A_1415 : i32
          %parallel_loop3A_1417 = arith.constant 96 : i32
          %parallel_loop3A_1418 = arith.addi %parallel_loop3A_1416, %parallel_loop3A_1417 : i32
          %parallel_loop3A_1419 = arith.constant 0 : i32
          %parallel_loop3A_1420 = arith.constant 0 : i32
          %parallel_loop3A_1421 = arith.constant 0 : i32
          %parallel_loop3A_1422 = tpu.memref_slice %arg6[%parallel_loop3A_1419, %parallel_loop3A_1420, %parallel_loop3A_1421] : memref<2x5x1024xi32, #tpu.memory_space<vmem>> -> memref<1x5x1024xi32, #tpu.memory_space<vmem>>
          %parallel_loop3A_1423 = tpu.memref_squeeze %parallel_loop3A_1422 : memref<1x5x1024xi32, #tpu.memory_space<vmem>> -> memref<5x1024xi32, #tpu.memory_space<vmem>>
          %parallel_loop3A_1424 = arith.index_cast %scan3A_1273 : i32 to index
          %parallel_loop3A_1425 = arith.index_cast %parallel_loop3A_1418 : i32 to index
          %parallel_loop3A_1426 = tpu.vector_load %parallel_loop3A_1423[%parallel_loop3A_1424, %parallel_loop3A_1425] {strides = array<i32>} : memref<5x1024xi32, #tpu.memory_space<vmem>>, vector<16xi32>,
          %parallel_loop3A_1427 = tpu.vector_load_idx %arg5[%parallel_loop3A_1426] : memref<100000xf32, #tpu.memory_space<vmem>>[vector<16xi32>], vector<16xf32>,
          %parallel_loop3A_1428 = arith.constant 0 : i32
          %parallel_loop3A_1429 = arith.constant 0 : i32
          %parallel_loop3A_1430 = arith.constant 0 : i32
          %parallel_loop3A_1431 = arith.constant 0 : i32
          %parallel_loop3A_1432 = tpu.memref_slice %arg7[%parallel_loop3A_1428, %parallel_loop3A_1429, %parallel_loop3A_1430, %parallel_loop3A_1431] : memref<2x5x8x128xf32, #tpu.memory_space<vmem>> -> memref<1x5x8x128xf32, #tpu.memory_space<vmem>>
          %parallel_loop3A_1433 = tpu.memref_squeeze %parallel_loop3A_1432 : memref<1x5x8x128xf32, #tpu.memory_space<vmem>> -> memref<5x8x128xf32, #tpu.memory_space<vmem>>
          %parallel_loop3A_1434 = arith.index_cast %scan3A_1273 : i32 to index
          %parallel_loop3A_1435 = arith.index_cast %parallel_loop3A_1276 : i32 to index
          %parallel_loop3A_1436 = arith.constant 96 : index
          %parallel_loop3A_1437 = tpu.vector_load %parallel_loop3A_1433[%parallel_loop3A_1434, %parallel_loop3A_1435, %parallel_loop3A_1436] {strides = array<i32>} : memref<5x8x128xf32, #tpu.memory_space<vmem>>, vector<16xf32>,
          tpu.vector_store %parallel_loop3A_1433[%parallel_loop3A_1434, %parallel_loop3A_1435, %parallel_loop3A_1436], %parallel_loop3A_1427 {strides = array<i32>} : memref<5x8x128xf32, #tpu.memory_space<vmem>>, vector<16xf32>,
          %parallel_loop3A_1438 = arith.constant 128 : i32
          %parallel_loop3A_1439 = arith.muli %parallel_loop3A_1276, %parallel_loop3A_1438 : i32
          %parallel_loop3A_1440 = arith.constant 112 : i32
          %parallel_loop3A_1441 = arith.addi %parallel_loop3A_1439, %parallel_loop3A_1440 : i32
          %parallel_loop3A_1442 = arith.constant 0 : i32
          %parallel_loop3A_1443 = arith.constant 0 : i32
          %parallel_loop3A_1444 = arith.constant 0 : i32
          %parallel_loop3A_1445 = tpu.memref_slice %arg6[%parallel_loop3A_1442, %parallel_loop3A_1443, %parallel_loop3A_1444] : memref<2x5x1024xi32, #tpu.memory_space<vmem>> -> memref<1x5x1024xi32, #tpu.memory_space<vmem>>
          %parallel_loop3A_1446 = tpu.memref_squeeze %parallel_loop3A_1445 : memref<1x5x1024xi32, #tpu.memory_space<vmem>> -> memref<5x1024xi32, #tpu.memory_space<vmem>>
          %parallel_loop3A_1447 = arith.index_cast %scan3A_1273 : i32 to index
          %parallel_loop3A_1448 = arith.index_cast %parallel_loop3A_1441 : i32 to index
          %parallel_loop3A_1449 = tpu.vector_load %parallel_loop3A_1446[%parallel_loop3A_1447, %parallel_loop3A_1448] {strides = array<i32>} : memref<5x1024xi32, #tpu.memory_space<vmem>>, vector<16xi32>,
          %parallel_loop3A_1450 = tpu.vector_load_idx %arg5[%parallel_loop3A_1449] : memref<100000xf32, #tpu.memory_space<vmem>>[vector<16xi32>], vector<16xf32>,
          %parallel_loop3A_1451 = arith.constant 0 : i32
          %parallel_loop3A_1452 = arith.constant 0 : i32
          %parallel_loop3A_1453 = arith.constant 0 : i32
          %parallel_loop3A_1454 = arith.constant 0 : i32
          %parallel_loop3A_1455 = tpu.memref_slice %arg7[%parallel_loop3A_1451, %parallel_loop3A_1452, %parallel_loop3A_1453, %parallel_loop3A_1454] : memref<2x5x8x128xf32, #tpu.memory_space<vmem>> -> memref<1x5x8x128xf32, #tpu.memory_space<vmem>>
          %parallel_loop3A_1456 = tpu.memref_squeeze %parallel_loop3A_1455 : memref<1x5x8x128xf32, #tpu.memory_space<vmem>> -> memref<5x8x128xf32, #tpu.memory_space<vmem>>
          %parallel_loop3A_1457 = arith.index_cast %scan3A_1273 : i32 to index
          %parallel_loop3A_1458 = arith.index_cast %parallel_loop3A_1276 : i32 to index
          %parallel_loop3A_1459 = arith.constant 112 : index
          %parallel_loop3A_1460 = tpu.vector_load %parallel_loop3A_1456[%parallel_loop3A_1457, %parallel_loop3A_1458, %parallel_loop3A_1459] {strides = array<i32>} : memref<5x8x128xf32, #tpu.memory_space<vmem>>, vector<16xf32>,
          tpu.vector_store %parallel_loop3A_1456[%parallel_loop3A_1457, %parallel_loop3A_1458, %parallel_loop3A_1459], %parallel_loop3A_1450 {strides = array<i32>} : memref<5x8x128xf32, #tpu.memory_space<vmem>>, vector<16xf32>,
        } {sc.loop_unroll_factor = 2 : i64, sc.parallel_access}
      }
      %scan3A_332 = arith.constant 5 : i32
      %jit3A_333 = arith.constant 8 : i32
      %div3A_334 = arith.divsi %add3A_42, %jit3A_333 : i32
      %sign3A_335 = arith.constant 0 : i32
      %sign3A_336 = arith.cmpi sgt, %add3A_42, %sign3A_335 : i32
      %sign3A_337 = arith.extui %sign3A_336 : i1 to i32
      %sign3A_338 = arith.constant 0 : i32
      %sign3A_339 = arith.cmpi slt, %add3A_42, %sign3A_338 : i32
      %sign3A_340 = arith.extui %sign3A_339 : i1 to i32
      %sign3A_341 = arith.subi %sign3A_337, %sign3A_340 : i32
      %sign3A_342 = arith.constant 0 : i32
      %sign3A_343 = arith.cmpi sgt, %jit3A_333, %sign3A_342 : i32
      %sign3A_344 = arith.extui %sign3A_343 : i1 to i32
      %sign3A_345 = arith.constant 0 : i32
      %sign3A_346 = arith.cmpi slt, %jit3A_333, %sign3A_345 : i32
      %sign3A_347 = arith.extui %sign3A_346 : i1 to i32
      %sign3A_348 = arith.subi %sign3A_344, %sign3A_347 : i32
      %ne3A_349 = arith.cmpi ne, %sign3A_341, %sign3A_348 : i32
      %rem3A_350 = arith.remsi %add3A_42, %jit3A_333 : i32
      %ne3A_351 = arith.constant 0 : i32
      %ne3A_352 = arith.cmpi ne, %rem3A_350, %ne3A_351 : i32
      %and3A_353 = arith.andi %ne3A_349, %ne3A_352 : i1
      %sub3A_354 = arith.constant 1 : i32
      %sub3A_355 = arith.subi %div3A_334, %sub3A_354 : i32
      %select_n3A_356 = arith.select %and3A_353, %sub3A_355, %div3A_334 : i32
      %jit3A_357 = arith.constant 8 : i32
      %eq3A_358 = arith.constant 0 : i32
      %eq3A_359 = arith.cmpi eq, %jit3A_357, %eq3A_358 : i32
      %jit3A_360 = arith.constant 1 : i32
      %select_n3A_361 = arith.select %eq3A_359, %jit3A_360, %jit3A_357 : i32
      %rem3A_362 = arith.remsi %add3A_42, %select_n3A_361 : i32
      %ne3A_363 = arith.constant 0 : i32
      %ne3A_364 = arith.cmpi ne, %rem3A_362, %ne3A_363 : i32
      %lt3A_365 = arith.constant 0 : i32
      %lt3A_366 = arith.cmpi slt, %rem3A_362, %lt3A_365 : i32
      %lt3A_367 = arith.constant 0 : i32
      %lt3A_368 = arith.cmpi slt, %select_n3A_361, %lt3A_367 : i32
      %ne3A_369 = arith.xori %lt3A_366, %lt3A_368 : i1
      %and3A_370 = arith.andi %ne3A_369, %ne3A_364 : i1
      %add3A_371 = arith.addi %rem3A_362, %select_n3A_361 : i32
      %select_n3A_372 = arith.select %and3A_370, %add3A_371, %rem3A_362 : i32
      %dma_start3A_373 = arith.constant 0 : i32
      %dma_start3A_374 = arith.constant 0 : i32
      %dma_start3A_375 = arith.constant 0 : i32
      %dma_start3A_376 = arith.constant 0 : i32
      %dma_start3A_377 = tpu.memref_slice %arg7[%dma_start3A_373, %dma_start3A_374, %dma_start3A_375, %dma_start3A_376] : memref<2x5x8x128xf32, #tpu.memory_space<vmem>> -> memref<1x5x8x128xf32, #tpu.memory_space<vmem>>
      %dma_start3A_378 = tpu.memref_squeeze %dma_start3A_377 : memref<1x5x8x128xf32, #tpu.memory_space<vmem>> -> memref<5x8x128xf32, #tpu.memory_space<vmem>>
      %dma_start3A_379 = arith.constant 10 : i32
      %dma_start3A_380 = arith.constant 0 : i32
      %dma_start3A_381 = arith.constant 0 : i32
      %dma_start3A_382 = tpu.memref_slice %arg4[%dma_start3A_379, %select_n3A_356, %dma_start3A_380, %select_n3A_372, %dma_start3A_381] : memref<50x52x8x8x128xf32, #tpu.memory_space<hbm>> -> memref<5x1x8x1x128xf32, #tpu.memory_space<hbm>>
      %dma_start3A_383 = tpu.memref_squeeze %dma_start3A_382 : memref<5x1x8x1x128xf32, #tpu.memory_space<hbm>> -> memref<5x8x128xf32, #tpu.memory_space<hbm>>
      %dma_start3A_384 = arith.constant 10 : i32
      %dma_start3A_385 = arith.constant 0 : i32
      %dma_start3A_386 = arith.constant 0 : i32
      %dma_start3A_387 = tpu.memref_slice %arg4[%dma_start3A_384, %select_n3A_356, %dma_start3A_385, %select_n3A_372, %dma_start3A_386] : memref<50x52x8x8x128xf32, #tpu.memory_space<hbm>> -> memref<5x1x8x1x128xf32, #tpu.memory_space<hbm>>
      %dma_start3A_388 = tpu.memref_squeeze %dma_start3A_387 : memref<5x1x8x1x128xf32, #tpu.memory_space<hbm>> -> memref<5x8x128xf32, #tpu.memory_space<hbm>>
      %dma_start3A_389 = arith.constant 0 : i32
      %dma_start3A_390 = arith.constant 0 : i32
      %dma_start3A_391 = arith.constant 0 : i32
      %dma_start3A_392 = tpu.memref_slice %arg7[%dma_start3A_373, %dma_start3A_389, %dma_start3A_390, %dma_start3A_391] : memref<2x5x8x128xf32, #tpu.memory_space<vmem>> -> memref<1x5x8x128xf32, #tpu.memory_space<vmem>>
      %dma_start3A_393 = tpu.memref_squeeze %dma_start3A_392 : memref<1x5x8x128xf32, #tpu.memory_space<vmem>> -> memref<5x8x128xf32, #tpu.memory_space<vmem>>
      tpu.enqueue_dma source(%dma_start3A_393 : memref<5x8x128xf32, #tpu.memory_space<vmem>>) target(%dma_start3A_388 : memref<5x8x128xf32, #tpu.memory_space<hbm>>) target_semaphore(%arg10 : memref<!tpu.dma_semaphore, #tpu.memory_space<semaphore_mem>>)
      %dma_start3A_394 = arith.constant 0 : i32
      %dma_start3A_395 = arith.constant 0 : i32
      %dma_start3A_396 = arith.constant 0 : i32
      %dma_start3A_397 = tpu.memref_slice %arg6[%dma_start3A_394, %dma_start3A_395, %dma_start3A_396] : memref<2x5x1024xi32, #tpu.memory_space<vmem>> -> memref<1x5x1024xi32, #tpu.memory_space<vmem>>
      %dma_start3A_398 = tpu.memref_squeeze %dma_start3A_397 : memref<1x5x1024xi32, #tpu.memory_space<vmem>> -> memref<5x1024xi32, #tpu.memory_space<vmem>>
      %dma_start3A_399 = arith.constant 20 : i32
      %dma_start3A_400 = arith.constant 0 : i32
      %dma_start3A_401 = tpu.memref_slice %arg3[%select_n3A, %dma_start3A_399, %dma_start3A_400] : memref<26x50x1024xi32, #tpu.memory_space<hbm>> -> memref<1x5x1024xi32, #tpu.memory_space<hbm>>
      %dma_start3A_402 = tpu.memref_squeeze %dma_start3A_401 : memref<1x5x1024xi32, #tpu.memory_space<hbm>> -> memref<5x1024xi32, #tpu.memory_space<hbm>>
      %dma_start3A_403 = arith.constant 0 : i32
      %dma_start3A_404 = arith.constant 0 : i32
      %dma_start3A_405 = tpu.memref_slice %arg6[%dma_start3A_394, %dma_start3A_403, %dma_start3A_404] : memref<2x5x1024xi32, #tpu.memory_space<vmem>> -> memref<1x5x1024xi32, #tpu.memory_space<vmem>>
      %dma_start3A_406 = tpu.memref_squeeze %dma_start3A_405 : memref<1x5x1024xi32, #tpu.memory_space<vmem>> -> memref<5x1024xi32, #tpu.memory_space<vmem>>
      %dma_start3A_407 = arith.constant 20 : i32
      %dma_start3A_408 = arith.constant 0 : i32
      %dma_start3A_409 = tpu.memref_slice %arg3[%select_n3A, %dma_start3A_407, %dma_start3A_408] : memref<26x50x1024xi32, #tpu.memory_space<hbm>> -> memref<1x5x1024xi32, #tpu.memory_space<hbm>>
      %dma_start3A_410 = tpu.memref_squeeze %dma_start3A_409 : memref<1x5x1024xi32, #tpu.memory_space<hbm>> -> memref<5x1024xi32, #tpu.memory_space<hbm>>
      tpu.enqueue_dma source(%dma_start3A_410 : memref<5x1024xi32, #tpu.memory_space<hbm>>) target(%dma_start3A_406 : memref<5x1024xi32, #tpu.memory_space<vmem>>) target_semaphore(%arg9 : memref<!tpu.dma_semaphore, #tpu.memory_space<semaphore_mem>>)
      %dma_wait3A_411 = arith.constant 1 : i32
      %dma_wait3A_412 = arith.constant 0 : i32
      %dma_wait3A_413 = arith.constant 0 : i32
      %dma_wait3A_414 = tpu.memref_slice %arg6[%dma_wait3A_411, %dma_wait3A_412, %dma_wait3A_413] : memref<2x5x1024xi32, #tpu.memory_space<vmem>> -> memref<1x5x1024xi32, #tpu.memory_space<vmem>>
      %dma_wait3A_415 = tpu.memref_squeeze %dma_wait3A_414 : memref<1x5x1024xi32, #tpu.memory_space<vmem>> -> memref<5x1024xi32, #tpu.memory_space<vmem>>
      %dma_wait3A_416 = arith.constant 15 : i32
      %dma_wait3A_417 = arith.constant 0 : i32
      %dma_wait3A_418 = tpu.memref_slice %arg3[%select_n3A, %dma_wait3A_416, %dma_wait3A_417] : memref<26x50x1024xi32, #tpu.memory_space<hbm>> -> memref<1x5x1024xi32, #tpu.memory_space<hbm>>
      %dma_wait3A_419 = tpu.memref_squeeze %dma_wait3A_418 : memref<1x5x1024xi32, #tpu.memory_space<hbm>> -> memref<5x1024xi32, #tpu.memory_space<hbm>>
      %dma_wait3A_420 = arith.constant 0 : i32
      %dma_wait3A_421 = arith.constant 0 : i32
      %dma_wait3A_422 = tpu.memref_slice %arg6[%dma_wait3A_411, %dma_wait3A_420, %dma_wait3A_421] : memref<2x5x1024xi32, #tpu.memory_space<vmem>> -> memref<1x5x1024xi32, #tpu.memory_space<vmem>>
      %dma_wait3A_423 = tpu.memref_squeeze %dma_wait3A_422 : memref<1x5x1024xi32, #tpu.memory_space<vmem>> -> memref<5x1024xi32, #tpu.memory_space<vmem>>
      %dma_wait3A_424 = arith.constant 15 : i32
      %dma_wait3A_425 = arith.constant 0 : i32
      %dma_wait3A_426 = tpu.memref_slice %arg3[%select_n3A, %dma_wait3A_424, %dma_wait3A_425] : memref<26x50x1024xi32, #tpu.memory_space<hbm>> -> memref<1x5x1024xi32, #tpu.memory_space<hbm>>
      %dma_wait3A_427 = tpu.memref_squeeze %dma_wait3A_426 : memref<1x5x1024xi32, #tpu.memory_space<hbm>> -> memref<5x1024xi32, #tpu.memory_space<hbm>>
      tpu.wait_dma2 semaphore(%arg9 : memref<!tpu.dma_semaphore, #tpu.memory_space<semaphore_mem>>) src(%dma_wait3A_427 : memref<5x1024xi32, #tpu.memory_space<hbm>>) dst(%dma_wait3A_423 : memref<5x1024xi32, #tpu.memory_space<vmem>>)
      %dma_wait3A_428 = arith.constant 1 : i32
      %dma_wait3A_429 = arith.constant 0 : i32
      %dma_wait3A_430 = arith.constant 0 : i32
      %dma_wait3A_431 = arith.constant 0 : i32
      %dma_wait3A_432 = tpu.memref_slice %arg7[%dma_wait3A_428, %dma_wait3A_429, %dma_wait3A_430, %dma_wait3A_431] : memref<2x5x8x128xf32, #tpu.memory_space<vmem>> -> memref<1x5x8x128xf32, #tpu.memory_space<vmem>>
      %dma_wait3A_433 = tpu.memref_squeeze %dma_wait3A_432 : memref<1x5x8x128xf32, #tpu.memory_space<vmem>> -> memref<5x8x128xf32, #tpu.memory_space<vmem>>
      %dma_wait3A_434 = arith.constant 5 : i32
      %dma_wait3A_435 = arith.constant 0 : i32
      %dma_wait3A_436 = arith.constant 0 : i32
      %dma_wait3A_437 = tpu.memref_slice %arg4[%dma_wait3A_434, %select_n3A_234, %dma_wait3A_435, %select_n3A_250, %dma_wait3A_436] : memref<50x52x8x8x128xf32, #tpu.memory_space<hbm>> -> memref<5x1x8x1x128xf32, #tpu.memory_space<hbm>>
      %dma_wait3A_438 = tpu.memref_squeeze %dma_wait3A_437 : memref<5x1x8x1x128xf32, #tpu.memory_space<hbm>> -> memref<5x8x128xf32, #tpu.memory_space<hbm>>
      %dma_wait3A_439 = arith.constant 5 : i32
      %dma_wait3A_440 = arith.constant 0 : i32
      %dma_wait3A_441 = arith.constant 0 : i32
      %dma_wait3A_442 = tpu.memref_slice %arg4[%dma_wait3A_439, %select_n3A_234, %dma_wait3A_440, %select_n3A_250, %dma_wait3A_441] : memref<50x52x8x8x128xf32, #tpu.memory_space<hbm>> -> memref<5x1x8x1x128xf32, #tpu.memory_space<hbm>>
      %dma_wait3A_443 = tpu.memref_squeeze %dma_wait3A_442 : memref<5x1x8x1x128xf32, #tpu.memory_space<hbm>> -> memref<5x8x128xf32, #tpu.memory_space<hbm>>
      %dma_wait3A_444 = arith.constant 0 : i32
      %dma_wait3A_445 = arith.constant 0 : i32
      %dma_wait3A_446 = arith.constant 0 : i32
      %dma_wait3A_447 = tpu.memref_slice %arg7[%dma_wait3A_428, %dma_wait3A_444, %dma_wait3A_445, %dma_wait3A_446] : memref<2x5x8x128xf32, #tpu.memory_space<vmem>> -> memref<1x5x8x128xf32, #tpu.memory_space<vmem>>
      %dma_wait3A_448 = tpu.memref_squeeze %dma_wait3A_447 : memref<1x5x8x128xf32, #tpu.memory_space<vmem>> -> memref<5x8x128xf32, #tpu.memory_space<vmem>>
      tpu.wait_dma2 semaphore(%arg10 : memref<!tpu.dma_semaphore, #tpu.memory_space<semaphore_mem>>) src(%dma_wait3A_448 : memref<5x8x128xf32, #tpu.memory_space<vmem>>) dst(%dma_wait3A_443 : memref<5x8x128xf32, #tpu.memory_space<hbm>>)
      %scan3A_449 = arith.constant 0 : i32
      %scan3A_450 = arith.constant 0 : i32
      %scan3A_451 = arith.constant 5 : i32
      %scan3A_452 = arith.addi %scan3A_450, %scan3A_451 : i32
      %scan3A_453 = arith.constant 1 : i32
      scf.for %scan3A_1273 = %scan3A_450 to %scan3A_452 step %scan3A_453  : i32 {
        %parallel_loop3A = arith.constant 0 : i32
        %parallel_loop3A_1274 = arith.constant 8 : i32
        %parallel_loop3A_1275 = arith.constant 1 : i32
        scf.for %parallel_loop3A_1276 = %parallel_loop3A to %parallel_loop3A_1274 step %parallel_loop3A_1275  : i32 {
          %parallel_loop3A_1277 = arith.constant 128 : i32
          %parallel_loop3A_1278 = arith.muli %parallel_loop3A_1276, %parallel_loop3A_1277 : i32
          %parallel_loop3A_1279 = arith.constant 0 : i32
          %parallel_loop3A_1280 = arith.addi %parallel_loop3A_1278, %parallel_loop3A_1279 : i32
          %parallel_loop3A_1281 = arith.constant 1 : i32
          %parallel_loop3A_1282 = arith.constant 0 : i32
          %parallel_loop3A_1283 = arith.constant 0 : i32
          %parallel_loop3A_1284 = tpu.memref_slice %arg6[%parallel_loop3A_1281, %parallel_loop3A_1282, %parallel_loop3A_1283] : memref<2x5x1024xi32, #tpu.memory_space<vmem>> -> memref<1x5x1024xi32, #tpu.memory_space<vmem>>
          %parallel_loop3A_1285 = tpu.memref_squeeze %parallel_loop3A_1284 : memref<1x5x1024xi32, #tpu.memory_space<vmem>> -> memref<5x1024xi32, #tpu.memory_space<vmem>>
          %parallel_loop3A_1286 = arith.index_cast %scan3A_1273 : i32 to index
          %parallel_loop3A_1287 = arith.index_cast %parallel_loop3A_1280 : i32 to index
          %parallel_loop3A_1288 = tpu.vector_load %parallel_loop3A_1285[%parallel_loop3A_1286, %parallel_loop3A_1287] {strides = array<i32>} : memref<5x1024xi32, #tpu.memory_space<vmem>>, vector<16xi32>,
          %parallel_loop3A_1289 = tpu.vector_load_idx %arg5[%parallel_loop3A_1288] : memref<100000xf32, #tpu.memory_space<vmem>>[vector<16xi32>], vector<16xf32>,
          %parallel_loop3A_1290 = arith.constant 1 : i32
          %parallel_loop3A_1291 = arith.constant 0 : i32
          %parallel_loop3A_1292 = arith.constant 0 : i32
          %parallel_loop3A_1293 = arith.constant 0 : i32
          %parallel_loop3A_1294 = tpu.memref_slice %arg7[%parallel_loop3A_1290, %parallel_loop3A_1291, %parallel_loop3A_1292, %parallel_loop3A_1293] : memref<2x5x8x128xf32, #tpu.memory_space<vmem>> -> memref<1x5x8x128xf32, #tpu.memory_space<vmem>>
          %parallel_loop3A_1295 = tpu.memref_squeeze %parallel_loop3A_1294 : memref<1x5x8x128xf32, #tpu.memory_space<vmem>> -> memref<5x8x128xf32, #tpu.memory_space<vmem>>
          %parallel_loop3A_1296 = arith.index_cast %scan3A_1273 : i32 to index
          %parallel_loop3A_1297 = arith.index_cast %parallel_loop3A_1276 : i32 to index
          %parallel_loop3A_1298 = arith.constant 0 : index
          %parallel_loop3A_1299 = tpu.vector_load %parallel_loop3A_1295[%parallel_loop3A_1296, %parallel_loop3A_1297, %parallel_loop3A_1298] {strides = array<i32>} : memref<5x8x128xf32, #tpu.memory_space<vmem>>, vector<16xf32>,
          tpu.vector_store %parallel_loop3A_1295[%parallel_loop3A_1296, %parallel_loop3A_1297, %parallel_loop3A_1298], %parallel_loop3A_1289 {strides = array<i32>} : memref<5x8x128xf32, #tpu.memory_space<vmem>>, vector<16xf32>,
          %parallel_loop3A_1300 = arith.constant 128 : i32
          %parallel_loop3A_1301 = arith.muli %parallel_loop3A_1276, %parallel_loop3A_1300 : i32
          %parallel_loop3A_1302 = arith.constant 16 : i32
          %parallel_loop3A_1303 = arith.addi %parallel_loop3A_1301, %parallel_loop3A_1302 : i32
          %parallel_loop3A_1304 = arith.constant 1 : i32
          %parallel_loop3A_1305 = arith.constant 0 : i32
          %parallel_loop3A_1306 = arith.constant 0 : i32
          %parallel_loop3A_1307 = tpu.memref_slice %arg6[%parallel_loop3A_1304, %parallel_loop3A_1305, %parallel_loop3A_1306] : memref<2x5x1024xi32, #tpu.memory_space<vmem>> -> memref<1x5x1024xi32, #tpu.memory_space<vmem>>
          %parallel_loop3A_1308 = tpu.memref_squeeze %parallel_loop3A_1307 : memref<1x5x1024xi32, #tpu.memory_space<vmem>> -> memref<5x1024xi32, #tpu.memory_space<vmem>>
          %parallel_loop3A_1309 = arith.index_cast %scan3A_1273 : i32 to index
          %parallel_loop3A_1310 = arith.index_cast %parallel_loop3A_1303 : i32 to index
          %parallel_loop3A_1311 = tpu.vector_load %parallel_loop3A_1308[%parallel_loop3A_1309, %parallel_loop3A_1310] {strides = array<i32>} : memref<5x1024xi32, #tpu.memory_space<vmem>>, vector<16xi32>,
          %parallel_loop3A_1312 = tpu.vector_load_idx %arg5[%parallel_loop3A_1311] : memref<100000xf32, #tpu.memory_space<vmem>>[vector<16xi32>], vector<16xf32>,
          %parallel_loop3A_1313 = arith.constant 1 : i32
          %parallel_loop3A_1314 = arith.constant 0 : i32
          %parallel_loop3A_1315 = arith.constant 0 : i32
          %parallel_loop3A_1316 = arith.constant 0 : i32
          %parallel_loop3A_1317 = tpu.memref_slice %arg7[%parallel_loop3A_1313, %parallel_loop3A_1314, %parallel_loop3A_1315, %parallel_loop3A_1316] : memref<2x5x8x128xf32, #tpu.memory_space<vmem>> -> memref<1x5x8x128xf32, #tpu.memory_space<vmem>>
          %parallel_loop3A_1318 = tpu.memref_squeeze %parallel_loop3A_1317 : memref<1x5x8x128xf32, #tpu.memory_space<vmem>> -> memref<5x8x128xf32, #tpu.memory_space<vmem>>
          %parallel_loop3A_1319 = arith.index_cast %scan3A_1273 : i32 to index
          %parallel_loop3A_1320 = arith.index_cast %parallel_loop3A_1276 : i32 to index
          %parallel_loop3A_1321 = arith.constant 16 : index
          %parallel_loop3A_1322 = tpu.vector_load %parallel_loop3A_1318[%parallel_loop3A_1319, %parallel_loop3A_1320, %parallel_loop3A_1321] {strides = array<i32>} : memref<5x8x128xf32, #tpu.memory_space<vmem>>, vector<16xf32>,
          tpu.vector_store %parallel_loop3A_1318[%parallel_loop3A_1319, %parallel_loop3A_1320, %parallel_loop3A_1321], %parallel_loop3A_1312 {strides = array<i32>} : memref<5x8x128xf32, #tpu.memory_space<vmem>>, vector<16xf32>,
          %parallel_loop3A_1323 = arith.constant 128 : i32
          %parallel_loop3A_1324 = arith.muli %parallel_loop3A_1276, %parallel_loop3A_1323 : i32
          %parallel_loop3A_1325 = arith.constant 32 : i32
          %parallel_loop3A_1326 = arith.addi %parallel_loop3A_1324, %parallel_loop3A_1325 : i32
          %parallel_loop3A_1327 = arith.constant 1 : i32
          %parallel_loop3A_1328 = arith.constant 0 : i32
          %parallel_loop3A_1329 = arith.constant 0 : i32
          %parallel_loop3A_1330 = tpu.memref_slice %arg6[%parallel_loop3A_1327, %parallel_loop3A_1328, %parallel_loop3A_1329] : memref<2x5x1024xi32, #tpu.memory_space<vmem>> -> memref<1x5x1024xi32, #tpu.memory_space<vmem>>
          %parallel_loop3A_1331 = tpu.memref_squeeze %parallel_loop3A_1330 : memref<1x5x1024xi32, #tpu.memory_space<vmem>> -> memref<5x1024xi32, #tpu.memory_space<vmem>>
          %parallel_loop3A_1332 = arith.index_cast %scan3A_1273 : i32 to index
          %parallel_loop3A_1333 = arith.index_cast %parallel_loop3A_1326 : i32 to index
          %parallel_loop3A_1334 = tpu.vector_load %parallel_loop3A_1331[%parallel_loop3A_1332, %parallel_loop3A_1333] {strides = array<i32>} : memref<5x1024xi32, #tpu.memory_space<vmem>>, vector<16xi32>,
          %parallel_loop3A_1335 = tpu.vector_load_idx %arg5[%parallel_loop3A_1334] : memref<100000xf32, #tpu.memory_space<vmem>>[vector<16xi32>], vector<16xf32>,
          %parallel_loop3A_1336 = arith.constant 1 : i32
          %parallel_loop3A_1337 = arith.constant 0 : i32
          %parallel_loop3A_1338 = arith.constant 0 : i32
          %parallel_loop3A_1339 = arith.constant 0 : i32
          %parallel_loop3A_1340 = tpu.memref_slice %arg7[%parallel_loop3A_1336, %parallel_loop3A_1337, %parallel_loop3A_1338, %parallel_loop3A_1339] : memref<2x5x8x128xf32, #tpu.memory_space<vmem>> -> memref<1x5x8x128xf32, #tpu.memory_space<vmem>>
          %parallel_loop3A_1341 = tpu.memref_squeeze %parallel_loop3A_1340 : memref<1x5x8x128xf32, #tpu.memory_space<vmem>> -> memref<5x8x128xf32, #tpu.memory_space<vmem>>
          %parallel_loop3A_1342 = arith.index_cast %scan3A_1273 : i32 to index
          %parallel_loop3A_1343 = arith.index_cast %parallel_loop3A_1276 : i32 to index
          %parallel_loop3A_1344 = arith.constant 32 : index
          %parallel_loop3A_1345 = tpu.vector_load %parallel_loop3A_1341[%parallel_loop3A_1342, %parallel_loop3A_1343, %parallel_loop3A_1344] {strides = array<i32>} : memref<5x8x128xf32, #tpu.memory_space<vmem>>, vector<16xf32>,
          tpu.vector_store %parallel_loop3A_1341[%parallel_loop3A_1342, %parallel_loop3A_1343, %parallel_loop3A_1344], %parallel_loop3A_1335 {strides = array<i32>} : memref<5x8x128xf32, #tpu.memory_space<vmem>>, vector<16xf32>,
          %parallel_loop3A_1346 = arith.constant 128 : i32
          %parallel_loop3A_1347 = arith.muli %parallel_loop3A_1276, %parallel_loop3A_1346 : i32
          %parallel_loop3A_1348 = arith.constant 48 : i32
          %parallel_loop3A_1349 = arith.addi %parallel_loop3A_1347, %parallel_loop3A_1348 : i32
          %parallel_loop3A_1350 = arith.constant 1 : i32
          %parallel_loop3A_1351 = arith.constant 0 : i32
          %parallel_loop3A_1352 = arith.constant 0 : i32
          %parallel_loop3A_1353 = tpu.memref_slice %arg6[%parallel_loop3A_1350, %parallel_loop3A_1351, %parallel_loop3A_1352] : memref<2x5x1024xi32, #tpu.memory_space<vmem>> -> memref<1x5x1024xi32, #tpu.memory_space<vmem>>
          %parallel_loop3A_1354 = tpu.memref_squeeze %parallel_loop3A_1353 : memref<1x5x1024xi32, #tpu.memory_space<vmem>> -> memref<5x1024xi32, #tpu.memory_space<vmem>>
          %parallel_loop3A_1355 = arith.index_cast %scan3A_1273 : i32 to index
          %parallel_loop3A_1356 = arith.index_cast %parallel_loop3A_1349 : i32 to index
          %parallel_loop3A_1357 = tpu.vector_load %parallel_loop3A_1354[%parallel_loop3A_1355, %parallel_loop3A_1356] {strides = array<i32>} : memref<5x1024xi32, #tpu.memory_space<vmem>>, vector<16xi32>,
          %parallel_loop3A_1358 = tpu.vector_load_idx %arg5[%parallel_loop3A_1357] : memref<100000xf32, #tpu.memory_space<vmem>>[vector<16xi32>], vector<16xf32>,
          %parallel_loop3A_1359 = arith.constant 1 : i32
          %parallel_loop3A_1360 = arith.constant 0 : i32
          %parallel_loop3A_1361 = arith.constant 0 : i32
          %parallel_loop3A_1362 = arith.constant 0 : i32
          %parallel_loop3A_1363 = tpu.memref_slice %arg7[%parallel_loop3A_1359, %parallel_loop3A_1360, %parallel_loop3A_1361, %parallel_loop3A_1362] : memref<2x5x8x128xf32, #tpu.memory_space<vmem>> -> memref<1x5x8x128xf32, #tpu.memory_space<vmem>>
          %parallel_loop3A_1364 = tpu.memref_squeeze %parallel_loop3A_1363 : memref<1x5x8x128xf32, #tpu.memory_space<vmem>> -> memref<5x8x128xf32, #tpu.memory_space<vmem>>
          %parallel_loop3A_1365 = arith.index_cast %scan3A_1273 : i32 to index
          %parallel_loop3A_1366 = arith.index_cast %parallel_loop3A_1276 : i32 to index
          %parallel_loop3A_1367 = arith.constant 48 : index
          %parallel_loop3A_1368 = tpu.vector_load %parallel_loop3A_1364[%parallel_loop3A_1365, %parallel_loop3A_1366, %parallel_loop3A_1367] {strides = array<i32>} : memref<5x8x128xf32, #tpu.memory_space<vmem>>, vector<16xf32>,
          tpu.vector_store %parallel_loop3A_1364[%parallel_loop3A_1365, %parallel_loop3A_1366, %parallel_loop3A_1367], %parallel_loop3A_1358 {strides = array<i32>} : memref<5x8x128xf32, #tpu.memory_space<vmem>>, vector<16xf32>,
          %parallel_loop3A_1369 = arith.constant 128 : i32
          %parallel_loop3A_1370 = arith.muli %parallel_loop3A_1276, %parallel_loop3A_1369 : i32
          %parallel_loop3A_1371 = arith.constant 64 : i32
          %parallel_loop3A_1372 = arith.addi %parallel_loop3A_1370, %parallel_loop3A_1371 : i32
          %parallel_loop3A_1373 = arith.constant 1 : i32
          %parallel_loop3A_1374 = arith.constant 0 : i32
          %parallel_loop3A_1375 = arith.constant 0 : i32
          %parallel_loop3A_1376 = tpu.memref_slice %arg6[%parallel_loop3A_1373, %parallel_loop3A_1374, %parallel_loop3A_1375] : memref<2x5x1024xi32, #tpu.memory_space<vmem>> -> memref<1x5x1024xi32, #tpu.memory_space<vmem>>
          %parallel_loop3A_1377 = tpu.memref_squeeze %parallel_loop3A_1376 : memref<1x5x1024xi32, #tpu.memory_space<vmem>> -> memref<5x1024xi32, #tpu.memory_space<vmem>>
          %parallel_loop3A_1378 = arith.index_cast %scan3A_1273 : i32 to index
          %parallel_loop3A_1379 = arith.index_cast %parallel_loop3A_1372 : i32 to index
          %parallel_loop3A_1380 = tpu.vector_load %parallel_loop3A_1377[%parallel_loop3A_1378, %parallel_loop3A_1379] {strides = array<i32>} : memref<5x1024xi32, #tpu.memory_space<vmem>>, vector<16xi32>,
          %parallel_loop3A_1381 = tpu.vector_load_idx %arg5[%parallel_loop3A_1380] : memref<100000xf32, #tpu.memory_space<vmem>>[vector<16xi32>], vector<16xf32>,
          %parallel_loop3A_1382 = arith.constant 1 : i32
          %parallel_loop3A_1383 = arith.constant 0 : i32
          %parallel_loop3A_1384 = arith.constant 0 : i32
          %parallel_loop3A_1385 = arith.constant 0 : i32
          %parallel_loop3A_1386 = tpu.memref_slice %arg7[%parallel_loop3A_1382, %parallel_loop3A_1383, %parallel_loop3A_1384, %parallel_loop3A_1385] : memref<2x5x8x128xf32, #tpu.memory_space<vmem>> -> memref<1x5x8x128xf32, #tpu.memory_space<vmem>>
          %parallel_loop3A_1387 = tpu.memref_squeeze %parallel_loop3A_1386 : memref<1x5x8x128xf32, #tpu.memory_space<vmem>> -> memref<5x8x128xf32, #tpu.memory_space<vmem>>
          %parallel_loop3A_1388 = arith.index_cast %scan3A_1273 : i32 to index
          %parallel_loop3A_1389 = arith.index_cast %parallel_loop3A_1276 : i32 to index
          %parallel_loop3A_1390 = arith.constant 64 : index
          %parallel_loop3A_1391 = tpu.vector_load %parallel_loop3A_1387[%parallel_loop3A_1388, %parallel_loop3A_1389, %parallel_loop3A_1390] {strides = array<i32>} : memref<5x8x128xf32, #tpu.memory_space<vmem>>, vector<16xf32>,
          tpu.vector_store %parallel_loop3A_1387[%parallel_loop3A_1388, %parallel_loop3A_1389, %parallel_loop3A_1390], %parallel_loop3A_1381 {strides = array<i32>} : memref<5x8x128xf32, #tpu.memory_space<vmem>>, vector<16xf32>,
          %parallel_loop3A_1392 = arith.constant 128 : i32
          %parallel_loop3A_1393 = arith.muli %parallel_loop3A_1276, %parallel_loop3A_1392 : i32
          %parallel_loop3A_1394 = arith.constant 80 : i32
          %parallel_loop3A_1395 = arith.addi %parallel_loop3A_1393, %parallel_loop3A_1394 : i32
          %parallel_loop3A_1396 = arith.constant 1 : i32
          %parallel_loop3A_1397 = arith.constant 0 : i32
          %parallel_loop3A_1398 = arith.constant 0 : i32
          %parallel_loop3A_1399 = tpu.memref_slice %arg6[%parallel_loop3A_1396, %parallel_loop3A_1397, %parallel_loop3A_1398] : memref<2x5x1024xi32, #tpu.memory_space<vmem>> -> memref<1x5x1024xi32, #tpu.memory_space<vmem>>
          %parallel_loop3A_1400 = tpu.memref_squeeze %parallel_loop3A_1399 : memref<1x5x1024xi32, #tpu.memory_space<vmem>> -> memref<5x1024xi32, #tpu.memory_space<vmem>>
          %parallel_loop3A_1401 = arith.index_cast %scan3A_1273 : i32 to index
          %parallel_loop3A_1402 = arith.index_cast %parallel_loop3A_1395 : i32 to index
          %parallel_loop3A_1403 = tpu.vector_load %parallel_loop3A_1400[%parallel_loop3A_1401, %parallel_loop3A_1402] {strides = array<i32>} : memref<5x1024xi32, #tpu.memory_space<vmem>>, vector<16xi32>,
          %parallel_loop3A_1404 = tpu.vector_load_idx %arg5[%parallel_loop3A_1403] : memref<100000xf32, #tpu.memory_space<vmem>>[vector<16xi32>], vector<16xf32>,
          %parallel_loop3A_1405 = arith.constant 1 : i32
          %parallel_loop3A_1406 = arith.constant 0 : i32
          %parallel_loop3A_1407 = arith.constant 0 : i32
          %parallel_loop3A_1408 = arith.constant 0 : i32
          %parallel_loop3A_1409 = tpu.memref_slice %arg7[%parallel_loop3A_1405, %parallel_loop3A_1406, %parallel_loop3A_1407, %parallel_loop3A_1408] : memref<2x5x8x128xf32, #tpu.memory_space<vmem>> -> memref<1x5x8x128xf32, #tpu.memory_space<vmem>>
          %parallel_loop3A_1410 = tpu.memref_squeeze %parallel_loop3A_1409 : memref<1x5x8x128xf32, #tpu.memory_space<vmem>> -> memref<5x8x128xf32, #tpu.memory_space<vmem>>
          %parallel_loop3A_1411 = arith.index_cast %scan3A_1273 : i32 to index
          %parallel_loop3A_1412 = arith.index_cast %parallel_loop3A_1276 : i32 to index
          %parallel_loop3A_1413 = arith.constant 80 : index
          %parallel_loop3A_1414 = tpu.vector_load %parallel_loop3A_1410[%parallel_loop3A_1411, %parallel_loop3A_1412, %parallel_loop3A_1413] {strides = array<i32>} : memref<5x8x128xf32, #tpu.memory_space<vmem>>, vector<16xf32>,
          tpu.vector_store %parallel_loop3A_1410[%parallel_loop3A_1411, %parallel_loop3A_1412, %parallel_loop3A_1413], %parallel_loop3A_1404 {strides = array<i32>} : memref<5x8x128xf32, #tpu.memory_space<vmem>>, vector<16xf32>,
          %parallel_loop3A_1415 = arith.constant 128 : i32
          %parallel_loop3A_1416 = arith.muli %parallel_loop3A_1276, %parallel_loop3A_1415 : i32
          %parallel_loop3A_1417 = arith.constant 96 : i32
          %parallel_loop3A_1418 = arith.addi %parallel_loop3A_1416, %parallel_loop3A_1417 : i32
          %parallel_loop3A_1419 = arith.constant 1 : i32
          %parallel_loop3A_1420 = arith.constant 0 : i32
          %parallel_loop3A_1421 = arith.constant 0 : i32
          %parallel_loop3A_1422 = tpu.memref_slice %arg6[%parallel_loop3A_1419, %parallel_loop3A_1420, %parallel_loop3A_1421] : memref<2x5x1024xi32, #tpu.memory_space<vmem>> -> memref<1x5x1024xi32, #tpu.memory_space<vmem>>
          %parallel_loop3A_1423 = tpu.memref_squeeze %parallel_loop3A_1422 : memref<1x5x1024xi32, #tpu.memory_space<vmem>> -> memref<5x1024xi32, #tpu.memory_space<vmem>>
          %parallel_loop3A_1424 = arith.index_cast %scan3A_1273 : i32 to index
          %parallel_loop3A_1425 = arith.index_cast %parallel_loop3A_1418 : i32 to index
          %parallel_loop3A_1426 = tpu.vector_load %parallel_loop3A_1423[%parallel_loop3A_1424, %parallel_loop3A_1425] {strides = array<i32>} : memref<5x1024xi32, #tpu.memory_space<vmem>>, vector<16xi32>,
          %parallel_loop3A_1427 = tpu.vector_load_idx %arg5[%parallel_loop3A_1426] : memref<100000xf32, #tpu.memory_space<vmem>>[vector<16xi32>], vector<16xf32>,
          %parallel_loop3A_1428 = arith.constant 1 : i32
          %parallel_loop3A_1429 = arith.constant 0 : i32
          %parallel_loop3A_1430 = arith.constant 0 : i32
          %parallel_loop3A_1431 = arith.constant 0 : i32
          %parallel_loop3A_1432 = tpu.memref_slice %arg7[%parallel_loop3A_1428, %parallel_loop3A_1429, %parallel_loop3A_1430, %parallel_loop3A_1431] : memref<2x5x8x128xf32, #tpu.memory_space<vmem>> -> memref<1x5x8x128xf32, #tpu.memory_space<vmem>>
          %parallel_loop3A_1433 = tpu.memref_squeeze %parallel_loop3A_1432 : memref<1x5x8x128xf32, #tpu.memory_space<vmem>> -> memref<5x8x128xf32, #tpu.memory_space<vmem>>
          %parallel_loop3A_1434 = arith.index_cast %scan3A_1273 : i32 to index
          %parallel_loop3A_1435 = arith.index_cast %parallel_loop3A_1276 : i32 to index
          %parallel_loop3A_1436 = arith.constant 96 : index
          %parallel_loop3A_1437 = tpu.vector_load %parallel_loop3A_1433[%parallel_loop3A_1434, %parallel_loop3A_1435, %parallel_loop3A_1436] {strides = array<i32>} : memref<5x8x128xf32, #tpu.memory_space<vmem>>, vector<16xf32>,
          tpu.vector_store %parallel_loop3A_1433[%parallel_loop3A_1434, %parallel_loop3A_1435, %parallel_loop3A_1436], %parallel_loop3A_1427 {strides = array<i32>} : memref<5x8x128xf32, #tpu.memory_space<vmem>>, vector<16xf32>,
          %parallel_loop3A_1438 = arith.constant 128 : i32
          %parallel_loop3A_1439 = arith.muli %parallel_loop3A_1276, %parallel_loop3A_1438 : i32
          %parallel_loop3A_1440 = arith.constant 112 : i32
          %parallel_loop3A_1441 = arith.addi %parallel_loop3A_1439, %parallel_loop3A_1440 : i32
          %parallel_loop3A_1442 = arith.constant 1 : i32
          %parallel_loop3A_1443 = arith.constant 0 : i32
          %parallel_loop3A_1444 = arith.constant 0 : i32
          %parallel_loop3A_1445 = tpu.memref_slice %arg6[%parallel_loop3A_1442, %parallel_loop3A_1443, %parallel_loop3A_1444] : memref<2x5x1024xi32, #tpu.memory_space<vmem>> -> memref<1x5x1024xi32, #tpu.memory_space<vmem>>
          %parallel_loop3A_1446 = tpu.memref_squeeze %parallel_loop3A_1445 : memref<1x5x1024xi32, #tpu.memory_space<vmem>> -> memref<5x1024xi32, #tpu.memory_space<vmem>>
          %parallel_loop3A_1447 = arith.index_cast %scan3A_1273 : i32 to index
          %parallel_loop3A_1448 = arith.index_cast %parallel_loop3A_1441 : i32 to index
          %parallel_loop3A_1449 = tpu.vector_load %parallel_loop3A_1446[%parallel_loop3A_1447, %parallel_loop3A_1448] {strides = array<i32>} : memref<5x1024xi32, #tpu.memory_space<vmem>>, vector<16xi32>,
          %parallel_loop3A_1450 = tpu.vector_load_idx %arg5[%parallel_loop3A_1449] : memref<100000xf32, #tpu.memory_space<vmem>>[vector<16xi32>], vector<16xf32>,
          %parallel_loop3A_1451 = arith.constant 1 : i32
          %parallel_loop3A_1452 = arith.constant 0 : i32
          %parallel_loop3A_1453 = arith.constant 0 : i32
          %parallel_loop3A_1454 = arith.constant 0 : i32
          %parallel_loop3A_1455 = tpu.memref_slice %arg7[%parallel_loop3A_1451, %parallel_loop3A_1452, %parallel_loop3A_1453, %parallel_loop3A_1454] : memref<2x5x8x128xf32, #tpu.memory_space<vmem>> -> memref<1x5x8x128xf32, #tpu.memory_space<vmem>>
          %parallel_loop3A_1456 = tpu.memref_squeeze %parallel_loop3A_1455 : memref<1x5x8x128xf32, #tpu.memory_space<vmem>> -> memref<5x8x128xf32, #tpu.memory_space<vmem>>
          %parallel_loop3A_1457 = arith.index_cast %scan3A_1273 : i32 to index
          %parallel_loop3A_1458 = arith.index_cast %parallel_loop3A_1276 : i32 to index
          %parallel_loop3A_1459 = arith.constant 112 : index
          %parallel_loop3A_1460 = tpu.vector_load %parallel_loop3A_1456[%parallel_loop3A_1457, %parallel_loop3A_1458, %parallel_loop3A_1459] {strides = array<i32>} : memref<5x8x128xf32, #tpu.memory_space<vmem>>, vector<16xf32>,
          tpu.vector_store %parallel_loop3A_1456[%parallel_loop3A_1457, %parallel_loop3A_1458, %parallel_loop3A_1459], %parallel_loop3A_1450 {strides = array<i32>} : memref<5x8x128xf32, #tpu.memory_space<vmem>>, vector<16xf32>,
        } {sc.loop_unroll_factor = 2 : i64, sc.parallel_access}
      }
      %scan3A_454 = arith.constant 5 : i32
      %jit3A_455 = arith.constant 8 : i32
      %div3A_456 = arith.divsi %add3A_42, %jit3A_455 : i32
      %sign3A_457 = arith.constant 0 : i32
      %sign3A_458 = arith.cmpi sgt, %add3A_42, %sign3A_457 : i32
      %sign3A_459 = arith.extui %sign3A_458 : i1 to i32
      %sign3A_460 = arith.constant 0 : i32
      %sign3A_461 = arith.cmpi slt, %add3A_42, %sign3A_460 : i32
      %sign3A_462 = arith.extui %sign3A_461 : i1 to i32
      %sign3A_463 = arith.subi %sign3A_459, %sign3A_462 : i32
      %sign3A_464 = arith.constant 0 : i32
      %sign3A_465 = arith.cmpi sgt, %jit3A_455, %sign3A_464 : i32
      %sign3A_466 = arith.extui %sign3A_465 : i1 to i32
      %sign3A_467 = arith.constant 0 : i32
      %sign3A_468 = arith.cmpi slt, %jit3A_455, %sign3A_467 : i32
      %sign3A_469 = arith.extui %sign3A_468 : i1 to i32
      %sign3A_470 = arith.subi %sign3A_466, %sign3A_469 : i32
      %ne3A_471 = arith.cmpi ne, %sign3A_463, %sign3A_470 : i32
      %rem3A_472 = arith.remsi %add3A_42, %jit3A_455 : i32
      %ne3A_473 = arith.constant 0 : i32
      %ne3A_474 = arith.cmpi ne, %rem3A_472, %ne3A_473 : i32
      %and3A_475 = arith.andi %ne3A_471, %ne3A_474 : i1
      %sub3A_476 = arith.constant 1 : i32
      %sub3A_477 = arith.subi %div3A_456, %sub3A_476 : i32
      %select_n3A_478 = arith.select %and3A_475, %sub3A_477, %div3A_456 : i32
      %jit3A_479 = arith.constant 8 : i32
      %eq3A_480 = arith.constant 0 : i32
      %eq3A_481 = arith.cmpi eq, %jit3A_479, %eq3A_480 : i32
      %jit3A_482 = arith.constant 1 : i32
      %select_n3A_483 = arith.select %eq3A_481, %jit3A_482, %jit3A_479 : i32
      %rem3A_484 = arith.remsi %add3A_42, %select_n3A_483 : i32
      %ne3A_485 = arith.constant 0 : i32
      %ne3A_486 = arith.cmpi ne, %rem3A_484, %ne3A_485 : i32
      %lt3A_487 = arith.constant 0 : i32
      %lt3A_488 = arith.cmpi slt, %rem3A_484, %lt3A_487 : i32
      %lt3A_489 = arith.constant 0 : i32
      %lt3A_490 = arith.cmpi slt, %select_n3A_483, %lt3A_489 : i32
      %ne3A_491 = arith.xori %lt3A_488, %lt3A_490 : i1
      %and3A_492 = arith.andi %ne3A_491, %ne3A_486 : i1
      %add3A_493 = arith.addi %rem3A_484, %select_n3A_483 : i32
      %select_n3A_494 = arith.select %and3A_492, %add3A_493, %rem3A_484 : i32
      %dma_start3A_495 = arith.constant 1 : i32
      %dma_start3A_496 = arith.constant 0 : i32
      %dma_start3A_497 = arith.constant 0 : i32
      %dma_start3A_498 = arith.constant 0 : i32
      %dma_start3A_499 = tpu.memref_slice %arg7[%dma_start3A_495, %dma_start3A_496, %dma_start3A_497, %dma_start3A_498] : memref<2x5x8x128xf32, #tpu.memory_space<vmem>> -> memref<1x5x8x128xf32, #tpu.memory_space<vmem>>
      %dma_start3A_500 = tpu.memref_squeeze %dma_start3A_499 : memref<1x5x8x128xf32, #tpu.memory_space<vmem>> -> memref<5x8x128xf32, #tpu.memory_space<vmem>>
      %dma_start3A_501 = arith.constant 15 : i32
      %dma_start3A_502 = arith.constant 0 : i32
      %dma_start3A_503 = arith.constant 0 : i32
      %dma_start3A_504 = tpu.memref_slice %arg4[%dma_start3A_501, %select_n3A_478, %dma_start3A_502, %select_n3A_494, %dma_start3A_503] : memref<50x52x8x8x128xf32, #tpu.memory_space<hbm>> -> memref<5x1x8x1x128xf32, #tpu.memory_space<hbm>>
      %dma_start3A_505 = tpu.memref_squeeze %dma_start3A_504 : memref<5x1x8x1x128xf32, #tpu.memory_space<hbm>> -> memref<5x8x128xf32, #tpu.memory_space<hbm>>
      %dma_start3A_506 = arith.constant 15 : i32
      %dma_start3A_507 = arith.constant 0 : i32
      %dma_start3A_508 = arith.constant 0 : i32
      %dma_start3A_509 = tpu.memref_slice %arg4[%dma_start3A_506, %select_n3A_478, %dma_start3A_507, %select_n3A_494, %dma_start3A_508] : memref<50x52x8x8x128xf32, #tpu.memory_space<hbm>> -> memref<5x1x8x1x128xf32, #tpu.memory_space<hbm>>
      %dma_start3A_510 = tpu.memref_squeeze %dma_start3A_509 : memref<5x1x8x1x128xf32, #tpu.memory_space<hbm>> -> memref<5x8x128xf32, #tpu.memory_space<hbm>>
      %dma_start3A_511 = arith.constant 0 : i32
      %dma_start3A_512 = arith.constant 0 : i32
      %dma_start3A_513 = arith.constant 0 : i32
      %dma_start3A_514 = tpu.memref_slice %arg7[%dma_start3A_495, %dma_start3A_511, %dma_start3A_512, %dma_start3A_513] : memref<2x5x8x128xf32, #tpu.memory_space<vmem>> -> memref<1x5x8x128xf32, #tpu.memory_space<vmem>>
      %dma_start3A_515 = tpu.memref_squeeze %dma_start3A_514 : memref<1x5x8x128xf32, #tpu.memory_space<vmem>> -> memref<5x8x128xf32, #tpu.memory_space<vmem>>
      tpu.enqueue_dma source(%dma_start3A_515 : memref<5x8x128xf32, #tpu.memory_space<vmem>>) target(%dma_start3A_510 : memref<5x8x128xf32, #tpu.memory_space<hbm>>) target_semaphore(%arg10 : memref<!tpu.dma_semaphore, #tpu.memory_space<semaphore_mem>>)
      %dma_start3A_516 = arith.constant 1 : i32
      %dma_start3A_517 = arith.constant 0 : i32
      %dma_start3A_518 = arith.constant 0 : i32
      %dma_start3A_519 = tpu.memref_slice %arg6[%dma_start3A_516, %dma_start3A_517, %dma_start3A_518] : memref<2x5x1024xi32, #tpu.memory_space<vmem>> -> memref<1x5x1024xi32, #tpu.memory_space<vmem>>
      %dma_start3A_520 = tpu.memref_squeeze %dma_start3A_519 : memref<1x5x1024xi32, #tpu.memory_space<vmem>> -> memref<5x1024xi32, #tpu.memory_space<vmem>>
      %dma_start3A_521 = arith.constant 25 : i32
      %dma_start3A_522 = arith.constant 0 : i32
      %dma_start3A_523 = tpu.memref_slice %arg3[%select_n3A, %dma_start3A_521, %dma_start3A_522] : memref<26x50x1024xi32, #tpu.memory_space<hbm>> -> memref<1x5x1024xi32, #tpu.memory_space<hbm>>
      %dma_start3A_524 = tpu.memref_squeeze %dma_start3A_523 : memref<1x5x1024xi32, #tpu.memory_space<hbm>> -> memref<5x1024xi32, #tpu.memory_space<hbm>>
      %dma_start3A_525 = arith.constant 0 : i32
      %dma_start3A_526 = arith.constant 0 : i32
      %dma_start3A_527 = tpu.memref_slice %arg6[%dma_start3A_516, %dma_start3A_525, %dma_start3A_526] : memref<2x5x1024xi32, #tpu.memory_space<vmem>> -> memref<1x5x1024xi32, #tpu.memory_space<vmem>>
      %dma_start3A_528 = tpu.memref_squeeze %dma_start3A_527 : memref<1x5x1024xi32, #tpu.memory_space<vmem>> -> memref<5x1024xi32, #tpu.memory_space<vmem>>
      %dma_start3A_529 = arith.constant 25 : i32
      %dma_start3A_530 = arith.constant 0 : i32
      %dma_start3A_531 = tpu.memref_slice %arg3[%select_n3A, %dma_start3A_529, %dma_start3A_530] : memref<26x50x1024xi32, #tpu.memory_space<hbm>> -> memref<1x5x1024xi32, #tpu.memory_space<hbm>>
      %dma_start3A_532 = tpu.memref_squeeze %dma_start3A_531 : memref<1x5x1024xi32, #tpu.memory_space<hbm>> -> memref<5x1024xi32, #tpu.memory_space<hbm>>
      tpu.enqueue_dma source(%dma_start3A_532 : memref<5x1024xi32, #tpu.memory_space<hbm>>) target(%dma_start3A_528 : memref<5x1024xi32, #tpu.memory_space<vmem>>) target_semaphore(%arg9 : memref<!tpu.dma_semaphore, #tpu.memory_space<semaphore_mem>>)
      %dma_wait3A_533 = arith.constant 0 : i32
      %dma_wait3A_534 = arith.constant 0 : i32
      %dma_wait3A_535 = arith.constant 0 : i32
      %dma_wait3A_536 = tpu.memref_slice %arg6[%dma_wait3A_533, %dma_wait3A_534, %dma_wait3A_535] : memref<2x5x1024xi32, #tpu.memory_space<vmem>> -> memref<1x5x1024xi32, #tpu.memory_space<vmem>>
      %dma_wait3A_537 = tpu.memref_squeeze %dma_wait3A_536 : memref<1x5x1024xi32, #tpu.memory_space<vmem>> -> memref<5x1024xi32, #tpu.memory_space<vmem>>
      %dma_wait3A_538 = arith.constant 20 : i32
      %dma_wait3A_539 = arith.constant 0 : i32
      %dma_wait3A_540 = tpu.memref_slice %arg3[%select_n3A, %dma_wait3A_538, %dma_wait3A_539] : memref<26x50x1024xi32, #tpu.memory_space<hbm>> -> memref<1x5x1024xi32, #tpu.memory_space<hbm>>
      %dma_wait3A_541 = tpu.memref_squeeze %dma_wait3A_540 : memref<1x5x1024xi32, #tpu.memory_space<hbm>> -> memref<5x1024xi32, #tpu.memory_space<hbm>>
      %dma_wait3A_542 = arith.constant 0 : i32
      %dma_wait3A_543 = arith.constant 0 : i32
      %dma_wait3A_544 = tpu.memref_slice %arg6[%dma_wait3A_533, %dma_wait3A_542, %dma_wait3A_543] : memref<2x5x1024xi32, #tpu.memory_space<vmem>> -> memref<1x5x1024xi32, #tpu.memory_space<vmem>>
      %dma_wait3A_545 = tpu.memref_squeeze %dma_wait3A_544 : memref<1x5x1024xi32, #tpu.memory_space<vmem>> -> memref<5x1024xi32, #tpu.memory_space<vmem>>
      %dma_wait3A_546 = arith.constant 20 : i32
      %dma_wait3A_547 = arith.constant 0 : i32
      %dma_wait3A_548 = tpu.memref_slice %arg3[%select_n3A, %dma_wait3A_546, %dma_wait3A_547] : memref<26x50x1024xi32, #tpu.memory_space<hbm>> -> memref<1x5x1024xi32, #tpu.memory_space<hbm>>
      %dma_wait3A_549 = tpu.memref_squeeze %dma_wait3A_548 : memref<1x5x1024xi32, #tpu.memory_space<hbm>> -> memref<5x1024xi32, #tpu.memory_space<hbm>>
      tpu.wait_dma2 semaphore(%arg9 : memref<!tpu.dma_semaphore, #tpu.memory_space<semaphore_mem>>) src(%dma_wait3A_549 : memref<5x1024xi32, #tpu.memory_space<hbm>>) dst(%dma_wait3A_545 : memref<5x1024xi32, #tpu.memory_space<vmem>>)
      %dma_wait3A_550 = arith.constant 0 : i32
      %dma_wait3A_551 = arith.constant 0 : i32
      %dma_wait3A_552 = arith.constant 0 : i32
      %dma_wait3A_553 = arith.constant 0 : i32
      %dma_wait3A_554 = tpu.memref_slice %arg7[%dma_wait3A_550, %dma_wait3A_551, %dma_wait3A_552, %dma_wait3A_553] : memref<2x5x8x128xf32, #tpu.memory_space<vmem>> -> memref<1x5x8x128xf32, #tpu.memory_space<vmem>>
      %dma_wait3A_555 = tpu.memref_squeeze %dma_wait3A_554 : memref<1x5x8x128xf32, #tpu.memory_space<vmem>> -> memref<5x8x128xf32, #tpu.memory_space<vmem>>
      %dma_wait3A_556 = arith.constant 10 : i32
      %dma_wait3A_557 = arith.constant 0 : i32
      %dma_wait3A_558 = arith.constant 0 : i32
      %dma_wait3A_559 = tpu.memref_slice %arg4[%dma_wait3A_556, %select_n3A_356, %dma_wait3A_557, %select_n3A_372, %dma_wait3A_558] : memref<50x52x8x8x128xf32, #tpu.memory_space<hbm>> -> memref<5x1x8x1x128xf32, #tpu.memory_space<hbm>>
      %dma_wait3A_560 = tpu.memref_squeeze %dma_wait3A_559 : memref<5x1x8x1x128xf32, #tpu.memory_space<hbm>> -> memref<5x8x128xf32, #tpu.memory_space<hbm>>
      %dma_wait3A_561 = arith.constant 10 : i32
      %dma_wait3A_562 = arith.constant 0 : i32
      %dma_wait3A_563 = arith.constant 0 : i32
      %dma_wait3A_564 = tpu.memref_slice %arg4[%dma_wait3A_561, %select_n3A_356, %dma_wait3A_562, %select_n3A_372, %dma_wait3A_563] : memref<50x52x8x8x128xf32, #tpu.memory_space<hbm>> -> memref<5x1x8x1x128xf32, #tpu.memory_space<hbm>>
      %dma_wait3A_565 = tpu.memref_squeeze %dma_wait3A_564 : memref<5x1x8x1x128xf32, #tpu.memory_space<hbm>> -> memref<5x8x128xf32, #tpu.memory_space<hbm>>
      %dma_wait3A_566 = arith.constant 0 : i32
      %dma_wait3A_567 = arith.constant 0 : i32
      %dma_wait3A_568 = arith.constant 0 : i32
      %dma_wait3A_569 = tpu.memref_slice %arg7[%dma_wait3A_550, %dma_wait3A_566, %dma_wait3A_567, %dma_wait3A_568] : memref<2x5x8x128xf32, #tpu.memory_space<vmem>> -> memref<1x5x8x128xf32, #tpu.memory_space<vmem>>
      %dma_wait3A_570 = tpu.memref_squeeze %dma_wait3A_569 : memref<1x5x8x128xf32, #tpu.memory_space<vmem>> -> memref<5x8x128xf32, #tpu.memory_space<vmem>>
      tpu.wait_dma2 semaphore(%arg10 : memref<!tpu.dma_semaphore, #tpu.memory_space<semaphore_mem>>) src(%dma_wait3A_570 : memref<5x8x128xf32, #tpu.memory_space<vmem>>) dst(%dma_wait3A_565 : memref<5x8x128xf32, #tpu.memory_space<hbm>>)
      %scan3A_571 = arith.constant 0 : i32
      %scan3A_572 = arith.constant 0 : i32
      %scan3A_573 = arith.constant 5 : i32
      %scan3A_574 = arith.addi %scan3A_572, %scan3A_573 : i32
      %scan3A_575 = arith.constant 1 : i32
      scf.for %scan3A_1273 = %scan3A_572 to %scan3A_574 step %scan3A_575  : i32 {
        %parallel_loop3A = arith.constant 0 : i32
        %parallel_loop3A_1274 = arith.constant 8 : i32
        %parallel_loop3A_1275 = arith.constant 1 : i32
        scf.for %parallel_loop3A_1276 = %parallel_loop3A to %parallel_loop3A_1274 step %parallel_loop3A_1275  : i32 {
          %parallel_loop3A_1277 = arith.constant 128 : i32
          %parallel_loop3A_1278 = arith.muli %parallel_loop3A_1276, %parallel_loop3A_1277 : i32
          %parallel_loop3A_1279 = arith.constant 0 : i32
          %parallel_loop3A_1280 = arith.addi %parallel_loop3A_1278, %parallel_loop3A_1279 : i32
          %parallel_loop3A_1281 = arith.constant 0 : i32
          %parallel_loop3A_1282 = arith.constant 0 : i32
          %parallel_loop3A_1283 = arith.constant 0 : i32
          %parallel_loop3A_1284 = tpu.memref_slice %arg6[%parallel_loop3A_1281, %parallel_loop3A_1282, %parallel_loop3A_1283] : memref<2x5x1024xi32, #tpu.memory_space<vmem>> -> memref<1x5x1024xi32, #tpu.memory_space<vmem>>
          %parallel_loop3A_1285 = tpu.memref_squeeze %parallel_loop3A_1284 : memref<1x5x1024xi32, #tpu.memory_space<vmem>> -> memref<5x1024xi32, #tpu.memory_space<vmem>>
          %parallel_loop3A_1286 = arith.index_cast %scan3A_1273 : i32 to index
          %parallel_loop3A_1287 = arith.index_cast %parallel_loop3A_1280 : i32 to index
          %parallel_loop3A_1288 = tpu.vector_load %parallel_loop3A_1285[%parallel_loop3A_1286, %parallel_loop3A_1287] {strides = array<i32>} : memref<5x1024xi32, #tpu.memory_space<vmem>>, vector<16xi32>,
          %parallel_loop3A_1289 = tpu.vector_load_idx %arg5[%parallel_loop3A_1288] : memref<100000xf32, #tpu.memory_space<vmem>>[vector<16xi32>], vector<16xf32>,
          %parallel_loop3A_1290 = arith.constant 0 : i32
          %parallel_loop3A_1291 = arith.constant 0 : i32
          %parallel_loop3A_1292 = arith.constant 0 : i32
          %parallel_loop3A_1293 = arith.constant 0 : i32
          %parallel_loop3A_1294 = tpu.memref_slice %arg7[%parallel_loop3A_1290, %parallel_loop3A_1291, %parallel_loop3A_1292, %parallel_loop3A_1293] : memref<2x5x8x128xf32, #tpu.memory_space<vmem>> -> memref<1x5x8x128xf32, #tpu.memory_space<vmem>>
          %parallel_loop3A_1295 = tpu.memref_squeeze %parallel_loop3A_1294 : memref<1x5x8x128xf32, #tpu.memory_space<vmem>> -> memref<5x8x128xf32, #tpu.memory_space<vmem>>
          %parallel_loop3A_1296 = arith.index_cast %scan3A_1273 : i32 to index
          %parallel_loop3A_1297 = arith.index_cast %parallel_loop3A_1276 : i32 to index
          %parallel_loop3A_1298 = arith.constant 0 : index
          %parallel_loop3A_1299 = tpu.vector_load %parallel_loop3A_1295[%parallel_loop3A_1296, %parallel_loop3A_1297, %parallel_loop3A_1298] {strides = array<i32>} : memref<5x8x128xf32, #tpu.memory_space<vmem>>, vector<16xf32>,
          tpu.vector_store %parallel_loop3A_1295[%parallel_loop3A_1296, %parallel_loop3A_1297, %parallel_loop3A_1298], %parallel_loop3A_1289 {strides = array<i32>} : memref<5x8x128xf32, #tpu.memory_space<vmem>>, vector<16xf32>,
          %parallel_loop3A_1300 = arith.constant 128 : i32
          %parallel_loop3A_1301 = arith.muli %parallel_loop3A_1276, %parallel_loop3A_1300 : i32
          %parallel_loop3A_1302 = arith.constant 16 : i32
          %parallel_loop3A_1303 = arith.addi %parallel_loop3A_1301, %parallel_loop3A_1302 : i32
          %parallel_loop3A_1304 = arith.constant 0 : i32
          %parallel_loop3A_1305 = arith.constant 0 : i32
          %parallel_loop3A_1306 = arith.constant 0 : i32
          %parallel_loop3A_1307 = tpu.memref_slice %arg6[%parallel_loop3A_1304, %parallel_loop3A_1305, %parallel_loop3A_1306] : memref<2x5x1024xi32, #tpu.memory_space<vmem>> -> memref<1x5x1024xi32, #tpu.memory_space<vmem>>
          %parallel_loop3A_1308 = tpu.memref_squeeze %parallel_loop3A_1307 : memref<1x5x1024xi32, #tpu.memory_space<vmem>> -> memref<5x1024xi32, #tpu.memory_space<vmem>>
          %parallel_loop3A_1309 = arith.index_cast %scan3A_1273 : i32 to index
          %parallel_loop3A_1310 = arith.index_cast %parallel_loop3A_1303 : i32 to index
          %parallel_loop3A_1311 = tpu.vector_load %parallel_loop3A_1308[%parallel_loop3A_1309, %parallel_loop3A_1310] {strides = array<i32>} : memref<5x1024xi32, #tpu.memory_space<vmem>>, vector<16xi32>,
          %parallel_loop3A_1312 = tpu.vector_load_idx %arg5[%parallel_loop3A_1311] : memref<100000xf32, #tpu.memory_space<vmem>>[vector<16xi32>], vector<16xf32>,
          %parallel_loop3A_1313 = arith.constant 0 : i32
          %parallel_loop3A_1314 = arith.constant 0 : i32
          %parallel_loop3A_1315 = arith.constant 0 : i32
          %parallel_loop3A_1316 = arith.constant 0 : i32
          %parallel_loop3A_1317 = tpu.memref_slice %arg7[%parallel_loop3A_1313, %parallel_loop3A_1314, %parallel_loop3A_1315, %parallel_loop3A_1316] : memref<2x5x8x128xf32, #tpu.memory_space<vmem>> -> memref<1x5x8x128xf32, #tpu.memory_space<vmem>>
          %parallel_loop3A_1318 = tpu.memref_squeeze %parallel_loop3A_1317 : memref<1x5x8x128xf32, #tpu.memory_space<vmem>> -> memref<5x8x128xf32, #tpu.memory_space<vmem>>
          %parallel_loop3A_1319 = arith.index_cast %scan3A_1273 : i32 to index
          %parallel_loop3A_1320 = arith.index_cast %parallel_loop3A_1276 : i32 to index
          %parallel_loop3A_1321 = arith.constant 16 : index
          %parallel_loop3A_1322 = tpu.vector_load %parallel_loop3A_1318[%parallel_loop3A_1319, %parallel_loop3A_1320, %parallel_loop3A_1321] {strides = array<i32>} : memref<5x8x128xf32, #tpu.memory_space<vmem>>, vector<16xf32>,
          tpu.vector_store %parallel_loop3A_1318[%parallel_loop3A_1319, %parallel_loop3A_1320, %parallel_loop3A_1321], %parallel_loop3A_1312 {strides = array<i32>} : memref<5x8x128xf32, #tpu.memory_space<vmem>>, vector<16xf32>,
          %parallel_loop3A_1323 = arith.constant 128 : i32
          %parallel_loop3A_1324 = arith.muli %parallel_loop3A_1276, %parallel_loop3A_1323 : i32
          %parallel_loop3A_1325 = arith.constant 32 : i32
          %parallel_loop3A_1326 = arith.addi %parallel_loop3A_1324, %parallel_loop3A_1325 : i32
          %parallel_loop3A_1327 = arith.constant 0 : i32
          %parallel_loop3A_1328 = arith.constant 0 : i32
          %parallel_loop3A_1329 = arith.constant 0 : i32
          %parallel_loop3A_1330 = tpu.memref_slice %arg6[%parallel_loop3A_1327, %parallel_loop3A_1328, %parallel_loop3A_1329] : memref<2x5x1024xi32, #tpu.memory_space<vmem>> -> memref<1x5x1024xi32, #tpu.memory_space<vmem>>
          %parallel_loop3A_1331 = tpu.memref_squeeze %parallel_loop3A_1330 : memref<1x5x1024xi32, #tpu.memory_space<vmem>> -> memref<5x1024xi32, #tpu.memory_space<vmem>>
          %parallel_loop3A_1332 = arith.index_cast %scan3A_1273 : i32 to index
          %parallel_loop3A_1333 = arith.index_cast %parallel_loop3A_1326 : i32 to index
          %parallel_loop3A_1334 = tpu.vector_load %parallel_loop3A_1331[%parallel_loop3A_1332, %parallel_loop3A_1333] {strides = array<i32>} : memref<5x1024xi32, #tpu.memory_space<vmem>>, vector<16xi32>,
          %parallel_loop3A_1335 = tpu.vector_load_idx %arg5[%parallel_loop3A_1334] : memref<100000xf32, #tpu.memory_space<vmem>>[vector<16xi32>], vector<16xf32>,
          %parallel_loop3A_1336 = arith.constant 0 : i32
          %parallel_loop3A_1337 = arith.constant 0 : i32
          %parallel_loop3A_1338 = arith.constant 0 : i32
          %parallel_loop3A_1339 = arith.constant 0 : i32
          %parallel_loop3A_1340 = tpu.memref_slice %arg7[%parallel_loop3A_1336, %parallel_loop3A_1337, %parallel_loop3A_1338, %parallel_loop3A_1339] : memref<2x5x8x128xf32, #tpu.memory_space<vmem>> -> memref<1x5x8x128xf32, #tpu.memory_space<vmem>>
          %parallel_loop3A_1341 = tpu.memref_squeeze %parallel_loop3A_1340 : memref<1x5x8x128xf32, #tpu.memory_space<vmem>> -> memref<5x8x128xf32, #tpu.memory_space<vmem>>
          %parallel_loop3A_1342 = arith.index_cast %scan3A_1273 : i32 to index
          %parallel_loop3A_1343 = arith.index_cast %parallel_loop3A_1276 : i32 to index
          %parallel_loop3A_1344 = arith.constant 32 : index
          %parallel_loop3A_1345 = tpu.vector_load %parallel_loop3A_1341[%parallel_loop3A_1342, %parallel_loop3A_1343, %parallel_loop3A_1344] {strides = array<i32>} : memref<5x8x128xf32, #tpu.memory_space<vmem>>, vector<16xf32>,
          tpu.vector_store %parallel_loop3A_1341[%parallel_loop3A_1342, %parallel_loop3A_1343, %parallel_loop3A_1344], %parallel_loop3A_1335 {strides = array<i32>} : memref<5x8x128xf32, #tpu.memory_space<vmem>>, vector<16xf32>,
          %parallel_loop3A_1346 = arith.constant 128 : i32
          %parallel_loop3A_1347 = arith.muli %parallel_loop3A_1276, %parallel_loop3A_1346 : i32
          %parallel_loop3A_1348 = arith.constant 48 : i32
          %parallel_loop3A_1349 = arith.addi %parallel_loop3A_1347, %parallel_loop3A_1348 : i32
          %parallel_loop3A_1350 = arith.constant 0 : i32
          %parallel_loop3A_1351 = arith.constant 0 : i32
          %parallel_loop3A_1352 = arith.constant 0 : i32
          %parallel_loop3A_1353 = tpu.memref_slice %arg6[%parallel_loop3A_1350, %parallel_loop3A_1351, %parallel_loop3A_1352] : memref<2x5x1024xi32, #tpu.memory_space<vmem>> -> memref<1x5x1024xi32, #tpu.memory_space<vmem>>
          %parallel_loop3A_1354 = tpu.memref_squeeze %parallel_loop3A_1353 : memref<1x5x1024xi32, #tpu.memory_space<vmem>> -> memref<5x1024xi32, #tpu.memory_space<vmem>>
          %parallel_loop3A_1355 = arith.index_cast %scan3A_1273 : i32 to index
          %parallel_loop3A_1356 = arith.index_cast %parallel_loop3A_1349 : i32 to index
          %parallel_loop3A_1357 = tpu.vector_load %parallel_loop3A_1354[%parallel_loop3A_1355, %parallel_loop3A_1356] {strides = array<i32>} : memref<5x1024xi32, #tpu.memory_space<vmem>>, vector<16xi32>,
          %parallel_loop3A_1358 = tpu.vector_load_idx %arg5[%parallel_loop3A_1357] : memref<100000xf32, #tpu.memory_space<vmem>>[vector<16xi32>], vector<16xf32>,
          %parallel_loop3A_1359 = arith.constant 0 : i32
          %parallel_loop3A_1360 = arith.constant 0 : i32
          %parallel_loop3A_1361 = arith.constant 0 : i32
          %parallel_loop3A_1362 = arith.constant 0 : i32
          %parallel_loop3A_1363 = tpu.memref_slice %arg7[%parallel_loop3A_1359, %parallel_loop3A_1360, %parallel_loop3A_1361, %parallel_loop3A_1362] : memref<2x5x8x128xf32, #tpu.memory_space<vmem>> -> memref<1x5x8x128xf32, #tpu.memory_space<vmem>>
          %parallel_loop3A_1364 = tpu.memref_squeeze %parallel_loop3A_1363 : memref<1x5x8x128xf32, #tpu.memory_space<vmem>> -> memref<5x8x128xf32, #tpu.memory_space<vmem>>
          %parallel_loop3A_1365 = arith.index_cast %scan3A_1273 : i32 to index
          %parallel_loop3A_1366 = arith.index_cast %parallel_loop3A_1276 : i32 to index
          %parallel_loop3A_1367 = arith.constant 48 : index
          %parallel_loop3A_1368 = tpu.vector_load %parallel_loop3A_1364[%parallel_loop3A_1365, %parallel_loop3A_1366, %parallel_loop3A_1367] {strides = array<i32>} : memref<5x8x128xf32, #tpu.memory_space<vmem>>, vector<16xf32>,
          tpu.vector_store %parallel_loop3A_1364[%parallel_loop3A_1365, %parallel_loop3A_1366, %parallel_loop3A_1367], %parallel_loop3A_1358 {strides = array<i32>} : memref<5x8x128xf32, #tpu.memory_space<vmem>>, vector<16xf32>,
          %parallel_loop3A_1369 = arith.constant 128 : i32
          %parallel_loop3A_1370 = arith.muli %parallel_loop3A_1276, %parallel_loop3A_1369 : i32
          %parallel_loop3A_1371 = arith.constant 64 : i32
          %parallel_loop3A_1372 = arith.addi %parallel_loop3A_1370, %parallel_loop3A_1371 : i32
          %parallel_loop3A_1373 = arith.constant 0 : i32
          %parallel_loop3A_1374 = arith.constant 0 : i32
          %parallel_loop3A_1375 = arith.constant 0 : i32
          %parallel_loop3A_1376 = tpu.memref_slice %arg6[%parallel_loop3A_1373, %parallel_loop3A_1374, %parallel_loop3A_1375] : memref<2x5x1024xi32, #tpu.memory_space<vmem>> -> memref<1x5x1024xi32, #tpu.memory_space<vmem>>
          %parallel_loop3A_1377 = tpu.memref_squeeze %parallel_loop3A_1376 : memref<1x5x1024xi32, #tpu.memory_space<vmem>> -> memref<5x1024xi32, #tpu.memory_space<vmem>>
          %parallel_loop3A_1378 = arith.index_cast %scan3A_1273 : i32 to index
          %parallel_loop3A_1379 = arith.index_cast %parallel_loop3A_1372 : i32 to index
          %parallel_loop3A_1380 = tpu.vector_load %parallel_loop3A_1377[%parallel_loop3A_1378, %parallel_loop3A_1379] {strides = array<i32>} : memref<5x1024xi32, #tpu.memory_space<vmem>>, vector<16xi32>,
          %parallel_loop3A_1381 = tpu.vector_load_idx %arg5[%parallel_loop3A_1380] : memref<100000xf32, #tpu.memory_space<vmem>>[vector<16xi32>], vector<16xf32>,
          %parallel_loop3A_1382 = arith.constant 0 : i32
          %parallel_loop3A_1383 = arith.constant 0 : i32
          %parallel_loop3A_1384 = arith.constant 0 : i32
          %parallel_loop3A_1385 = arith.constant 0 : i32
          %parallel_loop3A_1386 = tpu.memref_slice %arg7[%parallel_loop3A_1382, %parallel_loop3A_1383, %parallel_loop3A_1384, %parallel_loop3A_1385] : memref<2x5x8x128xf32, #tpu.memory_space<vmem>> -> memref<1x5x8x128xf32, #tpu.memory_space<vmem>>
          %parallel_loop3A_1387 = tpu.memref_squeeze %parallel_loop3A_1386 : memref<1x5x8x128xf32, #tpu.memory_space<vmem>> -> memref<5x8x128xf32, #tpu.memory_space<vmem>>
          %parallel_loop3A_1388 = arith.index_cast %scan3A_1273 : i32 to index
          %parallel_loop3A_1389 = arith.index_cast %parallel_loop3A_1276 : i32 to index
          %parallel_loop3A_1390 = arith.constant 64 : index
          %parallel_loop3A_1391 = tpu.vector_load %parallel_loop3A_1387[%parallel_loop3A_1388, %parallel_loop3A_1389, %parallel_loop3A_1390] {strides = array<i32>} : memref<5x8x128xf32, #tpu.memory_space<vmem>>, vector<16xf32>,
          tpu.vector_store %parallel_loop3A_1387[%parallel_loop3A_1388, %parallel_loop3A_1389, %parallel_loop3A_1390], %parallel_loop3A_1381 {strides = array<i32>} : memref<5x8x128xf32, #tpu.memory_space<vmem>>, vector<16xf32>,
          %parallel_loop3A_1392 = arith.constant 128 : i32
          %parallel_loop3A_1393 = arith.muli %parallel_loop3A_1276, %parallel_loop3A_1392 : i32
          %parallel_loop3A_1394 = arith.constant 80 : i32
          %parallel_loop3A_1395 = arith.addi %parallel_loop3A_1393, %parallel_loop3A_1394 : i32
          %parallel_loop3A_1396 = arith.constant 0 : i32
          %parallel_loop3A_1397 = arith.constant 0 : i32
          %parallel_loop3A_1398 = arith.constant 0 : i32
          %parallel_loop3A_1399 = tpu.memref_slice %arg6[%parallel_loop3A_1396, %parallel_loop3A_1397, %parallel_loop3A_1398] : memref<2x5x1024xi32, #tpu.memory_space<vmem>> -> memref<1x5x1024xi32, #tpu.memory_space<vmem>>
          %parallel_loop3A_1400 = tpu.memref_squeeze %parallel_loop3A_1399 : memref<1x5x1024xi32, #tpu.memory_space<vmem>> -> memref<5x1024xi32, #tpu.memory_space<vmem>>
          %parallel_loop3A_1401 = arith.index_cast %scan3A_1273 : i32 to index
          %parallel_loop3A_1402 = arith.index_cast %parallel_loop3A_1395 : i32 to index
          %parallel_loop3A_1403 = tpu.vector_load %parallel_loop3A_1400[%parallel_loop3A_1401, %parallel_loop3A_1402] {strides = array<i32>} : memref<5x1024xi32, #tpu.memory_space<vmem>>, vector<16xi32>,
          %parallel_loop3A_1404 = tpu.vector_load_idx %arg5[%parallel_loop3A_1403] : memref<100000xf32, #tpu.memory_space<vmem>>[vector<16xi32>], vector<16xf32>,
          %parallel_loop3A_1405 = arith.constant 0 : i32
          %parallel_loop3A_1406 = arith.constant 0 : i32
          %parallel_loop3A_1407 = arith.constant 0 : i32
          %parallel_loop3A_1408 = arith.constant 0 : i32
          %parallel_loop3A_1409 = tpu.memref_slice %arg7[%parallel_loop3A_1405, %parallel_loop3A_1406, %parallel_loop3A_1407, %parallel_loop3A_1408] : memref<2x5x8x128xf32, #tpu.memory_space<vmem>> -> memref<1x5x8x128xf32, #tpu.memory_space<vmem>>
          %parallel_loop3A_1410 = tpu.memref_squeeze %parallel_loop3A_1409 : memref<1x5x8x128xf32, #tpu.memory_space<vmem>> -> memref<5x8x128xf32, #tpu.memory_space<vmem>>
          %parallel_loop3A_1411 = arith.index_cast %scan3A_1273 : i32 to index
          %parallel_loop3A_1412 = arith.index_cast %parallel_loop3A_1276 : i32 to index
          %parallel_loop3A_1413 = arith.constant 80 : index
          %parallel_loop3A_1414 = tpu.vector_load %parallel_loop3A_1410[%parallel_loop3A_1411, %parallel_loop3A_1412, %parallel_loop3A_1413] {strides = array<i32>} : memref<5x8x128xf32, #tpu.memory_space<vmem>>, vector<16xf32>,
          tpu.vector_store %parallel_loop3A_1410[%parallel_loop3A_1411, %parallel_loop3A_1412, %parallel_loop3A_1413], %parallel_loop3A_1404 {strides = array<i32>} : memref<5x8x128xf32, #tpu.memory_space<vmem>>, vector<16xf32>,
          %parallel_loop3A_1415 = arith.constant 128 : i32
          %parallel_loop3A_1416 = arith.muli %parallel_loop3A_1276, %parallel_loop3A_1415 : i32
          %parallel_loop3A_1417 = arith.constant 96 : i32
          %parallel_loop3A_1418 = arith.addi %parallel_loop3A_1416, %parallel_loop3A_1417 : i32
          %parallel_loop3A_1419 = arith.constant 0 : i32
          %parallel_loop3A_1420 = arith.constant 0 : i32
          %parallel_loop3A_1421 = arith.constant 0 : i32
          %parallel_loop3A_1422 = tpu.memref_slice %arg6[%parallel_loop3A_1419, %parallel_loop3A_1420, %parallel_loop3A_1421] : memref<2x5x1024xi32, #tpu.memory_space<vmem>> -> memref<1x5x1024xi32, #tpu.memory_space<vmem>>
          %parallel_loop3A_1423 = tpu.memref_squeeze %parallel_loop3A_1422 : memref<1x5x1024xi32, #tpu.memory_space<vmem>> -> memref<5x1024xi32, #tpu.memory_space<vmem>>
          %parallel_loop3A_1424 = arith.index_cast %scan3A_1273 : i32 to index
          %parallel_loop3A_1425 = arith.index_cast %parallel_loop3A_1418 : i32 to index
          %parallel_loop3A_1426 = tpu.vector_load %parallel_loop3A_1423[%parallel_loop3A_1424, %parallel_loop3A_1425] {strides = array<i32>} : memref<5x1024xi32, #tpu.memory_space<vmem>>, vector<16xi32>,
          %parallel_loop3A_1427 = tpu.vector_load_idx %arg5[%parallel_loop3A_1426] : memref<100000xf32, #tpu.memory_space<vmem>>[vector<16xi32>], vector<16xf32>,
          %parallel_loop3A_1428 = arith.constant 0 : i32
          %parallel_loop3A_1429 = arith.constant 0 : i32
          %parallel_loop3A_1430 = arith.constant 0 : i32
          %parallel_loop3A_1431 = arith.constant 0 : i32
          %parallel_loop3A_1432 = tpu.memref_slice %arg7[%parallel_loop3A_1428, %parallel_loop3A_1429, %parallel_loop3A_1430, %parallel_loop3A_1431] : memref<2x5x8x128xf32, #tpu.memory_space<vmem>> -> memref<1x5x8x128xf32, #tpu.memory_space<vmem>>
          %parallel_loop3A_1433 = tpu.memref_squeeze %parallel_loop3A_1432 : memref<1x5x8x128xf32, #tpu.memory_space<vmem>> -> memref<5x8x128xf32, #tpu.memory_space<vmem>>
          %parallel_loop3A_1434 = arith.index_cast %scan3A_1273 : i32 to index
          %parallel_loop3A_1435 = arith.index_cast %parallel_loop3A_1276 : i32 to index
          %parallel_loop3A_1436 = arith.constant 96 : index
          %parallel_loop3A_1437 = tpu.vector_load %parallel_loop3A_1433[%parallel_loop3A_1434, %parallel_loop3A_1435, %parallel_loop3A_1436] {strides = array<i32>} : memref<5x8x128xf32, #tpu.memory_space<vmem>>, vector<16xf32>,
          tpu.vector_store %parallel_loop3A_1433[%parallel_loop3A_1434, %parallel_loop3A_1435, %parallel_loop3A_1436], %parallel_loop3A_1427 {strides = array<i32>} : memref<5x8x128xf32, #tpu.memory_space<vmem>>, vector<16xf32>,
          %parallel_loop3A_1438 = arith.constant 128 : i32
          %parallel_loop3A_1439 = arith.muli %parallel_loop3A_1276, %parallel_loop3A_1438 : i32
          %parallel_loop3A_1440 = arith.constant 112 : i32
          %parallel_loop3A_1441 = arith.addi %parallel_loop3A_1439, %parallel_loop3A_1440 : i32
          %parallel_loop3A_1442 = arith.constant 0 : i32
          %parallel_loop3A_1443 = arith.constant 0 : i32
          %parallel_loop3A_1444 = arith.constant 0 : i32
          %parallel_loop3A_1445 = tpu.memref_slice %arg6[%parallel_loop3A_1442, %parallel_loop3A_1443, %parallel_loop3A_1444] : memref<2x5x1024xi32, #tpu.memory_space<vmem>> -> memref<1x5x1024xi32, #tpu.memory_space<vmem>>
          %parallel_loop3A_1446 = tpu.memref_squeeze %parallel_loop3A_1445 : memref<1x5x1024xi32, #tpu.memory_space<vmem>> -> memref<5x1024xi32, #tpu.memory_space<vmem>>
          %parallel_loop3A_1447 = arith.index_cast %scan3A_1273 : i32 to index
          %parallel_loop3A_1448 = arith.index_cast %parallel_loop3A_1441 : i32 to index
          %parallel_loop3A_1449 = tpu.vector_load %parallel_loop3A_1446[%parallel_loop3A_1447, %parallel_loop3A_1448] {strides = array<i32>} : memref<5x1024xi32, #tpu.memory_space<vmem>>, vector<16xi32>,
          %parallel_loop3A_1450 = tpu.vector_load_idx %arg5[%parallel_loop3A_1449] : memref<100000xf32, #tpu.memory_space<vmem>>[vector<16xi32>], vector<16xf32>,
          %parallel_loop3A_1451 = arith.constant 0 : i32
          %parallel_loop3A_1452 = arith.constant 0 : i32
          %parallel_loop3A_1453 = arith.constant 0 : i32
          %parallel_loop3A_1454 = arith.constant 0 : i32
          %parallel_loop3A_1455 = tpu.memref_slice %arg7[%parallel_loop3A_1451, %parallel_loop3A_1452, %parallel_loop3A_1453, %parallel_loop3A_1454] : memref<2x5x8x128xf32, #tpu.memory_space<vmem>> -> memref<1x5x8x128xf32, #tpu.memory_space<vmem>>
          %parallel_loop3A_1456 = tpu.memref_squeeze %parallel_loop3A_1455 : memref<1x5x8x128xf32, #tpu.memory_space<vmem>> -> memref<5x8x128xf32, #tpu.memory_space<vmem>>
          %parallel_loop3A_1457 = arith.index_cast %scan3A_1273 : i32 to index
          %parallel_loop3A_1458 = arith.index_cast %parallel_loop3A_1276 : i32 to index
          %parallel_loop3A_1459 = arith.constant 112 : index
          %parallel_loop3A_1460 = tpu.vector_load %parallel_loop3A_1456[%parallel_loop3A_1457, %parallel_loop3A_1458, %parallel_loop3A_1459] {strides = array<i32>} : memref<5x8x128xf32, #tpu.memory_space<vmem>>, vector<16xf32>,
          tpu.vector_store %parallel_loop3A_1456[%parallel_loop3A_1457, %parallel_loop3A_1458, %parallel_loop3A_1459], %parallel_loop3A_1450 {strides = array<i32>} : memref<5x8x128xf32, #tpu.memory_space<vmem>>, vector<16xf32>,
        } {sc.loop_unroll_factor = 2 : i64, sc.parallel_access}
      }
      %scan3A_576 = arith.constant 5 : i32
      %jit3A_577 = arith.constant 8 : i32
      %div3A_578 = arith.divsi %add3A_42, %jit3A_577 : i32
      %sign3A_579 = arith.constant 0 : i32
      %sign3A_580 = arith.cmpi sgt, %add3A_42, %sign3A_579 : i32
      %sign3A_581 = arith.extui %sign3A_580 : i1 to i32
      %sign3A_582 = arith.constant 0 : i32
      %sign3A_583 = arith.cmpi slt, %add3A_42, %sign3A_582 : i32
      %sign3A_584 = arith.extui %sign3A_583 : i1 to i32
      %sign3A_585 = arith.subi %sign3A_581, %sign3A_584 : i32
      %sign3A_586 = arith.constant 0 : i32
      %sign3A_587 = arith.cmpi sgt, %jit3A_577, %sign3A_586 : i32
      %sign3A_588 = arith.extui %sign3A_587 : i1 to i32
      %sign3A_589 = arith.constant 0 : i32
      %sign3A_590 = arith.cmpi slt, %jit3A_577, %sign3A_589 : i32
      %sign3A_591 = arith.extui %sign3A_590 : i1 to i32
      %sign3A_592 = arith.subi %sign3A_588, %sign3A_591 : i32
      %ne3A_593 = arith.cmpi ne, %sign3A_585, %sign3A_592 : i32
      %rem3A_594 = arith.remsi %add3A_42, %jit3A_577 : i32
      %ne3A_595 = arith.constant 0 : i32
      %ne3A_596 = arith.cmpi ne, %rem3A_594, %ne3A_595 : i32
      %and3A_597 = arith.andi %ne3A_593, %ne3A_596 : i1
      %sub3A_598 = arith.constant 1 : i32
      %sub3A_599 = arith.subi %div3A_578, %sub3A_598 : i32
      %select_n3A_600 = arith.select %and3A_597, %sub3A_599, %div3A_578 : i32
      %jit3A_601 = arith.constant 8 : i32
      %eq3A_602 = arith.constant 0 : i32
      %eq3A_603 = arith.cmpi eq, %jit3A_601, %eq3A_602 : i32
      %jit3A_604 = arith.constant 1 : i32
      %select_n3A_605 = arith.select %eq3A_603, %jit3A_604, %jit3A_601 : i32
      %rem3A_606 = arith.remsi %add3A_42, %select_n3A_605 : i32
      %ne3A_607 = arith.constant 0 : i32
      %ne3A_608 = arith.cmpi ne, %rem3A_606, %ne3A_607 : i32
      %lt3A_609 = arith.constant 0 : i32
      %lt3A_610 = arith.cmpi slt, %rem3A_606, %lt3A_609 : i32
      %lt3A_611 = arith.constant 0 : i32
      %lt3A_612 = arith.cmpi slt, %select_n3A_605, %lt3A_611 : i32
      %ne3A_613 = arith.xori %lt3A_610, %lt3A_612 : i1
      %and3A_614 = arith.andi %ne3A_613, %ne3A_608 : i1
      %add3A_615 = arith.addi %rem3A_606, %select_n3A_605 : i32
      %select_n3A_616 = arith.select %and3A_614, %add3A_615, %rem3A_606 : i32
      %dma_start3A_617 = arith.constant 0 : i32
      %dma_start3A_618 = arith.constant 0 : i32
      %dma_start3A_619 = arith.constant 0 : i32
      %dma_start3A_620 = arith.constant 0 : i32
      %dma_start3A_621 = tpu.memref_slice %arg7[%dma_start3A_617, %dma_start3A_618, %dma_start3A_619, %dma_start3A_620] : memref<2x5x8x128xf32, #tpu.memory_space<vmem>> -> memref<1x5x8x128xf32, #tpu.memory_space<vmem>>
      %dma_start3A_622 = tpu.memref_squeeze %dma_start3A_621 : memref<1x5x8x128xf32, #tpu.memory_space<vmem>> -> memref<5x8x128xf32, #tpu.memory_space<vmem>>
      %dma_start3A_623 = arith.constant 20 : i32
      %dma_start3A_624 = arith.constant 0 : i32
      %dma_start3A_625 = arith.constant 0 : i32
      %dma_start3A_626 = tpu.memref_slice %arg4[%dma_start3A_623, %select_n3A_600, %dma_start3A_624, %select_n3A_616, %dma_start3A_625] : memref<50x52x8x8x128xf32, #tpu.memory_space<hbm>> -> memref<5x1x8x1x128xf32, #tpu.memory_space<hbm>>
      %dma_start3A_627 = tpu.memref_squeeze %dma_start3A_626 : memref<5x1x8x1x128xf32, #tpu.memory_space<hbm>> -> memref<5x8x128xf32, #tpu.memory_space<hbm>>
      %dma_start3A_628 = arith.constant 20 : i32
      %dma_start3A_629 = arith.constant 0 : i32
      %dma_start3A_630 = arith.constant 0 : i32
      %dma_start3A_631 = tpu.memref_slice %arg4[%dma_start3A_628, %select_n3A_600, %dma_start3A_629, %select_n3A_616, %dma_start3A_630] : memref<50x52x8x8x128xf32, #tpu.memory_space<hbm>> -> memref<5x1x8x1x128xf32, #tpu.memory_space<hbm>>
      %dma_start3A_632 = tpu.memref_squeeze %dma_start3A_631 : memref<5x1x8x1x128xf32, #tpu.memory_space<hbm>> -> memref<5x8x128xf32, #tpu.memory_space<hbm>>
      %dma_start3A_633 = arith.constant 0 : i32
      %dma_start3A_634 = arith.constant 0 : i32
      %dma_start3A_635 = arith.constant 0 : i32
      %dma_start3A_636 = tpu.memref_slice %arg7[%dma_start3A_617, %dma_start3A_633, %dma_start3A_634, %dma_start3A_635] : memref<2x5x8x128xf32, #tpu.memory_space<vmem>> -> memref<1x5x8x128xf32, #tpu.memory_space<vmem>>
      %dma_start3A_637 = tpu.memref_squeeze %dma_start3A_636 : memref<1x5x8x128xf32, #tpu.memory_space<vmem>> -> memref<5x8x128xf32, #tpu.memory_space<vmem>>
      tpu.enqueue_dma source(%dma_start3A_637 : memref<5x8x128xf32, #tpu.memory_space<vmem>>) target(%dma_start3A_632 : memref<5x8x128xf32, #tpu.memory_space<hbm>>) target_semaphore(%arg10 : memref<!tpu.dma_semaphore, #tpu.memory_space<semaphore_mem>>)
      %dma_start3A_638 = arith.constant 0 : i32
      %dma_start3A_639 = arith.constant 0 : i32
      %dma_start3A_640 = arith.constant 0 : i32
      %dma_start3A_641 = tpu.memref_slice %arg6[%dma_start3A_638, %dma_start3A_639, %dma_start3A_640] : memref<2x5x1024xi32, #tpu.memory_space<vmem>> -> memref<1x5x1024xi32, #tpu.memory_space<vmem>>
      %dma_start3A_642 = tpu.memref_squeeze %dma_start3A_641 : memref<1x5x1024xi32, #tpu.memory_space<vmem>> -> memref<5x1024xi32, #tpu.memory_space<vmem>>
      %dma_start3A_643 = arith.constant 30 : i32
      %dma_start3A_644 = arith.constant 0 : i32
      %dma_start3A_645 = tpu.memref_slice %arg3[%select_n3A, %dma_start3A_643, %dma_start3A_644] : memref<26x50x1024xi32, #tpu.memory_space<hbm>> -> memref<1x5x1024xi32, #tpu.memory_space<hbm>>
      %dma_start3A_646 = tpu.memref_squeeze %dma_start3A_645 : memref<1x5x1024xi32, #tpu.memory_space<hbm>> -> memref<5x1024xi32, #tpu.memory_space<hbm>>
      %dma_start3A_647 = arith.constant 0 : i32
      %dma_start3A_648 = arith.constant 0 : i32
      %dma_start3A_649 = tpu.memref_slice %arg6[%dma_start3A_638, %dma_start3A_647, %dma_start3A_648] : memref<2x5x1024xi32, #tpu.memory_space<vmem>> -> memref<1x5x1024xi32, #tpu.memory_space<vmem>>
      %dma_start3A_650 = tpu.memref_squeeze %dma_start3A_649 : memref<1x5x1024xi32, #tpu.memory_space<vmem>> -> memref<5x1024xi32, #tpu.memory_space<vmem>>
      %dma_start3A_651 = arith.constant 30 : i32
      %dma_start3A_652 = arith.constant 0 : i32
      %dma_start3A_653 = tpu.memref_slice %arg3[%select_n3A, %dma_start3A_651, %dma_start3A_652] : memref<26x50x1024xi32, #tpu.memory_space<hbm>> -> memref<1x5x1024xi32, #tpu.memory_space<hbm>>
      %dma_start3A_654 = tpu.memref_squeeze %dma_start3A_653 : memref<1x5x1024xi32, #tpu.memory_space<hbm>> -> memref<5x1024xi32, #tpu.memory_space<hbm>>
      tpu.enqueue_dma source(%dma_start3A_654 : memref<5x1024xi32, #tpu.memory_space<hbm>>) target(%dma_start3A_650 : memref<5x1024xi32, #tpu.memory_space<vmem>>) target_semaphore(%arg9 : memref<!tpu.dma_semaphore, #tpu.memory_space<semaphore_mem>>)
      %dma_wait3A_655 = arith.constant 1 : i32
      %dma_wait3A_656 = arith.constant 0 : i32
      %dma_wait3A_657 = arith.constant 0 : i32
      %dma_wait3A_658 = tpu.memref_slice %arg6[%dma_wait3A_655, %dma_wait3A_656, %dma_wait3A_657] : memref<2x5x1024xi32, #tpu.memory_space<vmem>> -> memref<1x5x1024xi32, #tpu.memory_space<vmem>>
      %dma_wait3A_659 = tpu.memref_squeeze %dma_wait3A_658 : memref<1x5x1024xi32, #tpu.memory_space<vmem>> -> memref<5x1024xi32, #tpu.memory_space<vmem>>
      %dma_wait3A_660 = arith.constant 25 : i32
      %dma_wait3A_661 = arith.constant 0 : i32
      %dma_wait3A_662 = tpu.memref_slice %arg3[%select_n3A, %dma_wait3A_660, %dma_wait3A_661] : memref<26x50x1024xi32, #tpu.memory_space<hbm>> -> memref<1x5x1024xi32, #tpu.memory_space<hbm>>
      %dma_wait3A_663 = tpu.memref_squeeze %dma_wait3A_662 : memref<1x5x1024xi32, #tpu.memory_space<hbm>> -> memref<5x1024xi32, #tpu.memory_space<hbm>>
      %dma_wait3A_664 = arith.constant 0 : i32
      %dma_wait3A_665 = arith.constant 0 : i32
      %dma_wait3A_666 = tpu.memref_slice %arg6[%dma_wait3A_655, %dma_wait3A_664, %dma_wait3A_665] : memref<2x5x1024xi32, #tpu.memory_space<vmem>> -> memref<1x5x1024xi32, #tpu.memory_space<vmem>>
      %dma_wait3A_667 = tpu.memref_squeeze %dma_wait3A_666 : memref<1x5x1024xi32, #tpu.memory_space<vmem>> -> memref<5x1024xi32, #tpu.memory_space<vmem>>
      %dma_wait3A_668 = arith.constant 25 : i32
      %dma_wait3A_669 = arith.constant 0 : i32
      %dma_wait3A_670 = tpu.memref_slice %arg3[%select_n3A, %dma_wait3A_668, %dma_wait3A_669] : memref<26x50x1024xi32, #tpu.memory_space<hbm>> -> memref<1x5x1024xi32, #tpu.memory_space<hbm>>
      %dma_wait3A_671 = tpu.memref_squeeze %dma_wait3A_670 : memref<1x5x1024xi32, #tpu.memory_space<hbm>> -> memref<5x1024xi32, #tpu.memory_space<hbm>>
      tpu.wait_dma2 semaphore(%arg9 : memref<!tpu.dma_semaphore, #tpu.memory_space<semaphore_mem>>) src(%dma_wait3A_671 : memref<5x1024xi32, #tpu.memory_space<hbm>>) dst(%dma_wait3A_667 : memref<5x1024xi32, #tpu.memory_space<vmem>>)
      %dma_wait3A_672 = arith.constant 1 : i32
      %dma_wait3A_673 = arith.constant 0 : i32
      %dma_wait3A_674 = arith.constant 0 : i32
      %dma_wait3A_675 = arith.constant 0 : i32
      %dma_wait3A_676 = tpu.memref_slice %arg7[%dma_wait3A_672, %dma_wait3A_673, %dma_wait3A_674, %dma_wait3A_675] : memref<2x5x8x128xf32, #tpu.memory_space<vmem>> -> memref<1x5x8x128xf32, #tpu.memory_space<vmem>>
      %dma_wait3A_677 = tpu.memref_squeeze %dma_wait3A_676 : memref<1x5x8x128xf32, #tpu.memory_space<vmem>> -> memref<5x8x128xf32, #tpu.memory_space<vmem>>
      %dma_wait3A_678 = arith.constant 15 : i32
      %dma_wait3A_679 = arith.constant 0 : i32
      %dma_wait3A_680 = arith.constant 0 : i32
      %dma_wait3A_681 = tpu.memref_slice %arg4[%dma_wait3A_678, %select_n3A_478, %dma_wait3A_679, %select_n3A_494, %dma_wait3A_680] : memref<50x52x8x8x128xf32, #tpu.memory_space<hbm>> -> memref<5x1x8x1x128xf32, #tpu.memory_space<hbm>>
      %dma_wait3A_682 = tpu.memref_squeeze %dma_wait3A_681 : memref<5x1x8x1x128xf32, #tpu.memory_space<hbm>> -> memref<5x8x128xf32, #tpu.memory_space<hbm>>
      %dma_wait3A_683 = arith.constant 15 : i32
      %dma_wait3A_684 = arith.constant 0 : i32
      %dma_wait3A_685 = arith.constant 0 : i32
      %dma_wait3A_686 = tpu.memref_slice %arg4[%dma_wait3A_683, %select_n3A_478, %dma_wait3A_684, %select_n3A_494, %dma_wait3A_685] : memref<50x52x8x8x128xf32, #tpu.memory_space<hbm>> -> memref<5x1x8x1x128xf32, #tpu.memory_space<hbm>>
      %dma_wait3A_687 = tpu.memref_squeeze %dma_wait3A_686 : memref<5x1x8x1x128xf32, #tpu.memory_space<hbm>> -> memref<5x8x128xf32, #tpu.memory_space<hbm>>
      %dma_wait3A_688 = arith.constant 0 : i32
      %dma_wait3A_689 = arith.constant 0 : i32
      %dma_wait3A_690 = arith.constant 0 : i32
      %dma_wait3A_691 = tpu.memref_slice %arg7[%dma_wait3A_672, %dma_wait3A_688, %dma_wait3A_689, %dma_wait3A_690] : memref<2x5x8x128xf32, #tpu.memory_space<vmem>> -> memref<1x5x8x128xf32, #tpu.memory_space<vmem>>
      %dma_wait3A_692 = tpu.memref_squeeze %dma_wait3A_691 : memref<1x5x8x128xf32, #tpu.memory_space<vmem>> -> memref<5x8x128xf32, #tpu.memory_space<vmem>>
      tpu.wait_dma2 semaphore(%arg10 : memref<!tpu.dma_semaphore, #tpu.memory_space<semaphore_mem>>) src(%dma_wait3A_692 : memref<5x8x128xf32, #tpu.memory_space<vmem>>) dst(%dma_wait3A_687 : memref<5x8x128xf32, #tpu.memory_space<hbm>>)
      %scan3A_693 = arith.constant 0 : i32
      %scan3A_694 = arith.constant 0 : i32
      %scan3A_695 = arith.constant 5 : i32
      %scan3A_696 = arith.addi %scan3A_694, %scan3A_695 : i32
      %scan3A_697 = arith.constant 1 : i32
      scf.for %scan3A_1273 = %scan3A_694 to %scan3A_696 step %scan3A_697  : i32 {
        %parallel_loop3A = arith.constant 0 : i32
        %parallel_loop3A_1274 = arith.constant 8 : i32
        %parallel_loop3A_1275 = arith.constant 1 : i32
        scf.for %parallel_loop3A_1276 = %parallel_loop3A to %parallel_loop3A_1274 step %parallel_loop3A_1275  : i32 {
          %parallel_loop3A_1277 = arith.constant 128 : i32
          %parallel_loop3A_1278 = arith.muli %parallel_loop3A_1276, %parallel_loop3A_1277 : i32
          %parallel_loop3A_1279 = arith.constant 0 : i32
          %parallel_loop3A_1280 = arith.addi %parallel_loop3A_1278, %parallel_loop3A_1279 : i32
          %parallel_loop3A_1281 = arith.constant 1 : i32
          %parallel_loop3A_1282 = arith.constant 0 : i32
          %parallel_loop3A_1283 = arith.constant 0 : i32
          %parallel_loop3A_1284 = tpu.memref_slice %arg6[%parallel_loop3A_1281, %parallel_loop3A_1282, %parallel_loop3A_1283] : memref<2x5x1024xi32, #tpu.memory_space<vmem>> -> memref<1x5x1024xi32, #tpu.memory_space<vmem>>
          %parallel_loop3A_1285 = tpu.memref_squeeze %parallel_loop3A_1284 : memref<1x5x1024xi32, #tpu.memory_space<vmem>> -> memref<5x1024xi32, #tpu.memory_space<vmem>>
          %parallel_loop3A_1286 = arith.index_cast %scan3A_1273 : i32 to index
          %parallel_loop3A_1287 = arith.index_cast %parallel_loop3A_1280 : i32 to index
          %parallel_loop3A_1288 = tpu.vector_load %parallel_loop3A_1285[%parallel_loop3A_1286, %parallel_loop3A_1287] {strides = array<i32>} : memref<5x1024xi32, #tpu.memory_space<vmem>>, vector<16xi32>,
          %parallel_loop3A_1289 = tpu.vector_load_idx %arg5[%parallel_loop3A_1288] : memref<100000xf32, #tpu.memory_space<vmem>>[vector<16xi32>], vector<16xf32>,
          %parallel_loop3A_1290 = arith.constant 1 : i32
          %parallel_loop3A_1291 = arith.constant 0 : i32
          %parallel_loop3A_1292 = arith.constant 0 : i32
          %parallel_loop3A_1293 = arith.constant 0 : i32
          %parallel_loop3A_1294 = tpu.memref_slice %arg7[%parallel_loop3A_1290, %parallel_loop3A_1291, %parallel_loop3A_1292, %parallel_loop3A_1293] : memref<2x5x8x128xf32, #tpu.memory_space<vmem>> -> memref<1x5x8x128xf32, #tpu.memory_space<vmem>>
          %parallel_loop3A_1295 = tpu.memref_squeeze %parallel_loop3A_1294 : memref<1x5x8x128xf32, #tpu.memory_space<vmem>> -> memref<5x8x128xf32, #tpu.memory_space<vmem>>
          %parallel_loop3A_1296 = arith.index_cast %scan3A_1273 : i32 to index
          %parallel_loop3A_1297 = arith.index_cast %parallel_loop3A_1276 : i32 to index
          %parallel_loop3A_1298 = arith.constant 0 : index
          %parallel_loop3A_1299 = tpu.vector_load %parallel_loop3A_1295[%parallel_loop3A_1296, %parallel_loop3A_1297, %parallel_loop3A_1298] {strides = array<i32>} : memref<5x8x128xf32, #tpu.memory_space<vmem>>, vector<16xf32>,
          tpu.vector_store %parallel_loop3A_1295[%parallel_loop3A_1296, %parallel_loop3A_1297, %parallel_loop3A_1298], %parallel_loop3A_1289 {strides = array<i32>} : memref<5x8x128xf32, #tpu.memory_space<vmem>>, vector<16xf32>,
          %parallel_loop3A_1300 = arith.constant 128 : i32
          %parallel_loop3A_1301 = arith.muli %parallel_loop3A_1276, %parallel_loop3A_1300 : i32
          %parallel_loop3A_1302 = arith.constant 16 : i32
          %parallel_loop3A_1303 = arith.addi %parallel_loop3A_1301, %parallel_loop3A_1302 : i32
          %parallel_loop3A_1304 = arith.constant 1 : i32
          %parallel_loop3A_1305 = arith.constant 0 : i32
          %parallel_loop3A_1306 = arith.constant 0 : i32
          %parallel_loop3A_1307 = tpu.memref_slice %arg6[%parallel_loop3A_1304, %parallel_loop3A_1305, %parallel_loop3A_1306] : memref<2x5x1024xi32, #tpu.memory_space<vmem>> -> memref<1x5x1024xi32, #tpu.memory_space<vmem>>
          %parallel_loop3A_1308 = tpu.memref_squeeze %parallel_loop3A_1307 : memref<1x5x1024xi32, #tpu.memory_space<vmem>> -> memref<5x1024xi32, #tpu.memory_space<vmem>>
          %parallel_loop3A_1309 = arith.index_cast %scan3A_1273 : i32 to index
          %parallel_loop3A_1310 = arith.index_cast %parallel_loop3A_1303 : i32 to index
          %parallel_loop3A_1311 = tpu.vector_load %parallel_loop3A_1308[%parallel_loop3A_1309, %parallel_loop3A_1310] {strides = array<i32>} : memref<5x1024xi32, #tpu.memory_space<vmem>>, vector<16xi32>,
          %parallel_loop3A_1312 = tpu.vector_load_idx %arg5[%parallel_loop3A_1311] : memref<100000xf32, #tpu.memory_space<vmem>>[vector<16xi32>], vector<16xf32>,
          %parallel_loop3A_1313 = arith.constant 1 : i32
          %parallel_loop3A_1314 = arith.constant 0 : i32
          %parallel_loop3A_1315 = arith.constant 0 : i32
          %parallel_loop3A_1316 = arith.constant 0 : i32
          %parallel_loop3A_1317 = tpu.memref_slice %arg7[%parallel_loop3A_1313, %parallel_loop3A_1314, %parallel_loop3A_1315, %parallel_loop3A_1316] : memref<2x5x8x128xf32, #tpu.memory_space<vmem>> -> memref<1x5x8x128xf32, #tpu.memory_space<vmem>>
          %parallel_loop3A_1318 = tpu.memref_squeeze %parallel_loop3A_1317 : memref<1x5x8x128xf32, #tpu.memory_space<vmem>> -> memref<5x8x128xf32, #tpu.memory_space<vmem>>
          %parallel_loop3A_1319 = arith.index_cast %scan3A_1273 : i32 to index
          %parallel_loop3A_1320 = arith.index_cast %parallel_loop3A_1276 : i32 to index
          %parallel_loop3A_1321 = arith.constant 16 : index
          %parallel_loop3A_1322 = tpu.vector_load %parallel_loop3A_1318[%parallel_loop3A_1319, %parallel_loop3A_1320, %parallel_loop3A_1321] {strides = array<i32>} : memref<5x8x128xf32, #tpu.memory_space<vmem>>, vector<16xf32>,
          tpu.vector_store %parallel_loop3A_1318[%parallel_loop3A_1319, %parallel_loop3A_1320, %parallel_loop3A_1321], %parallel_loop3A_1312 {strides = array<i32>} : memref<5x8x128xf32, #tpu.memory_space<vmem>>, vector<16xf32>,
          %parallel_loop3A_1323 = arith.constant 128 : i32
          %parallel_loop3A_1324 = arith.muli %parallel_loop3A_1276, %parallel_loop3A_1323 : i32
          %parallel_loop3A_1325 = arith.constant 32 : i32
          %parallel_loop3A_1326 = arith.addi %parallel_loop3A_1324, %parallel_loop3A_1325 : i32
          %parallel_loop3A_1327 = arith.constant 1 : i32
          %parallel_loop3A_1328 = arith.constant 0 : i32
          %parallel_loop3A_1329 = arith.constant 0 : i32
          %parallel_loop3A_1330 = tpu.memref_slice %arg6[%parallel_loop3A_1327, %parallel_loop3A_1328, %parallel_loop3A_1329] : memref<2x5x1024xi32, #tpu.memory_space<vmem>> -> memref<1x5x1024xi32, #tpu.memory_space<vmem>>
          %parallel_loop3A_1331 = tpu.memref_squeeze %parallel_loop3A_1330 : memref<1x5x1024xi32, #tpu.memory_space<vmem>> -> memref<5x1024xi32, #tpu.memory_space<vmem>>
          %parallel_loop3A_1332 = arith.index_cast %scan3A_1273 : i32 to index
          %parallel_loop3A_1333 = arith.index_cast %parallel_loop3A_1326 : i32 to index
          %parallel_loop3A_1334 = tpu.vector_load %parallel_loop3A_1331[%parallel_loop3A_1332, %parallel_loop3A_1333] {strides = array<i32>} : memref<5x1024xi32, #tpu.memory_space<vmem>>, vector<16xi32>,
          %parallel_loop3A_1335 = tpu.vector_load_idx %arg5[%parallel_loop3A_1334] : memref<100000xf32, #tpu.memory_space<vmem>>[vector<16xi32>], vector<16xf32>,
          %parallel_loop3A_1336 = arith.constant 1 : i32
          %parallel_loop3A_1337 = arith.constant 0 : i32
          %parallel_loop3A_1338 = arith.constant 0 : i32
          %parallel_loop3A_1339 = arith.constant 0 : i32
          %parallel_loop3A_1340 = tpu.memref_slice %arg7[%parallel_loop3A_1336, %parallel_loop3A_1337, %parallel_loop3A_1338, %parallel_loop3A_1339] : memref<2x5x8x128xf32, #tpu.memory_space<vmem>> -> memref<1x5x8x128xf32, #tpu.memory_space<vmem>>
          %parallel_loop3A_1341 = tpu.memref_squeeze %parallel_loop3A_1340 : memref<1x5x8x128xf32, #tpu.memory_space<vmem>> -> memref<5x8x128xf32, #tpu.memory_space<vmem>>
          %parallel_loop3A_1342 = arith.index_cast %scan3A_1273 : i32 to index
          %parallel_loop3A_1343 = arith.index_cast %parallel_loop3A_1276 : i32 to index
          %parallel_loop3A_1344 = arith.constant 32 : index
          %parallel_loop3A_1345 = tpu.vector_load %parallel_loop3A_1341[%parallel_loop3A_1342, %parallel_loop3A_1343, %parallel_loop3A_1344] {strides = array<i32>} : memref<5x8x128xf32, #tpu.memory_space<vmem>>, vector<16xf32>,
          tpu.vector_store %parallel_loop3A_1341[%parallel_loop3A_1342, %parallel_loop3A_1343, %parallel_loop3A_1344], %parallel_loop3A_1335 {strides = array<i32>} : memref<5x8x128xf32, #tpu.memory_space<vmem>>, vector<16xf32>,
          %parallel_loop3A_1346 = arith.constant 128 : i32
          %parallel_loop3A_1347 = arith.muli %parallel_loop3A_1276, %parallel_loop3A_1346 : i32
          %parallel_loop3A_1348 = arith.constant 48 : i32
          %parallel_loop3A_1349 = arith.addi %parallel_loop3A_1347, %parallel_loop3A_1348 : i32
          %parallel_loop3A_1350 = arith.constant 1 : i32
          %parallel_loop3A_1351 = arith.constant 0 : i32
          %parallel_loop3A_1352 = arith.constant 0 : i32
          %parallel_loop3A_1353 = tpu.memref_slice %arg6[%parallel_loop3A_1350, %parallel_loop3A_1351, %parallel_loop3A_1352] : memref<2x5x1024xi32, #tpu.memory_space<vmem>> -> memref<1x5x1024xi32, #tpu.memory_space<vmem>>
          %parallel_loop3A_1354 = tpu.memref_squeeze %parallel_loop3A_1353 : memref<1x5x1024xi32, #tpu.memory_space<vmem>> -> memref<5x1024xi32, #tpu.memory_space<vmem>>
          %parallel_loop3A_1355 = arith.index_cast %scan3A_1273 : i32 to index
          %parallel_loop3A_1356 = arith.index_cast %parallel_loop3A_1349 : i32 to index
          %parallel_loop3A_1357 = tpu.vector_load %parallel_loop3A_1354[%parallel_loop3A_1355, %parallel_loop3A_1356] {strides = array<i32>} : memref<5x1024xi32, #tpu.memory_space<vmem>>, vector<16xi32>,
          %parallel_loop3A_1358 = tpu.vector_load_idx %arg5[%parallel_loop3A_1357] : memref<100000xf32, #tpu.memory_space<vmem>>[vector<16xi32>], vector<16xf32>,
          %parallel_loop3A_1359 = arith.constant 1 : i32
          %parallel_loop3A_1360 = arith.constant 0 : i32
          %parallel_loop3A_1361 = arith.constant 0 : i32
          %parallel_loop3A_1362 = arith.constant 0 : i32
          %parallel_loop3A_1363 = tpu.memref_slice %arg7[%parallel_loop3A_1359, %parallel_loop3A_1360, %parallel_loop3A_1361, %parallel_loop3A_1362] : memref<2x5x8x128xf32, #tpu.memory_space<vmem>> -> memref<1x5x8x128xf32, #tpu.memory_space<vmem>>
          %parallel_loop3A_1364 = tpu.memref_squeeze %parallel_loop3A_1363 : memref<1x5x8x128xf32, #tpu.memory_space<vmem>> -> memref<5x8x128xf32, #tpu.memory_space<vmem>>
          %parallel_loop3A_1365 = arith.index_cast %scan3A_1273 : i32 to index
          %parallel_loop3A_1366 = arith.index_cast %parallel_loop3A_1276 : i32 to index
          %parallel_loop3A_1367 = arith.constant 48 : index
          %parallel_loop3A_1368 = tpu.vector_load %parallel_loop3A_1364[%parallel_loop3A_1365, %parallel_loop3A_1366, %parallel_loop3A_1367] {strides = array<i32>} : memref<5x8x128xf32, #tpu.memory_space<vmem>>, vector<16xf32>,
          tpu.vector_store %parallel_loop3A_1364[%parallel_loop3A_1365, %parallel_loop3A_1366, %parallel_loop3A_1367], %parallel_loop3A_1358 {strides = array<i32>} : memref<5x8x128xf32, #tpu.memory_space<vmem>>, vector<16xf32>,
          %parallel_loop3A_1369 = arith.constant 128 : i32
          %parallel_loop3A_1370 = arith.muli %parallel_loop3A_1276, %parallel_loop3A_1369 : i32
          %parallel_loop3A_1371 = arith.constant 64 : i32
          %parallel_loop3A_1372 = arith.addi %parallel_loop3A_1370, %parallel_loop3A_1371 : i32
          %parallel_loop3A_1373 = arith.constant 1 : i32
          %parallel_loop3A_1374 = arith.constant 0 : i32
          %parallel_loop3A_1375 = arith.constant 0 : i32
          %parallel_loop3A_1376 = tpu.memref_slice %arg6[%parallel_loop3A_1373, %parallel_loop3A_1374, %parallel_loop3A_1375] : memref<2x5x1024xi32, #tpu.memory_space<vmem>> -> memref<1x5x1024xi32, #tpu.memory_space<vmem>>
          %parallel_loop3A_1377 = tpu.memref_squeeze %parallel_loop3A_1376 : memref<1x5x1024xi32, #tpu.memory_space<vmem>> -> memref<5x1024xi32, #tpu.memory_space<vmem>>
          %parallel_loop3A_1378 = arith.index_cast %scan3A_1273 : i32 to index
          %parallel_loop3A_1379 = arith.index_cast %parallel_loop3A_1372 : i32 to index
          %parallel_loop3A_1380 = tpu.vector_load %parallel_loop3A_1377[%parallel_loop3A_1378, %parallel_loop3A_1379] {strides = array<i32>} : memref<5x1024xi32, #tpu.memory_space<vmem>>, vector<16xi32>,
          %parallel_loop3A_1381 = tpu.vector_load_idx %arg5[%parallel_loop3A_1380] : memref<100000xf32, #tpu.memory_space<vmem>>[vector<16xi32>], vector<16xf32>,
          %parallel_loop3A_1382 = arith.constant 1 : i32
          %parallel_loop3A_1383 = arith.constant 0 : i32
          %parallel_loop3A_1384 = arith.constant 0 : i32
          %parallel_loop3A_1385 = arith.constant 0 : i32
          %parallel_loop3A_1386 = tpu.memref_slice %arg7[%parallel_loop3A_1382, %parallel_loop3A_1383, %parallel_loop3A_1384, %parallel_loop3A_1385] : memref<2x5x8x128xf32, #tpu.memory_space<vmem>> -> memref<1x5x8x128xf32, #tpu.memory_space<vmem>>
          %parallel_loop3A_1387 = tpu.memref_squeeze %parallel_loop3A_1386 : memref<1x5x8x128xf32, #tpu.memory_space<vmem>> -> memref<5x8x128xf32, #tpu.memory_space<vmem>>
          %parallel_loop3A_1388 = arith.index_cast %scan3A_1273 : i32 to index
          %parallel_loop3A_1389 = arith.index_cast %parallel_loop3A_1276 : i32 to index
          %parallel_loop3A_1390 = arith.constant 64 : index
          %parallel_loop3A_1391 = tpu.vector_load %parallel_loop3A_1387[%parallel_loop3A_1388, %parallel_loop3A_1389, %parallel_loop3A_1390] {strides = array<i32>} : memref<5x8x128xf32, #tpu.memory_space<vmem>>, vector<16xf32>,
          tpu.vector_store %parallel_loop3A_1387[%parallel_loop3A_1388, %parallel_loop3A_1389, %parallel_loop3A_1390], %parallel_loop3A_1381 {strides = array<i32>} : memref<5x8x128xf32, #tpu.memory_space<vmem>>, vector<16xf32>,
          %parallel_loop3A_1392 = arith.constant 128 : i32
          %parallel_loop3A_1393 = arith.muli %parallel_loop3A_1276, %parallel_loop3A_1392 : i32
          %parallel_loop3A_1394 = arith.constant 80 : i32
          %parallel_loop3A_1395 = arith.addi %parallel_loop3A_1393, %parallel_loop3A_1394 : i32
          %parallel_loop3A_1396 = arith.constant 1 : i32
          %parallel_loop3A_1397 = arith.constant 0 : i32
          %parallel_loop3A_1398 = arith.constant 0 : i32
          %parallel_loop3A_1399 = tpu.memref_slice %arg6[%parallel_loop3A_1396, %parallel_loop3A_1397, %parallel_loop3A_1398] : memref<2x5x1024xi32, #tpu.memory_space<vmem>> -> memref<1x5x1024xi32, #tpu.memory_space<vmem>>
          %parallel_loop3A_1400 = tpu.memref_squeeze %parallel_loop3A_1399 : memref<1x5x1024xi32, #tpu.memory_space<vmem>> -> memref<5x1024xi32, #tpu.memory_space<vmem>>
          %parallel_loop3A_1401 = arith.index_cast %scan3A_1273 : i32 to index
          %parallel_loop3A_1402 = arith.index_cast %parallel_loop3A_1395 : i32 to index
          %parallel_loop3A_1403 = tpu.vector_load %parallel_loop3A_1400[%parallel_loop3A_1401, %parallel_loop3A_1402] {strides = array<i32>} : memref<5x1024xi32, #tpu.memory_space<vmem>>, vector<16xi32>,
          %parallel_loop3A_1404 = tpu.vector_load_idx %arg5[%parallel_loop3A_1403] : memref<100000xf32, #tpu.memory_space<vmem>>[vector<16xi32>], vector<16xf32>,
          %parallel_loop3A_1405 = arith.constant 1 : i32
          %parallel_loop3A_1406 = arith.constant 0 : i32
          %parallel_loop3A_1407 = arith.constant 0 : i32
          %parallel_loop3A_1408 = arith.constant 0 : i32
          %parallel_loop3A_1409 = tpu.memref_slice %arg7[%parallel_loop3A_1405, %parallel_loop3A_1406, %parallel_loop3A_1407, %parallel_loop3A_1408] : memref<2x5x8x128xf32, #tpu.memory_space<vmem>> -> memref<1x5x8x128xf32, #tpu.memory_space<vmem>>
          %parallel_loop3A_1410 = tpu.memref_squeeze %parallel_loop3A_1409 : memref<1x5x8x128xf32, #tpu.memory_space<vmem>> -> memref<5x8x128xf32, #tpu.memory_space<vmem>>
          %parallel_loop3A_1411 = arith.index_cast %scan3A_1273 : i32 to index
          %parallel_loop3A_1412 = arith.index_cast %parallel_loop3A_1276 : i32 to index
          %parallel_loop3A_1413 = arith.constant 80 : index
          %parallel_loop3A_1414 = tpu.vector_load %parallel_loop3A_1410[%parallel_loop3A_1411, %parallel_loop3A_1412, %parallel_loop3A_1413] {strides = array<i32>} : memref<5x8x128xf32, #tpu.memory_space<vmem>>, vector<16xf32>,
          tpu.vector_store %parallel_loop3A_1410[%parallel_loop3A_1411, %parallel_loop3A_1412, %parallel_loop3A_1413], %parallel_loop3A_1404 {strides = array<i32>} : memref<5x8x128xf32, #tpu.memory_space<vmem>>, vector<16xf32>,
          %parallel_loop3A_1415 = arith.constant 128 : i32
          %parallel_loop3A_1416 = arith.muli %parallel_loop3A_1276, %parallel_loop3A_1415 : i32
          %parallel_loop3A_1417 = arith.constant 96 : i32
          %parallel_loop3A_1418 = arith.addi %parallel_loop3A_1416, %parallel_loop3A_1417 : i32
          %parallel_loop3A_1419 = arith.constant 1 : i32
          %parallel_loop3A_1420 = arith.constant 0 : i32
          %parallel_loop3A_1421 = arith.constant 0 : i32
          %parallel_loop3A_1422 = tpu.memref_slice %arg6[%parallel_loop3A_1419, %parallel_loop3A_1420, %parallel_loop3A_1421] : memref<2x5x1024xi32, #tpu.memory_space<vmem>> -> memref<1x5x1024xi32, #tpu.memory_space<vmem>>
          %parallel_loop3A_1423 = tpu.memref_squeeze %parallel_loop3A_1422 : memref<1x5x1024xi32, #tpu.memory_space<vmem>> -> memref<5x1024xi32, #tpu.memory_space<vmem>>
          %parallel_loop3A_1424 = arith.index_cast %scan3A_1273 : i32 to index
          %parallel_loop3A_1425 = arith.index_cast %parallel_loop3A_1418 : i32 to index
          %parallel_loop3A_1426 = tpu.vector_load %parallel_loop3A_1423[%parallel_loop3A_1424, %parallel_loop3A_1425] {strides = array<i32>} : memref<5x1024xi32, #tpu.memory_space<vmem>>, vector<16xi32>,
          %parallel_loop3A_1427 = tpu.vector_load_idx %arg5[%parallel_loop3A_1426] : memref<100000xf32, #tpu.memory_space<vmem>>[vector<16xi32>], vector<16xf32>,
          %parallel_loop3A_1428 = arith.constant 1 : i32
          %parallel_loop3A_1429 = arith.constant 0 : i32
          %parallel_loop3A_1430 = arith.constant 0 : i32
          %parallel_loop3A_1431 = arith.constant 0 : i32
          %parallel_loop3A_1432 = tpu.memref_slice %arg7[%parallel_loop3A_1428, %parallel_loop3A_1429, %parallel_loop3A_1430, %parallel_loop3A_1431] : memref<2x5x8x128xf32, #tpu.memory_space<vmem>> -> memref<1x5x8x128xf32, #tpu.memory_space<vmem>>
          %parallel_loop3A_1433 = tpu.memref_squeeze %parallel_loop3A_1432 : memref<1x5x8x128xf32, #tpu.memory_space<vmem>> -> memref<5x8x128xf32, #tpu.memory_space<vmem>>
          %parallel_loop3A_1434 = arith.index_cast %scan3A_1273 : i32 to index
          %parallel_loop3A_1435 = arith.index_cast %parallel_loop3A_1276 : i32 to index
          %parallel_loop3A_1436 = arith.constant 96 : index
          %parallel_loop3A_1437 = tpu.vector_load %parallel_loop3A_1433[%parallel_loop3A_1434, %parallel_loop3A_1435, %parallel_loop3A_1436] {strides = array<i32>} : memref<5x8x128xf32, #tpu.memory_space<vmem>>, vector<16xf32>,
          tpu.vector_store %parallel_loop3A_1433[%parallel_loop3A_1434, %parallel_loop3A_1435, %parallel_loop3A_1436], %parallel_loop3A_1427 {strides = array<i32>} : memref<5x8x128xf32, #tpu.memory_space<vmem>>, vector<16xf32>,
          %parallel_loop3A_1438 = arith.constant 128 : i32
          %parallel_loop3A_1439 = arith.muli %parallel_loop3A_1276, %parallel_loop3A_1438 : i32
          %parallel_loop3A_1440 = arith.constant 112 : i32
          %parallel_loop3A_1441 = arith.addi %parallel_loop3A_1439, %parallel_loop3A_1440 : i32
          %parallel_loop3A_1442 = arith.constant 1 : i32
          %parallel_loop3A_1443 = arith.constant 0 : i32
          %parallel_loop3A_1444 = arith.constant 0 : i32
          %parallel_loop3A_1445 = tpu.memref_slice %arg6[%parallel_loop3A_1442, %parallel_loop3A_1443, %parallel_loop3A_1444] : memref<2x5x1024xi32, #tpu.memory_space<vmem>> -> memref<1x5x1024xi32, #tpu.memory_space<vmem>>
          %parallel_loop3A_1446 = tpu.memref_squeeze %parallel_loop3A_1445 : memref<1x5x1024xi32, #tpu.memory_space<vmem>> -> memref<5x1024xi32, #tpu.memory_space<vmem>>
          %parallel_loop3A_1447 = arith.index_cast %scan3A_1273 : i32 to index
          %parallel_loop3A_1448 = arith.index_cast %parallel_loop3A_1441 : i32 to index
          %parallel_loop3A_1449 = tpu.vector_load %parallel_loop3A_1446[%parallel_loop3A_1447, %parallel_loop3A_1448] {strides = array<i32>} : memref<5x1024xi32, #tpu.memory_space<vmem>>, vector<16xi32>,
          %parallel_loop3A_1450 = tpu.vector_load_idx %arg5[%parallel_loop3A_1449] : memref<100000xf32, #tpu.memory_space<vmem>>[vector<16xi32>], vector<16xf32>,
          %parallel_loop3A_1451 = arith.constant 1 : i32
          %parallel_loop3A_1452 = arith.constant 0 : i32
          %parallel_loop3A_1453 = arith.constant 0 : i32
          %parallel_loop3A_1454 = arith.constant 0 : i32
          %parallel_loop3A_1455 = tpu.memref_slice %arg7[%parallel_loop3A_1451, %parallel_loop3A_1452, %parallel_loop3A_1453, %parallel_loop3A_1454] : memref<2x5x8x128xf32, #tpu.memory_space<vmem>> -> memref<1x5x8x128xf32, #tpu.memory_space<vmem>>
          %parallel_loop3A_1456 = tpu.memref_squeeze %parallel_loop3A_1455 : memref<1x5x8x128xf32, #tpu.memory_space<vmem>> -> memref<5x8x128xf32, #tpu.memory_space<vmem>>
          %parallel_loop3A_1457 = arith.index_cast %scan3A_1273 : i32 to index
          %parallel_loop3A_1458 = arith.index_cast %parallel_loop3A_1276 : i32 to index
          %parallel_loop3A_1459 = arith.constant 112 : index
          %parallel_loop3A_1460 = tpu.vector_load %parallel_loop3A_1456[%parallel_loop3A_1457, %parallel_loop3A_1458, %parallel_loop3A_1459] {strides = array<i32>} : memref<5x8x128xf32, #tpu.memory_space<vmem>>, vector<16xf32>,
          tpu.vector_store %parallel_loop3A_1456[%parallel_loop3A_1457, %parallel_loop3A_1458, %parallel_loop3A_1459], %parallel_loop3A_1450 {strides = array<i32>} : memref<5x8x128xf32, #tpu.memory_space<vmem>>, vector<16xf32>,
        } {sc.loop_unroll_factor = 2 : i64, sc.parallel_access}
      }
      %scan3A_698 = arith.constant 5 : i32
      %jit3A_699 = arith.constant 8 : i32
      %div3A_700 = arith.divsi %add3A_42, %jit3A_699 : i32
      %sign3A_701 = arith.constant 0 : i32
      %sign3A_702 = arith.cmpi sgt, %add3A_42, %sign3A_701 : i32
      %sign3A_703 = arith.extui %sign3A_702 : i1 to i32
      %sign3A_704 = arith.constant 0 : i32
      %sign3A_705 = arith.cmpi slt, %add3A_42, %sign3A_704 : i32
      %sign3A_706 = arith.extui %sign3A_705 : i1 to i32
      %sign3A_707 = arith.subi %sign3A_703, %sign3A_706 : i32
      %sign3A_708 = arith.constant 0 : i32
      %sign3A_709 = arith.cmpi sgt, %jit3A_699, %sign3A_708 : i32
      %sign3A_710 = arith.extui %sign3A_709 : i1 to i32
      %sign3A_711 = arith.constant 0 : i32
      %sign3A_712 = arith.cmpi slt, %jit3A_699, %sign3A_711 : i32
      %sign3A_713 = arith.extui %sign3A_712 : i1 to i32
      %sign3A_714 = arith.subi %sign3A_710, %sign3A_713 : i32
      %ne3A_715 = arith.cmpi ne, %sign3A_707, %sign3A_714 : i32
      %rem3A_716 = arith.remsi %add3A_42, %jit3A_699 : i32
      %ne3A_717 = arith.constant 0 : i32
      %ne3A_718 = arith.cmpi ne, %rem3A_716, %ne3A_717 : i32
      %and3A_719 = arith.andi %ne3A_715, %ne3A_718 : i1
      %sub3A_720 = arith.constant 1 : i32
      %sub3A_721 = arith.subi %div3A_700, %sub3A_720 : i32
      %select_n3A_722 = arith.select %and3A_719, %sub3A_721, %div3A_700 : i32
      %jit3A_723 = arith.constant 8 : i32
      %eq3A_724 = arith.constant 0 : i32
      %eq3A_725 = arith.cmpi eq, %jit3A_723, %eq3A_724 : i32
      %jit3A_726 = arith.constant 1 : i32
      %select_n3A_727 = arith.select %eq3A_725, %jit3A_726, %jit3A_723 : i32
      %rem3A_728 = arith.remsi %add3A_42, %select_n3A_727 : i32
      %ne3A_729 = arith.constant 0 : i32
      %ne3A_730 = arith.cmpi ne, %rem3A_728, %ne3A_729 : i32
      %lt3A_731 = arith.constant 0 : i32
      %lt3A_732 = arith.cmpi slt, %rem3A_728, %lt3A_731 : i32
      %lt3A_733 = arith.constant 0 : i32
      %lt3A_734 = arith.cmpi slt, %select_n3A_727, %lt3A_733 : i32
      %ne3A_735 = arith.xori %lt3A_732, %lt3A_734 : i1
      %and3A_736 = arith.andi %ne3A_735, %ne3A_730 : i1
      %add3A_737 = arith.addi %rem3A_728, %select_n3A_727 : i32
      %select_n3A_738 = arith.select %and3A_736, %add3A_737, %rem3A_728 : i32
      %dma_start3A_739 = arith.constant 1 : i32
      %dma_start3A_740 = arith.constant 0 : i32
      %dma_start3A_741 = arith.constant 0 : i32
      %dma_start3A_742 = arith.constant 0 : i32
      %dma_start3A_743 = tpu.memref_slice %arg7[%dma_start3A_739, %dma_start3A_740, %dma_start3A_741, %dma_start3A_742] : memref<2x5x8x128xf32, #tpu.memory_space<vmem>> -> memref<1x5x8x128xf32, #tpu.memory_space<vmem>>
      %dma_start3A_744 = tpu.memref_squeeze %dma_start3A_743 : memref<1x5x8x128xf32, #tpu.memory_space<vmem>> -> memref<5x8x128xf32, #tpu.memory_space<vmem>>
      %dma_start3A_745 = arith.constant 25 : i32
      %dma_start3A_746 = arith.constant 0 : i32
      %dma_start3A_747 = arith.constant 0 : i32
      %dma_start3A_748 = tpu.memref_slice %arg4[%dma_start3A_745, %select_n3A_722, %dma_start3A_746, %select_n3A_738, %dma_start3A_747] : memref<50x52x8x8x128xf32, #tpu.memory_space<hbm>> -> memref<5x1x8x1x128xf32, #tpu.memory_space<hbm>>
      %dma_start3A_749 = tpu.memref_squeeze %dma_start3A_748 : memref<5x1x8x1x128xf32, #tpu.memory_space<hbm>> -> memref<5x8x128xf32, #tpu.memory_space<hbm>>
      %dma_start3A_750 = arith.constant 25 : i32
      %dma_start3A_751 = arith.constant 0 : i32
      %dma_start3A_752 = arith.constant 0 : i32
      %dma_start3A_753 = tpu.memref_slice %arg4[%dma_start3A_750, %select_n3A_722, %dma_start3A_751, %select_n3A_738, %dma_start3A_752] : memref<50x52x8x8x128xf32, #tpu.memory_space<hbm>> -> memref<5x1x8x1x128xf32, #tpu.memory_space<hbm>>
      %dma_start3A_754 = tpu.memref_squeeze %dma_start3A_753 : memref<5x1x8x1x128xf32, #tpu.memory_space<hbm>> -> memref<5x8x128xf32, #tpu.memory_space<hbm>>
      %dma_start3A_755 = arith.constant 0 : i32
      %dma_start3A_756 = arith.constant 0 : i32
      %dma_start3A_757 = arith.constant 0 : i32
      %dma_start3A_758 = tpu.memref_slice %arg7[%dma_start3A_739, %dma_start3A_755, %dma_start3A_756, %dma_start3A_757] : memref<2x5x8x128xf32, #tpu.memory_space<vmem>> -> memref<1x5x8x128xf32, #tpu.memory_space<vmem>>
      %dma_start3A_759 = tpu.memref_squeeze %dma_start3A_758 : memref<1x5x8x128xf32, #tpu.memory_space<vmem>> -> memref<5x8x128xf32, #tpu.memory_space<vmem>>
      tpu.enqueue_dma source(%dma_start3A_759 : memref<5x8x128xf32, #tpu.memory_space<vmem>>) target(%dma_start3A_754 : memref<5x8x128xf32, #tpu.memory_space<hbm>>) target_semaphore(%arg10 : memref<!tpu.dma_semaphore, #tpu.memory_space<semaphore_mem>>)
      %dma_start3A_760 = arith.constant 1 : i32
      %dma_start3A_761 = arith.constant 0 : i32
      %dma_start3A_762 = arith.constant 0 : i32
      %dma_start3A_763 = tpu.memref_slice %arg6[%dma_start3A_760, %dma_start3A_761, %dma_start3A_762] : memref<2x5x1024xi32, #tpu.memory_space<vmem>> -> memref<1x5x1024xi32, #tpu.memory_space<vmem>>
      %dma_start3A_764 = tpu.memref_squeeze %dma_start3A_763 : memref<1x5x1024xi32, #tpu.memory_space<vmem>> -> memref<5x1024xi32, #tpu.memory_space<vmem>>
      %dma_start3A_765 = arith.constant 35 : i32
      %dma_start3A_766 = arith.constant 0 : i32
      %dma_start3A_767 = tpu.memref_slice %arg3[%select_n3A, %dma_start3A_765, %dma_start3A_766] : memref<26x50x1024xi32, #tpu.memory_space<hbm>> -> memref<1x5x1024xi32, #tpu.memory_space<hbm>>
      %dma_start3A_768 = tpu.memref_squeeze %dma_start3A_767 : memref<1x5x1024xi32, #tpu.memory_space<hbm>> -> memref<5x1024xi32, #tpu.memory_space<hbm>>
      %dma_start3A_769 = arith.constant 0 : i32
      %dma_start3A_770 = arith.constant 0 : i32
      %dma_start3A_771 = tpu.memref_slice %arg6[%dma_start3A_760, %dma_start3A_769, %dma_start3A_770] : memref<2x5x1024xi32, #tpu.memory_space<vmem>> -> memref<1x5x1024xi32, #tpu.memory_space<vmem>>
      %dma_start3A_772 = tpu.memref_squeeze %dma_start3A_771 : memref<1x5x1024xi32, #tpu.memory_space<vmem>> -> memref<5x1024xi32, #tpu.memory_space<vmem>>
      %dma_start3A_773 = arith.constant 35 : i32
      %dma_start3A_774 = arith.constant 0 : i32
      %dma_start3A_775 = tpu.memref_slice %arg3[%select_n3A, %dma_start3A_773, %dma_start3A_774] : memref<26x50x1024xi32, #tpu.memory_space<hbm>> -> memref<1x5x1024xi32, #tpu.memory_space<hbm>>
      %dma_start3A_776 = tpu.memref_squeeze %dma_start3A_775 : memref<1x5x1024xi32, #tpu.memory_space<hbm>> -> memref<5x1024xi32, #tpu.memory_space<hbm>>
      tpu.enqueue_dma source(%dma_start3A_776 : memref<5x1024xi32, #tpu.memory_space<hbm>>) target(%dma_start3A_772 : memref<5x1024xi32, #tpu.memory_space<vmem>>) target_semaphore(%arg9 : memref<!tpu.dma_semaphore, #tpu.memory_space<semaphore_mem>>)
      %dma_wait3A_777 = arith.constant 0 : i32
      %dma_wait3A_778 = arith.constant 0 : i32
      %dma_wait3A_779 = arith.constant 0 : i32
      %dma_wait3A_780 = tpu.memref_slice %arg6[%dma_wait3A_777, %dma_wait3A_778, %dma_wait3A_779] : memref<2x5x1024xi32, #tpu.memory_space<vmem>> -> memref<1x5x1024xi32, #tpu.memory_space<vmem>>
      %dma_wait3A_781 = tpu.memref_squeeze %dma_wait3A_780 : memref<1x5x1024xi32, #tpu.memory_space<vmem>> -> memref<5x1024xi32, #tpu.memory_space<vmem>>
      %dma_wait3A_782 = arith.constant 30 : i32
      %dma_wait3A_783 = arith.constant 0 : i32
      %dma_wait3A_784 = tpu.memref_slice %arg3[%select_n3A, %dma_wait3A_782, %dma_wait3A_783] : memref<26x50x1024xi32, #tpu.memory_space<hbm>> -> memref<1x5x1024xi32, #tpu.memory_space<hbm>>
      %dma_wait3A_785 = tpu.memref_squeeze %dma_wait3A_784 : memref<1x5x1024xi32, #tpu.memory_space<hbm>> -> memref<5x1024xi32, #tpu.memory_space<hbm>>
      %dma_wait3A_786 = arith.constant 0 : i32
      %dma_wait3A_787 = arith.constant 0 : i32
      %dma_wait3A_788 = tpu.memref_slice %arg6[%dma_wait3A_777, %dma_wait3A_786, %dma_wait3A_787] : memref<2x5x1024xi32, #tpu.memory_space<vmem>> -> memref<1x5x1024xi32, #tpu.memory_space<vmem>>
      %dma_wait3A_789 = tpu.memref_squeeze %dma_wait3A_788 : memref<1x5x1024xi32, #tpu.memory_space<vmem>> -> memref<5x1024xi32, #tpu.memory_space<vmem>>
      %dma_wait3A_790 = arith.constant 30 : i32
      %dma_wait3A_791 = arith.constant 0 : i32
      %dma_wait3A_792 = tpu.memref_slice %arg3[%select_n3A, %dma_wait3A_790, %dma_wait3A_791] : memref<26x50x1024xi32, #tpu.memory_space<hbm>> -> memref<1x5x1024xi32, #tpu.memory_space<hbm>>
      %dma_wait3A_793 = tpu.memref_squeeze %dma_wait3A_792 : memref<1x5x1024xi32, #tpu.memory_space<hbm>> -> memref<5x1024xi32, #tpu.memory_space<hbm>>
      tpu.wait_dma2 semaphore(%arg9 : memref<!tpu.dma_semaphore, #tpu.memory_space<semaphore_mem>>) src(%dma_wait3A_793 : memref<5x1024xi32, #tpu.memory_space<hbm>>) dst(%dma_wait3A_789 : memref<5x1024xi32, #tpu.memory_space<vmem>>)
      %dma_wait3A_794 = arith.constant 0 : i32
      %dma_wait3A_795 = arith.constant 0 : i32
      %dma_wait3A_796 = arith.constant 0 : i32
      %dma_wait3A_797 = arith.constant 0 : i32
      %dma_wait3A_798 = tpu.memref_slice %arg7[%dma_wait3A_794, %dma_wait3A_795, %dma_wait3A_796, %dma_wait3A_797] : memref<2x5x8x128xf32, #tpu.memory_space<vmem>> -> memref<1x5x8x128xf32, #tpu.memory_space<vmem>>
      %dma_wait3A_799 = tpu.memref_squeeze %dma_wait3A_798 : memref<1x5x8x128xf32, #tpu.memory_space<vmem>> -> memref<5x8x128xf32, #tpu.memory_space<vmem>>
      %dma_wait3A_800 = arith.constant 20 : i32
      %dma_wait3A_801 = arith.constant 0 : i32
      %dma_wait3A_802 = arith.constant 0 : i32
      %dma_wait3A_803 = tpu.memref_slice %arg4[%dma_wait3A_800, %select_n3A_600, %dma_wait3A_801, %select_n3A_616, %dma_wait3A_802] : memref<50x52x8x8x128xf32, #tpu.memory_space<hbm>> -> memref<5x1x8x1x128xf32, #tpu.memory_space<hbm>>
      %dma_wait3A_804 = tpu.memref_squeeze %dma_wait3A_803 : memref<5x1x8x1x128xf32, #tpu.memory_space<hbm>> -> memref<5x8x128xf32, #tpu.memory_space<hbm>>
      %dma_wait3A_805 = arith.constant 20 : i32
      %dma_wait3A_806 = arith.constant 0 : i32
      %dma_wait3A_807 = arith.constant 0 : i32
      %dma_wait3A_808 = tpu.memref_slice %arg4[%dma_wait3A_805, %select_n3A_600, %dma_wait3A_806, %select_n3A_616, %dma_wait3A_807] : memref<50x52x8x8x128xf32, #tpu.memory_space<hbm>> -> memref<5x1x8x1x128xf32, #tpu.memory_space<hbm>>
      %dma_wait3A_809 = tpu.memref_squeeze %dma_wait3A_808 : memref<5x1x8x1x128xf32, #tpu.memory_space<hbm>> -> memref<5x8x128xf32, #tpu.memory_space<hbm>>
      %dma_wait3A_810 = arith.constant 0 : i32
      %dma_wait3A_811 = arith.constant 0 : i32
      %dma_wait3A_812 = arith.constant 0 : i32
      %dma_wait3A_813 = tpu.memref_slice %arg7[%dma_wait3A_794, %dma_wait3A_810, %dma_wait3A_811, %dma_wait3A_812] : memref<2x5x8x128xf32, #tpu.memory_space<vmem>> -> memref<1x5x8x128xf32, #tpu.memory_space<vmem>>
      %dma_wait3A_814 = tpu.memref_squeeze %dma_wait3A_813 : memref<1x5x8x128xf32, #tpu.memory_space<vmem>> -> memref<5x8x128xf32, #tpu.memory_space<vmem>>
      tpu.wait_dma2 semaphore(%arg10 : memref<!tpu.dma_semaphore, #tpu.memory_space<semaphore_mem>>) src(%dma_wait3A_814 : memref<5x8x128xf32, #tpu.memory_space<vmem>>) dst(%dma_wait3A_809 : memref<5x8x128xf32, #tpu.memory_space<hbm>>)
      %scan3A_815 = arith.constant 0 : i32
      %scan3A_816 = arith.constant 0 : i32
      %scan3A_817 = arith.constant 5 : i32
      %scan3A_818 = arith.addi %scan3A_816, %scan3A_817 : i32
      %scan3A_819 = arith.constant 1 : i32
      scf.for %scan3A_1273 = %scan3A_816 to %scan3A_818 step %scan3A_819  : i32 {
        %parallel_loop3A = arith.constant 0 : i32
        %parallel_loop3A_1274 = arith.constant 8 : i32
        %parallel_loop3A_1275 = arith.constant 1 : i32
        scf.for %parallel_loop3A_1276 = %parallel_loop3A to %parallel_loop3A_1274 step %parallel_loop3A_1275  : i32 {
          %parallel_loop3A_1277 = arith.constant 128 : i32
          %parallel_loop3A_1278 = arith.muli %parallel_loop3A_1276, %parallel_loop3A_1277 : i32
          %parallel_loop3A_1279 = arith.constant 0 : i32
          %parallel_loop3A_1280 = arith.addi %parallel_loop3A_1278, %parallel_loop3A_1279 : i32
          %parallel_loop3A_1281 = arith.constant 0 : i32
          %parallel_loop3A_1282 = arith.constant 0 : i32
          %parallel_loop3A_1283 = arith.constant 0 : i32
          %parallel_loop3A_1284 = tpu.memref_slice %arg6[%parallel_loop3A_1281, %parallel_loop3A_1282, %parallel_loop3A_1283] : memref<2x5x1024xi32, #tpu.memory_space<vmem>> -> memref<1x5x1024xi32, #tpu.memory_space<vmem>>
          %parallel_loop3A_1285 = tpu.memref_squeeze %parallel_loop3A_1284 : memref<1x5x1024xi32, #tpu.memory_space<vmem>> -> memref<5x1024xi32, #tpu.memory_space<vmem>>
          %parallel_loop3A_1286 = arith.index_cast %scan3A_1273 : i32 to index
          %parallel_loop3A_1287 = arith.index_cast %parallel_loop3A_1280 : i32 to index
          %parallel_loop3A_1288 = tpu.vector_load %parallel_loop3A_1285[%parallel_loop3A_1286, %parallel_loop3A_1287] {strides = array<i32>} : memref<5x1024xi32, #tpu.memory_space<vmem>>, vector<16xi32>,
          %parallel_loop3A_1289 = tpu.vector_load_idx %arg5[%parallel_loop3A_1288] : memref<100000xf32, #tpu.memory_space<vmem>>[vector<16xi32>], vector<16xf32>,
          %parallel_loop3A_1290 = arith.constant 0 : i32
          %parallel_loop3A_1291 = arith.constant 0 : i32
          %parallel_loop3A_1292 = arith.constant 0 : i32
          %parallel_loop3A_1293 = arith.constant 0 : i32
          %parallel_loop3A_1294 = tpu.memref_slice %arg7[%parallel_loop3A_1290, %parallel_loop3A_1291, %parallel_loop3A_1292, %parallel_loop3A_1293] : memref<2x5x8x128xf32, #tpu.memory_space<vmem>> -> memref<1x5x8x128xf32, #tpu.memory_space<vmem>>
          %parallel_loop3A_1295 = tpu.memref_squeeze %parallel_loop3A_1294 : memref<1x5x8x128xf32, #tpu.memory_space<vmem>> -> memref<5x8x128xf32, #tpu.memory_space<vmem>>
          %parallel_loop3A_1296 = arith.index_cast %scan3A_1273 : i32 to index
          %parallel_loop3A_1297 = arith.index_cast %parallel_loop3A_1276 : i32 to index
          %parallel_loop3A_1298 = arith.constant 0 : index
          %parallel_loop3A_1299 = tpu.vector_load %parallel_loop3A_1295[%parallel_loop3A_1296, %parallel_loop3A_1297, %parallel_loop3A_1298] {strides = array<i32>} : memref<5x8x128xf32, #tpu.memory_space<vmem>>, vector<16xf32>,
          tpu.vector_store %parallel_loop3A_1295[%parallel_loop3A_1296, %parallel_loop3A_1297, %parallel_loop3A_1298], %parallel_loop3A_1289 {strides = array<i32>} : memref<5x8x128xf32, #tpu.memory_space<vmem>>, vector<16xf32>,
          %parallel_loop3A_1300 = arith.constant 128 : i32
          %parallel_loop3A_1301 = arith.muli %parallel_loop3A_1276, %parallel_loop3A_1300 : i32
          %parallel_loop3A_1302 = arith.constant 16 : i32
          %parallel_loop3A_1303 = arith.addi %parallel_loop3A_1301, %parallel_loop3A_1302 : i32
          %parallel_loop3A_1304 = arith.constant 0 : i32
          %parallel_loop3A_1305 = arith.constant 0 : i32
          %parallel_loop3A_1306 = arith.constant 0 : i32
          %parallel_loop3A_1307 = tpu.memref_slice %arg6[%parallel_loop3A_1304, %parallel_loop3A_1305, %parallel_loop3A_1306] : memref<2x5x1024xi32, #tpu.memory_space<vmem>> -> memref<1x5x1024xi32, #tpu.memory_space<vmem>>
          %parallel_loop3A_1308 = tpu.memref_squeeze %parallel_loop3A_1307 : memref<1x5x1024xi32, #tpu.memory_space<vmem>> -> memref<5x1024xi32, #tpu.memory_space<vmem>>
          %parallel_loop3A_1309 = arith.index_cast %scan3A_1273 : i32 to index
          %parallel_loop3A_1310 = arith.index_cast %parallel_loop3A_1303 : i32 to index
          %parallel_loop3A_1311 = tpu.vector_load %parallel_loop3A_1308[%parallel_loop3A_1309, %parallel_loop3A_1310] {strides = array<i32>} : memref<5x1024xi32, #tpu.memory_space<vmem>>, vector<16xi32>,
          %parallel_loop3A_1312 = tpu.vector_load_idx %arg5[%parallel_loop3A_1311] : memref<100000xf32, #tpu.memory_space<vmem>>[vector<16xi32>], vector<16xf32>,
          %parallel_loop3A_1313 = arith.constant 0 : i32
          %parallel_loop3A_1314 = arith.constant 0 : i32
          %parallel_loop3A_1315 = arith.constant 0 : i32
          %parallel_loop3A_1316 = arith.constant 0 : i32
          %parallel_loop3A_1317 = tpu.memref_slice %arg7[%parallel_loop3A_1313, %parallel_loop3A_1314, %parallel_loop3A_1315, %parallel_loop3A_1316] : memref<2x5x8x128xf32, #tpu.memory_space<vmem>> -> memref<1x5x8x128xf32, #tpu.memory_space<vmem>>
          %parallel_loop3A_1318 = tpu.memref_squeeze %parallel_loop3A_1317 : memref<1x5x8x128xf32, #tpu.memory_space<vmem>> -> memref<5x8x128xf32, #tpu.memory_space<vmem>>
          %parallel_loop3A_1319 = arith.index_cast %scan3A_1273 : i32 to index
          %parallel_loop3A_1320 = arith.index_cast %parallel_loop3A_1276 : i32 to index
          %parallel_loop3A_1321 = arith.constant 16 : index
          %parallel_loop3A_1322 = tpu.vector_load %parallel_loop3A_1318[%parallel_loop3A_1319, %parallel_loop3A_1320, %parallel_loop3A_1321] {strides = array<i32>} : memref<5x8x128xf32, #tpu.memory_space<vmem>>, vector<16xf32>,
          tpu.vector_store %parallel_loop3A_1318[%parallel_loop3A_1319, %parallel_loop3A_1320, %parallel_loop3A_1321], %parallel_loop3A_1312 {strides = array<i32>} : memref<5x8x128xf32, #tpu.memory_space<vmem>>, vector<16xf32>,
          %parallel_loop3A_1323 = arith.constant 128 : i32
          %parallel_loop3A_1324 = arith.muli %parallel_loop3A_1276, %parallel_loop3A_1323 : i32
          %parallel_loop3A_1325 = arith.constant 32 : i32
          %parallel_loop3A_1326 = arith.addi %parallel_loop3A_1324, %parallel_loop3A_1325 : i32
          %parallel_loop3A_1327 = arith.constant 0 : i32
          %parallel_loop3A_1328 = arith.constant 0 : i32
          %parallel_loop3A_1329 = arith.constant 0 : i32
          %parallel_loop3A_1330 = tpu.memref_slice %arg6[%parallel_loop3A_1327, %parallel_loop3A_1328, %parallel_loop3A_1329] : memref<2x5x1024xi32, #tpu.memory_space<vmem>> -> memref<1x5x1024xi32, #tpu.memory_space<vmem>>
          %parallel_loop3A_1331 = tpu.memref_squeeze %parallel_loop3A_1330 : memref<1x5x1024xi32, #tpu.memory_space<vmem>> -> memref<5x1024xi32, #tpu.memory_space<vmem>>
          %parallel_loop3A_1332 = arith.index_cast %scan3A_1273 : i32 to index
          %parallel_loop3A_1333 = arith.index_cast %parallel_loop3A_1326 : i32 to index
          %parallel_loop3A_1334 = tpu.vector_load %parallel_loop3A_1331[%parallel_loop3A_1332, %parallel_loop3A_1333] {strides = array<i32>} : memref<5x1024xi32, #tpu.memory_space<vmem>>, vector<16xi32>,
          %parallel_loop3A_1335 = tpu.vector_load_idx %arg5[%parallel_loop3A_1334] : memref<100000xf32, #tpu.memory_space<vmem>>[vector<16xi32>], vector<16xf32>,
          %parallel_loop3A_1336 = arith.constant 0 : i32
          %parallel_loop3A_1337 = arith.constant 0 : i32
          %parallel_loop3A_1338 = arith.constant 0 : i32
          %parallel_loop3A_1339 = arith.constant 0 : i32
          %parallel_loop3A_1340 = tpu.memref_slice %arg7[%parallel_loop3A_1336, %parallel_loop3A_1337, %parallel_loop3A_1338, %parallel_loop3A_1339] : memref<2x5x8x128xf32, #tpu.memory_space<vmem>> -> memref<1x5x8x128xf32, #tpu.memory_space<vmem>>
          %parallel_loop3A_1341 = tpu.memref_squeeze %parallel_loop3A_1340 : memref<1x5x8x128xf32, #tpu.memory_space<vmem>> -> memref<5x8x128xf32, #tpu.memory_space<vmem>>
          %parallel_loop3A_1342 = arith.index_cast %scan3A_1273 : i32 to index
          %parallel_loop3A_1343 = arith.index_cast %parallel_loop3A_1276 : i32 to index
          %parallel_loop3A_1344 = arith.constant 32 : index
          %parallel_loop3A_1345 = tpu.vector_load %parallel_loop3A_1341[%parallel_loop3A_1342, %parallel_loop3A_1343, %parallel_loop3A_1344] {strides = array<i32>} : memref<5x8x128xf32, #tpu.memory_space<vmem>>, vector<16xf32>,
          tpu.vector_store %parallel_loop3A_1341[%parallel_loop3A_1342, %parallel_loop3A_1343, %parallel_loop3A_1344], %parallel_loop3A_1335 {strides = array<i32>} : memref<5x8x128xf32, #tpu.memory_space<vmem>>, vector<16xf32>,
          %parallel_loop3A_1346 = arith.constant 128 : i32
          %parallel_loop3A_1347 = arith.muli %parallel_loop3A_1276, %parallel_loop3A_1346 : i32
          %parallel_loop3A_1348 = arith.constant 48 : i32
          %parallel_loop3A_1349 = arith.addi %parallel_loop3A_1347, %parallel_loop3A_1348 : i32
          %parallel_loop3A_1350 = arith.constant 0 : i32
          %parallel_loop3A_1351 = arith.constant 0 : i32
          %parallel_loop3A_1352 = arith.constant 0 : i32
          %parallel_loop3A_1353 = tpu.memref_slice %arg6[%parallel_loop3A_1350, %parallel_loop3A_1351, %parallel_loop3A_1352] : memref<2x5x1024xi32, #tpu.memory_space<vmem>> -> memref<1x5x1024xi32, #tpu.memory_space<vmem>>
          %parallel_loop3A_1354 = tpu.memref_squeeze %parallel_loop3A_1353 : memref<1x5x1024xi32, #tpu.memory_space<vmem>> -> memref<5x1024xi32, #tpu.memory_space<vmem>>
          %parallel_loop3A_1355 = arith.index_cast %scan3A_1273 : i32 to index
          %parallel_loop3A_1356 = arith.index_cast %parallel_loop3A_1349 : i32 to index
          %parallel_loop3A_1357 = tpu.vector_load %parallel_loop3A_1354[%parallel_loop3A_1355, %parallel_loop3A_1356] {strides = array<i32>} : memref<5x1024xi32, #tpu.memory_space<vmem>>, vector<16xi32>,
          %parallel_loop3A_1358 = tpu.vector_load_idx %arg5[%parallel_loop3A_1357] : memref<100000xf32, #tpu.memory_space<vmem>>[vector<16xi32>], vector<16xf32>,
          %parallel_loop3A_1359 = arith.constant 0 : i32
          %parallel_loop3A_1360 = arith.constant 0 : i32
          %parallel_loop3A_1361 = arith.constant 0 : i32
          %parallel_loop3A_1362 = arith.constant 0 : i32
          %parallel_loop3A_1363 = tpu.memref_slice %arg7[%parallel_loop3A_1359, %parallel_loop3A_1360, %parallel_loop3A_1361, %parallel_loop3A_1362] : memref<2x5x8x128xf32, #tpu.memory_space<vmem>> -> memref<1x5x8x128xf32, #tpu.memory_space<vmem>>
          %parallel_loop3A_1364 = tpu.memref_squeeze %parallel_loop3A_1363 : memref<1x5x8x128xf32, #tpu.memory_space<vmem>> -> memref<5x8x128xf32, #tpu.memory_space<vmem>>
          %parallel_loop3A_1365 = arith.index_cast %scan3A_1273 : i32 to index
          %parallel_loop3A_1366 = arith.index_cast %parallel_loop3A_1276 : i32 to index
          %parallel_loop3A_1367 = arith.constant 48 : index
          %parallel_loop3A_1368 = tpu.vector_load %parallel_loop3A_1364[%parallel_loop3A_1365, %parallel_loop3A_1366, %parallel_loop3A_1367] {strides = array<i32>} : memref<5x8x128xf32, #tpu.memory_space<vmem>>, vector<16xf32>,
          tpu.vector_store %parallel_loop3A_1364[%parallel_loop3A_1365, %parallel_loop3A_1366, %parallel_loop3A_1367], %parallel_loop3A_1358 {strides = array<i32>} : memref<5x8x128xf32, #tpu.memory_space<vmem>>, vector<16xf32>,
          %parallel_loop3A_1369 = arith.constant 128 : i32
          %parallel_loop3A_1370 = arith.muli %parallel_loop3A_1276, %parallel_loop3A_1369 : i32
          %parallel_loop3A_1371 = arith.constant 64 : i32
          %parallel_loop3A_1372 = arith.addi %parallel_loop3A_1370, %parallel_loop3A_1371 : i32
          %parallel_loop3A_1373 = arith.constant 0 : i32
          %parallel_loop3A_1374 = arith.constant 0 : i32
          %parallel_loop3A_1375 = arith.constant 0 : i32
          %parallel_loop3A_1376 = tpu.memref_slice %arg6[%parallel_loop3A_1373, %parallel_loop3A_1374, %parallel_loop3A_1375] : memref<2x5x1024xi32, #tpu.memory_space<vmem>> -> memref<1x5x1024xi32, #tpu.memory_space<vmem>>
          %parallel_loop3A_1377 = tpu.memref_squeeze %parallel_loop3A_1376 : memref<1x5x1024xi32, #tpu.memory_space<vmem>> -> memref<5x1024xi32, #tpu.memory_space<vmem>>
          %parallel_loop3A_1378 = arith.index_cast %scan3A_1273 : i32 to index
          %parallel_loop3A_1379 = arith.index_cast %parallel_loop3A_1372 : i32 to index
          %parallel_loop3A_1380 = tpu.vector_load %parallel_loop3A_1377[%parallel_loop3A_1378, %parallel_loop3A_1379] {strides = array<i32>} : memref<5x1024xi32, #tpu.memory_space<vmem>>, vector<16xi32>,
          %parallel_loop3A_1381 = tpu.vector_load_idx %arg5[%parallel_loop3A_1380] : memref<100000xf32, #tpu.memory_space<vmem>>[vector<16xi32>], vector<16xf32>,
          %parallel_loop3A_1382 = arith.constant 0 : i32
          %parallel_loop3A_1383 = arith.constant 0 : i32
          %parallel_loop3A_1384 = arith.constant 0 : i32
          %parallel_loop3A_1385 = arith.constant 0 : i32
          %parallel_loop3A_1386 = tpu.memref_slice %arg7[%parallel_loop3A_1382, %parallel_loop3A_1383, %parallel_loop3A_1384, %parallel_loop3A_1385] : memref<2x5x8x128xf32, #tpu.memory_space<vmem>> -> memref<1x5x8x128xf32, #tpu.memory_space<vmem>>
          %parallel_loop3A_1387 = tpu.memref_squeeze %parallel_loop3A_1386 : memref<1x5x8x128xf32, #tpu.memory_space<vmem>> -> memref<5x8x128xf32, #tpu.memory_space<vmem>>
          %parallel_loop3A_1388 = arith.index_cast %scan3A_1273 : i32 to index
          %parallel_loop3A_1389 = arith.index_cast %parallel_loop3A_1276 : i32 to index
          %parallel_loop3A_1390 = arith.constant 64 : index
          %parallel_loop3A_1391 = tpu.vector_load %parallel_loop3A_1387[%parallel_loop3A_1388, %parallel_loop3A_1389, %parallel_loop3A_1390] {strides = array<i32>} : memref<5x8x128xf32, #tpu.memory_space<vmem>>, vector<16xf32>,
          tpu.vector_store %parallel_loop3A_1387[%parallel_loop3A_1388, %parallel_loop3A_1389, %parallel_loop3A_1390], %parallel_loop3A_1381 {strides = array<i32>} : memref<5x8x128xf32, #tpu.memory_space<vmem>>, vector<16xf32>,
          %parallel_loop3A_1392 = arith.constant 128 : i32
          %parallel_loop3A_1393 = arith.muli %parallel_loop3A_1276, %parallel_loop3A_1392 : i32
          %parallel_loop3A_1394 = arith.constant 80 : i32
          %parallel_loop3A_1395 = arith.addi %parallel_loop3A_1393, %parallel_loop3A_1394 : i32
          %parallel_loop3A_1396 = arith.constant 0 : i32
          %parallel_loop3A_1397 = arith.constant 0 : i32
          %parallel_loop3A_1398 = arith.constant 0 : i32
          %parallel_loop3A_1399 = tpu.memref_slice %arg6[%parallel_loop3A_1396, %parallel_loop3A_1397, %parallel_loop3A_1398] : memref<2x5x1024xi32, #tpu.memory_space<vmem>> -> memref<1x5x1024xi32, #tpu.memory_space<vmem>>
          %parallel_loop3A_1400 = tpu.memref_squeeze %parallel_loop3A_1399 : memref<1x5x1024xi32, #tpu.memory_space<vmem>> -> memref<5x1024xi32, #tpu.memory_space<vmem>>
          %parallel_loop3A_1401 = arith.index_cast %scan3A_1273 : i32 to index
          %parallel_loop3A_1402 = arith.index_cast %parallel_loop3A_1395 : i32 to index
          %parallel_loop3A_1403 = tpu.vector_load %parallel_loop3A_1400[%parallel_loop3A_1401, %parallel_loop3A_1402] {strides = array<i32>} : memref<5x1024xi32, #tpu.memory_space<vmem>>, vector<16xi32>,
          %parallel_loop3A_1404 = tpu.vector_load_idx %arg5[%parallel_loop3A_1403] : memref<100000xf32, #tpu.memory_space<vmem>>[vector<16xi32>], vector<16xf32>,
          %parallel_loop3A_1405 = arith.constant 0 : i32
          %parallel_loop3A_1406 = arith.constant 0 : i32
          %parallel_loop3A_1407 = arith.constant 0 : i32
          %parallel_loop3A_1408 = arith.constant 0 : i32
          %parallel_loop3A_1409 = tpu.memref_slice %arg7[%parallel_loop3A_1405, %parallel_loop3A_1406, %parallel_loop3A_1407, %parallel_loop3A_1408] : memref<2x5x8x128xf32, #tpu.memory_space<vmem>> -> memref<1x5x8x128xf32, #tpu.memory_space<vmem>>
          %parallel_loop3A_1410 = tpu.memref_squeeze %parallel_loop3A_1409 : memref<1x5x8x128xf32, #tpu.memory_space<vmem>> -> memref<5x8x128xf32, #tpu.memory_space<vmem>>
          %parallel_loop3A_1411 = arith.index_cast %scan3A_1273 : i32 to index
          %parallel_loop3A_1412 = arith.index_cast %parallel_loop3A_1276 : i32 to index
          %parallel_loop3A_1413 = arith.constant 80 : index
          %parallel_loop3A_1414 = tpu.vector_load %parallel_loop3A_1410[%parallel_loop3A_1411, %parallel_loop3A_1412, %parallel_loop3A_1413] {strides = array<i32>} : memref<5x8x128xf32, #tpu.memory_space<vmem>>, vector<16xf32>,
          tpu.vector_store %parallel_loop3A_1410[%parallel_loop3A_1411, %parallel_loop3A_1412, %parallel_loop3A_1413], %parallel_loop3A_1404 {strides = array<i32>} : memref<5x8x128xf32, #tpu.memory_space<vmem>>, vector<16xf32>,
          %parallel_loop3A_1415 = arith.constant 128 : i32
          %parallel_loop3A_1416 = arith.muli %parallel_loop3A_1276, %parallel_loop3A_1415 : i32
          %parallel_loop3A_1417 = arith.constant 96 : i32
          %parallel_loop3A_1418 = arith.addi %parallel_loop3A_1416, %parallel_loop3A_1417 : i32
          %parallel_loop3A_1419 = arith.constant 0 : i32
          %parallel_loop3A_1420 = arith.constant 0 : i32
          %parallel_loop3A_1421 = arith.constant 0 : i32
          %parallel_loop3A_1422 = tpu.memref_slice %arg6[%parallel_loop3A_1419, %parallel_loop3A_1420, %parallel_loop3A_1421] : memref<2x5x1024xi32, #tpu.memory_space<vmem>> -> memref<1x5x1024xi32, #tpu.memory_space<vmem>>
          %parallel_loop3A_1423 = tpu.memref_squeeze %parallel_loop3A_1422 : memref<1x5x1024xi32, #tpu.memory_space<vmem>> -> memref<5x1024xi32, #tpu.memory_space<vmem>>
          %parallel_loop3A_1424 = arith.index_cast %scan3A_1273 : i32 to index
          %parallel_loop3A_1425 = arith.index_cast %parallel_loop3A_1418 : i32 to index
          %parallel_loop3A_1426 = tpu.vector_load %parallel_loop3A_1423[%parallel_loop3A_1424, %parallel_loop3A_1425] {strides = array<i32>} : memref<5x1024xi32, #tpu.memory_space<vmem>>, vector<16xi32>,
          %parallel_loop3A_1427 = tpu.vector_load_idx %arg5[%parallel_loop3A_1426] : memref<100000xf32, #tpu.memory_space<vmem>>[vector<16xi32>], vector<16xf32>,
          %parallel_loop3A_1428 = arith.constant 0 : i32
          %parallel_loop3A_1429 = arith.constant 0 : i32
          %parallel_loop3A_1430 = arith.constant 0 : i32
          %parallel_loop3A_1431 = arith.constant 0 : i32
          %parallel_loop3A_1432 = tpu.memref_slice %arg7[%parallel_loop3A_1428, %parallel_loop3A_1429, %parallel_loop3A_1430, %parallel_loop3A_1431] : memref<2x5x8x128xf32, #tpu.memory_space<vmem>> -> memref<1x5x8x128xf32, #tpu.memory_space<vmem>>
          %parallel_loop3A_1433 = tpu.memref_squeeze %parallel_loop3A_1432 : memref<1x5x8x128xf32, #tpu.memory_space<vmem>> -> memref<5x8x128xf32, #tpu.memory_space<vmem>>
          %parallel_loop3A_1434 = arith.index_cast %scan3A_1273 : i32 to index
          %parallel_loop3A_1435 = arith.index_cast %parallel_loop3A_1276 : i32 to index
          %parallel_loop3A_1436 = arith.constant 96 : index
          %parallel_loop3A_1437 = tpu.vector_load %parallel_loop3A_1433[%parallel_loop3A_1434, %parallel_loop3A_1435, %parallel_loop3A_1436] {strides = array<i32>} : memref<5x8x128xf32, #tpu.memory_space<vmem>>, vector<16xf32>,
          tpu.vector_store %parallel_loop3A_1433[%parallel_loop3A_1434, %parallel_loop3A_1435, %parallel_loop3A_1436], %parallel_loop3A_1427 {strides = array<i32>} : memref<5x8x128xf32, #tpu.memory_space<vmem>>, vector<16xf32>,
          %parallel_loop3A_1438 = arith.constant 128 : i32
          %parallel_loop3A_1439 = arith.muli %parallel_loop3A_1276, %parallel_loop3A_1438 : i32
          %parallel_loop3A_1440 = arith.constant 112 : i32
          %parallel_loop3A_1441 = arith.addi %parallel_loop3A_1439, %parallel_loop3A_1440 : i32
          %parallel_loop3A_1442 = arith.constant 0 : i32
          %parallel_loop3A_1443 = arith.constant 0 : i32
          %parallel_loop3A_1444 = arith.constant 0 : i32
          %parallel_loop3A_1445 = tpu.memref_slice %arg6[%parallel_loop3A_1442, %parallel_loop3A_1443, %parallel_loop3A_1444] : memref<2x5x1024xi32, #tpu.memory_space<vmem>> -> memref<1x5x1024xi32, #tpu.memory_space<vmem>>
          %parallel_loop3A_1446 = tpu.memref_squeeze %parallel_loop3A_1445 : memref<1x5x1024xi32, #tpu.memory_space<vmem>> -> memref<5x1024xi32, #tpu.memory_space<vmem>>
          %parallel_loop3A_1447 = arith.index_cast %scan3A_1273 : i32 to index
          %parallel_loop3A_1448 = arith.index_cast %parallel_loop3A_1441 : i32 to index
          %parallel_loop3A_1449 = tpu.vector_load %parallel_loop3A_1446[%parallel_loop3A_1447, %parallel_loop3A_1448] {strides = array<i32>} : memref<5x1024xi32, #tpu.memory_space<vmem>>, vector<16xi32>,
          %parallel_loop3A_1450 = tpu.vector_load_idx %arg5[%parallel_loop3A_1449] : memref<100000xf32, #tpu.memory_space<vmem>>[vector<16xi32>], vector<16xf32>,
          %parallel_loop3A_1451 = arith.constant 0 : i32
          %parallel_loop3A_1452 = arith.constant 0 : i32
          %parallel_loop3A_1453 = arith.constant 0 : i32
          %parallel_loop3A_1454 = arith.constant 0 : i32
          %parallel_loop3A_1455 = tpu.memref_slice %arg7[%parallel_loop3A_1451, %parallel_loop3A_1452, %parallel_loop3A_1453, %parallel_loop3A_1454] : memref<2x5x8x128xf32, #tpu.memory_space<vmem>> -> memref<1x5x8x128xf32, #tpu.memory_space<vmem>>
          %parallel_loop3A_1456 = tpu.memref_squeeze %parallel_loop3A_1455 : memref<1x5x8x128xf32, #tpu.memory_space<vmem>> -> memref<5x8x128xf32, #tpu.memory_space<vmem>>
          %parallel_loop3A_1457 = arith.index_cast %scan3A_1273 : i32 to index
          %parallel_loop3A_1458 = arith.index_cast %parallel_loop3A_1276 : i32 to index
          %parallel_loop3A_1459 = arith.constant 112 : index
          %parallel_loop3A_1460 = tpu.vector_load %parallel_loop3A_1456[%parallel_loop3A_1457, %parallel_loop3A_1458, %parallel_loop3A_1459] {strides = array<i32>} : memref<5x8x128xf32, #tpu.memory_space<vmem>>, vector<16xf32>,
          tpu.vector_store %parallel_loop3A_1456[%parallel_loop3A_1457, %parallel_loop3A_1458, %parallel_loop3A_1459], %parallel_loop3A_1450 {strides = array<i32>} : memref<5x8x128xf32, #tpu.memory_space<vmem>>, vector<16xf32>,
        } {sc.loop_unroll_factor = 2 : i64, sc.parallel_access}
      }
      %scan3A_820 = arith.constant 5 : i32
      %jit3A_821 = arith.constant 8 : i32
      %div3A_822 = arith.divsi %add3A_42, %jit3A_821 : i32
      %sign3A_823 = arith.constant 0 : i32
      %sign3A_824 = arith.cmpi sgt, %add3A_42, %sign3A_823 : i32
      %sign3A_825 = arith.extui %sign3A_824 : i1 to i32
      %sign3A_826 = arith.constant 0 : i32
      %sign3A_827 = arith.cmpi slt, %add3A_42, %sign3A_826 : i32
      %sign3A_828 = arith.extui %sign3A_827 : i1 to i32
      %sign3A_829 = arith.subi %sign3A_825, %sign3A_828 : i32
      %sign3A_830 = arith.constant 0 : i32
      %sign3A_831 = arith.cmpi sgt, %jit3A_821, %sign3A_830 : i32
      %sign3A_832 = arith.extui %sign3A_831 : i1 to i32
      %sign3A_833 = arith.constant 0 : i32
      %sign3A_834 = arith.cmpi slt, %jit3A_821, %sign3A_833 : i32
      %sign3A_835 = arith.extui %sign3A_834 : i1 to i32
      %sign3A_836 = arith.subi %sign3A_832, %sign3A_835 : i32
      %ne3A_837 = arith.cmpi ne, %sign3A_829, %sign3A_836 : i32
      %rem3A_838 = arith.remsi %add3A_42, %jit3A_821 : i32
      %ne3A_839 = arith.constant 0 : i32
      %ne3A_840 = arith.cmpi ne, %rem3A_838, %ne3A_839 : i32
      %and3A_841 = arith.andi %ne3A_837, %ne3A_840 : i1
      %sub3A_842 = arith.constant 1 : i32
      %sub3A_843 = arith.subi %div3A_822, %sub3A_842 : i32
      %select_n3A_844 = arith.select %and3A_841, %sub3A_843, %div3A_822 : i32
      %jit3A_845 = arith.constant 8 : i32
      %eq3A_846 = arith.constant 0 : i32
      %eq3A_847 = arith.cmpi eq, %jit3A_845, %eq3A_846 : i32
      %jit3A_848 = arith.constant 1 : i32
      %select_n3A_849 = arith.select %eq3A_847, %jit3A_848, %jit3A_845 : i32
      %rem3A_850 = arith.remsi %add3A_42, %select_n3A_849 : i32
      %ne3A_851 = arith.constant 0 : i32
      %ne3A_852 = arith.cmpi ne, %rem3A_850, %ne3A_851 : i32
      %lt3A_853 = arith.constant 0 : i32
      %lt3A_854 = arith.cmpi slt, %rem3A_850, %lt3A_853 : i32
      %lt3A_855 = arith.constant 0 : i32
      %lt3A_856 = arith.cmpi slt, %select_n3A_849, %lt3A_855 : i32
      %ne3A_857 = arith.xori %lt3A_854, %lt3A_856 : i1
      %and3A_858 = arith.andi %ne3A_857, %ne3A_852 : i1
      %add3A_859 = arith.addi %rem3A_850, %select_n3A_849 : i32
      %select_n3A_860 = arith.select %and3A_858, %add3A_859, %rem3A_850 : i32
      %dma_start3A_861 = arith.constant 0 : i32
      %dma_start3A_862 = arith.constant 0 : i32
      %dma_start3A_863 = arith.constant 0 : i32
      %dma_start3A_864 = arith.constant 0 : i32
      %dma_start3A_865 = tpu.memref_slice %arg7[%dma_start3A_861, %dma_start3A_862, %dma_start3A_863, %dma_start3A_864] : memref<2x5x8x128xf32, #tpu.memory_space<vmem>> -> memref<1x5x8x128xf32, #tpu.memory_space<vmem>>
      %dma_start3A_866 = tpu.memref_squeeze %dma_start3A_865 : memref<1x5x8x128xf32, #tpu.memory_space<vmem>> -> memref<5x8x128xf32, #tpu.memory_space<vmem>>
      %dma_start3A_867 = arith.constant 30 : i32
      %dma_start3A_868 = arith.constant 0 : i32
      %dma_start3A_869 = arith.constant 0 : i32
      %dma_start3A_870 = tpu.memref_slice %arg4[%dma_start3A_867, %select_n3A_844, %dma_start3A_868, %select_n3A_860, %dma_start3A_869] : memref<50x52x8x8x128xf32, #tpu.memory_space<hbm>> -> memref<5x1x8x1x128xf32, #tpu.memory_space<hbm>>
      %dma_start3A_871 = tpu.memref_squeeze %dma_start3A_870 : memref<5x1x8x1x128xf32, #tpu.memory_space<hbm>> -> memref<5x8x128xf32, #tpu.memory_space<hbm>>
      %dma_start3A_872 = arith.constant 30 : i32
      %dma_start3A_873 = arith.constant 0 : i32
      %dma_start3A_874 = arith.constant 0 : i32
      %dma_start3A_875 = tpu.memref_slice %arg4[%dma_start3A_872, %select_n3A_844, %dma_start3A_873, %select_n3A_860, %dma_start3A_874] : memref<50x52x8x8x128xf32, #tpu.memory_space<hbm>> -> memref<5x1x8x1x128xf32, #tpu.memory_space<hbm>>
      %dma_start3A_876 = tpu.memref_squeeze %dma_start3A_875 : memref<5x1x8x1x128xf32, #tpu.memory_space<hbm>> -> memref<5x8x128xf32, #tpu.memory_space<hbm>>
      %dma_start3A_877 = arith.constant 0 : i32
      %dma_start3A_878 = arith.constant 0 : i32
      %dma_start3A_879 = arith.constant 0 : i32
      %dma_start3A_880 = tpu.memref_slice %arg7[%dma_start3A_861, %dma_start3A_877, %dma_start3A_878, %dma_start3A_879] : memref<2x5x8x128xf32, #tpu.memory_space<vmem>> -> memref<1x5x8x128xf32, #tpu.memory_space<vmem>>
      %dma_start3A_881 = tpu.memref_squeeze %dma_start3A_880 : memref<1x5x8x128xf32, #tpu.memory_space<vmem>> -> memref<5x8x128xf32, #tpu.memory_space<vmem>>
      tpu.enqueue_dma source(%dma_start3A_881 : memref<5x8x128xf32, #tpu.memory_space<vmem>>) target(%dma_start3A_876 : memref<5x8x128xf32, #tpu.memory_space<hbm>>) target_semaphore(%arg10 : memref<!tpu.dma_semaphore, #tpu.memory_space<semaphore_mem>>)
      %dma_start3A_882 = arith.constant 0 : i32
      %dma_start3A_883 = arith.constant 0 : i32
      %dma_start3A_884 = arith.constant 0 : i32
      %dma_start3A_885 = tpu.memref_slice %arg6[%dma_start3A_882, %dma_start3A_883, %dma_start3A_884] : memref<2x5x1024xi32, #tpu.memory_space<vmem>> -> memref<1x5x1024xi32, #tpu.memory_space<vmem>>
      %dma_start3A_886 = tpu.memref_squeeze %dma_start3A_885 : memref<1x5x1024xi32, #tpu.memory_space<vmem>> -> memref<5x1024xi32, #tpu.memory_space<vmem>>
      %dma_start3A_887 = arith.constant 40 : i32
      %dma_start3A_888 = arith.constant 0 : i32
      %dma_start3A_889 = tpu.memref_slice %arg3[%select_n3A, %dma_start3A_887, %dma_start3A_888] : memref<26x50x1024xi32, #tpu.memory_space<hbm>> -> memref<1x5x1024xi32, #tpu.memory_space<hbm>>
      %dma_start3A_890 = tpu.memref_squeeze %dma_start3A_889 : memref<1x5x1024xi32, #tpu.memory_space<hbm>> -> memref<5x1024xi32, #tpu.memory_space<hbm>>
      %dma_start3A_891 = arith.constant 0 : i32
      %dma_start3A_892 = arith.constant 0 : i32
      %dma_start3A_893 = tpu.memref_slice %arg6[%dma_start3A_882, %dma_start3A_891, %dma_start3A_892] : memref<2x5x1024xi32, #tpu.memory_space<vmem>> -> memref<1x5x1024xi32, #tpu.memory_space<vmem>>
      %dma_start3A_894 = tpu.memref_squeeze %dma_start3A_893 : memref<1x5x1024xi32, #tpu.memory_space<vmem>> -> memref<5x1024xi32, #tpu.memory_space<vmem>>
      %dma_start3A_895 = arith.constant 40 : i32
      %dma_start3A_896 = arith.constant 0 : i32
      %dma_start3A_897 = tpu.memref_slice %arg3[%select_n3A, %dma_start3A_895, %dma_start3A_896] : memref<26x50x1024xi32, #tpu.memory_space<hbm>> -> memref<1x5x1024xi32, #tpu.memory_space<hbm>>
      %dma_start3A_898 = tpu.memref_squeeze %dma_start3A_897 : memref<1x5x1024xi32, #tpu.memory_space<hbm>> -> memref<5x1024xi32, #tpu.memory_space<hbm>>
      tpu.enqueue_dma source(%dma_start3A_898 : memref<5x1024xi32, #tpu.memory_space<hbm>>) target(%dma_start3A_894 : memref<5x1024xi32, #tpu.memory_space<vmem>>) target_semaphore(%arg9 : memref<!tpu.dma_semaphore, #tpu.memory_space<semaphore_mem>>)
      %dma_wait3A_899 = arith.constant 1 : i32
      %dma_wait3A_900 = arith.constant 0 : i32
      %dma_wait3A_901 = arith.constant 0 : i32
      %dma_wait3A_902 = tpu.memref_slice %arg6[%dma_wait3A_899, %dma_wait3A_900, %dma_wait3A_901] : memref<2x5x1024xi32, #tpu.memory_space<vmem>> -> memref<1x5x1024xi32, #tpu.memory_space<vmem>>
      %dma_wait3A_903 = tpu.memref_squeeze %dma_wait3A_902 : memref<1x5x1024xi32, #tpu.memory_space<vmem>> -> memref<5x1024xi32, #tpu.memory_space<vmem>>
      %dma_wait3A_904 = arith.constant 35 : i32
      %dma_wait3A_905 = arith.constant 0 : i32
      %dma_wait3A_906 = tpu.memref_slice %arg3[%select_n3A, %dma_wait3A_904, %dma_wait3A_905] : memref<26x50x1024xi32, #tpu.memory_space<hbm>> -> memref<1x5x1024xi32, #tpu.memory_space<hbm>>
      %dma_wait3A_907 = tpu.memref_squeeze %dma_wait3A_906 : memref<1x5x1024xi32, #tpu.memory_space<hbm>> -> memref<5x1024xi32, #tpu.memory_space<hbm>>
      %dma_wait3A_908 = arith.constant 0 : i32
      %dma_wait3A_909 = arith.constant 0 : i32
      %dma_wait3A_910 = tpu.memref_slice %arg6[%dma_wait3A_899, %dma_wait3A_908, %dma_wait3A_909] : memref<2x5x1024xi32, #tpu.memory_space<vmem>> -> memref<1x5x1024xi32, #tpu.memory_space<vmem>>
      %dma_wait3A_911 = tpu.memref_squeeze %dma_wait3A_910 : memref<1x5x1024xi32, #tpu.memory_space<vmem>> -> memref<5x1024xi32, #tpu.memory_space<vmem>>
      %dma_wait3A_912 = arith.constant 35 : i32
      %dma_wait3A_913 = arith.constant 0 : i32
      %dma_wait3A_914 = tpu.memref_slice %arg3[%select_n3A, %dma_wait3A_912, %dma_wait3A_913] : memref<26x50x1024xi32, #tpu.memory_space<hbm>> -> memref<1x5x1024xi32, #tpu.memory_space<hbm>>
      %dma_wait3A_915 = tpu.memref_squeeze %dma_wait3A_914 : memref<1x5x1024xi32, #tpu.memory_space<hbm>> -> memref<5x1024xi32, #tpu.memory_space<hbm>>
      tpu.wait_dma2 semaphore(%arg9 : memref<!tpu.dma_semaphore, #tpu.memory_space<semaphore_mem>>) src(%dma_wait3A_915 : memref<5x1024xi32, #tpu.memory_space<hbm>>) dst(%dma_wait3A_911 : memref<5x1024xi32, #tpu.memory_space<vmem>>)
      %dma_wait3A_916 = arith.constant 1 : i32
      %dma_wait3A_917 = arith.constant 0 : i32
      %dma_wait3A_918 = arith.constant 0 : i32
      %dma_wait3A_919 = arith.constant 0 : i32
      %dma_wait3A_920 = tpu.memref_slice %arg7[%dma_wait3A_916, %dma_wait3A_917, %dma_wait3A_918, %dma_wait3A_919] : memref<2x5x8x128xf32, #tpu.memory_space<vmem>> -> memref<1x5x8x128xf32, #tpu.memory_space<vmem>>
      %dma_wait3A_921 = tpu.memref_squeeze %dma_wait3A_920 : memref<1x5x8x128xf32, #tpu.memory_space<vmem>> -> memref<5x8x128xf32, #tpu.memory_space<vmem>>
      %dma_wait3A_922 = arith.constant 25 : i32
      %dma_wait3A_923 = arith.constant 0 : i32
      %dma_wait3A_924 = arith.constant 0 : i32
      %dma_wait3A_925 = tpu.memref_slice %arg4[%dma_wait3A_922, %select_n3A_722, %dma_wait3A_923, %select_n3A_738, %dma_wait3A_924] : memref<50x52x8x8x128xf32, #tpu.memory_space<hbm>> -> memref<5x1x8x1x128xf32, #tpu.memory_space<hbm>>
      %dma_wait3A_926 = tpu.memref_squeeze %dma_wait3A_925 : memref<5x1x8x1x128xf32, #tpu.memory_space<hbm>> -> memref<5x8x128xf32, #tpu.memory_space<hbm>>
      %dma_wait3A_927 = arith.constant 25 : i32
      %dma_wait3A_928 = arith.constant 0 : i32
      %dma_wait3A_929 = arith.constant 0 : i32
      %dma_wait3A_930 = tpu.memref_slice %arg4[%dma_wait3A_927, %select_n3A_722, %dma_wait3A_928, %select_n3A_738, %dma_wait3A_929] : memref<50x52x8x8x128xf32, #tpu.memory_space<hbm>> -> memref<5x1x8x1x128xf32, #tpu.memory_space<hbm>>
      %dma_wait3A_931 = tpu.memref_squeeze %dma_wait3A_930 : memref<5x1x8x1x128xf32, #tpu.memory_space<hbm>> -> memref<5x8x128xf32, #tpu.memory_space<hbm>>
      %dma_wait3A_932 = arith.constant 0 : i32
      %dma_wait3A_933 = arith.constant 0 : i32
      %dma_wait3A_934 = arith.constant 0 : i32
      %dma_wait3A_935 = tpu.memref_slice %arg7[%dma_wait3A_916, %dma_wait3A_932, %dma_wait3A_933, %dma_wait3A_934] : memref<2x5x8x128xf32, #tpu.memory_space<vmem>> -> memref<1x5x8x128xf32, #tpu.memory_space<vmem>>
      %dma_wait3A_936 = tpu.memref_squeeze %dma_wait3A_935 : memref<1x5x8x128xf32, #tpu.memory_space<vmem>> -> memref<5x8x128xf32, #tpu.memory_space<vmem>>
      tpu.wait_dma2 semaphore(%arg10 : memref<!tpu.dma_semaphore, #tpu.memory_space<semaphore_mem>>) src(%dma_wait3A_936 : memref<5x8x128xf32, #tpu.memory_space<vmem>>) dst(%dma_wait3A_931 : memref<5x8x128xf32, #tpu.memory_space<hbm>>)
      %scan3A_937 = arith.constant 0 : i32
      %scan3A_938 = arith.constant 0 : i32
      %scan3A_939 = arith.constant 5 : i32
      %scan3A_940 = arith.addi %scan3A_938, %scan3A_939 : i32
      %scan3A_941 = arith.constant 1 : i32
      scf.for %scan3A_1273 = %scan3A_938 to %scan3A_940 step %scan3A_941  : i32 {
        %parallel_loop3A = arith.constant 0 : i32
        %parallel_loop3A_1274 = arith.constant 8 : i32
        %parallel_loop3A_1275 = arith.constant 1 : i32
        scf.for %parallel_loop3A_1276 = %parallel_loop3A to %parallel_loop3A_1274 step %parallel_loop3A_1275  : i32 {
          %parallel_loop3A_1277 = arith.constant 128 : i32
          %parallel_loop3A_1278 = arith.muli %parallel_loop3A_1276, %parallel_loop3A_1277 : i32
          %parallel_loop3A_1279 = arith.constant 0 : i32
          %parallel_loop3A_1280 = arith.addi %parallel_loop3A_1278, %parallel_loop3A_1279 : i32
          %parallel_loop3A_1281 = arith.constant 1 : i32
          %parallel_loop3A_1282 = arith.constant 0 : i32
          %parallel_loop3A_1283 = arith.constant 0 : i32
          %parallel_loop3A_1284 = tpu.memref_slice %arg6[%parallel_loop3A_1281, %parallel_loop3A_1282, %parallel_loop3A_1283] : memref<2x5x1024xi32, #tpu.memory_space<vmem>> -> memref<1x5x1024xi32, #tpu.memory_space<vmem>>
          %parallel_loop3A_1285 = tpu.memref_squeeze %parallel_loop3A_1284 : memref<1x5x1024xi32, #tpu.memory_space<vmem>> -> memref<5x1024xi32, #tpu.memory_space<vmem>>
          %parallel_loop3A_1286 = arith.index_cast %scan3A_1273 : i32 to index
          %parallel_loop3A_1287 = arith.index_cast %parallel_loop3A_1280 : i32 to index
          %parallel_loop3A_1288 = tpu.vector_load %parallel_loop3A_1285[%parallel_loop3A_1286, %parallel_loop3A_1287] {strides = array<i32>} : memref<5x1024xi32, #tpu.memory_space<vmem>>, vector<16xi32>,
          %parallel_loop3A_1289 = tpu.vector_load_idx %arg5[%parallel_loop3A_1288] : memref<100000xf32, #tpu.memory_space<vmem>>[vector<16xi32>], vector<16xf32>,
          %parallel_loop3A_1290 = arith.constant 1 : i32
          %parallel_loop3A_1291 = arith.constant 0 : i32
          %parallel_loop3A_1292 = arith.constant 0 : i32
          %parallel_loop3A_1293 = arith.constant 0 : i32
          %parallel_loop3A_1294 = tpu.memref_slice %arg7[%parallel_loop3A_1290, %parallel_loop3A_1291, %parallel_loop3A_1292, %parallel_loop3A_1293] : memref<2x5x8x128xf32, #tpu.memory_space<vmem>> -> memref<1x5x8x128xf32, #tpu.memory_space<vmem>>
          %parallel_loop3A_1295 = tpu.memref_squeeze %parallel_loop3A_1294 : memref<1x5x8x128xf32, #tpu.memory_space<vmem>> -> memref<5x8x128xf32, #tpu.memory_space<vmem>>
          %parallel_loop3A_1296 = arith.index_cast %scan3A_1273 : i32 to index
          %parallel_loop3A_1297 = arith.index_cast %parallel_loop3A_1276 : i32 to index
          %parallel_loop3A_1298 = arith.constant 0 : index
          %parallel_loop3A_1299 = tpu.vector_load %parallel_loop3A_1295[%parallel_loop3A_1296, %parallel_loop3A_1297, %parallel_loop3A_1298] {strides = array<i32>} : memref<5x8x128xf32, #tpu.memory_space<vmem>>, vector<16xf32>,
          tpu.vector_store %parallel_loop3A_1295[%parallel_loop3A_1296, %parallel_loop3A_1297, %parallel_loop3A_1298], %parallel_loop3A_1289 {strides = array<i32>} : memref<5x8x128xf32, #tpu.memory_space<vmem>>, vector<16xf32>,
          %parallel_loop3A_1300 = arith.constant 128 : i32
          %parallel_loop3A_1301 = arith.muli %parallel_loop3A_1276, %parallel_loop3A_1300 : i32
          %parallel_loop3A_1302 = arith.constant 16 : i32
          %parallel_loop3A_1303 = arith.addi %parallel_loop3A_1301, %parallel_loop3A_1302 : i32
          %parallel_loop3A_1304 = arith.constant 1 : i32
          %parallel_loop3A_1305 = arith.constant 0 : i32
          %parallel_loop3A_1306 = arith.constant 0 : i32
          %parallel_loop3A_1307 = tpu.memref_slice %arg6[%parallel_loop3A_1304, %parallel_loop3A_1305, %parallel_loop3A_1306] : memref<2x5x1024xi32, #tpu.memory_space<vmem>> -> memref<1x5x1024xi32, #tpu.memory_space<vmem>>
          %parallel_loop3A_1308 = tpu.memref_squeeze %parallel_loop3A_1307 : memref<1x5x1024xi32, #tpu.memory_space<vmem>> -> memref<5x1024xi32, #tpu.memory_space<vmem>>
          %parallel_loop3A_1309 = arith.index_cast %scan3A_1273 : i32 to index
          %parallel_loop3A_1310 = arith.index_cast %parallel_loop3A_1303 : i32 to index
          %parallel_loop3A_1311 = tpu.vector_load %parallel_loop3A_1308[%parallel_loop3A_1309, %parallel_loop3A_1310] {strides = array<i32>} : memref<5x1024xi32, #tpu.memory_space<vmem>>, vector<16xi32>,
          %parallel_loop3A_1312 = tpu.vector_load_idx %arg5[%parallel_loop3A_1311] : memref<100000xf32, #tpu.memory_space<vmem>>[vector<16xi32>], vector<16xf32>,
          %parallel_loop3A_1313 = arith.constant 1 : i32
          %parallel_loop3A_1314 = arith.constant 0 : i32
          %parallel_loop3A_1315 = arith.constant 0 : i32
          %parallel_loop3A_1316 = arith.constant 0 : i32
          %parallel_loop3A_1317 = tpu.memref_slice %arg7[%parallel_loop3A_1313, %parallel_loop3A_1314, %parallel_loop3A_1315, %parallel_loop3A_1316] : memref<2x5x8x128xf32, #tpu.memory_space<vmem>> -> memref<1x5x8x128xf32, #tpu.memory_space<vmem>>
          %parallel_loop3A_1318 = tpu.memref_squeeze %parallel_loop3A_1317 : memref<1x5x8x128xf32, #tpu.memory_space<vmem>> -> memref<5x8x128xf32, #tpu.memory_space<vmem>>
          %parallel_loop3A_1319 = arith.index_cast %scan3A_1273 : i32 to index
          %parallel_loop3A_1320 = arith.index_cast %parallel_loop3A_1276 : i32 to index
          %parallel_loop3A_1321 = arith.constant 16 : index
          %parallel_loop3A_1322 = tpu.vector_load %parallel_loop3A_1318[%parallel_loop3A_1319, %parallel_loop3A_1320, %parallel_loop3A_1321] {strides = array<i32>} : memref<5x8x128xf32, #tpu.memory_space<vmem>>, vector<16xf32>,
          tpu.vector_store %parallel_loop3A_1318[%parallel_loop3A_1319, %parallel_loop3A_1320, %parallel_loop3A_1321], %parallel_loop3A_1312 {strides = array<i32>} : memref<5x8x128xf32, #tpu.memory_space<vmem>>, vector<16xf32>,
          %parallel_loop3A_1323 = arith.constant 128 : i32
          %parallel_loop3A_1324 = arith.muli %parallel_loop3A_1276, %parallel_loop3A_1323 : i32
          %parallel_loop3A_1325 = arith.constant 32 : i32
          %parallel_loop3A_1326 = arith.addi %parallel_loop3A_1324, %parallel_loop3A_1325 : i32
          %parallel_loop3A_1327 = arith.constant 1 : i32
          %parallel_loop3A_1328 = arith.constant 0 : i32
          %parallel_loop3A_1329 = arith.constant 0 : i32
          %parallel_loop3A_1330 = tpu.memref_slice %arg6[%parallel_loop3A_1327, %parallel_loop3A_1328, %parallel_loop3A_1329] : memref<2x5x1024xi32, #tpu.memory_space<vmem>> -> memref<1x5x1024xi32, #tpu.memory_space<vmem>>
          %parallel_loop3A_1331 = tpu.memref_squeeze %parallel_loop3A_1330 : memref<1x5x1024xi32, #tpu.memory_space<vmem>> -> memref<5x1024xi32, #tpu.memory_space<vmem>>
          %parallel_loop3A_1332 = arith.index_cast %scan3A_1273 : i32 to index
          %parallel_loop3A_1333 = arith.index_cast %parallel_loop3A_1326 : i32 to index
          %parallel_loop3A_1334 = tpu.vector_load %parallel_loop3A_1331[%parallel_loop3A_1332, %parallel_loop3A_1333] {strides = array<i32>} : memref<5x1024xi32, #tpu.memory_space<vmem>>, vector<16xi32>,
          %parallel_loop3A_1335 = tpu.vector_load_idx %arg5[%parallel_loop3A_1334] : memref<100000xf32, #tpu.memory_space<vmem>>[vector<16xi32>], vector<16xf32>,
          %parallel_loop3A_1336 = arith.constant 1 : i32
          %parallel_loop3A_1337 = arith.constant 0 : i32
          %parallel_loop3A_1338 = arith.constant 0 : i32
          %parallel_loop3A_1339 = arith.constant 0 : i32
          %parallel_loop3A_1340 = tpu.memref_slice %arg7[%parallel_loop3A_1336, %parallel_loop3A_1337, %parallel_loop3A_1338, %parallel_loop3A_1339] : memref<2x5x8x128xf32, #tpu.memory_space<vmem>> -> memref<1x5x8x128xf32, #tpu.memory_space<vmem>>
          %parallel_loop3A_1341 = tpu.memref_squeeze %parallel_loop3A_1340 : memref<1x5x8x128xf32, #tpu.memory_space<vmem>> -> memref<5x8x128xf32, #tpu.memory_space<vmem>>
          %parallel_loop3A_1342 = arith.index_cast %scan3A_1273 : i32 to index
          %parallel_loop3A_1343 = arith.index_cast %parallel_loop3A_1276 : i32 to index
          %parallel_loop3A_1344 = arith.constant 32 : index
          %parallel_loop3A_1345 = tpu.vector_load %parallel_loop3A_1341[%parallel_loop3A_1342, %parallel_loop3A_1343, %parallel_loop3A_1344] {strides = array<i32>} : memref<5x8x128xf32, #tpu.memory_space<vmem>>, vector<16xf32>,
          tpu.vector_store %parallel_loop3A_1341[%parallel_loop3A_1342, %parallel_loop3A_1343, %parallel_loop3A_1344], %parallel_loop3A_1335 {strides = array<i32>} : memref<5x8x128xf32, #tpu.memory_space<vmem>>, vector<16xf32>,
          %parallel_loop3A_1346 = arith.constant 128 : i32
          %parallel_loop3A_1347 = arith.muli %parallel_loop3A_1276, %parallel_loop3A_1346 : i32
          %parallel_loop3A_1348 = arith.constant 48 : i32
          %parallel_loop3A_1349 = arith.addi %parallel_loop3A_1347, %parallel_loop3A_1348 : i32
          %parallel_loop3A_1350 = arith.constant 1 : i32
          %parallel_loop3A_1351 = arith.constant 0 : i32
          %parallel_loop3A_1352 = arith.constant 0 : i32
          %parallel_loop3A_1353 = tpu.memref_slice %arg6[%parallel_loop3A_1350, %parallel_loop3A_1351, %parallel_loop3A_1352] : memref<2x5x1024xi32, #tpu.memory_space<vmem>> -> memref<1x5x1024xi32, #tpu.memory_space<vmem>>
          %parallel_loop3A_1354 = tpu.memref_squeeze %parallel_loop3A_1353 : memref<1x5x1024xi32, #tpu.memory_space<vmem>> -> memref<5x1024xi32, #tpu.memory_space<vmem>>
          %parallel_loop3A_1355 = arith.index_cast %scan3A_1273 : i32 to index
          %parallel_loop3A_1356 = arith.index_cast %parallel_loop3A_1349 : i32 to index
          %parallel_loop3A_1357 = tpu.vector_load %parallel_loop3A_1354[%parallel_loop3A_1355, %parallel_loop3A_1356] {strides = array<i32>} : memref<5x1024xi32, #tpu.memory_space<vmem>>, vector<16xi32>,
          %parallel_loop3A_1358 = tpu.vector_load_idx %arg5[%parallel_loop3A_1357] : memref<100000xf32, #tpu.memory_space<vmem>>[vector<16xi32>], vector<16xf32>,
          %parallel_loop3A_1359 = arith.constant 1 : i32
          %parallel_loop3A_1360 = arith.constant 0 : i32
          %parallel_loop3A_1361 = arith.constant 0 : i32
          %parallel_loop3A_1362 = arith.constant 0 : i32
          %parallel_loop3A_1363 = tpu.memref_slice %arg7[%parallel_loop3A_1359, %parallel_loop3A_1360, %parallel_loop3A_1361, %parallel_loop3A_1362] : memref<2x5x8x128xf32, #tpu.memory_space<vmem>> -> memref<1x5x8x128xf32, #tpu.memory_space<vmem>>
          %parallel_loop3A_1364 = tpu.memref_squeeze %parallel_loop3A_1363 : memref<1x5x8x128xf32, #tpu.memory_space<vmem>> -> memref<5x8x128xf32, #tpu.memory_space<vmem>>
          %parallel_loop3A_1365 = arith.index_cast %scan3A_1273 : i32 to index
          %parallel_loop3A_1366 = arith.index_cast %parallel_loop3A_1276 : i32 to index
          %parallel_loop3A_1367 = arith.constant 48 : index
          %parallel_loop3A_1368 = tpu.vector_load %parallel_loop3A_1364[%parallel_loop3A_1365, %parallel_loop3A_1366, %parallel_loop3A_1367] {strides = array<i32>} : memref<5x8x128xf32, #tpu.memory_space<vmem>>, vector<16xf32>,
          tpu.vector_store %parallel_loop3A_1364[%parallel_loop3A_1365, %parallel_loop3A_1366, %parallel_loop3A_1367], %parallel_loop3A_1358 {strides = array<i32>} : memref<5x8x128xf32, #tpu.memory_space<vmem>>, vector<16xf32>,
          %parallel_loop3A_1369 = arith.constant 128 : i32
          %parallel_loop3A_1370 = arith.muli %parallel_loop3A_1276, %parallel_loop3A_1369 : i32
          %parallel_loop3A_1371 = arith.constant 64 : i32
          %parallel_loop3A_1372 = arith.addi %parallel_loop3A_1370, %parallel_loop3A_1371 : i32
          %parallel_loop3A_1373 = arith.constant 1 : i32
          %parallel_loop3A_1374 = arith.constant 0 : i32
          %parallel_loop3A_1375 = arith.constant 0 : i32
          %parallel_loop3A_1376 = tpu.memref_slice %arg6[%parallel_loop3A_1373, %parallel_loop3A_1374, %parallel_loop3A_1375] : memref<2x5x1024xi32, #tpu.memory_space<vmem>> -> memref<1x5x1024xi32, #tpu.memory_space<vmem>>
          %parallel_loop3A_1377 = tpu.memref_squeeze %parallel_loop3A_1376 : memref<1x5x1024xi32, #tpu.memory_space<vmem>> -> memref<5x1024xi32, #tpu.memory_space<vmem>>
          %parallel_loop3A_1378 = arith.index_cast %scan3A_1273 : i32 to index
          %parallel_loop3A_1379 = arith.index_cast %parallel_loop3A_1372 : i32 to index
          %parallel_loop3A_1380 = tpu.vector_load %parallel_loop3A_1377[%parallel_loop3A_1378, %parallel_loop3A_1379] {strides = array<i32>} : memref<5x1024xi32, #tpu.memory_space<vmem>>, vector<16xi32>,
          %parallel_loop3A_1381 = tpu.vector_load_idx %arg5[%parallel_loop3A_1380] : memref<100000xf32, #tpu.memory_space<vmem>>[vector<16xi32>], vector<16xf32>,
          %parallel_loop3A_1382 = arith.constant 1 : i32
          %parallel_loop3A_1383 = arith.constant 0 : i32
          %parallel_loop3A_1384 = arith.constant 0 : i32
          %parallel_loop3A_1385 = arith.constant 0 : i32
          %parallel_loop3A_1386 = tpu.memref_slice %arg7[%parallel_loop3A_1382, %parallel_loop3A_1383, %parallel_loop3A_1384, %parallel_loop3A_1385] : memref<2x5x8x128xf32, #tpu.memory_space<vmem>> -> memref<1x5x8x128xf32, #tpu.memory_space<vmem>>
          %parallel_loop3A_1387 = tpu.memref_squeeze %parallel_loop3A_1386 : memref<1x5x8x128xf32, #tpu.memory_space<vmem>> -> memref<5x8x128xf32, #tpu.memory_space<vmem>>
          %parallel_loop3A_1388 = arith.index_cast %scan3A_1273 : i32 to index
          %parallel_loop3A_1389 = arith.index_cast %parallel_loop3A_1276 : i32 to index
          %parallel_loop3A_1390 = arith.constant 64 : index
          %parallel_loop3A_1391 = tpu.vector_load %parallel_loop3A_1387[%parallel_loop3A_1388, %parallel_loop3A_1389, %parallel_loop3A_1390] {strides = array<i32>} : memref<5x8x128xf32, #tpu.memory_space<vmem>>, vector<16xf32>,
          tpu.vector_store %parallel_loop3A_1387[%parallel_loop3A_1388, %parallel_loop3A_1389, %parallel_loop3A_1390], %parallel_loop3A_1381 {strides = array<i32>} : memref<5x8x128xf32, #tpu.memory_space<vmem>>, vector<16xf32>,
          %parallel_loop3A_1392 = arith.constant 128 : i32
          %parallel_loop3A_1393 = arith.muli %parallel_loop3A_1276, %parallel_loop3A_1392 : i32
          %parallel_loop3A_1394 = arith.constant 80 : i32
          %parallel_loop3A_1395 = arith.addi %parallel_loop3A_1393, %parallel_loop3A_1394 : i32
          %parallel_loop3A_1396 = arith.constant 1 : i32
          %parallel_loop3A_1397 = arith.constant 0 : i32
          %parallel_loop3A_1398 = arith.constant 0 : i32
          %parallel_loop3A_1399 = tpu.memref_slice %arg6[%parallel_loop3A_1396, %parallel_loop3A_1397, %parallel_loop3A_1398] : memref<2x5x1024xi32, #tpu.memory_space<vmem>> -> memref<1x5x1024xi32, #tpu.memory_space<vmem>>
          %parallel_loop3A_1400 = tpu.memref_squeeze %parallel_loop3A_1399 : memref<1x5x1024xi32, #tpu.memory_space<vmem>> -> memref<5x1024xi32, #tpu.memory_space<vmem>>
          %parallel_loop3A_1401 = arith.index_cast %scan3A_1273 : i32 to index
          %parallel_loop3A_1402 = arith.index_cast %parallel_loop3A_1395 : i32 to index
          %parallel_loop3A_1403 = tpu.vector_load %parallel_loop3A_1400[%parallel_loop3A_1401, %parallel_loop3A_1402] {strides = array<i32>} : memref<5x1024xi32, #tpu.memory_space<vmem>>, vector<16xi32>,
          %parallel_loop3A_1404 = tpu.vector_load_idx %arg5[%parallel_loop3A_1403] : memref<100000xf32, #tpu.memory_space<vmem>>[vector<16xi32>], vector<16xf32>,
          %parallel_loop3A_1405 = arith.constant 1 : i32
          %parallel_loop3A_1406 = arith.constant 0 : i32
          %parallel_loop3A_1407 = arith.constant 0 : i32
          %parallel_loop3A_1408 = arith.constant 0 : i32
          %parallel_loop3A_1409 = tpu.memref_slice %arg7[%parallel_loop3A_1405, %parallel_loop3A_1406, %parallel_loop3A_1407, %parallel_loop3A_1408] : memref<2x5x8x128xf32, #tpu.memory_space<vmem>> -> memref<1x5x8x128xf32, #tpu.memory_space<vmem>>
          %parallel_loop3A_1410 = tpu.memref_squeeze %parallel_loop3A_1409 : memref<1x5x8x128xf32, #tpu.memory_space<vmem>> -> memref<5x8x128xf32, #tpu.memory_space<vmem>>
          %parallel_loop3A_1411 = arith.index_cast %scan3A_1273 : i32 to index
          %parallel_loop3A_1412 = arith.index_cast %parallel_loop3A_1276 : i32 to index
          %parallel_loop3A_1413 = arith.constant 80 : index
          %parallel_loop3A_1414 = tpu.vector_load %parallel_loop3A_1410[%parallel_loop3A_1411, %parallel_loop3A_1412, %parallel_loop3A_1413] {strides = array<i32>} : memref<5x8x128xf32, #tpu.memory_space<vmem>>, vector<16xf32>,
          tpu.vector_store %parallel_loop3A_1410[%parallel_loop3A_1411, %parallel_loop3A_1412, %parallel_loop3A_1413], %parallel_loop3A_1404 {strides = array<i32>} : memref<5x8x128xf32, #tpu.memory_space<vmem>>, vector<16xf32>,
          %parallel_loop3A_1415 = arith.constant 128 : i32
          %parallel_loop3A_1416 = arith.muli %parallel_loop3A_1276, %parallel_loop3A_1415 : i32
          %parallel_loop3A_1417 = arith.constant 96 : i32
          %parallel_loop3A_1418 = arith.addi %parallel_loop3A_1416, %parallel_loop3A_1417 : i32
          %parallel_loop3A_1419 = arith.constant 1 : i32
          %parallel_loop3A_1420 = arith.constant 0 : i32
          %parallel_loop3A_1421 = arith.constant 0 : i32
          %parallel_loop3A_1422 = tpu.memref_slice %arg6[%parallel_loop3A_1419, %parallel_loop3A_1420, %parallel_loop3A_1421] : memref<2x5x1024xi32, #tpu.memory_space<vmem>> -> memref<1x5x1024xi32, #tpu.memory_space<vmem>>
          %parallel_loop3A_1423 = tpu.memref_squeeze %parallel_loop3A_1422 : memref<1x5x1024xi32, #tpu.memory_space<vmem>> -> memref<5x1024xi32, #tpu.memory_space<vmem>>
          %parallel_loop3A_1424 = arith.index_cast %scan3A_1273 : i32 to index
          %parallel_loop3A_1425 = arith.index_cast %parallel_loop3A_1418 : i32 to index
          %parallel_loop3A_1426 = tpu.vector_load %parallel_loop3A_1423[%parallel_loop3A_1424, %parallel_loop3A_1425] {strides = array<i32>} : memref<5x1024xi32, #tpu.memory_space<vmem>>, vector<16xi32>,
          %parallel_loop3A_1427 = tpu.vector_load_idx %arg5[%parallel_loop3A_1426] : memref<100000xf32, #tpu.memory_space<vmem>>[vector<16xi32>], vector<16xf32>,
          %parallel_loop3A_1428 = arith.constant 1 : i32
          %parallel_loop3A_1429 = arith.constant 0 : i32
          %parallel_loop3A_1430 = arith.constant 0 : i32
          %parallel_loop3A_1431 = arith.constant 0 : i32
          %parallel_loop3A_1432 = tpu.memref_slice %arg7[%parallel_loop3A_1428, %parallel_loop3A_1429, %parallel_loop3A_1430, %parallel_loop3A_1431] : memref<2x5x8x128xf32, #tpu.memory_space<vmem>> -> memref<1x5x8x128xf32, #tpu.memory_space<vmem>>
          %parallel_loop3A_1433 = tpu.memref_squeeze %parallel_loop3A_1432 : memref<1x5x8x128xf32, #tpu.memory_space<vmem>> -> memref<5x8x128xf32, #tpu.memory_space<vmem>>
          %parallel_loop3A_1434 = arith.index_cast %scan3A_1273 : i32 to index
          %parallel_loop3A_1435 = arith.index_cast %parallel_loop3A_1276 : i32 to index
          %parallel_loop3A_1436 = arith.constant 96 : index
          %parallel_loop3A_1437 = tpu.vector_load %parallel_loop3A_1433[%parallel_loop3A_1434, %parallel_loop3A_1435, %parallel_loop3A_1436] {strides = array<i32>} : memref<5x8x128xf32, #tpu.memory_space<vmem>>, vector<16xf32>,
          tpu.vector_store %parallel_loop3A_1433[%parallel_loop3A_1434, %parallel_loop3A_1435, %parallel_loop3A_1436], %parallel_loop3A_1427 {strides = array<i32>} : memref<5x8x128xf32, #tpu.memory_space<vmem>>, vector<16xf32>,
          %parallel_loop3A_1438 = arith.constant 128 : i32
          %parallel_loop3A_1439 = arith.muli %parallel_loop3A_1276, %parallel_loop3A_1438 : i32
          %parallel_loop3A_1440 = arith.constant 112 : i32
          %parallel_loop3A_1441 = arith.addi %parallel_loop3A_1439, %parallel_loop3A_1440 : i32
          %parallel_loop3A_1442 = arith.constant 1 : i32
          %parallel_loop3A_1443 = arith.constant 0 : i32
          %parallel_loop3A_1444 = arith.constant 0 : i32
          %parallel_loop3A_1445 = tpu.memref_slice %arg6[%parallel_loop3A_1442, %parallel_loop3A_1443, %parallel_loop3A_1444] : memref<2x5x1024xi32, #tpu.memory_space<vmem>> -> memref<1x5x1024xi32, #tpu.memory_space<vmem>>
          %parallel_loop3A_1446 = tpu.memref_squeeze %parallel_loop3A_1445 : memref<1x5x1024xi32, #tpu.memory_space<vmem>> -> memref<5x1024xi32, #tpu.memory_space<vmem>>
          %parallel_loop3A_1447 = arith.index_cast %scan3A_1273 : i32 to index
          %parallel_loop3A_1448 = arith.index_cast %parallel_loop3A_1441 : i32 to index
          %parallel_loop3A_1449 = tpu.vector_load %parallel_loop3A_1446[%parallel_loop3A_1447, %parallel_loop3A_1448] {strides = array<i32>} : memref<5x1024xi32, #tpu.memory_space<vmem>>, vector<16xi32>,
          %parallel_loop3A_1450 = tpu.vector_load_idx %arg5[%parallel_loop3A_1449] : memref<100000xf32, #tpu.memory_space<vmem>>[vector<16xi32>], vector<16xf32>,
          %parallel_loop3A_1451 = arith.constant 1 : i32
          %parallel_loop3A_1452 = arith.constant 0 : i32
          %parallel_loop3A_1453 = arith.constant 0 : i32
          %parallel_loop3A_1454 = arith.constant 0 : i32
          %parallel_loop3A_1455 = tpu.memref_slice %arg7[%parallel_loop3A_1451, %parallel_loop3A_1452, %parallel_loop3A_1453, %parallel_loop3A_1454] : memref<2x5x8x128xf32, #tpu.memory_space<vmem>> -> memref<1x5x8x128xf32, #tpu.memory_space<vmem>>
          %parallel_loop3A_1456 = tpu.memref_squeeze %parallel_loop3A_1455 : memref<1x5x8x128xf32, #tpu.memory_space<vmem>> -> memref<5x8x128xf32, #tpu.memory_space<vmem>>
          %parallel_loop3A_1457 = arith.index_cast %scan3A_1273 : i32 to index
          %parallel_loop3A_1458 = arith.index_cast %parallel_loop3A_1276 : i32 to index
          %parallel_loop3A_1459 = arith.constant 112 : index
          %parallel_loop3A_1460 = tpu.vector_load %parallel_loop3A_1456[%parallel_loop3A_1457, %parallel_loop3A_1458, %parallel_loop3A_1459] {strides = array<i32>} : memref<5x8x128xf32, #tpu.memory_space<vmem>>, vector<16xf32>,
          tpu.vector_store %parallel_loop3A_1456[%parallel_loop3A_1457, %parallel_loop3A_1458, %parallel_loop3A_1459], %parallel_loop3A_1450 {strides = array<i32>} : memref<5x8x128xf32, #tpu.memory_space<vmem>>, vector<16xf32>,
        } {sc.loop_unroll_factor = 2 : i64, sc.parallel_access}
      }
      %scan3A_942 = arith.constant 5 : i32
      %jit3A_943 = arith.constant 8 : i32
      %div3A_944 = arith.divsi %add3A_42, %jit3A_943 : i32
      %sign3A_945 = arith.constant 0 : i32
      %sign3A_946 = arith.cmpi sgt, %add3A_42, %sign3A_945 : i32
      %sign3A_947 = arith.extui %sign3A_946 : i1 to i32
      %sign3A_948 = arith.constant 0 : i32
      %sign3A_949 = arith.cmpi slt, %add3A_42, %sign3A_948 : i32
      %sign3A_950 = arith.extui %sign3A_949 : i1 to i32
      %sign3A_951 = arith.subi %sign3A_947, %sign3A_950 : i32
      %sign3A_952 = arith.constant 0 : i32
      %sign3A_953 = arith.cmpi sgt, %jit3A_943, %sign3A_952 : i32
      %sign3A_954 = arith.extui %sign3A_953 : i1 to i32
      %sign3A_955 = arith.constant 0 : i32
      %sign3A_956 = arith.cmpi slt, %jit3A_943, %sign3A_955 : i32
      %sign3A_957 = arith.extui %sign3A_956 : i1 to i32
      %sign3A_958 = arith.subi %sign3A_954, %sign3A_957 : i32
      %ne3A_959 = arith.cmpi ne, %sign3A_951, %sign3A_958 : i32
      %rem3A_960 = arith.remsi %add3A_42, %jit3A_943 : i32
      %ne3A_961 = arith.constant 0 : i32
      %ne3A_962 = arith.cmpi ne, %rem3A_960, %ne3A_961 : i32
      %and3A_963 = arith.andi %ne3A_959, %ne3A_962 : i1
      %sub3A_964 = arith.constant 1 : i32
      %sub3A_965 = arith.subi %div3A_944, %sub3A_964 : i32
      %select_n3A_966 = arith.select %and3A_963, %sub3A_965, %div3A_944 : i32
      %jit3A_967 = arith.constant 8 : i32
      %eq3A_968 = arith.constant 0 : i32
      %eq3A_969 = arith.cmpi eq, %jit3A_967, %eq3A_968 : i32
      %jit3A_970 = arith.constant 1 : i32
      %select_n3A_971 = arith.select %eq3A_969, %jit3A_970, %jit3A_967 : i32
      %rem3A_972 = arith.remsi %add3A_42, %select_n3A_971 : i32
      %ne3A_973 = arith.constant 0 : i32
      %ne3A_974 = arith.cmpi ne, %rem3A_972, %ne3A_973 : i32
      %lt3A_975 = arith.constant 0 : i32
      %lt3A_976 = arith.cmpi slt, %rem3A_972, %lt3A_975 : i32
      %lt3A_977 = arith.constant 0 : i32
      %lt3A_978 = arith.cmpi slt, %select_n3A_971, %lt3A_977 : i32
      %ne3A_979 = arith.xori %lt3A_976, %lt3A_978 : i1
      %and3A_980 = arith.andi %ne3A_979, %ne3A_974 : i1
      %add3A_981 = arith.addi %rem3A_972, %select_n3A_971 : i32
      %select_n3A_982 = arith.select %and3A_980, %add3A_981, %rem3A_972 : i32
      %dma_start3A_983 = arith.constant 1 : i32
      %dma_start3A_984 = arith.constant 0 : i32
      %dma_start3A_985 = arith.constant 0 : i32
      %dma_start3A_986 = arith.constant 0 : i32
      %dma_start3A_987 = tpu.memref_slice %arg7[%dma_start3A_983, %dma_start3A_984, %dma_start3A_985, %dma_start3A_986] : memref<2x5x8x128xf32, #tpu.memory_space<vmem>> -> memref<1x5x8x128xf32, #tpu.memory_space<vmem>>
      %dma_start3A_988 = tpu.memref_squeeze %dma_start3A_987 : memref<1x5x8x128xf32, #tpu.memory_space<vmem>> -> memref<5x8x128xf32, #tpu.memory_space<vmem>>
      %dma_start3A_989 = arith.constant 35 : i32
      %dma_start3A_990 = arith.constant 0 : i32
      %dma_start3A_991 = arith.constant 0 : i32
      %dma_start3A_992 = tpu.memref_slice %arg4[%dma_start3A_989, %select_n3A_966, %dma_start3A_990, %select_n3A_982, %dma_start3A_991] : memref<50x52x8x8x128xf32, #tpu.memory_space<hbm>> -> memref<5x1x8x1x128xf32, #tpu.memory_space<hbm>>
      %dma_start3A_993 = tpu.memref_squeeze %dma_start3A_992 : memref<5x1x8x1x128xf32, #tpu.memory_space<hbm>> -> memref<5x8x128xf32, #tpu.memory_space<hbm>>
      %dma_start3A_994 = arith.constant 35 : i32
      %dma_start3A_995 = arith.constant 0 : i32
      %dma_start3A_996 = arith.constant 0 : i32
      %dma_start3A_997 = tpu.memref_slice %arg4[%dma_start3A_994, %select_n3A_966, %dma_start3A_995, %select_n3A_982, %dma_start3A_996] : memref<50x52x8x8x128xf32, #tpu.memory_space<hbm>> -> memref<5x1x8x1x128xf32, #tpu.memory_space<hbm>>
      %dma_start3A_998 = tpu.memref_squeeze %dma_start3A_997 : memref<5x1x8x1x128xf32, #tpu.memory_space<hbm>> -> memref<5x8x128xf32, #tpu.memory_space<hbm>>
      %dma_start3A_999 = arith.constant 0 : i32
      %dma_start3A_1000 = arith.constant 0 : i32
      %dma_start3A_1001 = arith.constant 0 : i32
      %dma_start3A_1002 = tpu.memref_slice %arg7[%dma_start3A_983, %dma_start3A_999, %dma_start3A_1000, %dma_start3A_1001] : memref<2x5x8x128xf32, #tpu.memory_space<vmem>> -> memref<1x5x8x128xf32, #tpu.memory_space<vmem>>
      %dma_start3A_1003 = tpu.memref_squeeze %dma_start3A_1002 : memref<1x5x8x128xf32, #tpu.memory_space<vmem>> -> memref<5x8x128xf32, #tpu.memory_space<vmem>>
      tpu.enqueue_dma source(%dma_start3A_1003 : memref<5x8x128xf32, #tpu.memory_space<vmem>>) target(%dma_start3A_998 : memref<5x8x128xf32, #tpu.memory_space<hbm>>) target_semaphore(%arg10 : memref<!tpu.dma_semaphore, #tpu.memory_space<semaphore_mem>>)
      %dma_start3A_1004 = arith.constant 1 : i32
      %dma_start3A_1005 = arith.constant 0 : i32
      %dma_start3A_1006 = arith.constant 0 : i32
      %dma_start3A_1007 = tpu.memref_slice %arg6[%dma_start3A_1004, %dma_start3A_1005, %dma_start3A_1006] : memref<2x5x1024xi32, #tpu.memory_space<vmem>> -> memref<1x5x1024xi32, #tpu.memory_space<vmem>>
      %dma_start3A_1008 = tpu.memref_squeeze %dma_start3A_1007 : memref<1x5x1024xi32, #tpu.memory_space<vmem>> -> memref<5x1024xi32, #tpu.memory_space<vmem>>
      %dma_start3A_1009 = arith.constant 45 : i32
      %dma_start3A_1010 = arith.constant 0 : i32
      %dma_start3A_1011 = tpu.memref_slice %arg3[%select_n3A, %dma_start3A_1009, %dma_start3A_1010] : memref<26x50x1024xi32, #tpu.memory_space<hbm>> -> memref<1x5x1024xi32, #tpu.memory_space<hbm>>
      %dma_start3A_1012 = tpu.memref_squeeze %dma_start3A_1011 : memref<1x5x1024xi32, #tpu.memory_space<hbm>> -> memref<5x1024xi32, #tpu.memory_space<hbm>>
      %dma_start3A_1013 = arith.constant 0 : i32
      %dma_start3A_1014 = arith.constant 0 : i32
      %dma_start3A_1015 = tpu.memref_slice %arg6[%dma_start3A_1004, %dma_start3A_1013, %dma_start3A_1014] : memref<2x5x1024xi32, #tpu.memory_space<vmem>> -> memref<1x5x1024xi32, #tpu.memory_space<vmem>>
      %dma_start3A_1016 = tpu.memref_squeeze %dma_start3A_1015 : memref<1x5x1024xi32, #tpu.memory_space<vmem>> -> memref<5x1024xi32, #tpu.memory_space<vmem>>
      %dma_start3A_1017 = arith.constant 45 : i32
      %dma_start3A_1018 = arith.constant 0 : i32
      %dma_start3A_1019 = tpu.memref_slice %arg3[%select_n3A, %dma_start3A_1017, %dma_start3A_1018] : memref<26x50x1024xi32, #tpu.memory_space<hbm>> -> memref<1x5x1024xi32, #tpu.memory_space<hbm>>
      %dma_start3A_1020 = tpu.memref_squeeze %dma_start3A_1019 : memref<1x5x1024xi32, #tpu.memory_space<hbm>> -> memref<5x1024xi32, #tpu.memory_space<hbm>>
      tpu.enqueue_dma source(%dma_start3A_1020 : memref<5x1024xi32, #tpu.memory_space<hbm>>) target(%dma_start3A_1016 : memref<5x1024xi32, #tpu.memory_space<vmem>>) target_semaphore(%arg9 : memref<!tpu.dma_semaphore, #tpu.memory_space<semaphore_mem>>)
      %dma_wait3A_1021 = arith.constant 0 : i32
      %dma_wait3A_1022 = arith.constant 0 : i32
      %dma_wait3A_1023 = arith.constant 0 : i32
      %dma_wait3A_1024 = tpu.memref_slice %arg6[%dma_wait3A_1021, %dma_wait3A_1022, %dma_wait3A_1023] : memref<2x5x1024xi32, #tpu.memory_space<vmem>> -> memref<1x5x1024xi32, #tpu.memory_space<vmem>>
      %dma_wait3A_1025 = tpu.memref_squeeze %dma_wait3A_1024 : memref<1x5x1024xi32, #tpu.memory_space<vmem>> -> memref<5x1024xi32, #tpu.memory_space<vmem>>
      %dma_wait3A_1026 = arith.constant 40 : i32
      %dma_wait3A_1027 = arith.constant 0 : i32
      %dma_wait3A_1028 = tpu.memref_slice %arg3[%select_n3A, %dma_wait3A_1026, %dma_wait3A_1027] : memref<26x50x1024xi32, #tpu.memory_space<hbm>> -> memref<1x5x1024xi32, #tpu.memory_space<hbm>>
      %dma_wait3A_1029 = tpu.memref_squeeze %dma_wait3A_1028 : memref<1x5x1024xi32, #tpu.memory_space<hbm>> -> memref<5x1024xi32, #tpu.memory_space<hbm>>
      %dma_wait3A_1030 = arith.constant 0 : i32
      %dma_wait3A_1031 = arith.constant 0 : i32
      %dma_wait3A_1032 = tpu.memref_slice %arg6[%dma_wait3A_1021, %dma_wait3A_1030, %dma_wait3A_1031] : memref<2x5x1024xi32, #tpu.memory_space<vmem>> -> memref<1x5x1024xi32, #tpu.memory_space<vmem>>
      %dma_wait3A_1033 = tpu.memref_squeeze %dma_wait3A_1032 : memref<1x5x1024xi32, #tpu.memory_space<vmem>> -> memref<5x1024xi32, #tpu.memory_space<vmem>>
      %dma_wait3A_1034 = arith.constant 40 : i32
      %dma_wait3A_1035 = arith.constant 0 : i32
      %dma_wait3A_1036 = tpu.memref_slice %arg3[%select_n3A, %dma_wait3A_1034, %dma_wait3A_1035] : memref<26x50x1024xi32, #tpu.memory_space<hbm>> -> memref<1x5x1024xi32, #tpu.memory_space<hbm>>
      %dma_wait3A_1037 = tpu.memref_squeeze %dma_wait3A_1036 : memref<1x5x1024xi32, #tpu.memory_space<hbm>> -> memref<5x1024xi32, #tpu.memory_space<hbm>>
      tpu.wait_dma2 semaphore(%arg9 : memref<!tpu.dma_semaphore, #tpu.memory_space<semaphore_mem>>) src(%dma_wait3A_1037 : memref<5x1024xi32, #tpu.memory_space<hbm>>) dst(%dma_wait3A_1033 : memref<5x1024xi32, #tpu.memory_space<vmem>>)
      %dma_wait3A_1038 = arith.constant 0 : i32
      %dma_wait3A_1039 = arith.constant 0 : i32
      %dma_wait3A_1040 = arith.constant 0 : i32
      %dma_wait3A_1041 = arith.constant 0 : i32
      %dma_wait3A_1042 = tpu.memref_slice %arg7[%dma_wait3A_1038, %dma_wait3A_1039, %dma_wait3A_1040, %dma_wait3A_1041] : memref<2x5x8x128xf32, #tpu.memory_space<vmem>> -> memref<1x5x8x128xf32, #tpu.memory_space<vmem>>
      %dma_wait3A_1043 = tpu.memref_squeeze %dma_wait3A_1042 : memref<1x5x8x128xf32, #tpu.memory_space<vmem>> -> memref<5x8x128xf32, #tpu.memory_space<vmem>>
      %dma_wait3A_1044 = arith.constant 30 : i32
      %dma_wait3A_1045 = arith.constant 0 : i32
      %dma_wait3A_1046 = arith.constant 0 : i32
      %dma_wait3A_1047 = tpu.memref_slice %arg4[%dma_wait3A_1044, %select_n3A_844, %dma_wait3A_1045, %select_n3A_860, %dma_wait3A_1046] : memref<50x52x8x8x128xf32, #tpu.memory_space<hbm>> -> memref<5x1x8x1x128xf32, #tpu.memory_space<hbm>>
      %dma_wait3A_1048 = tpu.memref_squeeze %dma_wait3A_1047 : memref<5x1x8x1x128xf32, #tpu.memory_space<hbm>> -> memref<5x8x128xf32, #tpu.memory_space<hbm>>
      %dma_wait3A_1049 = arith.constant 30 : i32
      %dma_wait3A_1050 = arith.constant 0 : i32
      %dma_wait3A_1051 = arith.constant 0 : i32
      %dma_wait3A_1052 = tpu.memref_slice %arg4[%dma_wait3A_1049, %select_n3A_844, %dma_wait3A_1050, %select_n3A_860, %dma_wait3A_1051] : memref<50x52x8x8x128xf32, #tpu.memory_space<hbm>> -> memref<5x1x8x1x128xf32, #tpu.memory_space<hbm>>
      %dma_wait3A_1053 = tpu.memref_squeeze %dma_wait3A_1052 : memref<5x1x8x1x128xf32, #tpu.memory_space<hbm>> -> memref<5x8x128xf32, #tpu.memory_space<hbm>>
      %dma_wait3A_1054 = arith.constant 0 : i32
      %dma_wait3A_1055 = arith.constant 0 : i32
      %dma_wait3A_1056 = arith.constant 0 : i32
      %dma_wait3A_1057 = tpu.memref_slice %arg7[%dma_wait3A_1038, %dma_wait3A_1054, %dma_wait3A_1055, %dma_wait3A_1056] : memref<2x5x8x128xf32, #tpu.memory_space<vmem>> -> memref<1x5x8x128xf32, #tpu.memory_space<vmem>>
      %dma_wait3A_1058 = tpu.memref_squeeze %dma_wait3A_1057 : memref<1x5x8x128xf32, #tpu.memory_space<vmem>> -> memref<5x8x128xf32, #tpu.memory_space<vmem>>
      tpu.wait_dma2 semaphore(%arg10 : memref<!tpu.dma_semaphore, #tpu.memory_space<semaphore_mem>>) src(%dma_wait3A_1058 : memref<5x8x128xf32, #tpu.memory_space<vmem>>) dst(%dma_wait3A_1053 : memref<5x8x128xf32, #tpu.memory_space<hbm>>)
      %scan3A_1059 = arith.constant 0 : i32
      %scan3A_1060 = arith.constant 0 : i32
      %scan3A_1061 = arith.constant 5 : i32
      %scan3A_1062 = arith.addi %scan3A_1060, %scan3A_1061 : i32
      %scan3A_1063 = arith.constant 1 : i32
      scf.for %scan3A_1273 = %scan3A_1060 to %scan3A_1062 step %scan3A_1063  : i32 {
        %parallel_loop3A = arith.constant 0 : i32
        %parallel_loop3A_1274 = arith.constant 8 : i32
        %parallel_loop3A_1275 = arith.constant 1 : i32
        scf.for %parallel_loop3A_1276 = %parallel_loop3A to %parallel_loop3A_1274 step %parallel_loop3A_1275  : i32 {
          %parallel_loop3A_1277 = arith.constant 128 : i32
          %parallel_loop3A_1278 = arith.muli %parallel_loop3A_1276, %parallel_loop3A_1277 : i32
          %parallel_loop3A_1279 = arith.constant 0 : i32
          %parallel_loop3A_1280 = arith.addi %parallel_loop3A_1278, %parallel_loop3A_1279 : i32
          %parallel_loop3A_1281 = arith.constant 0 : i32
          %parallel_loop3A_1282 = arith.constant 0 : i32
          %parallel_loop3A_1283 = arith.constant 0 : i32
          %parallel_loop3A_1284 = tpu.memref_slice %arg6[%parallel_loop3A_1281, %parallel_loop3A_1282, %parallel_loop3A_1283] : memref<2x5x1024xi32, #tpu.memory_space<vmem>> -> memref<1x5x1024xi32, #tpu.memory_space<vmem>>
          %parallel_loop3A_1285 = tpu.memref_squeeze %parallel_loop3A_1284 : memref<1x5x1024xi32, #tpu.memory_space<vmem>> -> memref<5x1024xi32, #tpu.memory_space<vmem>>
          %parallel_loop3A_1286 = arith.index_cast %scan3A_1273 : i32 to index
          %parallel_loop3A_1287 = arith.index_cast %parallel_loop3A_1280 : i32 to index
          %parallel_loop3A_1288 = tpu.vector_load %parallel_loop3A_1285[%parallel_loop3A_1286, %parallel_loop3A_1287] {strides = array<i32>} : memref<5x1024xi32, #tpu.memory_space<vmem>>, vector<16xi32>,
          %parallel_loop3A_1289 = tpu.vector_load_idx %arg5[%parallel_loop3A_1288] : memref<100000xf32, #tpu.memory_space<vmem>>[vector<16xi32>], vector<16xf32>,
          %parallel_loop3A_1290 = arith.constant 0 : i32
          %parallel_loop3A_1291 = arith.constant 0 : i32
          %parallel_loop3A_1292 = arith.constant 0 : i32
          %parallel_loop3A_1293 = arith.constant 0 : i32
          %parallel_loop3A_1294 = tpu.memref_slice %arg7[%parallel_loop3A_1290, %parallel_loop3A_1291, %parallel_loop3A_1292, %parallel_loop3A_1293] : memref<2x5x8x128xf32, #tpu.memory_space<vmem>> -> memref<1x5x8x128xf32, #tpu.memory_space<vmem>>
          %parallel_loop3A_1295 = tpu.memref_squeeze %parallel_loop3A_1294 : memref<1x5x8x128xf32, #tpu.memory_space<vmem>> -> memref<5x8x128xf32, #tpu.memory_space<vmem>>
          %parallel_loop3A_1296 = arith.index_cast %scan3A_1273 : i32 to index
          %parallel_loop3A_1297 = arith.index_cast %parallel_loop3A_1276 : i32 to index
          %parallel_loop3A_1298 = arith.constant 0 : index
          %parallel_loop3A_1299 = tpu.vector_load %parallel_loop3A_1295[%parallel_loop3A_1296, %parallel_loop3A_1297, %parallel_loop3A_1298] {strides = array<i32>} : memref<5x8x128xf32, #tpu.memory_space<vmem>>, vector<16xf32>,
          tpu.vector_store %parallel_loop3A_1295[%parallel_loop3A_1296, %parallel_loop3A_1297, %parallel_loop3A_1298], %parallel_loop3A_1289 {strides = array<i32>} : memref<5x8x128xf32, #tpu.memory_space<vmem>>, vector<16xf32>,
          %parallel_loop3A_1300 = arith.constant 128 : i32
          %parallel_loop3A_1301 = arith.muli %parallel_loop3A_1276, %parallel_loop3A_1300 : i32
          %parallel_loop3A_1302 = arith.constant 16 : i32
          %parallel_loop3A_1303 = arith.addi %parallel_loop3A_1301, %parallel_loop3A_1302 : i32
          %parallel_loop3A_1304 = arith.constant 0 : i32
          %parallel_loop3A_1305 = arith.constant 0 : i32
          %parallel_loop3A_1306 = arith.constant 0 : i32
          %parallel_loop3A_1307 = tpu.memref_slice %arg6[%parallel_loop3A_1304, %parallel_loop3A_1305, %parallel_loop3A_1306] : memref<2x5x1024xi32, #tpu.memory_space<vmem>> -> memref<1x5x1024xi32, #tpu.memory_space<vmem>>
          %parallel_loop3A_1308 = tpu.memref_squeeze %parallel_loop3A_1307 : memref<1x5x1024xi32, #tpu.memory_space<vmem>> -> memref<5x1024xi32, #tpu.memory_space<vmem>>
          %parallel_loop3A_1309 = arith.index_cast %scan3A_1273 : i32 to index
          %parallel_loop3A_1310 = arith.index_cast %parallel_loop3A_1303 : i32 to index
          %parallel_loop3A_1311 = tpu.vector_load %parallel_loop3A_1308[%parallel_loop3A_1309, %parallel_loop3A_1310] {strides = array<i32>} : memref<5x1024xi32, #tpu.memory_space<vmem>>, vector<16xi32>,
          %parallel_loop3A_1312 = tpu.vector_load_idx %arg5[%parallel_loop3A_1311] : memref<100000xf32, #tpu.memory_space<vmem>>[vector<16xi32>], vector<16xf32>,
          %parallel_loop3A_1313 = arith.constant 0 : i32
          %parallel_loop3A_1314 = arith.constant 0 : i32
          %parallel_loop3A_1315 = arith.constant 0 : i32
          %parallel_loop3A_1316 = arith.constant 0 : i32
          %parallel_loop3A_1317 = tpu.memref_slice %arg7[%parallel_loop3A_1313, %parallel_loop3A_1314, %parallel_loop3A_1315, %parallel_loop3A_1316] : memref<2x5x8x128xf32, #tpu.memory_space<vmem>> -> memref<1x5x8x128xf32, #tpu.memory_space<vmem>>
          %parallel_loop3A_1318 = tpu.memref_squeeze %parallel_loop3A_1317 : memref<1x5x8x128xf32, #tpu.memory_space<vmem>> -> memref<5x8x128xf32, #tpu.memory_space<vmem>>
          %parallel_loop3A_1319 = arith.index_cast %scan3A_1273 : i32 to index
          %parallel_loop3A_1320 = arith.index_cast %parallel_loop3A_1276 : i32 to index
          %parallel_loop3A_1321 = arith.constant 16 : index
          %parallel_loop3A_1322 = tpu.vector_load %parallel_loop3A_1318[%parallel_loop3A_1319, %parallel_loop3A_1320, %parallel_loop3A_1321] {strides = array<i32>} : memref<5x8x128xf32, #tpu.memory_space<vmem>>, vector<16xf32>,
          tpu.vector_store %parallel_loop3A_1318[%parallel_loop3A_1319, %parallel_loop3A_1320, %parallel_loop3A_1321], %parallel_loop3A_1312 {strides = array<i32>} : memref<5x8x128xf32, #tpu.memory_space<vmem>>, vector<16xf32>,
          %parallel_loop3A_1323 = arith.constant 128 : i32
          %parallel_loop3A_1324 = arith.muli %parallel_loop3A_1276, %parallel_loop3A_1323 : i32
          %parallel_loop3A_1325 = arith.constant 32 : i32
          %parallel_loop3A_1326 = arith.addi %parallel_loop3A_1324, %parallel_loop3A_1325 : i32
          %parallel_loop3A_1327 = arith.constant 0 : i32
          %parallel_loop3A_1328 = arith.constant 0 : i32
          %parallel_loop3A_1329 = arith.constant 0 : i32
          %parallel_loop3A_1330 = tpu.memref_slice %arg6[%parallel_loop3A_1327, %parallel_loop3A_1328, %parallel_loop3A_1329] : memref<2x5x1024xi32, #tpu.memory_space<vmem>> -> memref<1x5x1024xi32, #tpu.memory_space<vmem>>
          %parallel_loop3A_1331 = tpu.memref_squeeze %parallel_loop3A_1330 : memref<1x5x1024xi32, #tpu.memory_space<vmem>> -> memref<5x1024xi32, #tpu.memory_space<vmem>>
          %parallel_loop3A_1332 = arith.index_cast %scan3A_1273 : i32 to index
          %parallel_loop3A_1333 = arith.index_cast %parallel_loop3A_1326 : i32 to index
          %parallel_loop3A_1334 = tpu.vector_load %parallel_loop3A_1331[%parallel_loop3A_1332, %parallel_loop3A_1333] {strides = array<i32>} : memref<5x1024xi32, #tpu.memory_space<vmem>>, vector<16xi32>,
          %parallel_loop3A_1335 = tpu.vector_load_idx %arg5[%parallel_loop3A_1334] : memref<100000xf32, #tpu.memory_space<vmem>>[vector<16xi32>], vector<16xf32>,
          %parallel_loop3A_1336 = arith.constant 0 : i32
          %parallel_loop3A_1337 = arith.constant 0 : i32
          %parallel_loop3A_1338 = arith.constant 0 : i32
          %parallel_loop3A_1339 = arith.constant 0 : i32
          %parallel_loop3A_1340 = tpu.memref_slice %arg7[%parallel_loop3A_1336, %parallel_loop3A_1337, %parallel_loop3A_1338, %parallel_loop3A_1339] : memref<2x5x8x128xf32, #tpu.memory_space<vmem>> -> memref<1x5x8x128xf32, #tpu.memory_space<vmem>>
          %parallel_loop3A_1341 = tpu.memref_squeeze %parallel_loop3A_1340 : memref<1x5x8x128xf32, #tpu.memory_space<vmem>> -> memref<5x8x128xf32, #tpu.memory_space<vmem>>
          %parallel_loop3A_1342 = arith.index_cast %scan3A_1273 : i32 to index
          %parallel_loop3A_1343 = arith.index_cast %parallel_loop3A_1276 : i32 to index
          %parallel_loop3A_1344 = arith.constant 32 : index
          %parallel_loop3A_1345 = tpu.vector_load %parallel_loop3A_1341[%parallel_loop3A_1342, %parallel_loop3A_1343, %parallel_loop3A_1344] {strides = array<i32>} : memref<5x8x128xf32, #tpu.memory_space<vmem>>, vector<16xf32>,
          tpu.vector_store %parallel_loop3A_1341[%parallel_loop3A_1342, %parallel_loop3A_1343, %parallel_loop3A_1344], %parallel_loop3A_1335 {strides = array<i32>} : memref<5x8x128xf32, #tpu.memory_space<vmem>>, vector<16xf32>,
          %parallel_loop3A_1346 = arith.constant 128 : i32
          %parallel_loop3A_1347 = arith.muli %parallel_loop3A_1276, %parallel_loop3A_1346 : i32
          %parallel_loop3A_1348 = arith.constant 48 : i32
          %parallel_loop3A_1349 = arith.addi %parallel_loop3A_1347, %parallel_loop3A_1348 : i32
          %parallel_loop3A_1350 = arith.constant 0 : i32
          %parallel_loop3A_1351 = arith.constant 0 : i32
          %parallel_loop3A_1352 = arith.constant 0 : i32
          %parallel_loop3A_1353 = tpu.memref_slice %arg6[%parallel_loop3A_1350, %parallel_loop3A_1351, %parallel_loop3A_1352] : memref<2x5x1024xi32, #tpu.memory_space<vmem>> -> memref<1x5x1024xi32, #tpu.memory_space<vmem>>
          %parallel_loop3A_1354 = tpu.memref_squeeze %parallel_loop3A_1353 : memref<1x5x1024xi32, #tpu.memory_space<vmem>> -> memref<5x1024xi32, #tpu.memory_space<vmem>>
          %parallel_loop3A_1355 = arith.index_cast %scan3A_1273 : i32 to index
          %parallel_loop3A_1356 = arith.index_cast %parallel_loop3A_1349 : i32 to index
          %parallel_loop3A_1357 = tpu.vector_load %parallel_loop3A_1354[%parallel_loop3A_1355, %parallel_loop3A_1356] {strides = array<i32>} : memref<5x1024xi32, #tpu.memory_space<vmem>>, vector<16xi32>,
          %parallel_loop3A_1358 = tpu.vector_load_idx %arg5[%parallel_loop3A_1357] : memref<100000xf32, #tpu.memory_space<vmem>>[vector<16xi32>], vector<16xf32>,
          %parallel_loop3A_1359 = arith.constant 0 : i32
          %parallel_loop3A_1360 = arith.constant 0 : i32
          %parallel_loop3A_1361 = arith.constant 0 : i32
          %parallel_loop3A_1362 = arith.constant 0 : i32
          %parallel_loop3A_1363 = tpu.memref_slice %arg7[%parallel_loop3A_1359, %parallel_loop3A_1360, %parallel_loop3A_1361, %parallel_loop3A_1362] : memref<2x5x8x128xf32, #tpu.memory_space<vmem>> -> memref<1x5x8x128xf32, #tpu.memory_space<vmem>>
          %parallel_loop3A_1364 = tpu.memref_squeeze %parallel_loop3A_1363 : memref<1x5x8x128xf32, #tpu.memory_space<vmem>> -> memref<5x8x128xf32, #tpu.memory_space<vmem>>
          %parallel_loop3A_1365 = arith.index_cast %scan3A_1273 : i32 to index
          %parallel_loop3A_1366 = arith.index_cast %parallel_loop3A_1276 : i32 to index
          %parallel_loop3A_1367 = arith.constant 48 : index
          %parallel_loop3A_1368 = tpu.vector_load %parallel_loop3A_1364[%parallel_loop3A_1365, %parallel_loop3A_1366, %parallel_loop3A_1367] {strides = array<i32>} : memref<5x8x128xf32, #tpu.memory_space<vmem>>, vector<16xf32>,
          tpu.vector_store %parallel_loop3A_1364[%parallel_loop3A_1365, %parallel_loop3A_1366, %parallel_loop3A_1367], %parallel_loop3A_1358 {strides = array<i32>} : memref<5x8x128xf32, #tpu.memory_space<vmem>>, vector<16xf32>,
          %parallel_loop3A_1369 = arith.constant 128 : i32
          %parallel_loop3A_1370 = arith.muli %parallel_loop3A_1276, %parallel_loop3A_1369 : i32
          %parallel_loop3A_1371 = arith.constant 64 : i32
          %parallel_loop3A_1372 = arith.addi %parallel_loop3A_1370, %parallel_loop3A_1371 : i32
          %parallel_loop3A_1373 = arith.constant 0 : i32
          %parallel_loop3A_1374 = arith.constant 0 : i32
          %parallel_loop3A_1375 = arith.constant 0 : i32
          %parallel_loop3A_1376 = tpu.memref_slice %arg6[%parallel_loop3A_1373, %parallel_loop3A_1374, %parallel_loop3A_1375] : memref<2x5x1024xi32, #tpu.memory_space<vmem>> -> memref<1x5x1024xi32, #tpu.memory_space<vmem>>
          %parallel_loop3A_1377 = tpu.memref_squeeze %parallel_loop3A_1376 : memref<1x5x1024xi32, #tpu.memory_space<vmem>> -> memref<5x1024xi32, #tpu.memory_space<vmem>>
          %parallel_loop3A_1378 = arith.index_cast %scan3A_1273 : i32 to index
          %parallel_loop3A_1379 = arith.index_cast %parallel_loop3A_1372 : i32 to index
          %parallel_loop3A_1380 = tpu.vector_load %parallel_loop3A_1377[%parallel_loop3A_1378, %parallel_loop3A_1379] {strides = array<i32>} : memref<5x1024xi32, #tpu.memory_space<vmem>>, vector<16xi32>,
          %parallel_loop3A_1381 = tpu.vector_load_idx %arg5[%parallel_loop3A_1380] : memref<100000xf32, #tpu.memory_space<vmem>>[vector<16xi32>], vector<16xf32>,
          %parallel_loop3A_1382 = arith.constant 0 : i32
          %parallel_loop3A_1383 = arith.constant 0 : i32
          %parallel_loop3A_1384 = arith.constant 0 : i32
          %parallel_loop3A_1385 = arith.constant 0 : i32
          %parallel_loop3A_1386 = tpu.memref_slice %arg7[%parallel_loop3A_1382, %parallel_loop3A_1383, %parallel_loop3A_1384, %parallel_loop3A_1385] : memref<2x5x8x128xf32, #tpu.memory_space<vmem>> -> memref<1x5x8x128xf32, #tpu.memory_space<vmem>>
          %parallel_loop3A_1387 = tpu.memref_squeeze %parallel_loop3A_1386 : memref<1x5x8x128xf32, #tpu.memory_space<vmem>> -> memref<5x8x128xf32, #tpu.memory_space<vmem>>
          %parallel_loop3A_1388 = arith.index_cast %scan3A_1273 : i32 to index
          %parallel_loop3A_1389 = arith.index_cast %parallel_loop3A_1276 : i32 to index
          %parallel_loop3A_1390 = arith.constant 64 : index
          %parallel_loop3A_1391 = tpu.vector_load %parallel_loop3A_1387[%parallel_loop3A_1388, %parallel_loop3A_1389, %parallel_loop3A_1390] {strides = array<i32>} : memref<5x8x128xf32, #tpu.memory_space<vmem>>, vector<16xf32>,
          tpu.vector_store %parallel_loop3A_1387[%parallel_loop3A_1388, %parallel_loop3A_1389, %parallel_loop3A_1390], %parallel_loop3A_1381 {strides = array<i32>} : memref<5x8x128xf32, #tpu.memory_space<vmem>>, vector<16xf32>,
          %parallel_loop3A_1392 = arith.constant 128 : i32
          %parallel_loop3A_1393 = arith.muli %parallel_loop3A_1276, %parallel_loop3A_1392 : i32
          %parallel_loop3A_1394 = arith.constant 80 : i32
          %parallel_loop3A_1395 = arith.addi %parallel_loop3A_1393, %parallel_loop3A_1394 : i32
          %parallel_loop3A_1396 = arith.constant 0 : i32
          %parallel_loop3A_1397 = arith.constant 0 : i32
          %parallel_loop3A_1398 = arith.constant 0 : i32
          %parallel_loop3A_1399 = tpu.memref_slice %arg6[%parallel_loop3A_1396, %parallel_loop3A_1397, %parallel_loop3A_1398] : memref<2x5x1024xi32, #tpu.memory_space<vmem>> -> memref<1x5x1024xi32, #tpu.memory_space<vmem>>
          %parallel_loop3A_1400 = tpu.memref_squeeze %parallel_loop3A_1399 : memref<1x5x1024xi32, #tpu.memory_space<vmem>> -> memref<5x1024xi32, #tpu.memory_space<vmem>>
          %parallel_loop3A_1401 = arith.index_cast %scan3A_1273 : i32 to index
          %parallel_loop3A_1402 = arith.index_cast %parallel_loop3A_1395 : i32 to index
          %parallel_loop3A_1403 = tpu.vector_load %parallel_loop3A_1400[%parallel_loop3A_1401, %parallel_loop3A_1402] {strides = array<i32>} : memref<5x1024xi32, #tpu.memory_space<vmem>>, vector<16xi32>,
          %parallel_loop3A_1404 = tpu.vector_load_idx %arg5[%parallel_loop3A_1403] : memref<100000xf32, #tpu.memory_space<vmem>>[vector<16xi32>], vector<16xf32>,
          %parallel_loop3A_1405 = arith.constant 0 : i32
          %parallel_loop3A_1406 = arith.constant 0 : i32
          %parallel_loop3A_1407 = arith.constant 0 : i32
          %parallel_loop3A_1408 = arith.constant 0 : i32
          %parallel_loop3A_1409 = tpu.memref_slice %arg7[%parallel_loop3A_1405, %parallel_loop3A_1406, %parallel_loop3A_1407, %parallel_loop3A_1408] : memref<2x5x8x128xf32, #tpu.memory_space<vmem>> -> memref<1x5x8x128xf32, #tpu.memory_space<vmem>>
          %parallel_loop3A_1410 = tpu.memref_squeeze %parallel_loop3A_1409 : memref<1x5x8x128xf32, #tpu.memory_space<vmem>> -> memref<5x8x128xf32, #tpu.memory_space<vmem>>
          %parallel_loop3A_1411 = arith.index_cast %scan3A_1273 : i32 to index
          %parallel_loop3A_1412 = arith.index_cast %parallel_loop3A_1276 : i32 to index
          %parallel_loop3A_1413 = arith.constant 80 : index
          %parallel_loop3A_1414 = tpu.vector_load %parallel_loop3A_1410[%parallel_loop3A_1411, %parallel_loop3A_1412, %parallel_loop3A_1413] {strides = array<i32>} : memref<5x8x128xf32, #tpu.memory_space<vmem>>, vector<16xf32>,
          tpu.vector_store %parallel_loop3A_1410[%parallel_loop3A_1411, %parallel_loop3A_1412, %parallel_loop3A_1413], %parallel_loop3A_1404 {strides = array<i32>} : memref<5x8x128xf32, #tpu.memory_space<vmem>>, vector<16xf32>,
          %parallel_loop3A_1415 = arith.constant 128 : i32
          %parallel_loop3A_1416 = arith.muli %parallel_loop3A_1276, %parallel_loop3A_1415 : i32
          %parallel_loop3A_1417 = arith.constant 96 : i32
          %parallel_loop3A_1418 = arith.addi %parallel_loop3A_1416, %parallel_loop3A_1417 : i32
          %parallel_loop3A_1419 = arith.constant 0 : i32
          %parallel_loop3A_1420 = arith.constant 0 : i32
          %parallel_loop3A_1421 = arith.constant 0 : i32
          %parallel_loop3A_1422 = tpu.memref_slice %arg6[%parallel_loop3A_1419, %parallel_loop3A_1420, %parallel_loop3A_1421] : memref<2x5x1024xi32, #tpu.memory_space<vmem>> -> memref<1x5x1024xi32, #tpu.memory_space<vmem>>
          %parallel_loop3A_1423 = tpu.memref_squeeze %parallel_loop3A_1422 : memref<1x5x1024xi32, #tpu.memory_space<vmem>> -> memref<5x1024xi32, #tpu.memory_space<vmem>>
          %parallel_loop3A_1424 = arith.index_cast %scan3A_1273 : i32 to index
          %parallel_loop3A_1425 = arith.index_cast %parallel_loop3A_1418 : i32 to index
          %parallel_loop3A_1426 = tpu.vector_load %parallel_loop3A_1423[%parallel_loop3A_1424, %parallel_loop3A_1425] {strides = array<i32>} : memref<5x1024xi32, #tpu.memory_space<vmem>>, vector<16xi32>,
          %parallel_loop3A_1427 = tpu.vector_load_idx %arg5[%parallel_loop3A_1426] : memref<100000xf32, #tpu.memory_space<vmem>>[vector<16xi32>], vector<16xf32>,
          %parallel_loop3A_1428 = arith.constant 0 : i32
          %parallel_loop3A_1429 = arith.constant 0 : i32
          %parallel_loop3A_1430 = arith.constant 0 : i32
          %parallel_loop3A_1431 = arith.constant 0 : i32
          %parallel_loop3A_1432 = tpu.memref_slice %arg7[%parallel_loop3A_1428, %parallel_loop3A_1429, %parallel_loop3A_1430, %parallel_loop3A_1431] : memref<2x5x8x128xf32, #tpu.memory_space<vmem>> -> memref<1x5x8x128xf32, #tpu.memory_space<vmem>>
          %parallel_loop3A_1433 = tpu.memref_squeeze %parallel_loop3A_1432 : memref<1x5x8x128xf32, #tpu.memory_space<vmem>> -> memref<5x8x128xf32, #tpu.memory_space<vmem>>
          %parallel_loop3A_1434 = arith.index_cast %scan3A_1273 : i32 to index
          %parallel_loop3A_1435 = arith.index_cast %parallel_loop3A_1276 : i32 to index
          %parallel_loop3A_1436 = arith.constant 96 : index
          %parallel_loop3A_1437 = tpu.vector_load %parallel_loop3A_1433[%parallel_loop3A_1434, %parallel_loop3A_1435, %parallel_loop3A_1436] {strides = array<i32>} : memref<5x8x128xf32, #tpu.memory_space<vmem>>, vector<16xf32>,
          tpu.vector_store %parallel_loop3A_1433[%parallel_loop3A_1434, %parallel_loop3A_1435, %parallel_loop3A_1436], %parallel_loop3A_1427 {strides = array<i32>} : memref<5x8x128xf32, #tpu.memory_space<vmem>>, vector<16xf32>,
          %parallel_loop3A_1438 = arith.constant 128 : i32
          %parallel_loop3A_1439 = arith.muli %parallel_loop3A_1276, %parallel_loop3A_1438 : i32
          %parallel_loop3A_1440 = arith.constant 112 : i32
          %parallel_loop3A_1441 = arith.addi %parallel_loop3A_1439, %parallel_loop3A_1440 : i32
          %parallel_loop3A_1442 = arith.constant 0 : i32
          %parallel_loop3A_1443 = arith.constant 0 : i32
          %parallel_loop3A_1444 = arith.constant 0 : i32
          %parallel_loop3A_1445 = tpu.memref_slice %arg6[%parallel_loop3A_1442, %parallel_loop3A_1443, %parallel_loop3A_1444] : memref<2x5x1024xi32, #tpu.memory_space<vmem>> -> memref<1x5x1024xi32, #tpu.memory_space<vmem>>
          %parallel_loop3A_1446 = tpu.memref_squeeze %parallel_loop3A_1445 : memref<1x5x1024xi32, #tpu.memory_space<vmem>> -> memref<5x1024xi32, #tpu.memory_space<vmem>>
          %parallel_loop3A_1447 = arith.index_cast %scan3A_1273 : i32 to index
          %parallel_loop3A_1448 = arith.index_cast %parallel_loop3A_1441 : i32 to index
          %parallel_loop3A_1449 = tpu.vector_load %parallel_loop3A_1446[%parallel_loop3A_1447, %parallel_loop3A_1448] {strides = array<i32>} : memref<5x1024xi32, #tpu.memory_space<vmem>>, vector<16xi32>,
          %parallel_loop3A_1450 = tpu.vector_load_idx %arg5[%parallel_loop3A_1449] : memref<100000xf32, #tpu.memory_space<vmem>>[vector<16xi32>], vector<16xf32>,
          %parallel_loop3A_1451 = arith.constant 0 : i32
          %parallel_loop3A_1452 = arith.constant 0 : i32
          %parallel_loop3A_1453 = arith.constant 0 : i32
          %parallel_loop3A_1454 = arith.constant 0 : i32
          %parallel_loop3A_1455 = tpu.memref_slice %arg7[%parallel_loop3A_1451, %parallel_loop3A_1452, %parallel_loop3A_1453, %parallel_loop3A_1454] : memref<2x5x8x128xf32, #tpu.memory_space<vmem>> -> memref<1x5x8x128xf32, #tpu.memory_space<vmem>>
          %parallel_loop3A_1456 = tpu.memref_squeeze %parallel_loop3A_1455 : memref<1x5x8x128xf32, #tpu.memory_space<vmem>> -> memref<5x8x128xf32, #tpu.memory_space<vmem>>
          %parallel_loop3A_1457 = arith.index_cast %scan3A_1273 : i32 to index
          %parallel_loop3A_1458 = arith.index_cast %parallel_loop3A_1276 : i32 to index
          %parallel_loop3A_1459 = arith.constant 112 : index
          %parallel_loop3A_1460 = tpu.vector_load %parallel_loop3A_1456[%parallel_loop3A_1457, %parallel_loop3A_1458, %parallel_loop3A_1459] {strides = array<i32>} : memref<5x8x128xf32, #tpu.memory_space<vmem>>, vector<16xf32>,
          tpu.vector_store %parallel_loop3A_1456[%parallel_loop3A_1457, %parallel_loop3A_1458, %parallel_loop3A_1459], %parallel_loop3A_1450 {strides = array<i32>} : memref<5x8x128xf32, #tpu.memory_space<vmem>>, vector<16xf32>,
        } {sc.loop_unroll_factor = 2 : i64, sc.parallel_access}
      }
      %scan3A_1064 = arith.constant 5 : i32
      %jit3A_1065 = arith.constant 8 : i32
      %div3A_1066 = arith.divsi %add3A_42, %jit3A_1065 : i32
      %sign3A_1067 = arith.constant 0 : i32
      %sign3A_1068 = arith.cmpi sgt, %add3A_42, %sign3A_1067 : i32
      %sign3A_1069 = arith.extui %sign3A_1068 : i1 to i32
      %sign3A_1070 = arith.constant 0 : i32
      %sign3A_1071 = arith.cmpi slt, %add3A_42, %sign3A_1070 : i32
      %sign3A_1072 = arith.extui %sign3A_1071 : i1 to i32
      %sign3A_1073 = arith.subi %sign3A_1069, %sign3A_1072 : i32
      %sign3A_1074 = arith.constant 0 : i32
      %sign3A_1075 = arith.cmpi sgt, %jit3A_1065, %sign3A_1074 : i32
      %sign3A_1076 = arith.extui %sign3A_1075 : i1 to i32
      %sign3A_1077 = arith.constant 0 : i32
      %sign3A_1078 = arith.cmpi slt, %jit3A_1065, %sign3A_1077 : i32
      %sign3A_1079 = arith.extui %sign3A_1078 : i1 to i32
      %sign3A_1080 = arith.subi %sign3A_1076, %sign3A_1079 : i32
      %ne3A_1081 = arith.cmpi ne, %sign3A_1073, %sign3A_1080 : i32
      %rem3A_1082 = arith.remsi %add3A_42, %jit3A_1065 : i32
      %ne3A_1083 = arith.constant 0 : i32
      %ne3A_1084 = arith.cmpi ne, %rem3A_1082, %ne3A_1083 : i32
      %and3A_1085 = arith.andi %ne3A_1081, %ne3A_1084 : i1
      %sub3A_1086 = arith.constant 1 : i32
      %sub3A_1087 = arith.subi %div3A_1066, %sub3A_1086 : i32
      %select_n3A_1088 = arith.select %and3A_1085, %sub3A_1087, %div3A_1066 : i32
      %jit3A_1089 = arith.constant 8 : i32
      %eq3A_1090 = arith.constant 0 : i32
      %eq3A_1091 = arith.cmpi eq, %jit3A_1089, %eq3A_1090 : i32
      %jit3A_1092 = arith.constant 1 : i32
      %select_n3A_1093 = arith.select %eq3A_1091, %jit3A_1092, %jit3A_1089 : i32
      %rem3A_1094 = arith.remsi %add3A_42, %select_n3A_1093 : i32
      %ne3A_1095 = arith.constant 0 : i32
      %ne3A_1096 = arith.cmpi ne, %rem3A_1094, %ne3A_1095 : i32
      %lt3A_1097 = arith.constant 0 : i32
      %lt3A_1098 = arith.cmpi slt, %rem3A_1094, %lt3A_1097 : i32
      %lt3A_1099 = arith.constant 0 : i32
      %lt3A_1100 = arith.cmpi slt, %select_n3A_1093, %lt3A_1099 : i32
      %ne3A_1101 = arith.xori %lt3A_1098, %lt3A_1100 : i1
      %and3A_1102 = arith.andi %ne3A_1101, %ne3A_1096 : i1
      %add3A_1103 = arith.addi %rem3A_1094, %select_n3A_1093 : i32
      %select_n3A_1104 = arith.select %and3A_1102, %add3A_1103, %rem3A_1094 : i32
      %dma_start3A_1105 = arith.constant 0 : i32
      %dma_start3A_1106 = arith.constant 0 : i32
      %dma_start3A_1107 = arith.constant 0 : i32
      %dma_start3A_1108 = arith.constant 0 : i32
      %dma_start3A_1109 = tpu.memref_slice %arg7[%dma_start3A_1105, %dma_start3A_1106, %dma_start3A_1107, %dma_start3A_1108] : memref<2x5x8x128xf32, #tpu.memory_space<vmem>> -> memref<1x5x8x128xf32, #tpu.memory_space<vmem>>
      %dma_start3A_1110 = tpu.memref_squeeze %dma_start3A_1109 : memref<1x5x8x128xf32, #tpu.memory_space<vmem>> -> memref<5x8x128xf32, #tpu.memory_space<vmem>>
      %dma_start3A_1111 = arith.constant 40 : i32
      %dma_start3A_1112 = arith.constant 0 : i32
      %dma_start3A_1113 = arith.constant 0 : i32
      %dma_start3A_1114 = tpu.memref_slice %arg4[%dma_start3A_1111, %select_n3A_1088, %dma_start3A_1112, %select_n3A_1104, %dma_start3A_1113] : memref<50x52x8x8x128xf32, #tpu.memory_space<hbm>> -> memref<5x1x8x1x128xf32, #tpu.memory_space<hbm>>
      %dma_start3A_1115 = tpu.memref_squeeze %dma_start3A_1114 : memref<5x1x8x1x128xf32, #tpu.memory_space<hbm>> -> memref<5x8x128xf32, #tpu.memory_space<hbm>>
      %dma_start3A_1116 = arith.constant 40 : i32
      %dma_start3A_1117 = arith.constant 0 : i32
      %dma_start3A_1118 = arith.constant 0 : i32
      %dma_start3A_1119 = tpu.memref_slice %arg4[%dma_start3A_1116, %select_n3A_1088, %dma_start3A_1117, %select_n3A_1104, %dma_start3A_1118] : memref<50x52x8x8x128xf32, #tpu.memory_space<hbm>> -> memref<5x1x8x1x128xf32, #tpu.memory_space<hbm>>
      %dma_start3A_1120 = tpu.memref_squeeze %dma_start3A_1119 : memref<5x1x8x1x128xf32, #tpu.memory_space<hbm>> -> memref<5x8x128xf32, #tpu.memory_space<hbm>>
      %dma_start3A_1121 = arith.constant 0 : i32
      %dma_start3A_1122 = arith.constant 0 : i32
      %dma_start3A_1123 = arith.constant 0 : i32
      %dma_start3A_1124 = tpu.memref_slice %arg7[%dma_start3A_1105, %dma_start3A_1121, %dma_start3A_1122, %dma_start3A_1123] : memref<2x5x8x128xf32, #tpu.memory_space<vmem>> -> memref<1x5x8x128xf32, #tpu.memory_space<vmem>>
      %dma_start3A_1125 = tpu.memref_squeeze %dma_start3A_1124 : memref<1x5x8x128xf32, #tpu.memory_space<vmem>> -> memref<5x8x128xf32, #tpu.memory_space<vmem>>
      tpu.enqueue_dma source(%dma_start3A_1125 : memref<5x8x128xf32, #tpu.memory_space<vmem>>) target(%dma_start3A_1120 : memref<5x8x128xf32, #tpu.memory_space<hbm>>) target_semaphore(%arg10 : memref<!tpu.dma_semaphore, #tpu.memory_space<semaphore_mem>>)
      %dma_wait3A_1126 = arith.constant 1 : i32
      %dma_wait3A_1127 = arith.constant 0 : i32
      %dma_wait3A_1128 = arith.constant 0 : i32
      %dma_wait3A_1129 = tpu.memref_slice %arg6[%dma_wait3A_1126, %dma_wait3A_1127, %dma_wait3A_1128] : memref<2x5x1024xi32, #tpu.memory_space<vmem>> -> memref<1x5x1024xi32, #tpu.memory_space<vmem>>
      %dma_wait3A_1130 = tpu.memref_squeeze %dma_wait3A_1129 : memref<1x5x1024xi32, #tpu.memory_space<vmem>> -> memref<5x1024xi32, #tpu.memory_space<vmem>>
      %dma_wait3A_1131 = arith.constant 45 : i32
      %dma_wait3A_1132 = arith.constant 0 : i32
      %dma_wait3A_1133 = tpu.memref_slice %arg3[%select_n3A, %dma_wait3A_1131, %dma_wait3A_1132] : memref<26x50x1024xi32, #tpu.memory_space<hbm>> -> memref<1x5x1024xi32, #tpu.memory_space<hbm>>
      %dma_wait3A_1134 = tpu.memref_squeeze %dma_wait3A_1133 : memref<1x5x1024xi32, #tpu.memory_space<hbm>> -> memref<5x1024xi32, #tpu.memory_space<hbm>>
      %dma_wait3A_1135 = arith.constant 0 : i32
      %dma_wait3A_1136 = arith.constant 0 : i32
      %dma_wait3A_1137 = tpu.memref_slice %arg6[%dma_wait3A_1126, %dma_wait3A_1135, %dma_wait3A_1136] : memref<2x5x1024xi32, #tpu.memory_space<vmem>> -> memref<1x5x1024xi32, #tpu.memory_space<vmem>>
      %dma_wait3A_1138 = tpu.memref_squeeze %dma_wait3A_1137 : memref<1x5x1024xi32, #tpu.memory_space<vmem>> -> memref<5x1024xi32, #tpu.memory_space<vmem>>
      %dma_wait3A_1139 = arith.constant 45 : i32
      %dma_wait3A_1140 = arith.constant 0 : i32
      %dma_wait3A_1141 = tpu.memref_slice %arg3[%select_n3A, %dma_wait3A_1139, %dma_wait3A_1140] : memref<26x50x1024xi32, #tpu.memory_space<hbm>> -> memref<1x5x1024xi32, #tpu.memory_space<hbm>>
      %dma_wait3A_1142 = tpu.memref_squeeze %dma_wait3A_1141 : memref<1x5x1024xi32, #tpu.memory_space<hbm>> -> memref<5x1024xi32, #tpu.memory_space<hbm>>
      tpu.wait_dma2 semaphore(%arg9 : memref<!tpu.dma_semaphore, #tpu.memory_space<semaphore_mem>>) src(%dma_wait3A_1142 : memref<5x1024xi32, #tpu.memory_space<hbm>>) dst(%dma_wait3A_1138 : memref<5x1024xi32, #tpu.memory_space<vmem>>)
      %dma_wait3A_1143 = arith.constant 1 : i32
      %dma_wait3A_1144 = arith.constant 0 : i32
      %dma_wait3A_1145 = arith.constant 0 : i32
      %dma_wait3A_1146 = arith.constant 0 : i32
      %dma_wait3A_1147 = tpu.memref_slice %arg7[%dma_wait3A_1143, %dma_wait3A_1144, %dma_wait3A_1145, %dma_wait3A_1146] : memref<2x5x8x128xf32, #tpu.memory_space<vmem>> -> memref<1x5x8x128xf32, #tpu.memory_space<vmem>>
      %dma_wait3A_1148 = tpu.memref_squeeze %dma_wait3A_1147 : memref<1x5x8x128xf32, #tpu.memory_space<vmem>> -> memref<5x8x128xf32, #tpu.memory_space<vmem>>
      %dma_wait3A_1149 = arith.constant 35 : i32
      %dma_wait3A_1150 = arith.constant 0 : i32
      %dma_wait3A_1151 = arith.constant 0 : i32
      %dma_wait3A_1152 = tpu.memref_slice %arg4[%dma_wait3A_1149, %select_n3A_966, %dma_wait3A_1150, %select_n3A_982, %dma_wait3A_1151] : memref<50x52x8x8x128xf32, #tpu.memory_space<hbm>> -> memref<5x1x8x1x128xf32, #tpu.memory_space<hbm>>
      %dma_wait3A_1153 = tpu.memref_squeeze %dma_wait3A_1152 : memref<5x1x8x1x128xf32, #tpu.memory_space<hbm>> -> memref<5x8x128xf32, #tpu.memory_space<hbm>>
      %dma_wait3A_1154 = arith.constant 35 : i32
      %dma_wait3A_1155 = arith.constant 0 : i32
      %dma_wait3A_1156 = arith.constant 0 : i32
      %dma_wait3A_1157 = tpu.memref_slice %arg4[%dma_wait3A_1154, %select_n3A_966, %dma_wait3A_1155, %select_n3A_982, %dma_wait3A_1156] : memref<50x52x8x8x128xf32, #tpu.memory_space<hbm>> -> memref<5x1x8x1x128xf32, #tpu.memory_space<hbm>>
      %dma_wait3A_1158 = tpu.memref_squeeze %dma_wait3A_1157 : memref<5x1x8x1x128xf32, #tpu.memory_space<hbm>> -> memref<5x8x128xf32, #tpu.memory_space<hbm>>
      %dma_wait3A_1159 = arith.constant 0 : i32
      %dma_wait3A_1160 = arith.constant 0 : i32
      %dma_wait3A_1161 = arith.constant 0 : i32
      %dma_wait3A_1162 = tpu.memref_slice %arg7[%dma_wait3A_1143, %dma_wait3A_1159, %dma_wait3A_1160, %dma_wait3A_1161] : memref<2x5x8x128xf32, #tpu.memory_space<vmem>> -> memref<1x5x8x128xf32, #tpu.memory_space<vmem>>
      %dma_wait3A_1163 = tpu.memref_squeeze %dma_wait3A_1162 : memref<1x5x8x128xf32, #tpu.memory_space<vmem>> -> memref<5x8x128xf32, #tpu.memory_space<vmem>>
      tpu.wait_dma2 semaphore(%arg10 : memref<!tpu.dma_semaphore, #tpu.memory_space<semaphore_mem>>) src(%dma_wait3A_1163 : memref<5x8x128xf32, #tpu.memory_space<vmem>>) dst(%dma_wait3A_1158 : memref<5x8x128xf32, #tpu.memory_space<hbm>>)
      %scan3A_1164 = arith.constant 0 : i32
      %scan3A_1165 = arith.constant 0 : i32
      %scan3A_1166 = arith.constant 5 : i32
      %scan3A_1167 = arith.addi %scan3A_1165, %scan3A_1166 : i32
      %scan3A_1168 = arith.constant 1 : i32
      scf.for %scan3A_1273 = %scan3A_1165 to %scan3A_1167 step %scan3A_1168  : i32 {
        %parallel_loop3A = arith.constant 0 : i32
        %parallel_loop3A_1274 = arith.constant 8 : i32
        %parallel_loop3A_1275 = arith.constant 1 : i32
        scf.for %parallel_loop3A_1276 = %parallel_loop3A to %parallel_loop3A_1274 step %parallel_loop3A_1275  : i32 {
          %parallel_loop3A_1277 = arith.constant 128 : i32
          %parallel_loop3A_1278 = arith.muli %parallel_loop3A_1276, %parallel_loop3A_1277 : i32
          %parallel_loop3A_1279 = arith.constant 0 : i32
          %parallel_loop3A_1280 = arith.addi %parallel_loop3A_1278, %parallel_loop3A_1279 : i32
          %parallel_loop3A_1281 = arith.constant 1 : i32
          %parallel_loop3A_1282 = arith.constant 0 : i32
          %parallel_loop3A_1283 = arith.constant 0 : i32
          %parallel_loop3A_1284 = tpu.memref_slice %arg6[%parallel_loop3A_1281, %parallel_loop3A_1282, %parallel_loop3A_1283] : memref<2x5x1024xi32, #tpu.memory_space<vmem>> -> memref<1x5x1024xi32, #tpu.memory_space<vmem>>
          %parallel_loop3A_1285 = tpu.memref_squeeze %parallel_loop3A_1284 : memref<1x5x1024xi32, #tpu.memory_space<vmem>> -> memref<5x1024xi32, #tpu.memory_space<vmem>>
          %parallel_loop3A_1286 = arith.index_cast %scan3A_1273 : i32 to index
          %parallel_loop3A_1287 = arith.index_cast %parallel_loop3A_1280 : i32 to index
          %parallel_loop3A_1288 = tpu.vector_load %parallel_loop3A_1285[%parallel_loop3A_1286, %parallel_loop3A_1287] {strides = array<i32>} : memref<5x1024xi32, #tpu.memory_space<vmem>>, vector<16xi32>,
          %parallel_loop3A_1289 = tpu.vector_load_idx %arg5[%parallel_loop3A_1288] : memref<100000xf32, #tpu.memory_space<vmem>>[vector<16xi32>], vector<16xf32>,
          %parallel_loop3A_1290 = arith.constant 1 : i32
          %parallel_loop3A_1291 = arith.constant 0 : i32
          %parallel_loop3A_1292 = arith.constant 0 : i32
          %parallel_loop3A_1293 = arith.constant 0 : i32
          %parallel_loop3A_1294 = tpu.memref_slice %arg7[%parallel_loop3A_1290, %parallel_loop3A_1291, %parallel_loop3A_1292, %parallel_loop3A_1293] : memref<2x5x8x128xf32, #tpu.memory_space<vmem>> -> memref<1x5x8x128xf32, #tpu.memory_space<vmem>>
          %parallel_loop3A_1295 = tpu.memref_squeeze %parallel_loop3A_1294 : memref<1x5x8x128xf32, #tpu.memory_space<vmem>> -> memref<5x8x128xf32, #tpu.memory_space<vmem>>
          %parallel_loop3A_1296 = arith.index_cast %scan3A_1273 : i32 to index
          %parallel_loop3A_1297 = arith.index_cast %parallel_loop3A_1276 : i32 to index
          %parallel_loop3A_1298 = arith.constant 0 : index
          %parallel_loop3A_1299 = tpu.vector_load %parallel_loop3A_1295[%parallel_loop3A_1296, %parallel_loop3A_1297, %parallel_loop3A_1298] {strides = array<i32>} : memref<5x8x128xf32, #tpu.memory_space<vmem>>, vector<16xf32>,
          tpu.vector_store %parallel_loop3A_1295[%parallel_loop3A_1296, %parallel_loop3A_1297, %parallel_loop3A_1298], %parallel_loop3A_1289 {strides = array<i32>} : memref<5x8x128xf32, #tpu.memory_space<vmem>>, vector<16xf32>,
          %parallel_loop3A_1300 = arith.constant 128 : i32
          %parallel_loop3A_1301 = arith.muli %parallel_loop3A_1276, %parallel_loop3A_1300 : i32
          %parallel_loop3A_1302 = arith.constant 16 : i32
          %parallel_loop3A_1303 = arith.addi %parallel_loop3A_1301, %parallel_loop3A_1302 : i32
          %parallel_loop3A_1304 = arith.constant 1 : i32
          %parallel_loop3A_1305 = arith.constant 0 : i32
          %parallel_loop3A_1306 = arith.constant 0 : i32
          %parallel_loop3A_1307 = tpu.memref_slice %arg6[%parallel_loop3A_1304, %parallel_loop3A_1305, %parallel_loop3A_1306] : memref<2x5x1024xi32, #tpu.memory_space<vmem>> -> memref<1x5x1024xi32, #tpu.memory_space<vmem>>
          %parallel_loop3A_1308 = tpu.memref_squeeze %parallel_loop3A_1307 : memref<1x5x1024xi32, #tpu.memory_space<vmem>> -> memref<5x1024xi32, #tpu.memory_space<vmem>>
          %parallel_loop3A_1309 = arith.index_cast %scan3A_1273 : i32 to index
          %parallel_loop3A_1310 = arith.index_cast %parallel_loop3A_1303 : i32 to index
          %parallel_loop3A_1311 = tpu.vector_load %parallel_loop3A_1308[%parallel_loop3A_1309, %parallel_loop3A_1310] {strides = array<i32>} : memref<5x1024xi32, #tpu.memory_space<vmem>>, vector<16xi32>,
          %parallel_loop3A_1312 = tpu.vector_load_idx %arg5[%parallel_loop3A_1311] : memref<100000xf32, #tpu.memory_space<vmem>>[vector<16xi32>], vector<16xf32>,
          %parallel_loop3A_1313 = arith.constant 1 : i32
          %parallel_loop3A_1314 = arith.constant 0 : i32
          %parallel_loop3A_1315 = arith.constant 0 : i32
          %parallel_loop3A_1316 = arith.constant 0 : i32
          %parallel_loop3A_1317 = tpu.memref_slice %arg7[%parallel_loop3A_1313, %parallel_loop3A_1314, %parallel_loop3A_1315, %parallel_loop3A_1316] : memref<2x5x8x128xf32, #tpu.memory_space<vmem>> -> memref<1x5x8x128xf32, #tpu.memory_space<vmem>>
          %parallel_loop3A_1318 = tpu.memref_squeeze %parallel_loop3A_1317 : memref<1x5x8x128xf32, #tpu.memory_space<vmem>> -> memref<5x8x128xf32, #tpu.memory_space<vmem>>
          %parallel_loop3A_1319 = arith.index_cast %scan3A_1273 : i32 to index
          %parallel_loop3A_1320 = arith.index_cast %parallel_loop3A_1276 : i32 to index
          %parallel_loop3A_1321 = arith.constant 16 : index
          %parallel_loop3A_1322 = tpu.vector_load %parallel_loop3A_1318[%parallel_loop3A_1319, %parallel_loop3A_1320, %parallel_loop3A_1321] {strides = array<i32>} : memref<5x8x128xf32, #tpu.memory_space<vmem>>, vector<16xf32>,
          tpu.vector_store %parallel_loop3A_1318[%parallel_loop3A_1319, %parallel_loop3A_1320, %parallel_loop3A_1321], %parallel_loop3A_1312 {strides = array<i32>} : memref<5x8x128xf32, #tpu.memory_space<vmem>>, vector<16xf32>,
          %parallel_loop3A_1323 = arith.constant 128 : i32
          %parallel_loop3A_1324 = arith.muli %parallel_loop3A_1276, %parallel_loop3A_1323 : i32
          %parallel_loop3A_1325 = arith.constant 32 : i32
          %parallel_loop3A_1326 = arith.addi %parallel_loop3A_1324, %parallel_loop3A_1325 : i32
          %parallel_loop3A_1327 = arith.constant 1 : i32
          %parallel_loop3A_1328 = arith.constant 0 : i32
          %parallel_loop3A_1329 = arith.constant 0 : i32
          %parallel_loop3A_1330 = tpu.memref_slice %arg6[%parallel_loop3A_1327, %parallel_loop3A_1328, %parallel_loop3A_1329] : memref<2x5x1024xi32, #tpu.memory_space<vmem>> -> memref<1x5x1024xi32, #tpu.memory_space<vmem>>
          %parallel_loop3A_1331 = tpu.memref_squeeze %parallel_loop3A_1330 : memref<1x5x1024xi32, #tpu.memory_space<vmem>> -> memref<5x1024xi32, #tpu.memory_space<vmem>>
          %parallel_loop3A_1332 = arith.index_cast %scan3A_1273 : i32 to index
          %parallel_loop3A_1333 = arith.index_cast %parallel_loop3A_1326 : i32 to index
          %parallel_loop3A_1334 = tpu.vector_load %parallel_loop3A_1331[%parallel_loop3A_1332, %parallel_loop3A_1333] {strides = array<i32>} : memref<5x1024xi32, #tpu.memory_space<vmem>>, vector<16xi32>,
          %parallel_loop3A_1335 = tpu.vector_load_idx %arg5[%parallel_loop3A_1334] : memref<100000xf32, #tpu.memory_space<vmem>>[vector<16xi32>], vector<16xf32>,
          %parallel_loop3A_1336 = arith.constant 1 : i32
          %parallel_loop3A_1337 = arith.constant 0 : i32
          %parallel_loop3A_1338 = arith.constant 0 : i32
          %parallel_loop3A_1339 = arith.constant 0 : i32
          %parallel_loop3A_1340 = tpu.memref_slice %arg7[%parallel_loop3A_1336, %parallel_loop3A_1337, %parallel_loop3A_1338, %parallel_loop3A_1339] : memref<2x5x8x128xf32, #tpu.memory_space<vmem>> -> memref<1x5x8x128xf32, #tpu.memory_space<vmem>>
          %parallel_loop3A_1341 = tpu.memref_squeeze %parallel_loop3A_1340 : memref<1x5x8x128xf32, #tpu.memory_space<vmem>> -> memref<5x8x128xf32, #tpu.memory_space<vmem>>
          %parallel_loop3A_1342 = arith.index_cast %scan3A_1273 : i32 to index
          %parallel_loop3A_1343 = arith.index_cast %parallel_loop3A_1276 : i32 to index
          %parallel_loop3A_1344 = arith.constant 32 : index
          %parallel_loop3A_1345 = tpu.vector_load %parallel_loop3A_1341[%parallel_loop3A_1342, %parallel_loop3A_1343, %parallel_loop3A_1344] {strides = array<i32>} : memref<5x8x128xf32, #tpu.memory_space<vmem>>, vector<16xf32>,
          tpu.vector_store %parallel_loop3A_1341[%parallel_loop3A_1342, %parallel_loop3A_1343, %parallel_loop3A_1344], %parallel_loop3A_1335 {strides = array<i32>} : memref<5x8x128xf32, #tpu.memory_space<vmem>>, vector<16xf32>,
          %parallel_loop3A_1346 = arith.constant 128 : i32
          %parallel_loop3A_1347 = arith.muli %parallel_loop3A_1276, %parallel_loop3A_1346 : i32
          %parallel_loop3A_1348 = arith.constant 48 : i32
          %parallel_loop3A_1349 = arith.addi %parallel_loop3A_1347, %parallel_loop3A_1348 : i32
          %parallel_loop3A_1350 = arith.constant 1 : i32
          %parallel_loop3A_1351 = arith.constant 0 : i32
          %parallel_loop3A_1352 = arith.constant 0 : i32
          %parallel_loop3A_1353 = tpu.memref_slice %arg6[%parallel_loop3A_1350, %parallel_loop3A_1351, %parallel_loop3A_1352] : memref<2x5x1024xi32, #tpu.memory_space<vmem>> -> memref<1x5x1024xi32, #tpu.memory_space<vmem>>
          %parallel_loop3A_1354 = tpu.memref_squeeze %parallel_loop3A_1353 : memref<1x5x1024xi32, #tpu.memory_space<vmem>> -> memref<5x1024xi32, #tpu.memory_space<vmem>>
          %parallel_loop3A_1355 = arith.index_cast %scan3A_1273 : i32 to index
          %parallel_loop3A_1356 = arith.index_cast %parallel_loop3A_1349 : i32 to index
          %parallel_loop3A_1357 = tpu.vector_load %parallel_loop3A_1354[%parallel_loop3A_1355, %parallel_loop3A_1356] {strides = array<i32>} : memref<5x1024xi32, #tpu.memory_space<vmem>>, vector<16xi32>,
          %parallel_loop3A_1358 = tpu.vector_load_idx %arg5[%parallel_loop3A_1357] : memref<100000xf32, #tpu.memory_space<vmem>>[vector<16xi32>], vector<16xf32>,
          %parallel_loop3A_1359 = arith.constant 1 : i32
          %parallel_loop3A_1360 = arith.constant 0 : i32
          %parallel_loop3A_1361 = arith.constant 0 : i32
          %parallel_loop3A_1362 = arith.constant 0 : i32
          %parallel_loop3A_1363 = tpu.memref_slice %arg7[%parallel_loop3A_1359, %parallel_loop3A_1360, %parallel_loop3A_1361, %parallel_loop3A_1362] : memref<2x5x8x128xf32, #tpu.memory_space<vmem>> -> memref<1x5x8x128xf32, #tpu.memory_space<vmem>>
          %parallel_loop3A_1364 = tpu.memref_squeeze %parallel_loop3A_1363 : memref<1x5x8x128xf32, #tpu.memory_space<vmem>> -> memref<5x8x128xf32, #tpu.memory_space<vmem>>
          %parallel_loop3A_1365 = arith.index_cast %scan3A_1273 : i32 to index
          %parallel_loop3A_1366 = arith.index_cast %parallel_loop3A_1276 : i32 to index
          %parallel_loop3A_1367 = arith.constant 48 : index
          %parallel_loop3A_1368 = tpu.vector_load %parallel_loop3A_1364[%parallel_loop3A_1365, %parallel_loop3A_1366, %parallel_loop3A_1367] {strides = array<i32>} : memref<5x8x128xf32, #tpu.memory_space<vmem>>, vector<16xf32>,
          tpu.vector_store %parallel_loop3A_1364[%parallel_loop3A_1365, %parallel_loop3A_1366, %parallel_loop3A_1367], %parallel_loop3A_1358 {strides = array<i32>} : memref<5x8x128xf32, #tpu.memory_space<vmem>>, vector<16xf32>,
          %parallel_loop3A_1369 = arith.constant 128 : i32
          %parallel_loop3A_1370 = arith.muli %parallel_loop3A_1276, %parallel_loop3A_1369 : i32
          %parallel_loop3A_1371 = arith.constant 64 : i32
          %parallel_loop3A_1372 = arith.addi %parallel_loop3A_1370, %parallel_loop3A_1371 : i32
          %parallel_loop3A_1373 = arith.constant 1 : i32
          %parallel_loop3A_1374 = arith.constant 0 : i32
          %parallel_loop3A_1375 = arith.constant 0 : i32
          %parallel_loop3A_1376 = tpu.memref_slice %arg6[%parallel_loop3A_1373, %parallel_loop3A_1374, %parallel_loop3A_1375] : memref<2x5x1024xi32, #tpu.memory_space<vmem>> -> memref<1x5x1024xi32, #tpu.memory_space<vmem>>
          %parallel_loop3A_1377 = tpu.memref_squeeze %parallel_loop3A_1376 : memref<1x5x1024xi32, #tpu.memory_space<vmem>> -> memref<5x1024xi32, #tpu.memory_space<vmem>>
          %parallel_loop3A_1378 = arith.index_cast %scan3A_1273 : i32 to index
          %parallel_loop3A_1379 = arith.index_cast %parallel_loop3A_1372 : i32 to index
          %parallel_loop3A_1380 = tpu.vector_load %parallel_loop3A_1377[%parallel_loop3A_1378, %parallel_loop3A_1379] {strides = array<i32>} : memref<5x1024xi32, #tpu.memory_space<vmem>>, vector<16xi32>,
          %parallel_loop3A_1381 = tpu.vector_load_idx %arg5[%parallel_loop3A_1380] : memref<100000xf32, #tpu.memory_space<vmem>>[vector<16xi32>], vector<16xf32>,
          %parallel_loop3A_1382 = arith.constant 1 : i32
          %parallel_loop3A_1383 = arith.constant 0 : i32
          %parallel_loop3A_1384 = arith.constant 0 : i32
          %parallel_loop3A_1385 = arith.constant 0 : i32
          %parallel_loop3A_1386 = tpu.memref_slice %arg7[%parallel_loop3A_1382, %parallel_loop3A_1383, %parallel_loop3A_1384, %parallel_loop3A_1385] : memref<2x5x8x128xf32, #tpu.memory_space<vmem>> -> memref<1x5x8x128xf32, #tpu.memory_space<vmem>>
          %parallel_loop3A_1387 = tpu.memref_squeeze %parallel_loop3A_1386 : memref<1x5x8x128xf32, #tpu.memory_space<vmem>> -> memref<5x8x128xf32, #tpu.memory_space<vmem>>
          %parallel_loop3A_1388 = arith.index_cast %scan3A_1273 : i32 to index
          %parallel_loop3A_1389 = arith.index_cast %parallel_loop3A_1276 : i32 to index
          %parallel_loop3A_1390 = arith.constant 64 : index
          %parallel_loop3A_1391 = tpu.vector_load %parallel_loop3A_1387[%parallel_loop3A_1388, %parallel_loop3A_1389, %parallel_loop3A_1390] {strides = array<i32>} : memref<5x8x128xf32, #tpu.memory_space<vmem>>, vector<16xf32>,
          tpu.vector_store %parallel_loop3A_1387[%parallel_loop3A_1388, %parallel_loop3A_1389, %parallel_loop3A_1390], %parallel_loop3A_1381 {strides = array<i32>} : memref<5x8x128xf32, #tpu.memory_space<vmem>>, vector<16xf32>,
          %parallel_loop3A_1392 = arith.constant 128 : i32
          %parallel_loop3A_1393 = arith.muli %parallel_loop3A_1276, %parallel_loop3A_1392 : i32
          %parallel_loop3A_1394 = arith.constant 80 : i32
          %parallel_loop3A_1395 = arith.addi %parallel_loop3A_1393, %parallel_loop3A_1394 : i32
          %parallel_loop3A_1396 = arith.constant 1 : i32
          %parallel_loop3A_1397 = arith.constant 0 : i32
          %parallel_loop3A_1398 = arith.constant 0 : i32
          %parallel_loop3A_1399 = tpu.memref_slice %arg6[%parallel_loop3A_1396, %parallel_loop3A_1397, %parallel_loop3A_1398] : memref<2x5x1024xi32, #tpu.memory_space<vmem>> -> memref<1x5x1024xi32, #tpu.memory_space<vmem>>
          %parallel_loop3A_1400 = tpu.memref_squeeze %parallel_loop3A_1399 : memref<1x5x1024xi32, #tpu.memory_space<vmem>> -> memref<5x1024xi32, #tpu.memory_space<vmem>>
          %parallel_loop3A_1401 = arith.index_cast %scan3A_1273 : i32 to index
          %parallel_loop3A_1402 = arith.index_cast %parallel_loop3A_1395 : i32 to index
          %parallel_loop3A_1403 = tpu.vector_load %parallel_loop3A_1400[%parallel_loop3A_1401, %parallel_loop3A_1402] {strides = array<i32>} : memref<5x1024xi32, #tpu.memory_space<vmem>>, vector<16xi32>,
          %parallel_loop3A_1404 = tpu.vector_load_idx %arg5[%parallel_loop3A_1403] : memref<100000xf32, #tpu.memory_space<vmem>>[vector<16xi32>], vector<16xf32>,
          %parallel_loop3A_1405 = arith.constant 1 : i32
          %parallel_loop3A_1406 = arith.constant 0 : i32
          %parallel_loop3A_1407 = arith.constant 0 : i32
          %parallel_loop3A_1408 = arith.constant 0 : i32
          %parallel_loop3A_1409 = tpu.memref_slice %arg7[%parallel_loop3A_1405, %parallel_loop3A_1406, %parallel_loop3A_1407, %parallel_loop3A_1408] : memref<2x5x8x128xf32, #tpu.memory_space<vmem>> -> memref<1x5x8x128xf32, #tpu.memory_space<vmem>>
          %parallel_loop3A_1410 = tpu.memref_squeeze %parallel_loop3A_1409 : memref<1x5x8x128xf32, #tpu.memory_space<vmem>> -> memref<5x8x128xf32, #tpu.memory_space<vmem>>
          %parallel_loop3A_1411 = arith.index_cast %scan3A_1273 : i32 to index
          %parallel_loop3A_1412 = arith.index_cast %parallel_loop3A_1276 : i32 to index
          %parallel_loop3A_1413 = arith.constant 80 : index
          %parallel_loop3A_1414 = tpu.vector_load %parallel_loop3A_1410[%parallel_loop3A_1411, %parallel_loop3A_1412, %parallel_loop3A_1413] {strides = array<i32>} : memref<5x8x128xf32, #tpu.memory_space<vmem>>, vector<16xf32>,
          tpu.vector_store %parallel_loop3A_1410[%parallel_loop3A_1411, %parallel_loop3A_1412, %parallel_loop3A_1413], %parallel_loop3A_1404 {strides = array<i32>} : memref<5x8x128xf32, #tpu.memory_space<vmem>>, vector<16xf32>,
          %parallel_loop3A_1415 = arith.constant 128 : i32
          %parallel_loop3A_1416 = arith.muli %parallel_loop3A_1276, %parallel_loop3A_1415 : i32
          %parallel_loop3A_1417 = arith.constant 96 : i32
          %parallel_loop3A_1418 = arith.addi %parallel_loop3A_1416, %parallel_loop3A_1417 : i32
          %parallel_loop3A_1419 = arith.constant 1 : i32
          %parallel_loop3A_1420 = arith.constant 0 : i32
          %parallel_loop3A_1421 = arith.constant 0 : i32
          %parallel_loop3A_1422 = tpu.memref_slice %arg6[%parallel_loop3A_1419, %parallel_loop3A_1420, %parallel_loop3A_1421] : memref<2x5x1024xi32, #tpu.memory_space<vmem>> -> memref<1x5x1024xi32, #tpu.memory_space<vmem>>
          %parallel_loop3A_1423 = tpu.memref_squeeze %parallel_loop3A_1422 : memref<1x5x1024xi32, #tpu.memory_space<vmem>> -> memref<5x1024xi32, #tpu.memory_space<vmem>>
          %parallel_loop3A_1424 = arith.index_cast %scan3A_1273 : i32 to index
          %parallel_loop3A_1425 = arith.index_cast %parallel_loop3A_1418 : i32 to index
          %parallel_loop3A_1426 = tpu.vector_load %parallel_loop3A_1423[%parallel_loop3A_1424, %parallel_loop3A_1425] {strides = array<i32>} : memref<5x1024xi32, #tpu.memory_space<vmem>>, vector<16xi32>,
          %parallel_loop3A_1427 = tpu.vector_load_idx %arg5[%parallel_loop3A_1426] : memref<100000xf32, #tpu.memory_space<vmem>>[vector<16xi32>], vector<16xf32>,
          %parallel_loop3A_1428 = arith.constant 1 : i32
          %parallel_loop3A_1429 = arith.constant 0 : i32
          %parallel_loop3A_1430 = arith.constant 0 : i32
          %parallel_loop3A_1431 = arith.constant 0 : i32
          %parallel_loop3A_1432 = tpu.memref_slice %arg7[%parallel_loop3A_1428, %parallel_loop3A_1429, %parallel_loop3A_1430, %parallel_loop3A_1431] : memref<2x5x8x128xf32, #tpu.memory_space<vmem>> -> memref<1x5x8x128xf32, #tpu.memory_space<vmem>>
          %parallel_loop3A_1433 = tpu.memref_squeeze %parallel_loop3A_1432 : memref<1x5x8x128xf32, #tpu.memory_space<vmem>> -> memref<5x8x128xf32, #tpu.memory_space<vmem>>
          %parallel_loop3A_1434 = arith.index_cast %scan3A_1273 : i32 to index
          %parallel_loop3A_1435 = arith.index_cast %parallel_loop3A_1276 : i32 to index
          %parallel_loop3A_1436 = arith.constant 96 : index
          %parallel_loop3A_1437 = tpu.vector_load %parallel_loop3A_1433[%parallel_loop3A_1434, %parallel_loop3A_1435, %parallel_loop3A_1436] {strides = array<i32>} : memref<5x8x128xf32, #tpu.memory_space<vmem>>, vector<16xf32>,
          tpu.vector_store %parallel_loop3A_1433[%parallel_loop3A_1434, %parallel_loop3A_1435, %parallel_loop3A_1436], %parallel_loop3A_1427 {strides = array<i32>} : memref<5x8x128xf32, #tpu.memory_space<vmem>>, vector<16xf32>,
          %parallel_loop3A_1438 = arith.constant 128 : i32
          %parallel_loop3A_1439 = arith.muli %parallel_loop3A_1276, %parallel_loop3A_1438 : i32
          %parallel_loop3A_1440 = arith.constant 112 : i32
          %parallel_loop3A_1441 = arith.addi %parallel_loop3A_1439, %parallel_loop3A_1440 : i32
          %parallel_loop3A_1442 = arith.constant 1 : i32
          %parallel_loop3A_1443 = arith.constant 0 : i32
          %parallel_loop3A_1444 = arith.constant 0 : i32
          %parallel_loop3A_1445 = tpu.memref_slice %arg6[%parallel_loop3A_1442, %parallel_loop3A_1443, %parallel_loop3A_1444] : memref<2x5x1024xi32, #tpu.memory_space<vmem>> -> memref<1x5x1024xi32, #tpu.memory_space<vmem>>
          %parallel_loop3A_1446 = tpu.memref_squeeze %parallel_loop3A_1445 : memref<1x5x1024xi32, #tpu.memory_space<vmem>> -> memref<5x1024xi32, #tpu.memory_space<vmem>>
          %parallel_loop3A_1447 = arith.index_cast %scan3A_1273 : i32 to index
          %parallel_loop3A_1448 = arith.index_cast %parallel_loop3A_1441 : i32 to index
          %parallel_loop3A_1449 = tpu.vector_load %parallel_loop3A_1446[%parallel_loop3A_1447, %parallel_loop3A_1448] {strides = array<i32>} : memref<5x1024xi32, #tpu.memory_space<vmem>>, vector<16xi32>,
          %parallel_loop3A_1450 = tpu.vector_load_idx %arg5[%parallel_loop3A_1449] : memref<100000xf32, #tpu.memory_space<vmem>>[vector<16xi32>], vector<16xf32>,
          %parallel_loop3A_1451 = arith.constant 1 : i32
          %parallel_loop3A_1452 = arith.constant 0 : i32
          %parallel_loop3A_1453 = arith.constant 0 : i32
          %parallel_loop3A_1454 = arith.constant 0 : i32
          %parallel_loop3A_1455 = tpu.memref_slice %arg7[%parallel_loop3A_1451, %parallel_loop3A_1452, %parallel_loop3A_1453, %parallel_loop3A_1454] : memref<2x5x8x128xf32, #tpu.memory_space<vmem>> -> memref<1x5x8x128xf32, #tpu.memory_space<vmem>>
          %parallel_loop3A_1456 = tpu.memref_squeeze %parallel_loop3A_1455 : memref<1x5x8x128xf32, #tpu.memory_space<vmem>> -> memref<5x8x128xf32, #tpu.memory_space<vmem>>
          %parallel_loop3A_1457 = arith.index_cast %scan3A_1273 : i32 to index
          %parallel_loop3A_1458 = arith.index_cast %parallel_loop3A_1276 : i32 to index
          %parallel_loop3A_1459 = arith.constant 112 : index
          %parallel_loop3A_1460 = tpu.vector_load %parallel_loop3A_1456[%parallel_loop3A_1457, %parallel_loop3A_1458, %parallel_loop3A_1459] {strides = array<i32>} : memref<5x8x128xf32, #tpu.memory_space<vmem>>, vector<16xf32>,
          tpu.vector_store %parallel_loop3A_1456[%parallel_loop3A_1457, %parallel_loop3A_1458, %parallel_loop3A_1459], %parallel_loop3A_1450 {strides = array<i32>} : memref<5x8x128xf32, #tpu.memory_space<vmem>>, vector<16xf32>,
        } {sc.loop_unroll_factor = 2 : i64, sc.parallel_access}
      }
      %scan3A_1169 = arith.constant 5 : i32
      %jit3A_1170 = arith.constant 8 : i32
      %div3A_1171 = arith.divsi %add3A_42, %jit3A_1170 : i32
      %sign3A_1172 = arith.constant 0 : i32
      %sign3A_1173 = arith.cmpi sgt, %add3A_42, %sign3A_1172 : i32
      %sign3A_1174 = arith.extui %sign3A_1173 : i1 to i32
      %sign3A_1175 = arith.constant 0 : i32
      %sign3A_1176 = arith.cmpi slt, %add3A_42, %sign3A_1175 : i32
      %sign3A_1177 = arith.extui %sign3A_1176 : i1 to i32
      %sign3A_1178 = arith.subi %sign3A_1174, %sign3A_1177 : i32
      %sign3A_1179 = arith.constant 0 : i32
      %sign3A_1180 = arith.cmpi sgt, %jit3A_1170, %sign3A_1179 : i32
      %sign3A_1181 = arith.extui %sign3A_1180 : i1 to i32
      %sign3A_1182 = arith.constant 0 : i32
      %sign3A_1183 = arith.cmpi slt, %jit3A_1170, %sign3A_1182 : i32
      %sign3A_1184 = arith.extui %sign3A_1183 : i1 to i32
      %sign3A_1185 = arith.subi %sign3A_1181, %sign3A_1184 : i32
      %ne3A_1186 = arith.cmpi ne, %sign3A_1178, %sign3A_1185 : i32
      %rem3A_1187 = arith.remsi %add3A_42, %jit3A_1170 : i32
      %ne3A_1188 = arith.constant 0 : i32
      %ne3A_1189 = arith.cmpi ne, %rem3A_1187, %ne3A_1188 : i32
      %and3A_1190 = arith.andi %ne3A_1186, %ne3A_1189 : i1
      %sub3A_1191 = arith.constant 1 : i32
      %sub3A_1192 = arith.subi %div3A_1171, %sub3A_1191 : i32
      %select_n3A_1193 = arith.select %and3A_1190, %sub3A_1192, %div3A_1171 : i32
      %jit3A_1194 = arith.constant 8 : i32
      %eq3A_1195 = arith.constant 0 : i32
      %eq3A_1196 = arith.cmpi eq, %jit3A_1194, %eq3A_1195 : i32
      %jit3A_1197 = arith.constant 1 : i32
      %select_n3A_1198 = arith.select %eq3A_1196, %jit3A_1197, %jit3A_1194 : i32
      %rem3A_1199 = arith.remsi %add3A_42, %select_n3A_1198 : i32
      %ne3A_1200 = arith.constant 0 : i32
      %ne3A_1201 = arith.cmpi ne, %rem3A_1199, %ne3A_1200 : i32
      %lt3A_1202 = arith.constant 0 : i32
      %lt3A_1203 = arith.cmpi slt, %rem3A_1199, %lt3A_1202 : i32
      %lt3A_1204 = arith.constant 0 : i32
      %lt3A_1205 = arith.cmpi slt, %select_n3A_1198, %lt3A_1204 : i32
      %ne3A_1206 = arith.xori %lt3A_1203, %lt3A_1205 : i1
      %and3A_1207 = arith.andi %ne3A_1206, %ne3A_1201 : i1
      %add3A_1208 = arith.addi %rem3A_1199, %select_n3A_1198 : i32
      %select_n3A_1209 = arith.select %and3A_1207, %add3A_1208, %rem3A_1199 : i32
      %dma_start3A_1210 = arith.constant 1 : i32
      %dma_start3A_1211 = arith.constant 0 : i32
      %dma_start3A_1212 = arith.constant 0 : i32
      %dma_start3A_1213 = arith.constant 0 : i32
      %dma_start3A_1214 = tpu.memref_slice %arg7[%dma_start3A_1210, %dma_start3A_1211, %dma_start3A_1212, %dma_start3A_1213] : memref<2x5x8x128xf32, #tpu.memory_space<vmem>> -> memref<1x5x8x128xf32, #tpu.memory_space<vmem>>
      %dma_start3A_1215 = tpu.memref_squeeze %dma_start3A_1214 : memref<1x5x8x128xf32, #tpu.memory_space<vmem>> -> memref<5x8x128xf32, #tpu.memory_space<vmem>>
      %dma_start3A_1216 = arith.constant 45 : i32
      %dma_start3A_1217 = arith.constant 0 : i32
      %dma_start3A_1218 = arith.constant 0 : i32
      %dma_start3A_1219 = tpu.memref_slice %arg4[%dma_start3A_1216, %select_n3A_1193, %dma_start3A_1217, %select_n3A_1209, %dma_start3A_1218] : memref<50x52x8x8x128xf32, #tpu.memory_space<hbm>> -> memref<5x1x8x1x128xf32, #tpu.memory_space<hbm>>
      %dma_start3A_1220 = tpu.memref_squeeze %dma_start3A_1219 : memref<5x1x8x1x128xf32, #tpu.memory_space<hbm>> -> memref<5x8x128xf32, #tpu.memory_space<hbm>>
      %dma_start3A_1221 = arith.constant 45 : i32
      %dma_start3A_1222 = arith.constant 0 : i32
      %dma_start3A_1223 = arith.constant 0 : i32
      %dma_start3A_1224 = tpu.memref_slice %arg4[%dma_start3A_1221, %select_n3A_1193, %dma_start3A_1222, %select_n3A_1209, %dma_start3A_1223] : memref<50x52x8x8x128xf32, #tpu.memory_space<hbm>> -> memref<5x1x8x1x128xf32, #tpu.memory_space<hbm>>
      %dma_start3A_1225 = tpu.memref_squeeze %dma_start3A_1224 : memref<5x1x8x1x128xf32, #tpu.memory_space<hbm>> -> memref<5x8x128xf32, #tpu.memory_space<hbm>>
      %dma_start3A_1226 = arith.constant 0 : i32
      %dma_start3A_1227 = arith.constant 0 : i32
      %dma_start3A_1228 = arith.constant 0 : i32
      %dma_start3A_1229 = tpu.memref_slice %arg7[%dma_start3A_1210, %dma_start3A_1226, %dma_start3A_1227, %dma_start3A_1228] : memref<2x5x8x128xf32, #tpu.memory_space<vmem>> -> memref<1x5x8x128xf32, #tpu.memory_space<vmem>>
      %dma_start3A_1230 = tpu.memref_squeeze %dma_start3A_1229 : memref<1x5x8x128xf32, #tpu.memory_space<vmem>> -> memref<5x8x128xf32, #tpu.memory_space<vmem>>
      tpu.enqueue_dma source(%dma_start3A_1230 : memref<5x8x128xf32, #tpu.memory_space<vmem>>) target(%dma_start3A_1225 : memref<5x8x128xf32, #tpu.memory_space<hbm>>) target_semaphore(%arg10 : memref<!tpu.dma_semaphore, #tpu.memory_space<semaphore_mem>>)
      %dma_wait3A_1231 = arith.constant 0 : i32
      %dma_wait3A_1232 = arith.constant 0 : i32
      %dma_wait3A_1233 = arith.constant 0 : i32
      %dma_wait3A_1234 = arith.constant 0 : i32
      %dma_wait3A_1235 = tpu.memref_slice %arg7[%dma_wait3A_1231, %dma_wait3A_1232, %dma_wait3A_1233, %dma_wait3A_1234] : memref<2x5x8x128xf32, #tpu.memory_space<vmem>> -> memref<1x5x8x128xf32, #tpu.memory_space<vmem>>
      %dma_wait3A_1236 = tpu.memref_squeeze %dma_wait3A_1235 : memref<1x5x8x128xf32, #tpu.memory_space<vmem>> -> memref<5x8x128xf32, #tpu.memory_space<vmem>>
      %dma_wait3A_1237 = arith.constant 40 : i32
      %dma_wait3A_1238 = arith.constant 0 : i32
      %dma_wait3A_1239 = arith.constant 0 : i32
      %dma_wait3A_1240 = tpu.memref_slice %arg4[%dma_wait3A_1237, %select_n3A_1088, %dma_wait3A_1238, %select_n3A_1104, %dma_wait3A_1239] : memref<50x52x8x8x128xf32, #tpu.memory_space<hbm>> -> memref<5x1x8x1x128xf32, #tpu.memory_space<hbm>>
      %dma_wait3A_1241 = tpu.memref_squeeze %dma_wait3A_1240 : memref<5x1x8x1x128xf32, #tpu.memory_space<hbm>> -> memref<5x8x128xf32, #tpu.memory_space<hbm>>
      %dma_wait3A_1242 = arith.constant 40 : i32
      %dma_wait3A_1243 = arith.constant 0 : i32
      %dma_wait3A_1244 = arith.constant 0 : i32
      %dma_wait3A_1245 = tpu.memref_slice %arg4[%dma_wait3A_1242, %select_n3A_1088, %dma_wait3A_1243, %select_n3A_1104, %dma_wait3A_1244] : memref<50x52x8x8x128xf32, #tpu.memory_space<hbm>> -> memref<5x1x8x1x128xf32, #tpu.memory_space<hbm>>
      %dma_wait3A_1246 = tpu.memref_squeeze %dma_wait3A_1245 : memref<5x1x8x1x128xf32, #tpu.memory_space<hbm>> -> memref<5x8x128xf32, #tpu.memory_space<hbm>>
      %dma_wait3A_1247 = arith.constant 0 : i32
      %dma_wait3A_1248 = arith.constant 0 : i32
      %dma_wait3A_1249 = arith.constant 0 : i32
      %dma_wait3A_1250 = tpu.memref_slice %arg7[%dma_wait3A_1231, %dma_wait3A_1247, %dma_wait3A_1248, %dma_wait3A_1249] : memref<2x5x8x128xf32, #tpu.memory_space<vmem>> -> memref<1x5x8x128xf32, #tpu.memory_space<vmem>>
      %dma_wait3A_1251 = tpu.memref_squeeze %dma_wait3A_1250 : memref<1x5x8x128xf32, #tpu.memory_space<vmem>> -> memref<5x8x128xf32, #tpu.memory_space<vmem>>
      tpu.wait_dma2 semaphore(%arg10 : memref<!tpu.dma_semaphore, #tpu.memory_space<semaphore_mem>>) src(%dma_wait3A_1251 : memref<5x8x128xf32, #tpu.memory_space<vmem>>) dst(%dma_wait3A_1246 : memref<5x8x128xf32, #tpu.memory_space<hbm>>)
      %dma_wait3A_1252 = arith.constant 1 : i32
      %dma_wait3A_1253 = arith.constant 0 : i32
      %dma_wait3A_1254 = arith.constant 0 : i32
      %dma_wait3A_1255 = arith.constant 0 : i32
      %dma_wait3A_1256 = tpu.memref_slice %arg7[%dma_wait3A_1252, %dma_wait3A_1253, %dma_wait3A_1254, %dma_wait3A_1255] : memref<2x5x8x128xf32, #tpu.memory_space<vmem>> -> memref<1x5x8x128xf32, #tpu.memory_space<vmem>>
      %dma_wait3A_1257 = tpu.memref_squeeze %dma_wait3A_1256 : memref<1x5x8x128xf32, #tpu.memory_space<vmem>> -> memref<5x8x128xf32, #tpu.memory_space<vmem>>
      %dma_wait3A_1258 = arith.constant 45 : i32
      %dma_wait3A_1259 = arith.constant 0 : i32
      %dma_wait3A_1260 = arith.constant 0 : i32
      %dma_wait3A_1261 = tpu.memref_slice %arg4[%dma_wait3A_1258, %select_n3A_1193, %dma_wait3A_1259, %select_n3A_1209, %dma_wait3A_1260] : memref<50x52x8x8x128xf32, #tpu.memory_space<hbm>> -> memref<5x1x8x1x128xf32, #tpu.memory_space<hbm>>
      %dma_wait3A_1262 = tpu.memref_squeeze %dma_wait3A_1261 : memref<5x1x8x1x128xf32, #tpu.memory_space<hbm>> -> memref<5x8x128xf32, #tpu.memory_space<hbm>>
      %dma_wait3A_1263 = arith.constant 45 : i32
      %dma_wait3A_1264 = arith.constant 0 : i32
      %dma_wait3A_1265 = arith.constant 0 : i32
      %dma_wait3A_1266 = tpu.memref_slice %arg4[%dma_wait3A_1263, %select_n3A_1193, %dma_wait3A_1264, %select_n3A_1209, %dma_wait3A_1265] : memref<50x52x8x8x128xf32, #tpu.memory_space<hbm>> -> memref<5x1x8x1x128xf32, #tpu.memory_space<hbm>>
      %dma_wait3A_1267 = tpu.memref_squeeze %dma_wait3A_1266 : memref<5x1x8x1x128xf32, #tpu.memory_space<hbm>> -> memref<5x8x128xf32, #tpu.memory_space<hbm>>
      %dma_wait3A_1268 = arith.constant 0 : i32
      %dma_wait3A_1269 = arith.constant 0 : i32
      %dma_wait3A_1270 = arith.constant 0 : i32
      %dma_wait3A_1271 = tpu.memref_slice %arg7[%dma_wait3A_1252, %dma_wait3A_1268, %dma_wait3A_1269, %dma_wait3A_1270] : memref<2x5x8x128xf32, #tpu.memory_space<vmem>> -> memref<1x5x8x128xf32, #tpu.memory_space<vmem>>
      %dma_wait3A_1272 = tpu.memref_squeeze %dma_wait3A_1271 : memref<1x5x8x128xf32, #tpu.memory_space<vmem>> -> memref<5x8x128xf32, #tpu.memory_space<vmem>>
      tpu.wait_dma2 semaphore(%arg10 : memref<!tpu.dma_semaphore, #tpu.memory_space<semaphore_mem>>) src(%dma_wait3A_1272 : memref<5x8x128xf32, #tpu.memory_space<vmem>>) dst(%dma_wait3A_1267 : memref<5x8x128xf32, #tpu.memory_space<hbm>>)
    }
    %scan3A_5 = arith.constant 13 : i32
    return
  }
}

</mosaic_0001>

<sc_bundles>
// kernel: kernel.3.cloned.1.call-start
scs
__scs_entry_jumppad:
0x0: {  	(pc) =	sbr.rel $0x88, $3  }
0x1: {  	(tag) =	ssettag $0x0;
	lr =	simm.s32 $0x1  }
0x2: {  	[smem:$0x3F9F] =	sst lr;
	_ =	strace $0xD0000000  }
0x3: {  	_ = 	snop  }
0x4: {  	_ = 	snop  }
0x5: {  	_ = 	snop  }
0x6: {  	_ = 	snop  }
0x7: {  	_ = 	snop  }
__scs_overlays_trampoline_lowered:
0x8: {  	[smem:$0x3FAE] =	sst s0  }
0x9: {  	[smem:$0x3FAF] =	sst s1  }
0xa: {  	[smem:$0x3FB0] =	sst s2  }
0xb: {  	[smem:$0x3FB1] =	sst s3  }
0xc: {  	[smem:$0x3FB2] =	sst s4  }
0xd: {  	[smem:$0x3FB3] =	sst s5  }
0xe: {  	[smem:$0x3FB4] =	sst s6  }
0xf: {  	[smem:$0x3FB5] =	sst s7  }
0x10: {  	[smem:$0x3FB6] =	sst s8  }
0x11: {  	[smem:$0x3FB7] =	sst s9;
	s0 =	simm.s32 @!p0 $0x0  }
0x12: {  	s1 =	sld [smem:$0x3F9D];
	s0 =	simm.s32 @p0 $0x1  }
0x13: {  	[smem:$0x3FB8] =	sst s0;
	s0 =	simm.s32 @!p1 $0x0  }
0x14: {  	s2 =	sld [smem:$0x3F9C];
	s0 =	simm.s32 @p1 $0x1  }
0x15: {  	[smem:$0x3FB9] =	sst s0;
	s0 =	simm.s32 @!p2 $0x0  }
0x16: {  	s3 =	sld [smem:$0x3FDB];
	s0 =	simm.s32 @p2 $0x1  }
0x17: {  	s4 =	simm.s32 $0x1BF5;
	[smem:$0x3FBB] =	sst s0  }
0x18: {  	s0 =	sld [smem:$0x3F9E];
	_ =	swait.ge [sflag:s4], $0x0  }
0x19: {  	s7 =	sld [smem:$0x3F9F]  }
0x1a: {  	s8 =	sadd.s32 $0xFFFFE003, lr  }
0x1b: {  	s9 =	sadd.s32 $0xFFFFFEF7, lr;
	s5 =	simm.s32 $0xFFFFFFFF;
	p2 =	slt.u32 s8, $0xFFFFF086  }
0x1c: {  	p1 =	slt.u32 s9, $0xF7A;
	s5 =	simm.s32 @!p2 $0x0  }
0x1d: {  	s5 =	simm.s32 @p1 $0x1;
	p0 =	seq.s32 s7, s2  }
0x1e: {  	s7 =	smul.u32 @!p0 $0xF7A, s2;
	p2 =	seq.s32 @!p0 s5, $0x0  }
0x1f: {  	s9 =	smul.u32 $0xF7A, s1;
	s8 =	simm.s32 @!p0 $0x1BF5;
	p2 =	por !p2, p0  }
0x20: {  	[sflag:s8] =	ssyncset.s32 @!p0 $0xFFFFF086;
	s6 =	sadd.s32 @!p0 s3, s7;
	s7 =	simm.s32 @!p0 $0x108  }
0x21: {  	s3 =	sadd.s32 s3, s9;
	s6 =	sadd.s32 @!p0 $0x88, s6;
	s7 =	simm.s32 @p2 $0x1082  }
0x22: {  	[simem:s7], [sflag:s8] =	dma.local @!p0 [hbm:s6], $0xF7A  }
0x23: {  	s9 =	sor.u32 $0xD0000000, s2;
	s6 =	simm.s32 $0x108;
	_ =	swait.ge @!p0 [sflag:s8], $0x0  }
0x24: {  	s3 =	sadd.s32 $0x88, s3;
	s6 =	simm.s32 @!p1 $0x1082;
	[sflag:s4] =	ssyncset.s32 $0xFFFFF086  }
0x25: {  	[simem:s6], [sflag:s4] =	dma.local [hbm:s3], $0xF7A  }
0x26: {  	[smem:$0x3F9F] =	sst s1;
	(tag) =	ssettag s2;
	_ =	strace s9  }
0x27: {  	s1 =	sld [smem:$0x3FAF]  }
0x28: {  	s2 =	sld [smem:$0x3FB0]  }
0x29: {  	s4 =	sld [smem:$0x3FB2]  }
0x2a: {  	p0 =	seq.s32 s5, $0x0;
	s5 =	sld [smem:$0x3FB3]  }
0x2b: {  	s6 =	sld [smem:$0x3FB4]  }
0x2c: {  	s7 =	sld [smem:$0x3FB5]  }
0x2d: {  	s3 =	simm.s32 $0x108;
	s8 =	sld [smem:$0x3FB6]  }
0x2e: {  	s3 =	simm.s32 @!p0 $0x1082;
	s9 =	sld [smem:$0x3FB7]  }
0x2f: {  	lr =	sadd.s32 s0, s3;
	s0 =	sld [smem:$0x3FAE]  }
0x30: {  	s3 =	sld [smem:$0x3FB1]  }
0x31: {  	[smem:$0x3FBA] =	sst s10  }
0x32: {  	s10 =	sld [smem:$0x3FB8];
	_ =	sdelay $0x3  }
0x33: {  	p0 =	seq.s32 s10, $0x1;
	s10 =	sld [smem:$0x3FBA];
	_ =	sdelay $0x3  }
0x34: {  	[smem:$0x3FBA] =	sst s10  }
0x35: {  	s10 =	sld [smem:$0x3FB9];
	_ =	sdelay $0x3  }
0x36: {  	p1 =	seq.s32 s10, $0x1;
	s10 =	sld [smem:$0x3FBA];
	_ =	sdelay $0x3  }
0x37: {  	[smem:$0x3FBA] =	sst s10  }
0x38: {  	s10 =	sld [smem:$0x3FBB]  }
0x39: {  	_ = 	snop;
	(pc) =	sbr.ind lr, $3  }
0x3a: {  	_ = 	snop  }
0x3b: {  	_ = 	snop  }
0x3c: {  	p2 =	seq.s32 s10, $0x1;
	s10 =	sld [smem:$0x3FBA]  }
0x3d: {  	_ =	shalt  }
0x3e: {  	_ =	shalt  }
0x3f: {  	_ =	shalt  }
0x40: {  	_ =	shalt  }
0x41: {  	_ =	shalt  }
0x42: {  	_ =	shalt  }
0x43: {  	_ =	shalt  }
0x44: {  	_ =	shalt  }
0x45: {  	_ =	shalt  }
0x46: {  	_ =	shalt  }
0x47: {  	_ =	shalt  }
0x48: {  	_ =	shalt  }
0x49: {  	_ =	shalt  }
0x4a: {  	_ =	shalt  }
0x4b: {  	_ =	shalt  }
0x4c: {  	_ =	shalt  }
0x4d: {  	_ =	shalt  }
0x4e: {  	_ =	shalt  }
0x4f: {  	_ =	shalt  }
0x50: {  	_ =	shalt  }
0x51: {  	_ =	shalt  }
0x52: {  	_ =	shalt  }
0x53: {  	_ =	shalt  }
0x54: {  	_ =	shalt  }
0x55: {  	_ =	shalt  }
0x56: {  	_ =	shalt  }
0x57: {  	_ =	shalt  }
0x58: {  	_ =	shalt  }
0x59: {  	_ =	shalt  }
0x5a: {  	_ =	shalt  }
0x5b: {  	_ =	shalt  }
0x5c: {  	_ =	shalt  }
0x5d: {  	_ =	shalt  }
0x5e: {  	_ =	shalt  }
0x5f: {  	_ =	shalt  }
0x60: {  	_ =	shalt  }
0x61: {  	_ =	shalt  }
0x62: {  	_ =	shalt  }
0x63: {  	_ =	shalt  }
0x64: {  	_ =	shalt  }
0x65: {  	_ =	shalt  }
0x66: {  	_ =	shalt  }
0x67: {  	_ =	shalt  }
0x68: {  	_ =	shalt  }
0x69: {  	_ =	shalt  }
0x6a: {  	_ =	shalt  }
0x6b: {  	_ =	shalt  }
0x6c: {  	_ =	shalt  }
0x6d: {  	_ =	shalt  }
0x6e: {  	_ =	shalt  }
0x6f: {  	_ =	shalt  }
0x70: {  	_ =	shalt  }
0x71: {  	_ =	shalt  }
0x72: {  	_ =	shalt  }
0x73: {  	_ =	shalt  }
0x74: {  	_ =	shalt  }
0x75: {  	_ =	shalt  }
0x76: {  	_ =	shalt  }
0x77: {  	_ =	shalt  }
0x78: {  	_ =	shalt  }
0x79: {  	_ =	shalt  }
0x7a: {  	_ =	shalt  }
0x7b: {  	_ =	shalt  }
0x7c: {  	_ =	shalt  }
0x7d: {  	_ =	shalt  }
0x7e: {  	_ =	shalt  }
0x7f: {  	_ =	shalt  }
0x80: {  	_ =	shalt  }
0x81: {  	_ =	shalt  }
0x82: {  	_ =	shalt  }
0x83: {  	_ =	shalt  }
0x84: {  	_ =	shalt  }
0x85: {  	_ =	shalt  }
0x86: {  	_ =	shalt  }
0x87: {  	_ =	shalt  }
.Lfunc_end0:
.L_simem_size_0:
called_computation_lowered:
.L_overlay_start_0:
0x88: {  	s2 =	sld [smem:$0x3FD9]  }
0x89: {  	s3 =	sld [smem:$0x3FFE];
	_ =	sdelay $0x1  }
0x8a: {  	s1 =	srdreg.scid  }
0x8b: {  	s0 =	sand.u32 $0x1, s1  }
0x8c: {  	s17 =	sshll.u32 s0, $0xA;
	s2 =	sadd.s32 s3, s2  }
0x8d: {  	s2 =	sadd.s32 s2, s17  }
0x8e: {  	[smem:$0x3FC6] =	sst s2  }
0x8f: {  	_ = 	snop  }
0x90: {  	s2 =	sld [smem:$0x3FD0];
	(tm) =	ssettm $0x1  }
0x91: {  	s18 =	sld [smem:$0x3FFB];
	_ =	sdelay $0x3  }
0x92: {  	_ =	strace s18  }
0x93: {  	s3 =	sld [smem:$0x3FFC];
	_ =	sdelay $0x3  }
0x94: {  	_ =	strace s3  }
0x95: {  	s3 =	sld [smem:$0x3FFD];
	_ =	sdelay $0x3  }
0x96: {  	_ =	strace s3  }
0x97: {  	_ =	strace $0x8FFFFFFF  }
0x98: {  	s19 =	sld [smem:$0x3FDB];
	_ =	sdelay $0x1  }
0x99: {  	s4 =	simm.s32 $_scs_section_size  }
0x9a: {  	s5 =	simm.s32 $_size__tile_overlayer_lowered;
	s6 =	simm.s32 $_tile_overlayer_lowered  }
0x9b: {  	s22 =	simm.s32 $0x1BFF;
	s21 =	sshll.u32 s6, $0x1;
	s3 =	sadd.s32 s4, s19  }
0x9c: {  	s7 =	simm.s32 $0x0;
	s20 =	sshll.u32 s5, $0x1;
	s5 =	sadd.s32 s21, s3  }
0x9d: {  	[timem:s7], [sflag:s22] =	dma.local [hbm:s5], s20  }
0x9e: {  	_ =	swait.ge [sflag:s22], s20  }
0x9f: {  	s4 =	ssub.s32 $0x0, s20;
	[sflag:s22] =	ssyncset.done $0x0  }
0xa0: {  	[sflag:s22] =	ssyncadd.s32 s4;
	_ =	sdelay $0x1  }
0xa1: {  	s23 =	simm.s32 $0x1B8B  }
0xa2: {  	_ =	swait.ge [sflag:s23], $0x1  }
0xa3: {  	[sflag:s23] =	ssyncset.done $0x0  }
0xa4: {  	s25 =	simm.s32 $0x1B8E;
	s24 =	sld [smem:$0x3FFE];
	[sflag:s23] =	ssyncadd.s32 $0xFFFFFFFF  }
0xa5: {  	s26 =	simm.s32 $execute0_lowered;
	[smem:$0x3FD2] =	sst s25  }
0xa6: {  	s5 =	sshll.u32 s26, $0x1;
	_ =	strace $0x80000046;
	[dreg:$0x1] =	wrdreg $0xFFFFFFFF  }
0xa7: {  	s28 =	simm.s32 $_size_execute0_lowered;
	s3 =	sadd.s32 s3, s5;
	[dreg:$0x0] =	wrdreg $0x0  }
0xa8: {  	s5 =	sshll.u32 s28, $0x1;
	[dreg:$0x2] =	wrdreg s3  }
0xa9: {  	[dreg:$0x3] =	wrdreg s5  }
0xaa: {  	[dreg:$0x4] =	wrdreg $0xC0  }
0xab: {  	_ =	task [dreg:s7], $0x5FFFF  }
0xac: {  	[dreg:$0x1] =	wrdreg $0xFFFFFFFF  }
0xad: {  	[dreg:$0x0] =	wrdreg $0x60  }
0xae: {  	[dreg:$0x2] =	wrdreg s24  }
0xaf: {  	[dreg:$0x3] =	wrdreg s2  }
0xb0: {  	[dreg:$0x4] =	wrdreg $0x9  }
0xb1: {  	_ =	task.clear_ibuf [dreg:s7], $0x5FFFF;
	_ =	strace $0x90000046  }
0xb2: {  	s29 =	simm.s32 $0x9;
	_ =	strace $0x80000048  }
0xb3: {  	_ =	swait.ge [sflag:s29], $0x1  }
0xb4: {  	[sflag:s29] =	ssyncadd.s32 $0xFFFFFFFF  }
0xb5: {  	_ =	strace $0x90000048  }
0xb6: {  	_ =	sfence  }
0xb7: {  	s30 =	sld [smem:$0x0];
	_ =	sdelay $0x2  }
0xb8: {  	s31 =	sshll.u32 s1, $0xD;
	s1 =	sshrl.u32 s1, $0x2  }
0xb9: {  	s3 =	sand.u32 $0x4000, s31;
	s1 =	sadd.s32 s1, s30  }
0xba: {  	s0 =	sor.u32 s3, s0;
	s1 =	sshll.u32 s1, $0x11  }
0xbb: {  	s0 =	sor.u32 s1, s0  }
0xbc: {  	s0 =	sadd.s32 $0x8F2B, s0  }
0xbd: {  	[sflag:s0] =	ssyncadd.remote.s32 $0x1  }
0xbe: {  	_ =	sfence.sel $0xFFFF  }
0xbf: {  	[dreg:$0x0] =	wrdreg $0xFFFFFFFF;
	(pc) =	sbr.abs _section_cstart, $3  }
0xc0: {  	[dreg:$0x1] =	wrdreg $0xFFFFFFFF  }
0xc1: {  	_ =	task.clear_ibuf [dreg:s7], $0x2FFFF;
	_ =	strace $0x9FFFFFFF  }
0xc2: {  	(tm) =	ssettm $0x7FFFFFFF  }
0xc3: {  	_ =	shalt  }
tec
execute0_lowered:
.L_overlay_start_1:
0x0: {  	(tag) =	ssettag $0x1  }
0x1: {  	s0 =	rddreg [dreg:$0x0];
	s1 =	srdreg.scid;
	s3 =	simm.s32 $0x0  }
0x2: {  	s5 =	stileid.u32;
	s9 =	simm.s32 $0x19AA0;
	s11 =	simm.s32 $0x2  }
0x3: {  	s12 =	simm.s32 $0x80;
	s13 =	simm.s32 $0x400;
	s14 =	simm.s32 $0x1AEA0  }
0x4: {  	s15 =	simm.s32 $0x1B2A0;
	s16 =	simm.s32 $0x1B6A0;
	s17 =	simm.s32 $0x1BAA0  }
0x5: {  	s18 =	simm.s32 $0x1BEA0;
	s19 =	simm.s32 $0x1C2A0;
	s20 =	simm.s32 $0x1C6A0  }
0x6: {  	s21 =	simm.s32 $0x1CAA0;
	s1 =	sand.u32 $0x1, s1;
	[smem:$0x7FF] =	sst s3  }
0x7: {  	s5 =	sshll.u32 s5, $0x1;
	s6 =	sadd.s32 $0x28E00, s0;
	s0 =	sadd.s32 $0x400, s0  }
0x8: {  	s2 =	ssub.s32 $0x2, s1;
	_ =	strace $0x80000047;
	s1 =	sor.u32 s1, s5  }
0x9: {  	[dreg:$0x3] =	wrdreg s6;
	s4 =	sshrl.u32 s2, $0x1;
	s30 =	smul.u32 $0xD, s1  }
0xa: {  	s22 =	simm.s32 $0x1CEA0;
	[dreg:$0x4] =	wrdreg s0;
	s2 =	ssub.s32 s2, s4  }
0xb: {  	s23 =	simm.s32 $0x1D2A0;
	[dreg:$0x5] =	wrdreg s30;
	s31 =	smax.u32 s2, $0x1  }
0xc: {  	s24 =	simm.s32 $0x3;
	s1 =	simm.s32 $0x0;
	[dreg:$0x6] =	wrdreg s31  }
.LBB2_1:
0xd: {  	[dreg:$0x7] =	wrdreg s1;
	s26 =	simm.s32 $0x0  }
.LBB2_2:
0xe: {  	s0 =	rddreg [dreg:$0x5]  }
0xf: {  	s28 =	sadd.s32 s0, s26  }
0x10: {  	s0 =	sshrl.u32 s28, $0x4  }
0x11: {  	s2 =	sand.u32 $0xF, s28;
	s1 =	smul.u32 $0x186A00, s0  }
0x12: {  	s2 =	smul.u32 $0x186A0, s2;
	_ =	sdelay $0x1  }
0x13: {  	s0 =	smul.u32 $0xC800, s0;
	s1 =	sadd.s32 s2, s1  }
0x14: {  	s7 =	rddreg [dreg:$0x3];
	s30 =	simm.s32 $0x0;
	s1 =	sshrl.u32 s1, $0x3  }
0x15: {  	s8 =	rddreg [dreg:$0x4];
	s0 =	sshrl.u32 s0, $0x3;
	s1 =	sadd.s32 s7, s1  }
0x16: {  	[tilespmem:s30], [sflag:$0x1] =	stream.linear.gather [hbm4b:s1+s30], $0x186A0, $0x38;
	[tilespmem:$0x1D6A0] =	vst v63  }
0x17: {  	s10 =	simm.s32 $0x186A0;
	s29 =	sadd.s32 s8, s0  }
0x18: {  	[tilespmem:s10], [sflag:$0x2] =	stream.linear.gather [hbm4b:s29+s30], $0x1400, $0x38;
	[tilespmem:$0x1D6A0] =	vst v63  }
0x19: {  	s31 =	simm.s32 $0x1;
	s25 =	sadd.s32 $0x280, s29  }
0x1a: {  	[tilespmem:s9], [sflag:$0x2] =	stream.linear.gather [hbm4b:s25+s30], $0x1400, $0x38;
	[tilespmem:$0x1D6A0] =	vst v63  }
0x1b: {  	_ =	swait.ge [sflag:s31], $0x186A0  }
0x1c: {  	[sflag:s31] =	ssyncset.done $0x0  }
0x1d: {  	[sflag:s31] =	ssyncadd.s32 $0xFFFE7960  }
0x1e: {  	_ =	swait.ge [sflag:s11], $0x1400  }
0x1f: {  	[sflag:s11] =	ssyncset.done $0x0  }
0x20: {  	s5 =	simm.s32 $0x18720;
	s4 =	simm.s32 $0x1AF20;
	[sflag:s11] =	ssyncadd.s32 $0xFFFFEC00  }
.LBB2_3:
0x21: {  	v0 =	vld [tilespmem:s5+$0x0];
	_ =	sdelay $0x1  }
0x22: {  	v1 =	vld [tilespmem:s5+$0xFFFFFF80];
	_ =	sdelay $0x5  }
0x23: {  	v0 =	vld.idx.msk [tilespmem:v0+s3+$0x0], $0xffff;
	_ =	sdelay $0x1  }
0x24: {  	v1 =	vld.idx.msk [tilespmem:v1+s3+$0x0], $0xffff;
	_ =	sdelay $0x2  }
0x25: {  	[tilespmem:s4+$0x0] =	vst v0  }
0x26: {  	v0 =	vld [tilespmem:s5+$0x10]  }
0x27: {  	[tilespmem:s4+$0xFFFFFF80] =	vst v1  }
0x28: {  	v1 =	vld [tilespmem:s5+$0xFFFFFF90];
	_ =	sdelay $0x5  }
0x29: {  	v0 =	vld.idx.msk [tilespmem:v0+s3+$0x0], $0xffff;
	_ =	sdelay $0x1  }
0x2a: {  	v1 =	vld.idx.msk [tilespmem:v1+s3+$0x0], $0xffff;
	_ =	sdelay $0x2  }
0x2b: {  	[tilespmem:s4+$0x10] =	vst v0  }
0x2c: {  	s7 =	sadd.s32 $0x100, s5;
	v0 =	vld [tilespmem:s5+$0x20]  }
0x2d: {  	v3 =	vld [tilespmem:s7+$0xFFFFFF80];
	[tilespmem:s4+$0xFFFFFF90] =	vst v1  }
0x2e: {  	v1 =	vld [tilespmem:s5+$0xFFFFFFA0]  }
0x2f: {  	v2 =	vld [tilespmem:s7+$0x0];
	_ =	sdelay $0x4  }
0x30: {  	v0 =	vld.idx.msk [tilespmem:v0+s3+$0x0], $0xffff  }
0x31: {  	v3 =	vld.idx.msk [tilespmem:v3+s3+$0x0], $0xffff  }
0x32: {  	v1 =	vld.idx.msk [tilespmem:v1+s3+$0x0], $0xffff  }
0x33: {  	v2 =	vld.idx.msk [tilespmem:v2+s3+$0x0], $0xffff;
	_ =	sdelay $0x1  }
0x34: {  	s2 =	sadd.s32 $0x100, s4;
	[tilespmem:s4+$0x20] =	vst v0  }
0x35: {  	[tilespmem:s2+$0xFFFFFF80] =	vst v3;
	v0 =	vld [tilespmem:s5+$0x30]  }
0x36: {  	v3 =	vld [tilespmem:s7+$0xFFFFFF90];
	[tilespmem:s4+$0xFFFFFFA0] =	vst v1  }
0x37: {  	[tilespmem:s2+$0x0] =	vst v2;
	v1 =	vld [tilespmem:s5+$0xFFFFFFB0]  }
0x38: {  	v2 =	vld [tilespmem:s7+$0x10];
	_ =	sdelay $0x4  }
0x39: {  	v0 =	vld.idx.msk [tilespmem:v0+s3+$0x0], $0xffff  }
0x3a: {  	v3 =	vld.idx.msk [tilespmem:v3+s3+$0x0], $0xffff  }
0x3b: {  	v1 =	vld.idx.msk [tilespmem:v1+s3+$0x0], $0xffff  }
0x3c: {  	v2 =	vld.idx.msk [tilespmem:v2+s3+$0x0], $0xffff;
	_ =	sdelay $0x1  }
0x3d: {  	[tilespmem:s4+$0x30] =	vst v0  }
0x3e: {  	[tilespmem:s2+$0xFFFFFF90] =	vst v3;
	v0 =	vld [tilespmem:s5+$0x40]  }
0x3f: {  	v3 =	vld [tilespmem:s7+$0xFFFFFFA0];
	[tilespmem:s4+$0xFFFFFFB0] =	vst v1  }
0x40: {  	[tilespmem:s2+$0x10] =	vst v2;
	v1 =	vld [tilespmem:s5+$0xFFFFFFC0]  }
0x41: {  	v2 =	vld [tilespmem:s7+$0x20]  }
0x42: {  	s25 =	sadd.s32 $0x100, s7  }
0x43: {  	v4 =	vld [tilespmem:s25+$0x0];
	_ =	sdelay $0x1  }
0x44: {  	v5 =	vld [tilespmem:s25+$0xFFFFFF80]  }
0x45: {  	v0 =	vld.idx.msk [tilespmem:v0+s3+$0x0], $0xffff  }
0x46: {  	v3 =	vld.idx.msk [tilespmem:v3+s3+$0x0], $0xffff  }
0x47: {  	v1 =	vld.idx.msk [tilespmem:v1+s3+$0x0], $0xffff  }
0x48: {  	v2 =	vld.idx.msk [tilespmem:v2+s3+$0x0], $0xffff;
	_ =	sdelay $0x1  }
0x49: {  	v4 =	vld.idx.msk [tilespmem:v4+s3+$0x0], $0xffff;
	[tilespmem:s4+$0x40] =	vst v0  }
0x4a: {  	[tilespmem:s2+$0xFFFFFFA0] =	vst v3;
	v0 =	vld [tilespmem:s5+$0x50]  }
0x4b: {  	[tilespmem:s4+$0xFFFFFFC0] =	vst v1;
	v1 =	vld.idx.msk [tilespmem:v5+s3+$0x0], $0xffff  }
0x4c: {  	[tilespmem:s2+$0x20] =	vst v2;
	v3 =	vld [tilespmem:s7+$0xFFFFFFB0]  }
0x4d: {  	s1 =	sadd.s32 $0x100, s2;
	v5 =	vld [tilespmem:s7+$0x30]  }
0x4e: {  	[tilespmem:s1+$0x0] =	vst v4;
	v2 =	vld [tilespmem:s5+$0xFFFFFFD0]  }
0x4f: {  	v4 =	vld [tilespmem:s25+$0x10]  }
0x50: {  	[tilespmem:s1+$0xFFFFFF80] =	vst v1  }
0x51: {  	v1 =	vld [tilespmem:s25+$0xFFFFFF90]  }
0x52: {  	v0 =	vld.idx.msk [tilespmem:v0+s3+$0x0], $0xffff;
	_ =	sdelay $0x1  }
0x53: {  	v3 =	vld.idx.msk [tilespmem:v3+s3+$0x0], $0xffff  }
0x54: {  	v5 =	vld.idx.msk [tilespmem:v5+s3+$0x0], $0xffff  }
0x55: {  	v2 =	vld.idx.msk [tilespmem:v2+s3+$0x0], $0xffff  }
0x56: {  	v4 =	vld.idx.msk [tilespmem:v4+s3+$0x0], $0xffff;
	[tilespmem:s4+$0x50] =	vst v0  }
0x57: {  	v6 =	vld [tilespmem:s5+$0x60]  }
0x58: {  	[tilespmem:s2+$0xFFFFFFB0] =	vst v3;
	v1 =	vld.idx.msk [tilespmem:v1+s3+$0x0], $0xffff  }
0x59: {  	[tilespmem:s2+$0x30] =	vst v5  }
0x5a: {  	[tilespmem:s4+$0xFFFFFFD0] =	vst v2;
	v2 =	vld [tilespmem:s7+$0x40]  }
0x5b: {  	[tilespmem:s1+$0x10] =	vst v4;
	v3 =	vld [tilespmem:s7+$0xFFFFFFC0]  }
0x5c: {  	v4 =	vld [tilespmem:s25+$0x20]  }
0x5d: {  	v0 =	vld [tilespmem:s5+$0xFFFFFFE0];
	[tilespmem:s1+$0xFFFFFF90] =	vst v1  }
0x5e: {  	s10 =	simm.s32 $0x4;
	s0 =	smov.u32 s4;
	v5 =	vld [tilespmem:s25+$0xFFFFFFA0]  }
0x5f: {  	s31 =	smov.u32 s5;
	s8 =	sadd.s32 $0x100, s25;
	s6 =	smov.u32 s1;
	v1 =	vld.idx.msk [tilespmem:v6+s3+$0x0], $0xffff  }
.LBB2_4:
0x60: {  	v6 =	vld [tilespmem:s8+$0x0]  }
0x61: {  	v7 =	vld [tilespmem:s8+$0xFFFFFF80]  }
0x62: {  	s10 =	sadd.s32 $0x2, s10;
	v2 =	vld.idx.msk [tilespmem:v2+s3+$0x0], $0xffff  }
0x63: {  	p0 =	slt.u32 s10, $0x6;
	v3 =	vld.idx.msk [tilespmem:v3+s3+$0x0], $0xffff  }
0x64: {  	v4 =	vld.idx.msk [tilespmem:v4+s3+$0x0], $0xffff;
	[tilespmem:s0+$0x60] =	vst v1  }
0x65: {  	v1 =	vld [tilespmem:s31+$0x70]  }
0x66: {  	v0 =	vld.idx.msk [tilespmem:v0+s3+$0x0], $0xffff  }
0x67: {  	v5 =	vld.idx.msk [tilespmem:v5+s3+$0x0], $0xffff  }
0x68: {  	v6 =	vld.idx.msk [tilespmem:v6+s3+$0x0], $0xffff;
	[tilespmem:s2+$0x40] =	vst v2  }
0x69: {  	[tilespmem:s2+$0xFFFFFFC0] =	vst v3;
	v2 =	vld [tilespmem:s7+$0x50]  }
0x6a: {  	v3 =	vld.idx.msk [tilespmem:v7+s3+$0x0], $0xffff  }
0x6b: {  	[tilespmem:s1+$0x20] =	vst v4;
	v4 =	vld [tilespmem:s7+$0xFFFFFFD0]  }
0x6c: {  	v7 =	vld [tilespmem:s25+$0x30];
	[tilespmem:s0+$0xFFFFFFE0] =	vst v0  }
0x6d: {  	s1 =	sadd.s32 $0x100, s1;
	[tilespmem:s6+$0xFFFFFFA0] =	vst v5;
	v0 =	vld.idx.msk [tilespmem:v1+s3+$0x0], $0xffff  }
0x6e: {  	[tilespmem:s1+$0x0] =	vst v6;
	v1 =	vld [tilespmem:s25+$0xFFFFFFB0]  }
0x6f: {  	v5 =	vld [tilespmem:s8+$0x10]  }
0x70: {  	[tilespmem:s1+$0xFFFFFF80] =	vst v3;
	v3 =	vld [tilespmem:s31+$0xFFFFFFF0];
	s31 =	smov.u32 s7;
	s7 =	smov.u32 s25;
	s25 =	smov.u32 s8  }
0x71: {  	v2 =	vld.idx.msk [tilespmem:v2+s3+$0x0], $0xffff  }
0x72: {  	v6 =	vld [tilespmem:s8+$0xFFFFFF90]  }
0x73: {  	v4 =	vld.idx.msk [tilespmem:v4+s3+$0x0], $0xffff;
	[tilespmem:s0+$0x70] =	vst v0;
	_ =	sdelay $0x1  }
0x74: {  	v0 =	vld.idx.msk [tilespmem:v7+s3+$0x0], $0xffff  }
0x75: {  	v1 =	vld.idx.msk [tilespmem:v1+s3+$0x0], $0xffff  }
0x76: {  	v5 =	vld.idx.msk [tilespmem:v5+s3+$0x0], $0xffff;
	[tilespmem:s2+$0x50] =	vst v2  }
0x77: {  	v7 =	vld [tilespmem:s31+$0x60]  }
0x78: {  	[tilespmem:s2+$0xFFFFFFD0] =	vst v4;
	v8 =	vld.idx.msk [tilespmem:v3+s3+$0x0], $0xffff  }
0x79: {  	v6 =	vld.idx.msk [tilespmem:v6+s3+$0x0], $0xffff  }
0x7a: {  	[tilespmem:s6+$0x30] =	vst v0;
	v0 =	vld [tilespmem:s31+$0xFFFFFFE0]  }
0x7b: {  	[tilespmem:s6+$0xFFFFFFB0] =	vst v1;
	v2 =	vld [tilespmem:s7+$0x40]  }
.Ltmp0:
0x7c: {  	[tilespmem:s1+$0x10] =	vst v5;
	v3 =	vld [tilespmem:s7+$0xFFFFFFC0];
	(pc) =	sbr.rel @p0 .LBB2_4-.Ltmp0, $4  }
0x7d: {  	v4 =	vld [tilespmem:s8+$0x20]  }
0x7e: {  	[tilespmem:s0+$0xFFFFFFF0] =	vst v8;
	s0 =	smov.u32 s2;
	s2 =	smov.u32 s6;
	s6 =	smov.u32 s1  }
0x7f: {  	[tilespmem:s1+$0xFFFFFF90] =	vst v6;
	v1 =	vld.idx.msk [tilespmem:v7+s3+$0x0], $0xffff  }
0x80: {  	s8 =	sadd.s32 $0x100, s8;
	v5 =	vld [tilespmem:s25+$0xFFFFFFA0]  }
0x81: {  	_ =	sdelay $0x6  }
0x82: {  	v4 =	vld.idx.msk [tilespmem:v4+s3+$0x0], $0xffff  }
0x83: {  	v5 =	vld.idx.msk [tilespmem:v5+s3+$0x0], $0xffff;
	_ =	sdelay $0x3  }
0x84: {  	[tilespmem:s1+$0x20] =	vst v4  }
0x85: {  	v4 =	vld [tilespmem:s25+$0x30];
	[tilespmem:s6+$0xFFFFFFA0] =	vst v5  }
0x86: {  	v5 =	vld [tilespmem:s25+$0xFFFFFFB0];
	_ =	sdelay $0x6  }
0x87: {  	v4 =	vld.idx.msk [tilespmem:v4+s3+$0x0], $0xffff  }
0x88: {  	v5 =	vld.idx.msk [tilespmem:v5+s3+$0x0], $0xffff;
	_ =	sdelay $0x3  }
0x89: {  	[tilespmem:s6+$0x30] =	vst v4  }
0x8a: {  	v4 =	vld [tilespmem:s25+$0x40];
	[tilespmem:s6+$0xFFFFFFB0] =	vst v5  }
0x8b: {  	v5 =	vld [tilespmem:s25+$0xFFFFFFC0];
	_ =	sdelay $0x3  }
0x8c: {  	v2 =	vld.idx.msk [tilespmem:v2+s3+$0x0], $0xffff  }
0x8d: {  	v3 =	vld.idx.msk [tilespmem:v3+s3+$0x0], $0xffff;
	_ =	sdelay $0x1  }
0x8e: {  	v4 =	vld.idx.msk [tilespmem:v4+s3+$0x0], $0xffff  }
0x8f: {  	v5 =	vld.idx.msk [tilespmem:v5+s3+$0x0], $0xffff  }
0x90: {  	[tilespmem:s2+$0x40] =	vst v2  }
0x91: {  	[tilespmem:s2+$0xFFFFFFC0] =	vst v3;
	v2 =	vld [tilespmem:s7+$0x50]  }
0x92: {  	v3 =	vld [tilespmem:s7+$0xFFFFFFD0]  }
0x93: {  	[tilespmem:s6+$0x40] =	vst v4  }
0x94: {  	v4 =	vld [tilespmem:s25+$0x50];
	[tilespmem:s6+$0xFFFFFFC0] =	vst v5  }
0x95: {  	v5 =	vld [tilespmem:s25+$0xFFFFFFD0];
	_ =	sdelay $0x3  }
0x96: {  	v2 =	vld.idx.msk [tilespmem:v2+s3+$0x0], $0xffff  }
0x97: {  	v3 =	vld.idx.msk [tilespmem:v3+s3+$0x0], $0xffff;
	_ =	sdelay $0x1  }
0x98: {  	v4 =	vld.idx.msk [tilespmem:v4+s3+$0x0], $0xffff  }
0x99: {  	v5 =	vld.idx.msk [tilespmem:v5+s3+$0x0], $0xffff  }
0x9a: {  	[tilespmem:s2+$0x50] =	vst v2  }
0x9b: {  	[tilespmem:s2+$0xFFFFFFD0] =	vst v3;
	v2 =	vld [tilespmem:s7+$0x60]  }
0x9c: {  	v3 =	vld [tilespmem:s7+$0xFFFFFFE0]  }
0x9d: {  	[tilespmem:s6+$0x50] =	vst v4  }
0x9e: {  	v4 =	vld [tilespmem:s25+$0x60];
	[tilespmem:s6+$0xFFFFFFD0] =	vst v5  }
0x9f: {  	v5 =	vld [tilespmem:s25+$0xFFFFFFE0];
	_ =	sdelay $0x2  }
0xa0: {  	v0 =	vld.idx.msk [tilespmem:v0+s3+$0x0], $0xffff  }
0xa1: {  	v2 =	vld.idx.msk [tilespmem:v2+s3+$0x0], $0xffff  }
0xa2: {  	v3 =	vld.idx.msk [tilespmem:v3+s3+$0x0], $0xffff;
	_ =	sdelay $0x1  }
0xa3: {  	v4 =	vld.idx.msk [tilespmem:v4+s3+$0x0], $0xffff  }
0xa4: {  	[tilespmem:s0+$0xFFFFFFE0] =	vst v0;
	v62 =	vld.idx.msk [tilespmem:v5+s3+$0x0], $0xffff  }
0xa5: {  	v0 =	vld [tilespmem:s31+$0xFFFFFFF0];
	[tilespmem:s2+$0x60] =	vst v2  }
0xa6: {  	[tilespmem:s2+$0xFFFFFFE0] =	vst v3;
	v2 =	vld [tilespmem:s7+$0x70]  }
0xa7: {  	[tilespmem:s0+$0x60] =	vst v1;
	v3 =	vld [tilespmem:s7+$0xFFFFFFF0]  }
0xa8: {  	v63 =	vld [tilespmem:s31+$0x70];
	[tilespmem:s6+$0x60] =	vst v4  }
0xa9: {  	v4 =	vld [tilespmem:s25+$0x70];
	[tilespmem:s6+$0xFFFFFFE0] =	vst v62  }
0xaa: {  	v1 =	vld [tilespmem:s25+$0xFFFFFFF0];
	_ =	sdelay $0x2  }
0xab: {  	v0 =	vld.idx.msk [tilespmem:v0+s3+$0x0], $0xffff  }
0xac: {  	v2 =	vld.idx.msk [tilespmem:v2+s3+$0x0], $0xffff  }
0xad: {  	v3 =	vld.idx.msk [tilespmem:v3+s3+$0x0], $0xffff  }
0xae: {  	v5 =	vld.idx.msk [tilespmem:v63+s3+$0x0], $0xffff  }
0xaf: {  	s30 =	sadd.s32 $0x1, s30;
	v4 =	vld.idx.msk [tilespmem:v4+s3+$0x0], $0xffff  }
0xb0: {  	p0 =	sne.s32 s30, $0x5;
	[tilespmem:s0+$0xFFFFFFF0] =	vst v0;
	v1 =	vld.idx.msk [tilespmem:v1+s3+$0x0], $0xffff  }
.Ltmp1:
0xb1: {  	[tilespmem:s2+$0x70] =	vst v2;
	(pc) =	sbr.rel @p0 .LBB2_3-.Ltmp1, $4  }
0xb2: {  	[tilespmem:s2+$0xFFFFFFF0] =	vst v3  }
0xb3: {  	[tilespmem:s0+$0x70] =	vst v5  }
0xb4: {  	[tilespmem:s6+$0x70] =	vst v4  }
0xb5: {  	s5 =	sadd.s32 $0x400, s5;
	s4 =	sadd.s32 $0x400, s4;
	[tilespmem:s6+$0xFFFFFFF0] =	vst v1  }
0xb6: {  	s0 =	sshll.u32 s28, $0xA;
	s1 =	sshll.u32 s28, $0x7  }
0xb7: {  	s0 =	sand.u32 $0x7FFFE000, s0;
	s1 =	sand.u32 $0x380, s1  }
0xb8: {  	s0 =	sor.u32 s1, s0  }
0xb9: {  	s5 =	rddreg [dreg:$0x1];
	s0 =	sshrl.u32 s0, $0x3  }
0xba: {  	s28 =	sadd.s32 s5, s0  }
0xbb: {  	[hbm4b:s28+s12] =	stream.strided.scatter [tilespmem:s14], [sflag:$0x3], $0x400, s13, s12, $0x38;
	[tilespmem:$0x1D6A0] =	vst v63  }
0xbc: {  	s0 =	sadd.s32 $0xD000, s28  }
0xbd: {  	[hbm4b:s0+s12] =	stream.strided.scatter [tilespmem:s15], [sflag:$0x3], $0x400, s13, s12, $0x38;
	[tilespmem:$0x1D6A0] =	vst v63  }
0xbe: {  	s6 =	sadd.s32 $0x1A000, s28  }
0xbf: {  	[hbm4b:s6+s12] =	stream.strided.scatter [tilespmem:s16], [sflag:$0x3], $0x400, s13, s12, $0x38;
	[tilespmem:$0x1D6A0] =	vst v63  }
0xc0: {  	s7 =	sadd.s32 $0x27000, s28  }
0xc1: {  	[hbm4b:s7+s12] =	stream.strided.scatter [tilespmem:s17], [sflag:$0x3], $0x400, s13, s12, $0x38;
	[tilespmem:$0x1D6A0] =	vst v63  }
0xc2: {  	s8 =	sadd.s32 $0x34000, s28  }
0xc3: {  	[hbm4b:s8+s12] =	stream.strided.scatter [tilespmem:s18], [sflag:$0x3], $0x400, s13, s12, $0x38;
	[tilespmem:$0x1D6A0] =	vst v63  }
0xc4: {  	s10 =	sadd.s32 $0x500, s29;
	s30 =	simm.s32 $0x0;
	s25 =	simm.s32 $0x186A0  }
0xc5: {  	[tilespmem:s25], [sflag:$0x2] =	stream.linear.gather [hbm4b:s10+s30], $0x1400, $0x38;
	[tilespmem:$0x1D6A0] =	vst v63  }
0xc6: {  	_ =	swait.ge [sflag:s11], $0x1400  }
0xc7: {  	[sflag:s11] =	ssyncset.done $0x0  }
0xc8: {  	s31 =	simm.s32 $0x19B90;
	s0 =	simm.s32 $0x1C390;
	[sflag:s11] =	ssyncadd.s32 $0xFFFFEC00  }
.LBB2_7:
0xc9: {  	v0 =	vld [tilespmem:s31+$0xFFFFFF90];
	_ =	sdelay $0x1  }
0xca: {  	v1 =	vld [tilespmem:s31+$0xFFFFFF10];
	_ =	sdelay $0x5  }
0xcb: {  	v0 =	vld.idx.msk [tilespmem:v0+s3+$0x0], $0xffff;
	_ =	sdelay $0x1  }
0xcc: {  	v1 =	vld.idx.msk [tilespmem:v1+s3+$0x0], $0xffff;
	_ =	sdelay $0x2  }
0xcd: {  	[tilespmem:s0+$0xFFFFFF90] =	vst v0  }
0xce: {  	v0 =	vld [tilespmem:s31+$0xFFFFFFA0]  }
0xcf: {  	[tilespmem:s0+$0xFFFFFF10] =	vst v1  }
0xd0: {  	v1 =	vld [tilespmem:s31+$0xFFFFFF20];
	_ =	sdelay $0x5  }
0xd1: {  	v0 =	vld.idx.msk [tilespmem:v0+s3+$0x0], $0xffff;
	_ =	sdelay $0x1  }
0xd2: {  	v1 =	vld.idx.msk [tilespmem:v1+s3+$0x0], $0xffff;
	_ =	sdelay $0x2  }
0xd3: {  	[tilespmem:s0+$0xFFFFFFA0] =	vst v0  }
0xd4: {  	s7 =	sadd.s32 $0x100, s31;
	v0 =	vld [tilespmem:s31+$0xFFFFFFB0]  }
0xd5: {  	v3 =	vld [tilespmem:s7+$0xFFFFFF10];
	[tilespmem:s0+$0xFFFFFF20] =	vst v1  }
0xd6: {  	v1 =	vld [tilespmem:s31+$0xFFFFFF30]  }
0xd7: {  	v2 =	vld [tilespmem:s7+$0xFFFFFF90];
	_ =	sdelay $0x4  }
0xd8: {  	v0 =	vld.idx.msk [tilespmem:v0+s3+$0x0], $0xffff  }
0xd9: {  	v3 =	vld.idx.msk [tilespmem:v3+s3+$0x0], $0xffff  }
0xda: {  	v1 =	vld.idx.msk [tilespmem:v1+s3+$0x0], $0xffff  }
0xdb: {  	v2 =	vld.idx.msk [tilespmem:v2+s3+$0x0], $0xffff;
	_ =	sdelay $0x1  }
0xdc: {  	s2 =	sadd.s32 $0x100, s0;
	[tilespmem:s0+$0xFFFFFFB0] =	vst v0  }
0xdd: {  	[tilespmem:s2+$0xFFFFFF10] =	vst v3;
	v0 =	vld [tilespmem:s31+$0xFFFFFFC0]  }
0xde: {  	v3 =	vld [tilespmem:s7+$0xFFFFFF20];
	[tilespmem:s0+$0xFFFFFF30] =	vst v1  }
0xdf: {  	[tilespmem:s2+$0xFFFFFF90] =	vst v2;
	v1 =	vld [tilespmem:s31+$0xFFFFFF40]  }
0xe0: {  	v2 =	vld [tilespmem:s7+$0xFFFFFFA0];
	_ =	sdelay $0x4  }
0xe1: {  	v0 =	vld.idx.msk [tilespmem:v0+s3+$0x0], $0xffff  }
0xe2: {  	v3 =	vld.idx.msk [tilespmem:v3+s3+$0x0], $0xffff  }
0xe3: {  	v1 =	vld.idx.msk [tilespmem:v1+s3+$0x0], $0xffff  }
0xe4: {  	v2 =	vld.idx.msk [tilespmem:v2+s3+$0x0], $0xffff;
	_ =	sdelay $0x1  }
0xe5: {  	[tilespmem:s0+$0xFFFFFFC0] =	vst v0  }
0xe6: {  	[tilespmem:s2+$0xFFFFFF20] =	vst v3;
	v0 =	vld [tilespmem:s31+$0xFFFFFFD0]  }
0xe7: {  	v3 =	vld [tilespmem:s7+$0xFFFFFF30];
	[tilespmem:s0+$0xFFFFFF40] =	vst v1  }
0xe8: {  	[tilespmem:s2+$0xFFFFFFA0] =	vst v2;
	v1 =	vld [tilespmem:s31+$0xFFFFFF50]  }
0xe9: {  	v2 =	vld [tilespmem:s7+$0xFFFFFFB0]  }
0xea: {  	s25 =	sadd.s32 $0x100, s7  }
0xeb: {  	v4 =	vld [tilespmem:s25+$0xFFFFFF90];
	_ =	sdelay $0x1  }
0xec: {  	v5 =	vld [tilespmem:s25+$0xFFFFFF10]  }
0xed: {  	v0 =	vld.idx.msk [tilespmem:v0+s3+$0x0], $0xffff  }
0xee: {  	v3 =	vld.idx.msk [tilespmem:v3+s3+$0x0], $0xffff  }
0xef: {  	v1 =	vld.idx.msk [tilespmem:v1+s3+$0x0], $0xffff  }
0xf0: {  	v2 =	vld.idx.msk [tilespmem:v2+s3+$0x0], $0xffff;
	_ =	sdelay $0x1  }
0xf1: {  	v4 =	vld.idx.msk [tilespmem:v4+s3+$0x0], $0xffff;
	[tilespmem:s0+$0xFFFFFFD0] =	vst v0  }
0xf2: {  	[tilespmem:s2+$0xFFFFFF30] =	vst v3;
	v0 =	vld [tilespmem:s31+$0xFFFFFFE0]  }
0xf3: {  	[tilespmem:s0+$0xFFFFFF50] =	vst v1;
	v1 =	vld.idx.msk [tilespmem:v5+s3+$0x0], $0xffff  }
0xf4: {  	[tilespmem:s2+$0xFFFFFFB0] =	vst v2;
	v3 =	vld [tilespmem:s7+$0xFFFFFF40]  }
0xf5: {  	s6 =	sadd.s32 $0x100, s2;
	v5 =	vld [tilespmem:s7+$0xFFFFFFC0]  }
0xf6: {  	[tilespmem:s6+$0xFFFFFF90] =	vst v4;
	v2 =	vld [tilespmem:s31+$0xFFFFFF60]  }
0xf7: {  	v4 =	vld [tilespmem:s25+$0xFFFFFFA0]  }
0xf8: {  	[tilespmem:s6+$0xFFFFFF10] =	vst v1  }
0xf9: {  	v1 =	vld [tilespmem:s25+$0xFFFFFF20]  }
0xfa: {  	v0 =	vld.idx.msk [tilespmem:v0+s3+$0x0], $0xffff;
	_ =	sdelay $0x1  }
0xfb: {  	v3 =	vld.idx.msk [tilespmem:v3+s3+$0x0], $0xffff  }
0xfc: {  	v5 =	vld.idx.msk [tilespmem:v5+s3+$0x0], $0xffff  }
0xfd: {  	v2 =	vld.idx.msk [tilespmem:v2+s3+$0x0], $0xffff  }
0xfe: {  	v4 =	vld.idx.msk [tilespmem:v4+s3+$0x0], $0xffff;
	[tilespmem:s0+$0xFFFFFFE0] =	vst v0  }
0xff: {  	v6 =	vld [tilespmem:s31+$0xFFFFFFF0]  }
0x100: {  	[tilespmem:s2+$0xFFFFFF40] =	vst v3;
	v1 =	vld.idx.msk [tilespmem:v1+s3+$0x0], $0xffff  }
0x101: {  	[tilespmem:s2+$0xFFFFFFC0] =	vst v5  }
0x102: {  	[tilespmem:s0+$0xFFFFFF60] =	vst v2;
	v2 =	vld [tilespmem:s7+$0xFFFFFFD0]  }
0x103: {  	[tilespmem:s6+$0xFFFFFFA0] =	vst v4;
	v3 =	vld [tilespmem:s7+$0xFFFFFF50]  }
0x104: {  	v4 =	vld [tilespmem:s25+$0xFFFFFFB0]  }
0x105: {  	v0 =	vld [tilespmem:s31+$0xFFFFFF70];
	[tilespmem:s6+$0xFFFFFF20] =	vst v1  }
0x106: {  	s10 =	simm.s32 $0x4;
	s4 =	smov.u32 s0;
	v5 =	vld [tilespmem:s25+$0xFFFFFF30]  }
0x107: {  	s5 =	smov.u32 s31;
	s8 =	sadd.s32 $0x100, s25;
	s1 =	smov.u32 s6;
	v1 =	vld.idx.msk [tilespmem:v6+s3+$0x0], $0xffff  }
.LBB2_8:
0x108: {  	v6 =	vld [tilespmem:s8+$0xFFFFFF90]  }
0x109: {  	v7 =	vld [tilespmem:s8+$0xFFFFFF10]  }
0x10a: {  	s10 =	sadd.s32 $0x2, s10;
	v2 =	vld.idx.msk [tilespmem:v2+s3+$0x0], $0xffff  }
0x10b: {  	p0 =	slt.u32 s10, $0x6;
	v3 =	vld.idx.msk [tilespmem:v3+s3+$0x0], $0xffff  }
0x10c: {  	v4 =	vld.idx.msk [tilespmem:v4+s3+$0x0], $0xffff;
	[tilespmem:s4+$0xFFFFFFF0] =	vst v1  }
0x10d: {  	v1 =	vld [tilespmem:s5+$0x0]  }
0x10e: {  	v0 =	vld.idx.msk [tilespmem:v0+s3+$0x0], $0xffff  }
0x10f: {  	v5 =	vld.idx.msk [tilespmem:v5+s3+$0x0], $0xffff  }
0x110: {  	v6 =	vld.idx.msk [tilespmem:v6+s3+$0x0], $0xffff;
	[tilespmem:s2+$0xFFFFFFD0] =	vst v2  }
0x111: {  	[tilespmem:s2+$0xFFFFFF50] =	vst v3;
	v2 =	vld [tilespmem:s7+$0xFFFFFFE0]  }
0x112: {  	v3 =	vld.idx.msk [tilespmem:v7+s3+$0x0], $0xffff  }
0x113: {  	[tilespmem:s6+$0xFFFFFFB0] =	vst v4;
	v4 =	vld [tilespmem:s7+$0xFFFFFF60]  }
0x114: {  	v7 =	vld [tilespmem:s25+$0xFFFFFFC0];
	[tilespmem:s4+$0xFFFFFF70] =	vst v0  }
0x115: {  	s6 =	sadd.s32 $0x100, s6;
	[tilespmem:s1+$0xFFFFFF30] =	vst v5;
	v0 =	vld.idx.msk [tilespmem:v1+s3+$0x0], $0xffff  }
0x116: {  	[tilespmem:s6+$0xFFFFFF90] =	vst v6;
	v1 =	vld [tilespmem:s25+$0xFFFFFF40]  }
0x117: {  	v5 =	vld [tilespmem:s8+$0xFFFFFFA0]  }
0x118: {  	[tilespmem:s6+$0xFFFFFF10] =	vst v3;
	v3 =	vld [tilespmem:s5+$0xFFFFFF80];
	s5 =	smov.u32 s7;
	s7 =	smov.u32 s25;
	s25 =	smov.u32 s8  }
0x119: {  	v2 =	vld.idx.msk [tilespmem:v2+s3+$0x0], $0xffff  }
0x11a: {  	v6 =	vld [tilespmem:s8+$0xFFFFFF20]  }
0x11b: {  	v4 =	vld.idx.msk [tilespmem:v4+s3+$0x0], $0xffff;
	[tilespmem:s4+$0x0] =	vst v0;
	_ =	sdelay $0x1  }
0x11c: {  	v0 =	vld.idx.msk [tilespmem:v7+s3+$0x0], $0xffff  }
0x11d: {  	v1 =	vld.idx.msk [tilespmem:v1+s3+$0x0], $0xffff  }
0x11e: {  	v5 =	vld.idx.msk [tilespmem:v5+s3+$0x0], $0xffff;
	[tilespmem:s2+$0xFFFFFFE0] =	vst v2  }
0x11f: {  	v7 =	vld [tilespmem:s5+$0xFFFFFFF0]  }
0x120: {  	[tilespmem:s2+$0xFFFFFF60] =	vst v4;
	v8 =	vld.idx.msk [tilespmem:v3+s3+$0x0], $0xffff  }
0x121: {  	v6 =	vld.idx.msk [tilespmem:v6+s3+$0x0], $0xffff  }
0x122: {  	[tilespmem:s1+$0xFFFFFFC0] =	vst v0;
	v0 =	vld [tilespmem:s5+$0xFFFFFF70]  }
0x123: {  	[tilespmem:s1+$0xFFFFFF40] =	vst v1;
	v2 =	vld [tilespmem:s7+$0xFFFFFFD0]  }
.Ltmp2:
0x124: {  	[tilespmem:s6+$0xFFFFFFA0] =	vst v5;
	v3 =	vld [tilespmem:s7+$0xFFFFFF50];
	(pc) =	sbr.rel @p0 .LBB2_8-.Ltmp2, $4  }
0x125: {  	v4 =	vld [tilespmem:s8+$0xFFFFFFB0]  }
0x126: {  	[tilespmem:s4+$0xFFFFFF80] =	vst v8;
	s4 =	smov.u32 s2;
	s2 =	smov.u32 s1;
	s1 =	smov.u32 s6  }
0x127: {  	[tilespmem:s6+$0xFFFFFF20] =	vst v6;
	v1 =	vld.idx.msk [tilespmem:v7+s3+$0x0], $0xffff  }
0x128: {  	s8 =	sadd.s32 $0x100, s8;
	v5 =	vld [tilespmem:s25+$0xFFFFFF30]  }
0x129: {  	_ =	sdelay $0x6  }
0x12a: {  	v4 =	vld.idx.msk [tilespmem:v4+s3+$0x0], $0xffff  }
0x12b: {  	v5 =	vld.idx.msk [tilespmem:v5+s3+$0x0], $0xffff;
	_ =	sdelay $0x3  }
0x12c: {  	[tilespmem:s6+$0xFFFFFFB0] =	vst v4  }
0x12d: {  	v4 =	vld [tilespmem:s25+$0xFFFFFFC0];
	[tilespmem:s1+$0xFFFFFF30] =	vst v5  }
0x12e: {  	v5 =	vld [tilespmem:s25+$0xFFFFFF40];
	_ =	sdelay $0x6  }
0x12f: {  	v4 =	vld.idx.msk [tilespmem:v4+s3+$0x0], $0xffff  }
0x130: {  	v5 =	vld.idx.msk [tilespmem:v5+s3+$0x0], $0xffff;
	_ =	sdelay $0x3  }
0x131: {  	[tilespmem:s1+$0xFFFFFFC0] =	vst v4  }
0x132: {  	v4 =	vld [tilespmem:s25+$0xFFFFFFD0];
	[tilespmem:s1+$0xFFFFFF40] =	vst v5  }
0x133: {  	v5 =	vld [tilespmem:s25+$0xFFFFFF50];
	_ =	sdelay $0x3  }
0x134: {  	v2 =	vld.idx.msk [tilespmem:v2+s3+$0x0], $0xffff  }
0x135: {  	v3 =	vld.idx.msk [tilespmem:v3+s3+$0x0], $0xffff;
	_ =	sdelay $0x1  }
0x136: {  	v4 =	vld.idx.msk [tilespmem:v4+s3+$0x0], $0xffff  }
0x137: {  	v5 =	vld.idx.msk [tilespmem:v5+s3+$0x0], $0xffff  }
0x138: {  	[tilespmem:s2+$0xFFFFFFD0] =	vst v2  }
0x139: {  	[tilespmem:s2+$0xFFFFFF50] =	vst v3;
	v2 =	vld [tilespmem:s7+$0xFFFFFFE0]  }
0x13a: {  	v3 =	vld [tilespmem:s7+$0xFFFFFF60]  }
0x13b: {  	[tilespmem:s1+$0xFFFFFFD0] =	vst v4  }
0x13c: {  	v4 =	vld [tilespmem:s25+$0xFFFFFFE0];
	[tilespmem:s1+$0xFFFFFF50] =	vst v5  }
0x13d: {  	v5 =	vld [tilespmem:s25+$0xFFFFFF60];
	_ =	sdelay $0x3  }
0x13e: {  	v2 =	vld.idx.msk [tilespmem:v2+s3+$0x0], $0xffff  }
0x13f: {  	v3 =	vld.idx.msk [tilespmem:v3+s3+$0x0], $0xffff;
	_ =	sdelay $0x1  }
0x140: {  	v4 =	vld.idx.msk [tilespmem:v4+s3+$0x0], $0xffff  }
0x141: {  	v5 =	vld.idx.msk [tilespmem:v5+s3+$0x0], $0xffff  }
0x142: {  	[tilespmem:s2+$0xFFFFFFE0] =	vst v2  }
0x143: {  	[tilespmem:s2+$0xFFFFFF60] =	vst v3;
	v2 =	vld [tilespmem:s7+$0xFFFFFFF0]  }
0x144: {  	v3 =	vld [tilespmem:s7+$0xFFFFFF70]  }
0x145: {  	[tilespmem:s1+$0xFFFFFFE0] =	vst v4  }
0x146: {  	v4 =	vld [tilespmem:s25+$0xFFFFFFF0];
	[tilespmem:s1+$0xFFFFFF60] =	vst v5  }
0x147: {  	v5 =	vld [tilespmem:s25+$0xFFFFFF70];
	_ =	sdelay $0x2  }
0x148: {  	v0 =	vld.idx.msk [tilespmem:v0+s3+$0x0], $0xffff  }
0x149: {  	v2 =	vld.idx.msk [tilespmem:v2+s3+$0x0], $0xffff  }
0x14a: {  	v3 =	vld.idx.msk [tilespmem:v3+s3+$0x0], $0xffff;
	_ =	sdelay $0x1  }
0x14b: {  	v4 =	vld.idx.msk [tilespmem:v4+s3+$0x0], $0xffff  }
0x14c: {  	[tilespmem:s4+$0xFFFFFF70] =	vst v0;
	v62 =	vld.idx.msk [tilespmem:v5+s3+$0x0], $0xffff  }
0x14d: {  	v0 =	vld [tilespmem:s5+$0xFFFFFF80];
	[tilespmem:s2+$0xFFFFFFF0] =	vst v2  }
0x14e: {  	[tilespmem:s2+$0xFFFFFF70] =	vst v3;
	v2 =	vld [tilespmem:s7+$0x0]  }
0x14f: {  	[tilespmem:s4+$0xFFFFFFF0] =	vst v1;
	v3 =	vld [tilespmem:s7+$0xFFFFFF80]  }
0x150: {  	v63 =	vld [tilespmem:s5+$0x0];
	[tilespmem:s1+$0xFFFFFFF0] =	vst v4  }
0x151: {  	v4 =	vld [tilespmem:s25+$0x0];
	[tilespmem:s1+$0xFFFFFF70] =	vst v62  }
0x152: {  	v1 =	vld [tilespmem:s25+$0xFFFFFF80];
	_ =	sdelay $0x2  }
0x153: {  	v0 =	vld.idx.msk [tilespmem:v0+s3+$0x0], $0xffff  }
0x154: {  	v2 =	vld.idx.msk [tilespmem:v2+s3+$0x0], $0xffff  }
0x155: {  	v3 =	vld.idx.msk [tilespmem:v3+s3+$0x0], $0xffff  }
0x156: {  	v5 =	vld.idx.msk [tilespmem:v63+s3+$0x0], $0xffff  }
0x157: {  	s30 =	sadd.s32 $0x1, s30;
	v4 =	vld.idx.msk [tilespmem:v4+s3+$0x0], $0xffff  }
0x158: {  	p0 =	sne.s32 s30, $0x5;
	[tilespmem:s4+$0xFFFFFF80] =	vst v0;
	v1 =	vld.idx.msk [tilespmem:v1+s3+$0x0], $0xffff  }
.Ltmp3:
0x159: {  	[tilespmem:s2+$0x0] =	vst v2;
	(pc) =	sbr.rel @p0 .LBB2_7-.Ltmp3, $4  }
0x15a: {  	[tilespmem:s2+$0xFFFFFF80] =	vst v3  }
0x15b: {  	[tilespmem:s4+$0x0] =	vst v5  }
0x15c: {  	[tilespmem:s1+$0x0] =	vst v4  }
0x15d: {  	s31 =	sadd.s32 $0x400, s31;
	s0 =	sadd.s32 $0x400, s0;
	[tilespmem:s1+$0xFFFFFF80] =	vst v1  }
0x15e: {  	s0 =	sadd.s32 $0x41000, s28  }
0x15f: {  	[hbm4b:s0+s12] =	stream.strided.scatter [tilespmem:s19], [sflag:$0x3], $0x400, s13, s12, $0x38;
	[tilespmem:$0x1D6A0] =	vst v63  }
0x160: {  	s0 =	sadd.s32 $0xD000, s0  }
0x161: {  	[hbm4b:s0+s12] =	stream.strided.scatter [tilespmem:s20], [sflag:$0x3], $0x400, s13, s12, $0x38;
	[tilespmem:$0x1D6A0] =	vst v63  }
0x162: {  	s7 =	sadd.s32 $0x5B000, s28  }
0x163: {  	[hbm4b:s7+s12] =	stream.strided.scatter [tilespmem:s21], [sflag:$0x3], $0x400, s13, s12, $0x38;
	[tilespmem:$0x1D6A0] =	vst v63  }
0x164: {  	s8 =	sadd.s32 $0x68000, s28  }
0x165: {  	[hbm4b:s8+s12] =	stream.strided.scatter [tilespmem:s22], [sflag:$0x3], $0x400, s13, s12, $0x38;
	[tilespmem:$0x1D6A0] =	vst v63  }
0x166: {  	s10 =	sadd.s32 $0x75000, s28  }
0x167: {  	[hbm4b:s10+s12] =	stream.strided.scatter [tilespmem:s23], [sflag:$0x3], $0x400, s13, s12, $0x38;
	[tilespmem:$0x1D6A0] =	vst v63  }
0x168: {  	s25 =	sadd.s32 $0x780, s29;
	s30 =	simm.s32 $0x0  }
0x169: {  	[tilespmem:s9], [sflag:$0x2] =	stream.linear.gather [hbm4b:s25+s30], $0x1400, $0x38;
	[tilespmem:$0x1D6A0] =	vst v63  }
0x16a: {  	_ =	swait.ge [sflag:s11], $0x1400  }
0x16b: {  	[sflag:s11] =	ssyncset.done $0x0  }
0x16c: {  	[sflag:s11] =	ssyncadd.s32 $0xFFFFEC00  }
0x16d: {  	_ =	swait.ge [sflag:s24], $0x1400  }
0x16e: {  	[sflag:s24] =	ssyncset.done $0x0  }
0x16f: {  	s31 =	simm.s32 $0x18720;
	s0 =	simm.s32 $0x1AF20;
	[sflag:s24] =	ssyncadd.s32 $0xFFFFEC00  }
.LBB2_11:
0x170: {  	v0 =	vld [tilespmem:s31+$0x0];
	_ =	sdelay $0x1  }
0x171: {  	v1 =	vld [tilespmem:s31+$0xFFFFFF80];
	_ =	sdelay $0x5  }
0x172: {  	v0 =	vld.idx.msk [tilespmem:v0+s3+$0x0], $0xffff;
	_ =	sdelay $0x1  }
0x173: {  	v1 =	vld.idx.msk [tilespmem:v1+s3+$0x0], $0xffff;
	_ =	sdelay $0x2  }
0x174: {  	[tilespmem:s0+$0x0] =	vst v0  }
0x175: {  	v0 =	vld [tilespmem:s31+$0x10]  }
0x176: {  	[tilespmem:s0+$0xFFFFFF80] =	vst v1  }
0x177: {  	v1 =	vld [tilespmem:s31+$0xFFFFFF90];
	_ =	sdelay $0x5  }
0x178: {  	v0 =	vld.idx.msk [tilespmem:v0+s3+$0x0], $0xffff;
	_ =	sdelay $0x1  }
0x179: {  	v1 =	vld.idx.msk [tilespmem:v1+s3+$0x0], $0xffff;
	_ =	sdelay $0x2  }
0x17a: {  	[tilespmem:s0+$0x10] =	vst v0  }
0x17b: {  	s7 =	sadd.s32 $0x100, s31;
	v0 =	vld [tilespmem:s31+$0x20]  }
0x17c: {  	v3 =	vld [tilespmem:s7+$0xFFFFFF80];
	[tilespmem:s0+$0xFFFFFF90] =	vst v1  }
0x17d: {  	v1 =	vld [tilespmem:s31+$0xFFFFFFA0]  }
0x17e: {  	v2 =	vld [tilespmem:s7+$0x0];
	_ =	sdelay $0x4  }
0x17f: {  	v0 =	vld.idx.msk [tilespmem:v0+s3+$0x0], $0xffff  }
0x180: {  	v3 =	vld.idx.msk [tilespmem:v3+s3+$0x0], $0xffff  }
0x181: {  	v1 =	vld.idx.msk [tilespmem:v1+s3+$0x0], $0xffff  }
0x182: {  	v2 =	vld.idx.msk [tilespmem:v2+s3+$0x0], $0xffff;
	_ =	sdelay $0x1  }
0x183: {  	s2 =	sadd.s32 $0x100, s0;
	[tilespmem:s0+$0x20] =	vst v0  }
0x184: {  	[tilespmem:s2+$0xFFFFFF80] =	vst v3;
	v0 =	vld [tilespmem:s31+$0x30]  }
0x185: {  	v3 =	vld [tilespmem:s7+$0xFFFFFF90];
	[tilespmem:s0+$0xFFFFFFA0] =	vst v1  }
0x186: {  	[tilespmem:s2+$0x0] =	vst v2;
	v1 =	vld [tilespmem:s31+$0xFFFFFFB0]  }
0x187: {  	v2 =	vld [tilespmem:s7+$0x10];
	_ =	sdelay $0x4  }
0x188: {  	v0 =	vld.idx.msk [tilespmem:v0+s3+$0x0], $0xffff  }
0x189: {  	v3 =	vld.idx.msk [tilespmem:v3+s3+$0x0], $0xffff  }
0x18a: {  	v1 =	vld.idx.msk [tilespmem:v1+s3+$0x0], $0xffff  }
0x18b: {  	v2 =	vld.idx.msk [tilespmem:v2+s3+$0x0], $0xffff;
	_ =	sdelay $0x1  }
0x18c: {  	[tilespmem:s0+$0x30] =	vst v0  }
0x18d: {  	[tilespmem:s2+$0xFFFFFF90] =	vst v3;
	v0 =	vld [tilespmem:s31+$0x40]  }
0x18e: {  	v3 =	vld [tilespmem:s7+$0xFFFFFFA0];
	[tilespmem:s0+$0xFFFFFFB0] =	vst v1  }
0x18f: {  	[tilespmem:s2+$0x10] =	vst v2;
	v1 =	vld [tilespmem:s31+$0xFFFFFFC0]  }
0x190: {  	v2 =	vld [tilespmem:s7+$0x20]  }
0x191: {  	s25 =	sadd.s32 $0x100, s7  }
0x192: {  	v4 =	vld [tilespmem:s25+$0x0];
	_ =	sdelay $0x1  }
0x193: {  	v5 =	vld [tilespmem:s25+$0xFFFFFF80]  }
0x194: {  	v0 =	vld.idx.msk [tilespmem:v0+s3+$0x0], $0xffff  }
0x195: {  	v3 =	vld.idx.msk [tilespmem:v3+s3+$0x0], $0xffff  }
0x196: {  	v1 =	vld.idx.msk [tilespmem:v1+s3+$0x0], $0xffff  }
0x197: {  	v2 =	vld.idx.msk [tilespmem:v2+s3+$0x0], $0xffff;
	_ =	sdelay $0x1  }
0x198: {  	v4 =	vld.idx.msk [tilespmem:v4+s3+$0x0], $0xffff;
	[tilespmem:s0+$0x40] =	vst v0  }
0x199: {  	[tilespmem:s2+$0xFFFFFFA0] =	vst v3;
	v0 =	vld [tilespmem:s31+$0x50]  }
0x19a: {  	[tilespmem:s0+$0xFFFFFFC0] =	vst v1;
	v1 =	vld.idx.msk [tilespmem:v5+s3+$0x0], $0xffff  }
0x19b: {  	[tilespmem:s2+$0x20] =	vst v2;
	v3 =	vld [tilespmem:s7+$0xFFFFFFB0]  }
0x19c: {  	s6 =	sadd.s32 $0x100, s2;
	v5 =	vld [tilespmem:s7+$0x30]  }
0x19d: {  	[tilespmem:s6+$0x0] =	vst v4;
	v2 =	vld [tilespmem:s31+$0xFFFFFFD0]  }
0x19e: {  	v4 =	vld [tilespmem:s25+$0x10]  }
0x19f: {  	[tilespmem:s6+$0xFFFFFF80] =	vst v1  }
0x1a0: {  	v1 =	vld [tilespmem:s25+$0xFFFFFF90]  }
0x1a1: {  	v0 =	vld.idx.msk [tilespmem:v0+s3+$0x0], $0xffff;
	_ =	sdelay $0x1  }
0x1a2: {  	v3 =	vld.idx.msk [tilespmem:v3+s3+$0x0], $0xffff  }
0x1a3: {  	v5 =	vld.idx.msk [tilespmem:v5+s3+$0x0], $0xffff  }
0x1a4: {  	v2 =	vld.idx.msk [tilespmem:v2+s3+$0x0], $0xffff  }
0x1a5: {  	v4 =	vld.idx.msk [tilespmem:v4+s3+$0x0], $0xffff;
	[tilespmem:s0+$0x50] =	vst v0  }
0x1a6: {  	v6 =	vld [tilespmem:s31+$0x60]  }
0x1a7: {  	[tilespmem:s2+$0xFFFFFFB0] =	vst v3;
	v1 =	vld.idx.msk [tilespmem:v1+s3+$0x0], $0xffff  }
0x1a8: {  	[tilespmem:s2+$0x30] =	vst v5  }
0x1a9: {  	[tilespmem:s0+$0xFFFFFFD0] =	vst v2;
	v2 =	vld [tilespmem:s7+$0x40]  }
0x1aa: {  	[tilespmem:s6+$0x10] =	vst v4;
	v3 =	vld [tilespmem:s7+$0xFFFFFFC0]  }
0x1ab: {  	v4 =	vld [tilespmem:s25+$0x20]  }
0x1ac: {  	v0 =	vld [tilespmem:s31+$0xFFFFFFE0];
	[tilespmem:s6+$0xFFFFFF90] =	vst v1  }
0x1ad: {  	s10 =	simm.s32 $0x4;
	s4 =	smov.u32 s0;
	v5 =	vld [tilespmem:s25+$0xFFFFFFA0]  }
0x1ae: {  	s5 =	smov.u32 s31;
	s8 =	sadd.s32 $0x100, s25;
	s1 =	smov.u32 s6;
	v1 =	vld.idx.msk [tilespmem:v6+s3+$0x0], $0xffff  }
.LBB2_12:
0x1af: {  	v6 =	vld [tilespmem:s8+$0x0]  }
0x1b0: {  	v7 =	vld [tilespmem:s8+$0xFFFFFF80]  }
0x1b1: {  	s10 =	sadd.s32 $0x2, s10;
	v2 =	vld.idx.msk [tilespmem:v2+s3+$0x0], $0xffff  }
0x1b2: {  	p0 =	slt.u32 s10, $0x6;
	v3 =	vld.idx.msk [tilespmem:v3+s3+$0x0], $0xffff  }
0x1b3: {  	v4 =	vld.idx.msk [tilespmem:v4+s3+$0x0], $0xffff;
	[tilespmem:s4+$0x60] =	vst v1  }
0x1b4: {  	v1 =	vld [tilespmem:s5+$0x70]  }
0x1b5: {  	v0 =	vld.idx.msk [tilespmem:v0+s3+$0x0], $0xffff  }
0x1b6: {  	v5 =	vld.idx.msk [tilespmem:v5+s3+$0x0], $0xffff  }
0x1b7: {  	v6 =	vld.idx.msk [tilespmem:v6+s3+$0x0], $0xffff;
	[tilespmem:s2+$0x40] =	vst v2  }
0x1b8: {  	[tilespmem:s2+$0xFFFFFFC0] =	vst v3;
	v2 =	vld [tilespmem:s7+$0x50]  }
0x1b9: {  	v3 =	vld.idx.msk [tilespmem:v7+s3+$0x0], $0xffff  }
0x1ba: {  	[tilespmem:s6+$0x20] =	vst v4;
	v4 =	vld [tilespmem:s7+$0xFFFFFFD0]  }
0x1bb: {  	v7 =	vld [tilespmem:s25+$0x30];
	[tilespmem:s4+$0xFFFFFFE0] =	vst v0  }
0x1bc: {  	s6 =	sadd.s32 $0x100, s6;
	[tilespmem:s1+$0xFFFFFFA0] =	vst v5;
	v0 =	vld.idx.msk [tilespmem:v1+s3+$0x0], $0xffff  }
0x1bd: {  	[tilespmem:s6+$0x0] =	vst v6;
	v1 =	vld [tilespmem:s25+$0xFFFFFFB0]  }
0x1be: {  	v5 =	vld [tilespmem:s8+$0x10]  }
0x1bf: {  	[tilespmem:s6+$0xFFFFFF80] =	vst v3;
	v3 =	vld [tilespmem:s5+$0xFFFFFFF0];
	s5 =	smov.u32 s7;
	s7 =	smov.u32 s25;
	s25 =	smov.u32 s8  }
0x1c0: {  	v2 =	vld.idx.msk [tilespmem:v2+s3+$0x0], $0xffff  }
0x1c1: {  	v6 =	vld [tilespmem:s8+$0xFFFFFF90]  }
0x1c2: {  	v4 =	vld.idx.msk [tilespmem:v4+s3+$0x0], $0xffff;
	[tilespmem:s4+$0x70] =	vst v0;
	_ =	sdelay $0x1  }
0x1c3: {  	v0 =	vld.idx.msk [tilespmem:v7+s3+$0x0], $0xffff  }
0x1c4: {  	v1 =	vld.idx.msk [tilespmem:v1+s3+$0x0], $0xffff  }
0x1c5: {  	v5 =	vld.idx.msk [tilespmem:v5+s3+$0x0], $0xffff;
	[tilespmem:s2+$0x50] =	vst v2  }
0x1c6: {  	v7 =	vld [tilespmem:s5+$0x60]  }
0x1c7: {  	[tilespmem:s2+$0xFFFFFFD0] =	vst v4;
	v8 =	vld.idx.msk [tilespmem:v3+s3+$0x0], $0xffff  }
0x1c8: {  	v6 =	vld.idx.msk [tilespmem:v6+s3+$0x0], $0xffff  }
0x1c9: {  	[tilespmem:s1+$0x30] =	vst v0;
	v0 =	vld [tilespmem:s5+$0xFFFFFFE0]  }
0x1ca: {  	[tilespmem:s1+$0xFFFFFFB0] =	vst v1;
	v2 =	vld [tilespmem:s7+$0x40]  }
.Ltmp4:
0x1cb: {  	[tilespmem:s6+$0x10] =	vst v5;
	v3 =	vld [tilespmem:s7+$0xFFFFFFC0];
	(pc) =	sbr.rel @p0 .LBB2_12-.Ltmp4, $4  }
0x1cc: {  	v4 =	vld [tilespmem:s8+$0x20]  }
0x1cd: {  	[tilespmem:s4+$0xFFFFFFF0] =	vst v8;
	s4 =	smov.u32 s2;
	s2 =	smov.u32 s1;
	s1 =	smov.u32 s6  }
0x1ce: {  	[tilespmem:s6+$0xFFFFFF90] =	vst v6;
	v1 =	vld.idx.msk [tilespmem:v7+s3+$0x0], $0xffff  }
0x1cf: {  	s8 =	sadd.s32 $0x100, s8;
	v5 =	vld [tilespmem:s25+$0xFFFFFFA0]  }
0x1d0: {  	_ =	sdelay $0x6  }
0x1d1: {  	v4 =	vld.idx.msk [tilespmem:v4+s3+$0x0], $0xffff  }
0x1d2: {  	v5 =	vld.idx.msk [tilespmem:v5+s3+$0x0], $0xffff;
	_ =	sdelay $0x3  }
0x1d3: {  	[tilespmem:s6+$0x20] =	vst v4  }
0x1d4: {  	v4 =	vld [tilespmem:s25+$0x30];
	[tilespmem:s1+$0xFFFFFFA0] =	vst v5  }
0x1d5: {  	v5 =	vld [tilespmem:s25+$0xFFFFFFB0];
	_ =	sdelay $0x6  }
0x1d6: {  	v4 =	vld.idx.msk [tilespmem:v4+s3+$0x0], $0xffff  }
0x1d7: {  	v5 =	vld.idx.msk [tilespmem:v5+s3+$0x0], $0xffff;
	_ =	sdelay $0x3  }
0x1d8: {  	[tilespmem:s1+$0x30] =	vst v4  }
0x1d9: {  	v4 =	vld [tilespmem:s25+$0x40];
	[tilespmem:s1+$0xFFFFFFB0] =	vst v5  }
0x1da: {  	v5 =	vld [tilespmem:s25+$0xFFFFFFC0];
	_ =	sdelay $0x3  }
0x1db: {  	v2 =	vld.idx.msk [tilespmem:v2+s3+$0x0], $0xffff  }
0x1dc: {  	v3 =	vld.idx.msk [tilespmem:v3+s3+$0x0], $0xffff;
	_ =	sdelay $0x1  }
0x1dd: {  	v4 =	vld.idx.msk [tilespmem:v4+s3+$0x0], $0xffff  }
0x1de: {  	v5 =	vld.idx.msk [tilespmem:v5+s3+$0x0], $0xffff  }
0x1df: {  	[tilespmem:s2+$0x40] =	vst v2  }
0x1e0: {  	[tilespmem:s2+$0xFFFFFFC0] =	vst v3;
	v2 =	vld [tilespmem:s7+$0x50]  }
0x1e1: {  	v3 =	vld [tilespmem:s7+$0xFFFFFFD0]  }
0x1e2: {  	[tilespmem:s1+$0x40] =	vst v4  }
0x1e3: {  	v4 =	vld [tilespmem:s25+$0x50];
	[tilespmem:s1+$0xFFFFFFC0] =	vst v5  }
0x1e4: {  	v5 =	vld [tilespmem:s25+$0xFFFFFFD0];
	_ =	sdelay $0x3  }
0x1e5: {  	v2 =	vld.idx.msk [tilespmem:v2+s3+$0x0], $0xffff  }
0x1e6: {  	v3 =	vld.idx.msk [tilespmem:v3+s3+$0x0], $0xffff;
	_ =	sdelay $0x1  }
0x1e7: {  	v4 =	vld.idx.msk [tilespmem:v4+s3+$0x0], $0xffff  }
0x1e8: {  	v5 =	vld.idx.msk [tilespmem:v5+s3+$0x0], $0xffff  }
0x1e9: {  	[tilespmem:s2+$0x50] =	vst v2  }
0x1ea: {  	[tilespmem:s2+$0xFFFFFFD0] =	vst v3;
	v2 =	vld [tilespmem:s7+$0x60]  }
0x1eb: {  	v3 =	vld [tilespmem:s7+$0xFFFFFFE0]  }
0x1ec: {  	[tilespmem:s1+$0x50] =	vst v4  }
0x1ed: {  	v4 =	vld [tilespmem:s25+$0x60];
	[tilespmem:s1+$0xFFFFFFD0] =	vst v5  }
0x1ee: {  	v5 =	vld [tilespmem:s25+$0xFFFFFFE0];
	_ =	sdelay $0x2  }
0x1ef: {  	v0 =	vld.idx.msk [tilespmem:v0+s3+$0x0], $0xffff  }
0x1f0: {  	v2 =	vld.idx.msk [tilespmem:v2+s3+$0x0], $0xffff  }
0x1f1: {  	v3 =	vld.idx.msk [tilespmem:v3+s3+$0x0], $0xffff;
	_ =	sdelay $0x1  }
0x1f2: {  	v4 =	vld.idx.msk [tilespmem:v4+s3+$0x0], $0xffff  }
0x1f3: {  	[tilespmem:s4+$0xFFFFFFE0] =	vst v0;
	v62 =	vld.idx.msk [tilespmem:v5+s3+$0x0], $0xffff  }
0x1f4: {  	v0 =	vld [tilespmem:s5+$0xFFFFFFF0];
	[tilespmem:s2+$0x60] =	vst v2  }
0x1f5: {  	[tilespmem:s2+$0xFFFFFFE0] =	vst v3;
	v2 =	vld [tilespmem:s7+$0x70]  }
0x1f6: {  	[tilespmem:s4+$0x60] =	vst v1;
	v3 =	vld [tilespmem:s7+$0xFFFFFFF0]  }
0x1f7: {  	v63 =	vld [tilespmem:s5+$0x70];
	[tilespmem:s1+$0x60] =	vst v4  }
0x1f8: {  	v4 =	vld [tilespmem:s25+$0x70];
	[tilespmem:s1+$0xFFFFFFE0] =	vst v62  }
0x1f9: {  	v1 =	vld [tilespmem:s25+$0xFFFFFFF0];
	_ =	sdelay $0x2  }
0x1fa: {  	v0 =	vld.idx.msk [tilespmem:v0+s3+$0x0], $0xffff  }
0x1fb: {  	v2 =	vld.idx.msk [tilespmem:v2+s3+$0x0], $0xffff  }
0x1fc: {  	v3 =	vld.idx.msk [tilespmem:v3+s3+$0x0], $0xffff  }
0x1fd: {  	v5 =	vld.idx.msk [tilespmem:v63+s3+$0x0], $0xffff  }
0x1fe: {  	s30 =	sadd.s32 $0x1, s30;
	v4 =	vld.idx.msk [tilespmem:v4+s3+$0x0], $0xffff  }
0x1ff: {  	p0 =	sne.s32 s30, $0x5;
	[tilespmem:s4+$0xFFFFFFF0] =	vst v0;
	v1 =	vld.idx.msk [tilespmem:v1+s3+$0x0], $0xffff  }
.Ltmp5:
0x200: {  	[tilespmem:s2+$0x70] =	vst v2;
	(pc) =	sbr.rel @p0 .LBB2_11-.Ltmp5, $4  }
0x201: {  	[tilespmem:s2+$0xFFFFFFF0] =	vst v3  }
0x202: {  	[tilespmem:s4+$0x70] =	vst v5  }
0x203: {  	[tilespmem:s1+$0x70] =	vst v4  }
0x204: {  	s31 =	sadd.s32 $0x400, s31;
	s0 =	sadd.s32 $0x400, s0;
	[tilespmem:s1+$0xFFFFFFF0] =	vst v1  }
0x205: {  	s0 =	sadd.s32 $0x82000, s28  }
0x206: {  	[hbm4b:s0+s12] =	stream.strided.scatter [tilespmem:s14], [sflag:$0x3], $0x400, s13, s12, $0x38;
	[tilespmem:$0x1D6A0] =	vst v63  }
0x207: {  	s0 =	sadd.s32 $0xD000, s0  }
0x208: {  	[hbm4b:s0+s12] =	stream.strided.scatter [tilespmem:s15], [sflag:$0x3], $0x400, s13, s12, $0x38;
	[tilespmem:$0x1D6A0] =	vst v63  }
0x209: {  	s7 =	sadd.s32 $0x9C000, s28  }
0x20a: {  	[hbm4b:s7+s12] =	stream.strided.scatter [tilespmem:s16], [sflag:$0x3], $0x400, s13, s12, $0x38;
	[tilespmem:$0x1D6A0] =	vst v63  }
0x20b: {  	s8 =	sadd.s32 $0xA9000, s28  }
0x20c: {  	[hbm4b:s8+s12] =	stream.strided.scatter [tilespmem:s17], [sflag:$0x3], $0x400, s13, s12, $0x38;
	[tilespmem:$0x1D6A0] =	vst v63  }
0x20d: {  	s10 =	sadd.s32 $0xB6000, s28  }
0x20e: {  	[hbm4b:s10+s12] =	stream.strided.scatter [tilespmem:s18], [sflag:$0x3], $0x400, s13, s12, $0x38;
	[tilespmem:$0x1D6A0] =	vst v63  }
0x20f: {  	s25 =	sadd.s32 $0xA00, s29;
	s30 =	simm.s32 $0x0;
	s1 =	simm.s32 $0x186A0  }
0x210: {  	[tilespmem:s1], [sflag:$0x2] =	stream.linear.gather [hbm4b:s25+s30], $0x1400, $0x38;
	[tilespmem:$0x1D6A0] =	vst v63  }
0x211: {  	_ =	swait.ge [sflag:s11], $0x1400  }
0x212: {  	[sflag:s11] =	ssyncset.done $0x0  }
0x213: {  	[sflag:s11] =	ssyncadd.s32 $0xFFFFEC00  }
0x214: {  	_ =	swait.ge [sflag:s24], $0x1400  }
0x215: {  	[sflag:s24] =	ssyncset.done $0x0  }
0x216: {  	s31 =	simm.s32 $0x19B90;
	s0 =	simm.s32 $0x1C390;
	[sflag:s24] =	ssyncadd.s32 $0xFFFFEC00  }
.LBB2_15:
0x217: {  	v0 =	vld [tilespmem:s31+$0xFFFFFF90];
	_ =	sdelay $0x1  }
0x218: {  	v1 =	vld [tilespmem:s31+$0xFFFFFF10];
	_ =	sdelay $0x5  }
0x219: {  	v0 =	vld.idx.msk [tilespmem:v0+s3+$0x0], $0xffff;
	_ =	sdelay $0x1  }
0x21a: {  	v1 =	vld.idx.msk [tilespmem:v1+s3+$0x0], $0xffff;
	_ =	sdelay $0x2  }
0x21b: {  	[tilespmem:s0+$0xFFFFFF90] =	vst v0  }
0x21c: {  	v0 =	vld [tilespmem:s31+$0xFFFFFFA0]  }
0x21d: {  	[tilespmem:s0+$0xFFFFFF10] =	vst v1  }
0x21e: {  	v1 =	vld [tilespmem:s31+$0xFFFFFF20];
	_ =	sdelay $0x5  }
0x21f: {  	v0 =	vld.idx.msk [tilespmem:v0+s3+$0x0], $0xffff;
	_ =	sdelay $0x1  }
0x220: {  	v1 =	vld.idx.msk [tilespmem:v1+s3+$0x0], $0xffff;
	_ =	sdelay $0x2  }
0x221: {  	[tilespmem:s0+$0xFFFFFFA0] =	vst v0  }
0x222: {  	s7 =	sadd.s32 $0x100, s31;
	v0 =	vld [tilespmem:s31+$0xFFFFFFB0]  }
0x223: {  	v3 =	vld [tilespmem:s7+$0xFFFFFF10];
	[tilespmem:s0+$0xFFFFFF20] =	vst v1  }
0x224: {  	v1 =	vld [tilespmem:s31+$0xFFFFFF30]  }
0x225: {  	v2 =	vld [tilespmem:s7+$0xFFFFFF90];
	_ =	sdelay $0x4  }
0x226: {  	v0 =	vld.idx.msk [tilespmem:v0+s3+$0x0], $0xffff  }
0x227: {  	v3 =	vld.idx.msk [tilespmem:v3+s3+$0x0], $0xffff  }
0x228: {  	v1 =	vld.idx.msk [tilespmem:v1+s3+$0x0], $0xffff  }
0x229: {  	v2 =	vld.idx.msk [tilespmem:v2+s3+$0x0], $0xffff;
	_ =	sdelay $0x1  }
0x22a: {  	s2 =	sadd.s32 $0x100, s0;
	[tilespmem:s0+$0xFFFFFFB0] =	vst v0  }
0x22b: {  	[tilespmem:s2+$0xFFFFFF10] =	vst v3;
	v0 =	vld [tilespmem:s31+$0xFFFFFFC0]  }
0x22c: {  	v3 =	vld [tilespmem:s7+$0xFFFFFF20];
	[tilespmem:s0+$0xFFFFFF30] =	vst v1  }
0x22d: {  	[tilespmem:s2+$0xFFFFFF90] =	vst v2;
	v1 =	vld [tilespmem:s31+$0xFFFFFF40]  }
0x22e: {  	v2 =	vld [tilespmem:s7+$0xFFFFFFA0];
	_ =	sdelay $0x4  }
0x22f: {  	v0 =	vld.idx.msk [tilespmem:v0+s3+$0x0], $0xffff  }
0x230: {  	v3 =	vld.idx.msk [tilespmem:v3+s3+$0x0], $0xffff  }
0x231: {  	v1 =	vld.idx.msk [tilespmem:v1+s3+$0x0], $0xffff  }
0x232: {  	v2 =	vld.idx.msk [tilespmem:v2+s3+$0x0], $0xffff;
	_ =	sdelay $0x1  }
0x233: {  	[tilespmem:s0+$0xFFFFFFC0] =	vst v0  }
0x234: {  	[tilespmem:s2+$0xFFFFFF20] =	vst v3;
	v0 =	vld [tilespmem:s31+$0xFFFFFFD0]  }
0x235: {  	v3 =	vld [tilespmem:s7+$0xFFFFFF30];
	[tilespmem:s0+$0xFFFFFF40] =	vst v1  }
0x236: {  	[tilespmem:s2+$0xFFFFFFA0] =	vst v2;
	v1 =	vld [tilespmem:s31+$0xFFFFFF50]  }
0x237: {  	v2 =	vld [tilespmem:s7+$0xFFFFFFB0]  }
0x238: {  	s25 =	sadd.s32 $0x100, s7  }
0x239: {  	v4 =	vld [tilespmem:s25+$0xFFFFFF90];
	_ =	sdelay $0x1  }
0x23a: {  	v5 =	vld [tilespmem:s25+$0xFFFFFF10]  }
0x23b: {  	v0 =	vld.idx.msk [tilespmem:v0+s3+$0x0], $0xffff  }
0x23c: {  	v3 =	vld.idx.msk [tilespmem:v3+s3+$0x0], $0xffff  }
0x23d: {  	v1 =	vld.idx.msk [tilespmem:v1+s3+$0x0], $0xffff  }
0x23e: {  	v2 =	vld.idx.msk [tilespmem:v2+s3+$0x0], $0xffff;
	_ =	sdelay $0x1  }
0x23f: {  	v4 =	vld.idx.msk [tilespmem:v4+s3+$0x0], $0xffff;
	[tilespmem:s0+$0xFFFFFFD0] =	vst v0  }
0x240: {  	[tilespmem:s2+$0xFFFFFF30] =	vst v3;
	v0 =	vld [tilespmem:s31+$0xFFFFFFE0]  }
0x241: {  	[tilespmem:s0+$0xFFFFFF50] =	vst v1;
	v1 =	vld.idx.msk [tilespmem:v5+s3+$0x0], $0xffff  }
0x242: {  	[tilespmem:s2+$0xFFFFFFB0] =	vst v2;
	v3 =	vld [tilespmem:s7+$0xFFFFFF40]  }
0x243: {  	s6 =	sadd.s32 $0x100, s2;
	v5 =	vld [tilespmem:s7+$0xFFFFFFC0]  }
0x244: {  	[tilespmem:s6+$0xFFFFFF90] =	vst v4;
	v2 =	vld [tilespmem:s31+$0xFFFFFF60]  }
0x245: {  	v4 =	vld [tilespmem:s25+$0xFFFFFFA0]  }
0x246: {  	[tilespmem:s6+$0xFFFFFF10] =	vst v1  }
0x247: {  	v1 =	vld [tilespmem:s25+$0xFFFFFF20]  }
0x248: {  	v0 =	vld.idx.msk [tilespmem:v0+s3+$0x0], $0xffff;
	_ =	sdelay $0x1  }
0x249: {  	v3 =	vld.idx.msk [tilespmem:v3+s3+$0x0], $0xffff  }
0x24a: {  	v5 =	vld.idx.msk [tilespmem:v5+s3+$0x0], $0xffff  }
0x24b: {  	v2 =	vld.idx.msk [tilespmem:v2+s3+$0x0], $0xffff  }
0x24c: {  	v4 =	vld.idx.msk [tilespmem:v4+s3+$0x0], $0xffff;
	[tilespmem:s0+$0xFFFFFFE0] =	vst v0  }
0x24d: {  	v6 =	vld [tilespmem:s31+$0xFFFFFFF0]  }
0x24e: {  	[tilespmem:s2+$0xFFFFFF40] =	vst v3;
	v1 =	vld.idx.msk [tilespmem:v1+s3+$0x0], $0xffff  }
0x24f: {  	[tilespmem:s2+$0xFFFFFFC0] =	vst v5  }
0x250: {  	[tilespmem:s0+$0xFFFFFF60] =	vst v2;
	v2 =	vld [tilespmem:s7+$0xFFFFFFD0]  }
0x251: {  	[tilespmem:s6+$0xFFFFFFA0] =	vst v4;
	v3 =	vld [tilespmem:s7+$0xFFFFFF50]  }
0x252: {  	v4 =	vld [tilespmem:s25+$0xFFFFFFB0]  }
0x253: {  	v0 =	vld [tilespmem:s31+$0xFFFFFF70];
	[tilespmem:s6+$0xFFFFFF20] =	vst v1  }
0x254: {  	s10 =	simm.s32 $0x4;
	s4 =	smov.u32 s0;
	v5 =	vld [tilespmem:s25+$0xFFFFFF30]  }
0x255: {  	s5 =	smov.u32 s31;
	s8 =	sadd.s32 $0x100, s25;
	s1 =	smov.u32 s6;
	v1 =	vld.idx.msk [tilespmem:v6+s3+$0x0], $0xffff  }
.LBB2_16:
0x256: {  	v6 =	vld [tilespmem:s8+$0xFFFFFF90]  }
0x257: {  	v7 =	vld [tilespmem:s8+$0xFFFFFF10]  }
0x258: {  	s10 =	sadd.s32 $0x2, s10;
	v2 =	vld.idx.msk [tilespmem:v2+s3+$0x0], $0xffff  }
0x259: {  	p0 =	slt.u32 s10, $0x6;
	v3 =	vld.idx.msk [tilespmem:v3+s3+$0x0], $0xffff  }
0x25a: {  	v4 =	vld.idx.msk [tilespmem:v4+s3+$0x0], $0xffff;
	[tilespmem:s4+$0xFFFFFFF0] =	vst v1  }
0x25b: {  	v1 =	vld [tilespmem:s5+$0x0]  }
0x25c: {  	v0 =	vld.idx.msk [tilespmem:v0+s3+$0x0], $0xffff  }
0x25d: {  	v5 =	vld.idx.msk [tilespmem:v5+s3+$0x0], $0xffff  }
0x25e: {  	v6 =	vld.idx.msk [tilespmem:v6+s3+$0x0], $0xffff;
	[tilespmem:s2+$0xFFFFFFD0] =	vst v2  }
0x25f: {  	[tilespmem:s2+$0xFFFFFF50] =	vst v3;
	v2 =	vld [tilespmem:s7+$0xFFFFFFE0]  }
0x260: {  	v3 =	vld.idx.msk [tilespmem:v7+s3+$0x0], $0xffff  }
0x261: {  	[tilespmem:s6+$0xFFFFFFB0] =	vst v4;
	v4 =	vld [tilespmem:s7+$0xFFFFFF60]  }
0x262: {  	v7 =	vld [tilespmem:s25+$0xFFFFFFC0];
	[tilespmem:s4+$0xFFFFFF70] =	vst v0  }
0x263: {  	s6 =	sadd.s32 $0x100, s6;
	[tilespmem:s1+$0xFFFFFF30] =	vst v5;
	v0 =	vld.idx.msk [tilespmem:v1+s3+$0x0], $0xffff  }
0x264: {  	[tilespmem:s6+$0xFFFFFF90] =	vst v6;
	v1 =	vld [tilespmem:s25+$0xFFFFFF40]  }
0x265: {  	v5 =	vld [tilespmem:s8+$0xFFFFFFA0]  }
0x266: {  	[tilespmem:s6+$0xFFFFFF10] =	vst v3;
	v3 =	vld [tilespmem:s5+$0xFFFFFF80];
	s5 =	smov.u32 s7;
	s7 =	smov.u32 s25;
	s25 =	smov.u32 s8  }
0x267: {  	v2 =	vld.idx.msk [tilespmem:v2+s3+$0x0], $0xffff  }
0x268: {  	v6 =	vld [tilespmem:s8+$0xFFFFFF20]  }
0x269: {  	v4 =	vld.idx.msk [tilespmem:v4+s3+$0x0], $0xffff;
	[tilespmem:s4+$0x0] =	vst v0;
	_ =	sdelay $0x1  }
0x26a: {  	v0 =	vld.idx.msk [tilespmem:v7+s3+$0x0], $0xffff  }
0x26b: {  	v1 =	vld.idx.msk [tilespmem:v1+s3+$0x0], $0xffff  }
0x26c: {  	v5 =	vld.idx.msk [tilespmem:v5+s3+$0x0], $0xffff;
	[tilespmem:s2+$0xFFFFFFE0] =	vst v2  }
0x26d: {  	v7 =	vld [tilespmem:s5+$0xFFFFFFF0]  }
0x26e: {  	[tilespmem:s2+$0xFFFFFF60] =	vst v4;
	v8 =	vld.idx.msk [tilespmem:v3+s3+$0x0], $0xffff  }
0x26f: {  	v6 =	vld.idx.msk [tilespmem:v6+s3+$0x0], $0xffff  }
0x270: {  	[tilespmem:s1+$0xFFFFFFC0] =	vst v0;
	v0 =	vld [tilespmem:s5+$0xFFFFFF70]  }
0x271: {  	[tilespmem:s1+$0xFFFFFF40] =	vst v1;
	v2 =	vld [tilespmem:s7+$0xFFFFFFD0]  }
.Ltmp6:
0x272: {  	[tilespmem:s6+$0xFFFFFFA0] =	vst v5;
	v3 =	vld [tilespmem:s7+$0xFFFFFF50];
	(pc) =	sbr.rel @p0 .LBB2_16-.Ltmp6, $4  }
0x273: {  	v4 =	vld [tilespmem:s8+$0xFFFFFFB0]  }
0x274: {  	[tilespmem:s4+$0xFFFFFF80] =	vst v8;
	s4 =	smov.u32 s2;
	s2 =	smov.u32 s1;
	s1 =	smov.u32 s6  }
0x275: {  	[tilespmem:s6+$0xFFFFFF20] =	vst v6;
	v1 =	vld.idx.msk [tilespmem:v7+s3+$0x0], $0xffff  }
0x276: {  	s8 =	sadd.s32 $0x100, s8;
	v5 =	vld [tilespmem:s25+$0xFFFFFF30]  }
0x277: {  	_ =	sdelay $0x6  }
0x278: {  	v4 =	vld.idx.msk [tilespmem:v4+s3+$0x0], $0xffff  }
0x279: {  	v5 =	vld.idx.msk [tilespmem:v5+s3+$0x0], $0xffff;
	_ =	sdelay $0x3  }
0x27a: {  	[tilespmem:s6+$0xFFFFFFB0] =	vst v4  }
0x27b: {  	v4 =	vld [tilespmem:s25+$0xFFFFFFC0];
	[tilespmem:s1+$0xFFFFFF30] =	vst v5  }
0x27c: {  	v5 =	vld [tilespmem:s25+$0xFFFFFF40];
	_ =	sdelay $0x6  }
0x27d: {  	v4 =	vld.idx.msk [tilespmem:v4+s3+$0x0], $0xffff  }
0x27e: {  	v5 =	vld.idx.msk [tilespmem:v5+s3+$0x0], $0xffff;
	_ =	sdelay $0x3  }
0x27f: {  	[tilespmem:s1+$0xFFFFFFC0] =	vst v4  }
0x280: {  	v4 =	vld [tilespmem:s25+$0xFFFFFFD0];
	[tilespmem:s1+$0xFFFFFF40] =	vst v5  }
0x281: {  	v5 =	vld [tilespmem:s25+$0xFFFFFF50];
	_ =	sdelay $0x3  }
0x282: {  	v2 =	vld.idx.msk [tilespmem:v2+s3+$0x0], $0xffff  }
0x283: {  	v3 =	vld.idx.msk [tilespmem:v3+s3+$0x0], $0xffff;
	_ =	sdelay $0x1  }
0x284: {  	v4 =	vld.idx.msk [tilespmem:v4+s3+$0x0], $0xffff  }
0x285: {  	v5 =	vld.idx.msk [tilespmem:v5+s3+$0x0], $0xffff  }
0x286: {  	[tilespmem:s2+$0xFFFFFFD0] =	vst v2  }
0x287: {  	[tilespmem:s2+$0xFFFFFF50] =	vst v3;
	v2 =	vld [tilespmem:s7+$0xFFFFFFE0]  }
0x288: {  	v3 =	vld [tilespmem:s7+$0xFFFFFF60]  }
0x289: {  	[tilespmem:s1+$0xFFFFFFD0] =	vst v4  }
0x28a: {  	v4 =	vld [tilespmem:s25+$0xFFFFFFE0];
	[tilespmem:s1+$0xFFFFFF50] =	vst v5  }
0x28b: {  	v5 =	vld [tilespmem:s25+$0xFFFFFF60];
	_ =	sdelay $0x3  }
0x28c: {  	v2 =	vld.idx.msk [tilespmem:v2+s3+$0x0], $0xffff  }
0x28d: {  	v3 =	vld.idx.msk [tilespmem:v3+s3+$0x0], $0xffff;
	_ =	sdelay $0x1  }
0x28e: {  	v4 =	vld.idx.msk [tilespmem:v4+s3+$0x0], $0xffff  }
0x28f: {  	v5 =	vld.idx.msk [tilespmem:v5+s3+$0x0], $0xffff  }
0x290: {  	[tilespmem:s2+$0xFFFFFFE0] =	vst v2  }
0x291: {  	[tilespmem:s2+$0xFFFFFF60] =	vst v3;
	v2 =	vld [tilespmem:s7+$0xFFFFFFF0]  }
0x292: {  	v3 =	vld [tilespmem:s7+$0xFFFFFF70]  }
0x293: {  	[tilespmem:s1+$0xFFFFFFE0] =	vst v4  }
0x294: {  	v4 =	vld [tilespmem:s25+$0xFFFFFFF0];
	[tilespmem:s1+$0xFFFFFF60] =	vst v5  }
0x295: {  	v5 =	vld [tilespmem:s25+$0xFFFFFF70];
	_ =	sdelay $0x2  }
0x296: {  	v0 =	vld.idx.msk [tilespmem:v0+s3+$0x0], $0xffff  }
0x297: {  	v2 =	vld.idx.msk [tilespmem:v2+s3+$0x0], $0xffff  }
0x298: {  	v3 =	vld.idx.msk [tilespmem:v3+s3+$0x0], $0xffff;
	_ =	sdelay $0x1  }
0x299: {  	v4 =	vld.idx.msk [tilespmem:v4+s3+$0x0], $0xffff  }
0x29a: {  	[tilespmem:s4+$0xFFFFFF70] =	vst v0;
	v62 =	vld.idx.msk [tilespmem:v5+s3+$0x0], $0xffff  }
0x29b: {  	v0 =	vld [tilespmem:s5+$0xFFFFFF80];
	[tilespmem:s2+$0xFFFFFFF0] =	vst v2  }
0x29c: {  	[tilespmem:s2+$0xFFFFFF70] =	vst v3;
	v2 =	vld [tilespmem:s7+$0x0]  }
0x29d: {  	[tilespmem:s4+$0xFFFFFFF0] =	vst v1;
	v3 =	vld [tilespmem:s7+$0xFFFFFF80]  }
0x29e: {  	v63 =	vld [tilespmem:s5+$0x0];
	[tilespmem:s1+$0xFFFFFFF0] =	vst v4  }
0x29f: {  	v4 =	vld [tilespmem:s25+$0x0];
	[tilespmem:s1+$0xFFFFFF70] =	vst v62  }
0x2a0: {  	v1 =	vld [tilespmem:s25+$0xFFFFFF80];
	_ =	sdelay $0x2  }
0x2a1: {  	v0 =	vld.idx.msk [tilespmem:v0+s3+$0x0], $0xffff  }
0x2a2: {  	v2 =	vld.idx.msk [tilespmem:v2+s3+$0x0], $0xffff  }
0x2a3: {  	v3 =	vld.idx.msk [tilespmem:v3+s3+$0x0], $0xffff  }
0x2a4: {  	v5 =	vld.idx.msk [tilespmem:v63+s3+$0x0], $0xffff  }
0x2a5: {  	s30 =	sadd.s32 $0x1, s30;
	v4 =	vld.idx.msk [tilespmem:v4+s3+$0x0], $0xffff  }
0x2a6: {  	p0 =	sne.s32 s30, $0x5;
	[tilespmem:s4+$0xFFFFFF80] =	vst v0;
	v1 =	vld.idx.msk [tilespmem:v1+s3+$0x0], $0xffff  }
.Ltmp7:
0x2a7: {  	[tilespmem:s2+$0x0] =	vst v2;
	(pc) =	sbr.rel @p0 .LBB2_15-.Ltmp7, $4  }
0x2a8: {  	[tilespmem:s2+$0xFFFFFF80] =	vst v3  }
0x2a9: {  	[tilespmem:s4+$0x0] =	vst v5  }
0x2aa: {  	[tilespmem:s1+$0x0] =	vst v4  }
0x2ab: {  	s31 =	sadd.s32 $0x400, s31;
	s0 =	sadd.s32 $0x400, s0;
	[tilespmem:s1+$0xFFFFFF80] =	vst v1  }
0x2ac: {  	s0 =	sadd.s32 $0xC3000, s28  }
0x2ad: {  	[hbm4b:s0+s12] =	stream.strided.scatter [tilespmem:s19], [sflag:$0x3], $0x400, s13, s12, $0x38;
	[tilespmem:$0x1D6A0] =	vst v63  }
0x2ae: {  	s0 =	sadd.s32 $0xD000, s0  }
0x2af: {  	[hbm4b:s0+s12] =	stream.strided.scatter [tilespmem:s20], [sflag:$0x3], $0x400, s13, s12, $0x38;
	[tilespmem:$0x1D6A0] =	vst v63  }
0x2b0: {  	s7 =	sadd.s32 $0xDD000, s28  }
0x2b1: {  	[hbm4b:s7+s12] =	stream.strided.scatter [tilespmem:s21], [sflag:$0x3], $0x400, s13, s12, $0x38;
	[tilespmem:$0x1D6A0] =	vst v63  }
0x2b2: {  	s8 =	sadd.s32 $0xEA000, s28  }
0x2b3: {  	[hbm4b:s8+s12] =	stream.strided.scatter [tilespmem:s22], [sflag:$0x3], $0x400, s13, s12, $0x38;
	[tilespmem:$0x1D6A0] =	vst v63  }
0x2b4: {  	s10 =	sadd.s32 $0xF7000, s28  }
0x2b5: {  	[hbm4b:s10+s12] =	stream.strided.scatter [tilespmem:s23], [sflag:$0x3], $0x400, s13, s12, $0x38;
	[tilespmem:$0x1D6A0] =	vst v63  }
0x2b6: {  	s25 =	sadd.s32 $0xC80, s29;
	s30 =	simm.s32 $0x0  }
0x2b7: {  	[tilespmem:s9], [sflag:$0x2] =	stream.linear.gather [hbm4b:s25+s30], $0x1400, $0x38;
	[tilespmem:$0x1D6A0] =	vst v63  }
0x2b8: {  	_ =	swait.ge [sflag:s11], $0x1400  }
0x2b9: {  	[sflag:s11] =	ssyncset.done $0x0  }
0x2ba: {  	[sflag:s11] =	ssyncadd.s32 $0xFFFFEC00  }
0x2bb: {  	_ =	swait.ge [sflag:s24], $0x1400  }
0x2bc: {  	[sflag:s24] =	ssyncset.done $0x0  }
0x2bd: {  	s31 =	simm.s32 $0x18720;
	s0 =	simm.s32 $0x1AF20;
	[sflag:s24] =	ssyncadd.s32 $0xFFFFEC00  }
.LBB2_19:
0x2be: {  	v0 =	vld [tilespmem:s31+$0x0];
	_ =	sdelay $0x1  }
0x2bf: {  	v1 =	vld [tilespmem:s31+$0xFFFFFF80];
	_ =	sdelay $0x5  }
0x2c0: {  	v0 =	vld.idx.msk [tilespmem:v0+s3+$0x0], $0xffff;
	_ =	sdelay $0x1  }
0x2c1: {  	v1 =	vld.idx.msk [tilespmem:v1+s3+$0x0], $0xffff;
	_ =	sdelay $0x2  }
0x2c2: {  	[tilespmem:s0+$0x0] =	vst v0  }
0x2c3: {  	v0 =	vld [tilespmem:s31+$0x10]  }
0x2c4: {  	[tilespmem:s0+$0xFFFFFF80] =	vst v1  }
0x2c5: {  	v1 =	vld [tilespmem:s31+$0xFFFFFF90];
	_ =	sdelay $0x5  }
0x2c6: {  	v0 =	vld.idx.msk [tilespmem:v0+s3+$0x0], $0xffff;
	_ =	sdelay $0x1  }
0x2c7: {  	v1 =	vld.idx.msk [tilespmem:v1+s3+$0x0], $0xffff;
	_ =	sdelay $0x2  }
0x2c8: {  	[tilespmem:s0+$0x10] =	vst v0  }
0x2c9: {  	s7 =	sadd.s32 $0x100, s31;
	v0 =	vld [tilespmem:s31+$0x20]  }
0x2ca: {  	v3 =	vld [tilespmem:s7+$0xFFFFFF80];
	[tilespmem:s0+$0xFFFFFF90] =	vst v1  }
0x2cb: {  	v1 =	vld [tilespmem:s31+$0xFFFFFFA0]  }
0x2cc: {  	v2 =	vld [tilespmem:s7+$0x0];
	_ =	sdelay $0x4  }
0x2cd: {  	v0 =	vld.idx.msk [tilespmem:v0+s3+$0x0], $0xffff  }
0x2ce: {  	v3 =	vld.idx.msk [tilespmem:v3+s3+$0x0], $0xffff  }
0x2cf: {  	v1 =	vld.idx.msk [tilespmem:v1+s3+$0x0], $0xffff  }
0x2d0: {  	v2 =	vld.idx.msk [tilespmem:v2+s3+$0x0], $0xffff;
	_ =	sdelay $0x1  }
0x2d1: {  	s2 =	sadd.s32 $0x100, s0;
	[tilespmem:s0+$0x20] =	vst v0  }
0x2d2: {  	[tilespmem:s2+$0xFFFFFF80] =	vst v3;
	v0 =	vld [tilespmem:s31+$0x30]  }
0x2d3: {  	v3 =	vld [tilespmem:s7+$0xFFFFFF90];
	[tilespmem:s0+$0xFFFFFFA0] =	vst v1  }
0x2d4: {  	[tilespmem:s2+$0x0] =	vst v2;
	v1 =	vld [tilespmem:s31+$0xFFFFFFB0]  }
0x2d5: {  	v2 =	vld [tilespmem:s7+$0x10];
	_ =	sdelay $0x4  }
0x2d6: {  	v0 =	vld.idx.msk [tilespmem:v0+s3+$0x0], $0xffff  }
0x2d7: {  	v3 =	vld.idx.msk [tilespmem:v3+s3+$0x0], $0xffff  }
0x2d8: {  	v1 =	vld.idx.msk [tilespmem:v1+s3+$0x0], $0xffff  }
0x2d9: {  	v2 =	vld.idx.msk [tilespmem:v2+s3+$0x0], $0xffff;
	_ =	sdelay $0x1  }
0x2da: {  	[tilespmem:s0+$0x30] =	vst v0  }
0x2db: {  	[tilespmem:s2+$0xFFFFFF90] =	vst v3;
	v0 =	vld [tilespmem:s31+$0x40]  }
0x2dc: {  	v3 =	vld [tilespmem:s7+$0xFFFFFFA0];
	[tilespmem:s0+$0xFFFFFFB0] =	vst v1  }
0x2dd: {  	[tilespmem:s2+$0x10] =	vst v2;
	v1 =	vld [tilespmem:s31+$0xFFFFFFC0]  }
0x2de: {  	v2 =	vld [tilespmem:s7+$0x20]  }
0x2df: {  	s25 =	sadd.s32 $0x100, s7  }
0x2e0: {  	v4 =	vld [tilespmem:s25+$0x0];
	_ =	sdelay $0x1  }
0x2e1: {  	v5 =	vld [tilespmem:s25+$0xFFFFFF80]  }
0x2e2: {  	v0 =	vld.idx.msk [tilespmem:v0+s3+$0x0], $0xffff  }
0x2e3: {  	v3 =	vld.idx.msk [tilespmem:v3+s3+$0x0], $0xffff  }
0x2e4: {  	v1 =	vld.idx.msk [tilespmem:v1+s3+$0x0], $0xffff  }
0x2e5: {  	v2 =	vld.idx.msk [tilespmem:v2+s3+$0x0], $0xffff;
	_ =	sdelay $0x1  }
0x2e6: {  	v4 =	vld.idx.msk [tilespmem:v4+s3+$0x0], $0xffff;
	[tilespmem:s0+$0x40] =	vst v0  }
0x2e7: {  	[tilespmem:s2+$0xFFFFFFA0] =	vst v3;
	v0 =	vld [tilespmem:s31+$0x50]  }
0x2e8: {  	[tilespmem:s0+$0xFFFFFFC0] =	vst v1;
	v1 =	vld.idx.msk [tilespmem:v5+s3+$0x0], $0xffff  }
0x2e9: {  	[tilespmem:s2+$0x20] =	vst v2;
	v3 =	vld [tilespmem:s7+$0xFFFFFFB0]  }
0x2ea: {  	s6 =	sadd.s32 $0x100, s2;
	v5 =	vld [tilespmem:s7+$0x30]  }
0x2eb: {  	[tilespmem:s6+$0x0] =	vst v4;
	v2 =	vld [tilespmem:s31+$0xFFFFFFD0]  }
0x2ec: {  	v4 =	vld [tilespmem:s25+$0x10]  }
0x2ed: {  	[tilespmem:s6+$0xFFFFFF80] =	vst v1  }
0x2ee: {  	v1 =	vld [tilespmem:s25+$0xFFFFFF90]  }
0x2ef: {  	v0 =	vld.idx.msk [tilespmem:v0+s3+$0x0], $0xffff;
	_ =	sdelay $0x1  }
0x2f0: {  	v3 =	vld.idx.msk [tilespmem:v3+s3+$0x0], $0xffff  }
0x2f1: {  	v5 =	vld.idx.msk [tilespmem:v5+s3+$0x0], $0xffff  }
0x2f2: {  	v2 =	vld.idx.msk [tilespmem:v2+s3+$0x0], $0xffff  }
0x2f3: {  	v4 =	vld.idx.msk [tilespmem:v4+s3+$0x0], $0xffff;
	[tilespmem:s0+$0x50] =	vst v0  }
0x2f4: {  	v6 =	vld [tilespmem:s31+$0x60]  }
0x2f5: {  	[tilespmem:s2+$0xFFFFFFB0] =	vst v3;
	v1 =	vld.idx.msk [tilespmem:v1+s3+$0x0], $0xffff  }
0x2f6: {  	[tilespmem:s2+$0x30] =	vst v5  }
0x2f7: {  	[tilespmem:s0+$0xFFFFFFD0] =	vst v2;
	v2 =	vld [tilespmem:s7+$0x40]  }
0x2f8: {  	[tilespmem:s6+$0x10] =	vst v4;
	v3 =	vld [tilespmem:s7+$0xFFFFFFC0]  }
0x2f9: {  	v4 =	vld [tilespmem:s25+$0x20]  }
0x2fa: {  	v0 =	vld [tilespmem:s31+$0xFFFFFFE0];
	[tilespmem:s6+$0xFFFFFF90] =	vst v1  }
0x2fb: {  	s10 =	simm.s32 $0x4;
	s4 =	smov.u32 s0;
	v5 =	vld [tilespmem:s25+$0xFFFFFFA0]  }
0x2fc: {  	s5 =	smov.u32 s31;
	s8 =	sadd.s32 $0x100, s25;
	s1 =	smov.u32 s6;
	v1 =	vld.idx.msk [tilespmem:v6+s3+$0x0], $0xffff  }
.LBB2_20:
0x2fd: {  	v6 =	vld [tilespmem:s8+$0x0]  }
0x2fe: {  	v7 =	vld [tilespmem:s8+$0xFFFFFF80]  }
0x2ff: {  	s10 =	sadd.s32 $0x2, s10;
	v2 =	vld.idx.msk [tilespmem:v2+s3+$0x0], $0xffff  }
0x300: {  	p0 =	slt.u32 s10, $0x6;
	v3 =	vld.idx.msk [tilespmem:v3+s3+$0x0], $0xffff  }
0x301: {  	v4 =	vld.idx.msk [tilespmem:v4+s3+$0x0], $0xffff;
	[tilespmem:s4+$0x60] =	vst v1  }
0x302: {  	v1 =	vld [tilespmem:s5+$0x70]  }
0x303: {  	v0 =	vld.idx.msk [tilespmem:v0+s3+$0x0], $0xffff  }
0x304: {  	v5 =	vld.idx.msk [tilespmem:v5+s3+$0x0], $0xffff  }
0x305: {  	v6 =	vld.idx.msk [tilespmem:v6+s3+$0x0], $0xffff;
	[tilespmem:s2+$0x40] =	vst v2  }
0x306: {  	[tilespmem:s2+$0xFFFFFFC0] =	vst v3;
	v2 =	vld [tilespmem:s7+$0x50]  }
0x307: {  	v3 =	vld.idx.msk [tilespmem:v7+s3+$0x0], $0xffff  }
0x308: {  	[tilespmem:s6+$0x20] =	vst v4;
	v4 =	vld [tilespmem:s7+$0xFFFFFFD0]  }
0x309: {  	v7 =	vld [tilespmem:s25+$0x30];
	[tilespmem:s4+$0xFFFFFFE0] =	vst v0  }
0x30a: {  	s6 =	sadd.s32 $0x100, s6;
	[tilespmem:s1+$0xFFFFFFA0] =	vst v5;
	v0 =	vld.idx.msk [tilespmem:v1+s3+$0x0], $0xffff  }
0x30b: {  	[tilespmem:s6+$0x0] =	vst v6;
	v1 =	vld [tilespmem:s25+$0xFFFFFFB0]  }
0x30c: {  	v5 =	vld [tilespmem:s8+$0x10]  }
0x30d: {  	[tilespmem:s6+$0xFFFFFF80] =	vst v3;
	v3 =	vld [tilespmem:s5+$0xFFFFFFF0];
	s5 =	smov.u32 s7;
	s7 =	smov.u32 s25;
	s25 =	smov.u32 s8  }
0x30e: {  	v2 =	vld.idx.msk [tilespmem:v2+s3+$0x0], $0xffff  }
0x30f: {  	v6 =	vld [tilespmem:s8+$0xFFFFFF90]  }
0x310: {  	v4 =	vld.idx.msk [tilespmem:v4+s3+$0x0], $0xffff;
	[tilespmem:s4+$0x70] =	vst v0;
	_ =	sdelay $0x1  }
0x311: {  	v0 =	vld.idx.msk [tilespmem:v7+s3+$0x0], $0xffff  }
0x312: {  	v1 =	vld.idx.msk [tilespmem:v1+s3+$0x0], $0xffff  }
0x313: {  	v5 =	vld.idx.msk [tilespmem:v5+s3+$0x0], $0xffff;
	[tilespmem:s2+$0x50] =	vst v2  }
0x314: {  	v7 =	vld [tilespmem:s5+$0x60]  }
0x315: {  	[tilespmem:s2+$0xFFFFFFD0] =	vst v4;
	v8 =	vld.idx.msk [tilespmem:v3+s3+$0x0], $0xffff  }
0x316: {  	v6 =	vld.idx.msk [tilespmem:v6+s3+$0x0], $0xffff  }
0x317: {  	[tilespmem:s1+$0x30] =	vst v0;
	v0 =	vld [tilespmem:s5+$0xFFFFFFE0]  }
0x318: {  	[tilespmem:s1+$0xFFFFFFB0] =	vst v1;
	v2 =	vld [tilespmem:s7+$0x40]  }
.Ltmp8:
0x319: {  	[tilespmem:s6+$0x10] =	vst v5;
	v3 =	vld [tilespmem:s7+$0xFFFFFFC0];
	(pc) =	sbr.rel @p0 .LBB2_20-.Ltmp8, $4  }
0x31a: {  	v4 =	vld [tilespmem:s8+$0x20]  }
0x31b: {  	[tilespmem:s4+$0xFFFFFFF0] =	vst v8;
	s4 =	smov.u32 s2;
	s2 =	smov.u32 s1;
	s1 =	smov.u32 s6  }
0x31c: {  	[tilespmem:s6+$0xFFFFFF90] =	vst v6;
	v1 =	vld.idx.msk [tilespmem:v7+s3+$0x0], $0xffff  }
0x31d: {  	s8 =	sadd.s32 $0x100, s8;
	v5 =	vld [tilespmem:s25+$0xFFFFFFA0]  }
0x31e: {  	_ =	sdelay $0x6  }
0x31f: {  	v4 =	vld.idx.msk [tilespmem:v4+s3+$0x0], $0xffff  }
0x320: {  	v5 =	vld.idx.msk [tilespmem:v5+s3+$0x0], $0xffff;
	_ =	sdelay $0x3  }
0x321: {  	[tilespmem:s6+$0x20] =	vst v4  }
0x322: {  	v4 =	vld [tilespmem:s25+$0x30];
	[tilespmem:s1+$0xFFFFFFA0] =	vst v5  }
0x323: {  	v5 =	vld [tilespmem:s25+$0xFFFFFFB0];
	_ =	sdelay $0x6  }
0x324: {  	v4 =	vld.idx.msk [tilespmem:v4+s3+$0x0], $0xffff  }
0x325: {  	v5 =	vld.idx.msk [tilespmem:v5+s3+$0x0], $0xffff;
	_ =	sdelay $0x3  }
0x326: {  	[tilespmem:s1+$0x30] =	vst v4  }
0x327: {  	v4 =	vld [tilespmem:s25+$0x40];
	[tilespmem:s1+$0xFFFFFFB0] =	vst v5  }
0x328: {  	v5 =	vld [tilespmem:s25+$0xFFFFFFC0];
	_ =	sdelay $0x3  }
0x329: {  	v2 =	vld.idx.msk [tilespmem:v2+s3+$0x0], $0xffff  }
0x32a: {  	v3 =	vld.idx.msk [tilespmem:v3+s3+$0x0], $0xffff;
	_ =	sdelay $0x1  }
0x32b: {  	v4 =	vld.idx.msk [tilespmem:v4+s3+$0x0], $0xffff  }
0x32c: {  	v5 =	vld.idx.msk [tilespmem:v5+s3+$0x0], $0xffff  }
0x32d: {  	[tilespmem:s2+$0x40] =	vst v2  }
0x32e: {  	[tilespmem:s2+$0xFFFFFFC0] =	vst v3;
	v2 =	vld [tilespmem:s7+$0x50]  }
0x32f: {  	v3 =	vld [tilespmem:s7+$0xFFFFFFD0]  }
0x330: {  	[tilespmem:s1+$0x40] =	vst v4  }
0x331: {  	v4 =	vld [tilespmem:s25+$0x50];
	[tilespmem:s1+$0xFFFFFFC0] =	vst v5  }
0x332: {  	v5 =	vld [tilespmem:s25+$0xFFFFFFD0];
	_ =	sdelay $0x3  }
0x333: {  	v2 =	vld.idx.msk [tilespmem:v2+s3+$0x0], $0xffff  }
0x334: {  	v3 =	vld.idx.msk [tilespmem:v3+s3+$0x0], $0xffff;
	_ =	sdelay $0x1  }
0x335: {  	v4 =	vld.idx.msk [tilespmem:v4+s3+$0x0], $0xffff  }
0x336: {  	v5 =	vld.idx.msk [tilespmem:v5+s3+$0x0], $0xffff  }
0x337: {  	[tilespmem:s2+$0x50] =	vst v2  }
0x338: {  	[tilespmem:s2+$0xFFFFFFD0] =	vst v3;
	v2 =	vld [tilespmem:s7+$0x60]  }
0x339: {  	v3 =	vld [tilespmem:s7+$0xFFFFFFE0]  }
0x33a: {  	[tilespmem:s1+$0x50] =	vst v4  }
0x33b: {  	v4 =	vld [tilespmem:s25+$0x60];
	[tilespmem:s1+$0xFFFFFFD0] =	vst v5  }
0x33c: {  	v5 =	vld [tilespmem:s25+$0xFFFFFFE0];
	_ =	sdelay $0x2  }
0x33d: {  	v0 =	vld.idx.msk [tilespmem:v0+s3+$0x0], $0xffff  }
0x33e: {  	v2 =	vld.idx.msk [tilespmem:v2+s3+$0x0], $0xffff  }
0x33f: {  	v3 =	vld.idx.msk [tilespmem:v3+s3+$0x0], $0xffff;
	_ =	sdelay $0x1  }
0x340: {  	v4 =	vld.idx.msk [tilespmem:v4+s3+$0x0], $0xffff  }
0x341: {  	[tilespmem:s4+$0xFFFFFFE0] =	vst v0;
	v62 =	vld.idx.msk [tilespmem:v5+s3+$0x0], $0xffff  }
0x342: {  	v0 =	vld [tilespmem:s5+$0xFFFFFFF0];
	[tilespmem:s2+$0x60] =	vst v2  }
0x343: {  	[tilespmem:s2+$0xFFFFFFE0] =	vst v3;
	v2 =	vld [tilespmem:s7+$0x70]  }
0x344: {  	[tilespmem:s4+$0x60] =	vst v1;
	v3 =	vld [tilespmem:s7+$0xFFFFFFF0]  }
0x345: {  	v63 =	vld [tilespmem:s5+$0x70];
	[tilespmem:s1+$0x60] =	vst v4  }
0x346: {  	v4 =	vld [tilespmem:s25+$0x70];
	[tilespmem:s1+$0xFFFFFFE0] =	vst v62  }
0x347: {  	v1 =	vld [tilespmem:s25+$0xFFFFFFF0];
	_ =	sdelay $0x2  }
0x348: {  	v0 =	vld.idx.msk [tilespmem:v0+s3+$0x0], $0xffff  }
0x349: {  	v2 =	vld.idx.msk [tilespmem:v2+s3+$0x0], $0xffff  }
0x34a: {  	v3 =	vld.idx.msk [tilespmem:v3+s3+$0x0], $0xffff  }
0x34b: {  	v5 =	vld.idx.msk [tilespmem:v63+s3+$0x0], $0xffff  }
0x34c: {  	s30 =	sadd.s32 $0x1, s30;
	v4 =	vld.idx.msk [tilespmem:v4+s3+$0x0], $0xffff  }
0x34d: {  	p0 =	sne.s32 s30, $0x5;
	[tilespmem:s4+$0xFFFFFFF0] =	vst v0;
	v1 =	vld.idx.msk [tilespmem:v1+s3+$0x0], $0xffff  }
.Ltmp9:
0x34e: {  	[tilespmem:s2+$0x70] =	vst v2;
	(pc) =	sbr.rel @p0 .LBB2_19-.Ltmp9, $4  }
0x34f: {  	[tilespmem:s2+$0xFFFFFFF0] =	vst v3  }
0x350: {  	[tilespmem:s4+$0x70] =	vst v5  }
0x351: {  	[tilespmem:s1+$0x70] =	vst v4  }
0x352: {  	s31 =	sadd.s32 $0x400, s31;
	s0 =	sadd.s32 $0x400, s0;
	[tilespmem:s1+$0xFFFFFFF0] =	vst v1  }
0x353: {  	s0 =	sadd.s32 $0x104000, s28  }
0x354: {  	[hbm4b:s0+s12] =	stream.strided.scatter [tilespmem:s14], [sflag:$0x3], $0x400, s13, s12, $0x38;
	[tilespmem:$0x1D6A0] =	vst v63  }
0x355: {  	s0 =	sadd.s32 $0xD000, s0  }
0x356: {  	[hbm4b:s0+s12] =	stream.strided.scatter [tilespmem:s15], [sflag:$0x3], $0x400, s13, s12, $0x38;
	[tilespmem:$0x1D6A0] =	vst v63  }
0x357: {  	s7 =	sadd.s32 $0x11E000, s28  }
0x358: {  	[hbm4b:s7+s12] =	stream.strided.scatter [tilespmem:s16], [sflag:$0x3], $0x400, s13, s12, $0x38;
	[tilespmem:$0x1D6A0] =	vst v63  }
0x359: {  	s8 =	sadd.s32 $0x12B000, s28  }
0x35a: {  	[hbm4b:s8+s12] =	stream.strided.scatter [tilespmem:s17], [sflag:$0x3], $0x400, s13, s12, $0x38;
	[tilespmem:$0x1D6A0] =	vst v63  }
0x35b: {  	s10 =	sadd.s32 $0x138000, s28  }
0x35c: {  	[hbm4b:s10+s12] =	stream.strided.scatter [tilespmem:s18], [sflag:$0x3], $0x400, s13, s12, $0x38;
	[tilespmem:$0x1D6A0] =	vst v63  }
0x35d: {  	s25 =	sadd.s32 $0xF00, s29;
	s30 =	simm.s32 $0x0;
	s1 =	simm.s32 $0x186A0  }
0x35e: {  	[tilespmem:s1], [sflag:$0x2] =	stream.linear.gather [hbm4b:s25+s30], $0x1400, $0x38;
	[tilespmem:$0x1D6A0] =	vst v63  }
0x35f: {  	_ =	swait.ge [sflag:s11], $0x1400  }
0x360: {  	[sflag:s11] =	ssyncset.done $0x0  }
0x361: {  	[sflag:s11] =	ssyncadd.s32 $0xFFFFEC00  }
0x362: {  	_ =	swait.ge [sflag:s24], $0x1400  }
0x363: {  	[sflag:s24] =	ssyncset.done $0x0  }
0x364: {  	s31 =	simm.s32 $0x19B90;
	s0 =	simm.s32 $0x1C390;
	[sflag:s24] =	ssyncadd.s32 $0xFFFFEC00  }
.LBB2_23:
0x365: {  	v0 =	vld [tilespmem:s31+$0xFFFFFF90];
	_ =	sdelay $0x1  }
0x366: {  	v1 =	vld [tilespmem:s31+$0xFFFFFF10];
	_ =	sdelay $0x5  }
0x367: {  	v0 =	vld.idx.msk [tilespmem:v0+s3+$0x0], $0xffff;
	_ =	sdelay $0x1  }
0x368: {  	v1 =	vld.idx.msk [tilespmem:v1+s3+$0x0], $0xffff;
	_ =	sdelay $0x2  }
0x369: {  	[tilespmem:s0+$0xFFFFFF90] =	vst v0  }
0x36a: {  	v0 =	vld [tilespmem:s31+$0xFFFFFFA0]  }
0x36b: {  	[tilespmem:s0+$0xFFFFFF10] =	vst v1  }
0x36c: {  	v1 =	vld [tilespmem:s31+$0xFFFFFF20];
	_ =	sdelay $0x5  }
0x36d: {  	v0 =	vld.idx.msk [tilespmem:v0+s3+$0x0], $0xffff;
	_ =	sdelay $0x1  }
0x36e: {  	v1 =	vld.idx.msk [tilespmem:v1+s3+$0x0], $0xffff;
	_ =	sdelay $0x2  }
0x36f: {  	[tilespmem:s0+$0xFFFFFFA0] =	vst v0  }
0x370: {  	s7 =	sadd.s32 $0x100, s31;
	v0 =	vld [tilespmem:s31+$0xFFFFFFB0]  }
0x371: {  	v3 =	vld [tilespmem:s7+$0xFFFFFF10];
	[tilespmem:s0+$0xFFFFFF20] =	vst v1  }
0x372: {  	v1 =	vld [tilespmem:s31+$0xFFFFFF30]  }
0x373: {  	v2 =	vld [tilespmem:s7+$0xFFFFFF90];
	_ =	sdelay $0x4  }
0x374: {  	v0 =	vld.idx.msk [tilespmem:v0+s3+$0x0], $0xffff  }
0x375: {  	v3 =	vld.idx.msk [tilespmem:v3+s3+$0x0], $0xffff  }
0x376: {  	v1 =	vld.idx.msk [tilespmem:v1+s3+$0x0], $0xffff  }
0x377: {  	v2 =	vld.idx.msk [tilespmem:v2+s3+$0x0], $0xffff;
	_ =	sdelay $0x1  }
0x378: {  	s2 =	sadd.s32 $0x100, s0;
	[tilespmem:s0+$0xFFFFFFB0] =	vst v0  }
0x379: {  	[tilespmem:s2+$0xFFFFFF10] =	vst v3;
	v0 =	vld [tilespmem:s31+$0xFFFFFFC0]  }
0x37a: {  	v3 =	vld [tilespmem:s7+$0xFFFFFF20];
	[tilespmem:s0+$0xFFFFFF30] =	vst v1  }
0x37b: {  	[tilespmem:s2+$0xFFFFFF90] =	vst v2;
	v1 =	vld [tilespmem:s31+$0xFFFFFF40]  }
0x37c: {  	v2 =	vld [tilespmem:s7+$0xFFFFFFA0];
	_ =	sdelay $0x4  }
0x37d: {  	v0 =	vld.idx.msk [tilespmem:v0+s3+$0x0], $0xffff  }
0x37e: {  	v3 =	vld.idx.msk [tilespmem:v3+s3+$0x0], $0xffff  }
0x37f: {  	v1 =	vld.idx.msk [tilespmem:v1+s3+$0x0], $0xffff  }
0x380: {  	v2 =	vld.idx.msk [tilespmem:v2+s3+$0x0], $0xffff;
	_ =	sdelay $0x1  }
0x381: {  	[tilespmem:s0+$0xFFFFFFC0] =	vst v0  }
0x382: {  	[tilespmem:s2+$0xFFFFFF20] =	vst v3;
	v0 =	vld [tilespmem:s31+$0xFFFFFFD0]  }
0x383: {  	v3 =	vld [tilespmem:s7+$0xFFFFFF30];
	[tilespmem:s0+$0xFFFFFF40] =	vst v1  }
0x384: {  	[tilespmem:s2+$0xFFFFFFA0] =	vst v2;
	v1 =	vld [tilespmem:s31+$0xFFFFFF50]  }
0x385: {  	v2 =	vld [tilespmem:s7+$0xFFFFFFB0]  }
0x386: {  	s25 =	sadd.s32 $0x100, s7  }
0x387: {  	v4 =	vld [tilespmem:s25+$0xFFFFFF90];
	_ =	sdelay $0x1  }
0x388: {  	v5 =	vld [tilespmem:s25+$0xFFFFFF10]  }
0x389: {  	v0 =	vld.idx.msk [tilespmem:v0+s3+$0x0], $0xffff  }
0x38a: {  	v3 =	vld.idx.msk [tilespmem:v3+s3+$0x0], $0xffff  }
0x38b: {  	v1 =	vld.idx.msk [tilespmem:v1+s3+$0x0], $0xffff  }
0x38c: {  	v2 =	vld.idx.msk [tilespmem:v2+s3+$0x0], $0xffff;
	_ =	sdelay $0x1  }
0x38d: {  	v4 =	vld.idx.msk [tilespmem:v4+s3+$0x0], $0xffff;
	[tilespmem:s0+$0xFFFFFFD0] =	vst v0  }
0x38e: {  	[tilespmem:s2+$0xFFFFFF30] =	vst v3;
	v0 =	vld [tilespmem:s31+$0xFFFFFFE0]  }
0x38f: {  	[tilespmem:s0+$0xFFFFFF50] =	vst v1;
	v1 =	vld.idx.msk [tilespmem:v5+s3+$0x0], $0xffff  }
0x390: {  	[tilespmem:s2+$0xFFFFFFB0] =	vst v2;
	v3 =	vld [tilespmem:s7+$0xFFFFFF40]  }
0x391: {  	s6 =	sadd.s32 $0x100, s2;
	v5 =	vld [tilespmem:s7+$0xFFFFFFC0]  }
0x392: {  	[tilespmem:s6+$0xFFFFFF90] =	vst v4;
	v2 =	vld [tilespmem:s31+$0xFFFFFF60]  }
0x393: {  	v4 =	vld [tilespmem:s25+$0xFFFFFFA0]  }
0x394: {  	[tilespmem:s6+$0xFFFFFF10] =	vst v1  }
0x395: {  	v1 =	vld [tilespmem:s25+$0xFFFFFF20]  }
0x396: {  	v0 =	vld.idx.msk [tilespmem:v0+s3+$0x0], $0xffff;
	_ =	sdelay $0x1  }
0x397: {  	v3 =	vld.idx.msk [tilespmem:v3+s3+$0x0], $0xffff  }
0x398: {  	v5 =	vld.idx.msk [tilespmem:v5+s3+$0x0], $0xffff  }
0x399: {  	v2 =	vld.idx.msk [tilespmem:v2+s3+$0x0], $0xffff  }
0x39a: {  	v4 =	vld.idx.msk [tilespmem:v4+s3+$0x0], $0xffff;
	[tilespmem:s0+$0xFFFFFFE0] =	vst v0  }
0x39b: {  	v6 =	vld [tilespmem:s31+$0xFFFFFFF0]  }
0x39c: {  	[tilespmem:s2+$0xFFFFFF40] =	vst v3;
	v1 =	vld.idx.msk [tilespmem:v1+s3+$0x0], $0xffff  }
0x39d: {  	[tilespmem:s2+$0xFFFFFFC0] =	vst v5  }
0x39e: {  	[tilespmem:s0+$0xFFFFFF60] =	vst v2;
	v2 =	vld [tilespmem:s7+$0xFFFFFFD0]  }
0x39f: {  	[tilespmem:s6+$0xFFFFFFA0] =	vst v4;
	v3 =	vld [tilespmem:s7+$0xFFFFFF50]  }
0x3a0: {  	v4 =	vld [tilespmem:s25+$0xFFFFFFB0]  }
0x3a1: {  	v0 =	vld [tilespmem:s31+$0xFFFFFF70];
	[tilespmem:s6+$0xFFFFFF20] =	vst v1  }
0x3a2: {  	s10 =	simm.s32 $0x4;
	s4 =	smov.u32 s0;
	v5 =	vld [tilespmem:s25+$0xFFFFFF30]  }
0x3a3: {  	s5 =	smov.u32 s31;
	s8 =	sadd.s32 $0x100, s25;
	s1 =	smov.u32 s6;
	v1 =	vld.idx.msk [tilespmem:v6+s3+$0x0], $0xffff  }
.LBB2_24:
0x3a4: {  	v6 =	vld [tilespmem:s8+$0xFFFFFF90]  }
0x3a5: {  	v7 =	vld [tilespmem:s8+$0xFFFFFF10]  }
0x3a6: {  	s10 =	sadd.s32 $0x2, s10;
	v2 =	vld.idx.msk [tilespmem:v2+s3+$0x0], $0xffff  }
0x3a7: {  	p0 =	slt.u32 s10, $0x6;
	v3 =	vld.idx.msk [tilespmem:v3+s3+$0x0], $0xffff  }
0x3a8: {  	v4 =	vld.idx.msk [tilespmem:v4+s3+$0x0], $0xffff;
	[tilespmem:s4+$0xFFFFFFF0] =	vst v1  }
0x3a9: {  	v1 =	vld [tilespmem:s5+$0x0]  }
0x3aa: {  	v0 =	vld.idx.msk [tilespmem:v0+s3+$0x0], $0xffff  }
0x3ab: {  	v5 =	vld.idx.msk [tilespmem:v5+s3+$0x0], $0xffff  }
0x3ac: {  	v6 =	vld.idx.msk [tilespmem:v6+s3+$0x0], $0xffff;
	[tilespmem:s2+$0xFFFFFFD0] =	vst v2  }
0x3ad: {  	[tilespmem:s2+$0xFFFFFF50] =	vst v3;
	v2 =	vld [tilespmem:s7+$0xFFFFFFE0]  }
0x3ae: {  	v3 =	vld.idx.msk [tilespmem:v7+s3+$0x0], $0xffff  }
0x3af: {  	[tilespmem:s6+$0xFFFFFFB0] =	vst v4;
	v4 =	vld [tilespmem:s7+$0xFFFFFF60]  }
0x3b0: {  	v7 =	vld [tilespmem:s25+$0xFFFFFFC0];
	[tilespmem:s4+$0xFFFFFF70] =	vst v0  }
0x3b1: {  	s6 =	sadd.s32 $0x100, s6;
	[tilespmem:s1+$0xFFFFFF30] =	vst v5;
	v0 =	vld.idx.msk [tilespmem:v1+s3+$0x0], $0xffff  }
0x3b2: {  	[tilespmem:s6+$0xFFFFFF90] =	vst v6;
	v1 =	vld [tilespmem:s25+$0xFFFFFF40]  }
0x3b3: {  	v5 =	vld [tilespmem:s8+$0xFFFFFFA0]  }
0x3b4: {  	[tilespmem:s6+$0xFFFFFF10] =	vst v3;
	v3 =	vld [tilespmem:s5+$0xFFFFFF80];
	s5 =	smov.u32 s7;
	s7 =	smov.u32 s25;
	s25 =	smov.u32 s8  }
0x3b5: {  	v2 =	vld.idx.msk [tilespmem:v2+s3+$0x0], $0xffff  }
0x3b6: {  	v6 =	vld [tilespmem:s8+$0xFFFFFF20]  }
0x3b7: {  	v4 =	vld.idx.msk [tilespmem:v4+s3+$0x0], $0xffff;
	[tilespmem:s4+$0x0] =	vst v0;
	_ =	sdelay $0x1  }
0x3b8: {  	v0 =	vld.idx.msk [tilespmem:v7+s3+$0x0], $0xffff  }
0x3b9: {  	v1 =	vld.idx.msk [tilespmem:v1+s3+$0x0], $0xffff  }
0x3ba: {  	v5 =	vld.idx.msk [tilespmem:v5+s3+$0x0], $0xffff;
	[tilespmem:s2+$0xFFFFFFE0] =	vst v2  }
0x3bb: {  	v7 =	vld [tilespmem:s5+$0xFFFFFFF0]  }
0x3bc: {  	[tilespmem:s2+$0xFFFFFF60] =	vst v4;
	v8 =	vld.idx.msk [tilespmem:v3+s3+$0x0], $0xffff  }
0x3bd: {  	v6 =	vld.idx.msk [tilespmem:v6+s3+$0x0], $0xffff  }
0x3be: {  	[tilespmem:s1+$0xFFFFFFC0] =	vst v0;
	v0 =	vld [tilespmem:s5+$0xFFFFFF70]  }
0x3bf: {  	[tilespmem:s1+$0xFFFFFF40] =	vst v1;
	v2 =	vld [tilespmem:s7+$0xFFFFFFD0]  }
.Ltmp10:
0x3c0: {  	[tilespmem:s6+$0xFFFFFFA0] =	vst v5;
	v3 =	vld [tilespmem:s7+$0xFFFFFF50];
	(pc) =	sbr.rel @p0 .LBB2_24-.Ltmp10, $4  }
0x3c1: {  	v4 =	vld [tilespmem:s8+$0xFFFFFFB0]  }
0x3c2: {  	[tilespmem:s4+$0xFFFFFF80] =	vst v8;
	s4 =	smov.u32 s2;
	s2 =	smov.u32 s1;
	s1 =	smov.u32 s6  }
0x3c3: {  	[tilespmem:s6+$0xFFFFFF20] =	vst v6;
	v1 =	vld.idx.msk [tilespmem:v7+s3+$0x0], $0xffff  }
0x3c4: {  	s8 =	sadd.s32 $0x100, s8;
	v5 =	vld [tilespmem:s25+$0xFFFFFF30]  }
0x3c5: {  	_ =	sdelay $0x6  }
0x3c6: {  	v4 =	vld.idx.msk [tilespmem:v4+s3+$0x0], $0xffff  }
0x3c7: {  	v5 =	vld.idx.msk [tilespmem:v5+s3+$0x0], $0xffff;
	_ =	sdelay $0x3  }
0x3c8: {  	[tilespmem:s6+$0xFFFFFFB0] =	vst v4  }
0x3c9: {  	v4 =	vld [tilespmem:s25+$0xFFFFFFC0];
	[tilespmem:s1+$0xFFFFFF30] =	vst v5  }
0x3ca: {  	v5 =	vld [tilespmem:s25+$0xFFFFFF40];
	_ =	sdelay $0x6  }
0x3cb: {  	v4 =	vld.idx.msk [tilespmem:v4+s3+$0x0], $0xffff  }
0x3cc: {  	v5 =	vld.idx.msk [tilespmem:v5+s3+$0x0], $0xffff;
	_ =	sdelay $0x3  }
0x3cd: {  	[tilespmem:s1+$0xFFFFFFC0] =	vst v4  }
0x3ce: {  	v4 =	vld [tilespmem:s25+$0xFFFFFFD0];
	[tilespmem:s1+$0xFFFFFF40] =	vst v5  }
0x3cf: {  	v5 =	vld [tilespmem:s25+$0xFFFFFF50];
	_ =	sdelay $0x3  }
0x3d0: {  	v2 =	vld.idx.msk [tilespmem:v2+s3+$0x0], $0xffff  }
0x3d1: {  	v3 =	vld.idx.msk [tilespmem:v3+s3+$0x0], $0xffff;
	_ =	sdelay $0x1  }
0x3d2: {  	v4 =	vld.idx.msk [tilespmem:v4+s3+$0x0], $0xffff  }
0x3d3: {  	v5 =	vld.idx.msk [tilespmem:v5+s3+$0x0], $0xffff  }
0x3d4: {  	[tilespmem:s2+$0xFFFFFFD0] =	vst v2  }
0x3d5: {  	[tilespmem:s2+$0xFFFFFF50] =	vst v3;
	v2 =	vld [tilespmem:s7+$0xFFFFFFE0]  }
0x3d6: {  	v3 =	vld [tilespmem:s7+$0xFFFFFF60]  }
0x3d7: {  	[tilespmem:s1+$0xFFFFFFD0] =	vst v4  }
0x3d8: {  	v4 =	vld [tilespmem:s25+$0xFFFFFFE0];
	[tilespmem:s1+$0xFFFFFF50] =	vst v5  }
0x3d9: {  	v5 =	vld [tilespmem:s25+$0xFFFFFF60];
	_ =	sdelay $0x3  }
0x3da: {  	v2 =	vld.idx.msk [tilespmem:v2+s3+$0x0], $0xffff  }
0x3db: {  	v3 =	vld.idx.msk [tilespmem:v3+s3+$0x0], $0xffff;
	_ =	sdelay $0x1  }
0x3dc: {  	v4 =	vld.idx.msk [tilespmem:v4+s3+$0x0], $0xffff  }
0x3dd: {  	v5 =	vld.idx.msk [tilespmem:v5+s3+$0x0], $0xffff  }
0x3de: {  	[tilespmem:s2+$0xFFFFFFE0] =	vst v2  }
0x3df: {  	[tilespmem:s2+$0xFFFFFF60] =	vst v3;
	v2 =	vld [tilespmem:s7+$0xFFFFFFF0]  }
0x3e0: {  	v3 =	vld [tilespmem:s7+$0xFFFFFF70]  }
0x3e1: {  	[tilespmem:s1+$0xFFFFFFE0] =	vst v4  }
0x3e2: {  	v4 =	vld [tilespmem:s25+$0xFFFFFFF0];
	[tilespmem:s1+$0xFFFFFF60] =	vst v5  }
0x3e3: {  	v5 =	vld [tilespmem:s25+$0xFFFFFF70];
	_ =	sdelay $0x2  }
0x3e4: {  	v0 =	vld.idx.msk [tilespmem:v0+s3+$0x0], $0xffff  }
0x3e5: {  	v2 =	vld.idx.msk [tilespmem:v2+s3+$0x0], $0xffff  }
0x3e6: {  	v3 =	vld.idx.msk [tilespmem:v3+s3+$0x0], $0xffff;
	_ =	sdelay $0x1  }
0x3e7: {  	v4 =	vld.idx.msk [tilespmem:v4+s3+$0x0], $0xffff  }
0x3e8: {  	[tilespmem:s4+$0xFFFFFF70] =	vst v0;
	v62 =	vld.idx.msk [tilespmem:v5+s3+$0x0], $0xffff  }
0x3e9: {  	v0 =	vld [tilespmem:s5+$0xFFFFFF80];
	[tilespmem:s2+$0xFFFFFFF0] =	vst v2  }
0x3ea: {  	[tilespmem:s2+$0xFFFFFF70] =	vst v3;
	v2 =	vld [tilespmem:s7+$0x0]  }
0x3eb: {  	[tilespmem:s4+$0xFFFFFFF0] =	vst v1;
	v3 =	vld [tilespmem:s7+$0xFFFFFF80]  }
0x3ec: {  	v63 =	vld [tilespmem:s5+$0x0];
	[tilespmem:s1+$0xFFFFFFF0] =	vst v4  }
0x3ed: {  	v4 =	vld [tilespmem:s25+$0x0];
	[tilespmem:s1+$0xFFFFFF70] =	vst v62  }
0x3ee: {  	v1 =	vld [tilespmem:s25+$0xFFFFFF80];
	_ =	sdelay $0x2  }
0x3ef: {  	v0 =	vld.idx.msk [tilespmem:v0+s3+$0x0], $0xffff  }
0x3f0: {  	v2 =	vld.idx.msk [tilespmem:v2+s3+$0x0], $0xffff  }
0x3f1: {  	v3 =	vld.idx.msk [tilespmem:v3+s3+$0x0], $0xffff  }
0x3f2: {  	v5 =	vld.idx.msk [tilespmem:v63+s3+$0x0], $0xffff  }
0x3f3: {  	s30 =	sadd.s32 $0x1, s30;
	v4 =	vld.idx.msk [tilespmem:v4+s3+$0x0], $0xffff  }
0x3f4: {  	p0 =	sne.s32 s30, $0x5;
	[tilespmem:s4+$0xFFFFFF80] =	vst v0;
	v1 =	vld.idx.msk [tilespmem:v1+s3+$0x0], $0xffff  }
.Ltmp11:
0x3f5: {  	[tilespmem:s2+$0x0] =	vst v2;
	(pc) =	sbr.rel @p0 .LBB2_23-.Ltmp11, $4  }
0x3f6: {  	[tilespmem:s2+$0xFFFFFF80] =	vst v3  }
0x3f7: {  	[tilespmem:s4+$0x0] =	vst v5  }
0x3f8: {  	[tilespmem:s1+$0x0] =	vst v4  }
0x3f9: {  	s31 =	sadd.s32 $0x400, s31;
	s0 =	sadd.s32 $0x400, s0;
	[tilespmem:s1+$0xFFFFFF80] =	vst v1  }
0x3fa: {  	s0 =	sadd.s32 $0x145000, s28  }
0x3fb: {  	[hbm4b:s0+s12] =	stream.strided.scatter [tilespmem:s19], [sflag:$0x3], $0x400, s13, s12, $0x38;
	[tilespmem:$0x1D6A0] =	vst v63  }
0x3fc: {  	s0 =	sadd.s32 $0xD000, s0  }
0x3fd: {  	[hbm4b:s0+s12] =	stream.strided.scatter [tilespmem:s20], [sflag:$0x3], $0x400, s13, s12, $0x38;
	[tilespmem:$0x1D6A0] =	vst v63  }
0x3fe: {  	s7 =	sadd.s32 $0x15F000, s28  }
0x3ff: {  	[hbm4b:s7+s12] =	stream.strided.scatter [tilespmem:s21], [sflag:$0x3], $0x400, s13, s12, $0x38;
	[tilespmem:$0x1D6A0] =	vst v63  }
0x400: {  	s8 =	sadd.s32 $0x16C000, s28  }
0x401: {  	[hbm4b:s8+s12] =	stream.strided.scatter [tilespmem:s22], [sflag:$0x3], $0x400, s13, s12, $0x38;
	[tilespmem:$0x1D6A0] =	vst v63  }
0x402: {  	s10 =	sadd.s32 $0x179000, s28  }
0x403: {  	[hbm4b:s10+s12] =	stream.strided.scatter [tilespmem:s23], [sflag:$0x3], $0x400, s13, s12, $0x38;
	[tilespmem:$0x1D6A0] =	vst v63  }
0x404: {  	s25 =	sadd.s32 $0x1180, s29;
	s30 =	simm.s32 $0x0  }
0x405: {  	[tilespmem:s9], [sflag:$0x2] =	stream.linear.gather [hbm4b:s25+s30], $0x1400, $0x38;
	[tilespmem:$0x1D6A0] =	vst v63  }
0x406: {  	_ =	swait.ge [sflag:s11], $0x1400  }
0x407: {  	[sflag:s11] =	ssyncset.done $0x0  }
0x408: {  	[sflag:s11] =	ssyncadd.s32 $0xFFFFEC00  }
0x409: {  	_ =	swait.ge [sflag:s24], $0x1400  }
0x40a: {  	[sflag:s24] =	ssyncset.done $0x0  }
0x40b: {  	s31 =	simm.s32 $0x18720;
	s0 =	simm.s32 $0x1AF20;
	[sflag:s24] =	ssyncadd.s32 $0xFFFFEC00  }
.LBB2_27:
0x40c: {  	v0 =	vld [tilespmem:s31+$0x0];
	_ =	sdelay $0x1  }
0x40d: {  	v1 =	vld [tilespmem:s31+$0xFFFFFF80];
	_ =	sdelay $0x5  }
0x40e: {  	v0 =	vld.idx.msk [tilespmem:v0+s3+$0x0], $0xffff;
	_ =	sdelay $0x1  }
0x40f: {  	v1 =	vld.idx.msk [tilespmem:v1+s3+$0x0], $0xffff;
	_ =	sdelay $0x2  }
0x410: {  	[tilespmem:s0+$0x0] =	vst v0  }
0x411: {  	v0 =	vld [tilespmem:s31+$0x10]  }
0x412: {  	[tilespmem:s0+$0xFFFFFF80] =	vst v1  }
0x413: {  	v1 =	vld [tilespmem:s31+$0xFFFFFF90];
	_ =	sdelay $0x5  }
0x414: {  	v0 =	vld.idx.msk [tilespmem:v0+s3+$0x0], $0xffff;
	_ =	sdelay $0x1  }
0x415: {  	v1 =	vld.idx.msk [tilespmem:v1+s3+$0x0], $0xffff;
	_ =	sdelay $0x2  }
0x416: {  	[tilespmem:s0+$0x10] =	vst v0  }
0x417: {  	s7 =	sadd.s32 $0x100, s31;
	v0 =	vld [tilespmem:s31+$0x20]  }
0x418: {  	v3 =	vld [tilespmem:s7+$0xFFFFFF80];
	[tilespmem:s0+$0xFFFFFF90] =	vst v1  }
0x419: {  	v1 =	vld [tilespmem:s31+$0xFFFFFFA0]  }
0x41a: {  	v2 =	vld [tilespmem:s7+$0x0];
	_ =	sdelay $0x4  }
0x41b: {  	v0 =	vld.idx.msk [tilespmem:v0+s3+$0x0], $0xffff  }
0x41c: {  	v3 =	vld.idx.msk [tilespmem:v3+s3+$0x0], $0xffff  }
0x41d: {  	v1 =	vld.idx.msk [tilespmem:v1+s3+$0x0], $0xffff  }
0x41e: {  	v2 =	vld.idx.msk [tilespmem:v2+s3+$0x0], $0xffff;
	_ =	sdelay $0x1  }
0x41f: {  	s2 =	sadd.s32 $0x100, s0;
	[tilespmem:s0+$0x20] =	vst v0  }
0x420: {  	[tilespmem:s2+$0xFFFFFF80] =	vst v3;
	v0 =	vld [tilespmem:s31+$0x30]  }
0x421: {  	v3 =	vld [tilespmem:s7+$0xFFFFFF90];
	[tilespmem:s0+$0xFFFFFFA0] =	vst v1  }
0x422: {  	[tilespmem:s2+$0x0] =	vst v2;
	v1 =	vld [tilespmem:s31+$0xFFFFFFB0]  }
0x423: {  	v2 =	vld [tilespmem:s7+$0x10];
	_ =	sdelay $0x4  }
0x424: {  	v0 =	vld.idx.msk [tilespmem:v0+s3+$0x0], $0xffff  }
0x425: {  	v3 =	vld.idx.msk [tilespmem:v3+s3+$0x0], $0xffff  }
0x426: {  	v1 =	vld.idx.msk [tilespmem:v1+s3+$0x0], $0xffff  }
0x427: {  	v2 =	vld.idx.msk [tilespmem:v2+s3+$0x0], $0xffff;
	_ =	sdelay $0x1  }
0x428: {  	[tilespmem:s0+$0x30] =	vst v0  }
0x429: {  	[tilespmem:s2+$0xFFFFFF90] =	vst v3;
	v0 =	vld [tilespmem:s31+$0x40]  }
0x42a: {  	v3 =	vld [tilespmem:s7+$0xFFFFFFA0];
	[tilespmem:s0+$0xFFFFFFB0] =	vst v1  }
0x42b: {  	[tilespmem:s2+$0x10] =	vst v2;
	v1 =	vld [tilespmem:s31+$0xFFFFFFC0]  }
0x42c: {  	v2 =	vld [tilespmem:s7+$0x20]  }
0x42d: {  	s25 =	sadd.s32 $0x100, s7  }
0x42e: {  	v4 =	vld [tilespmem:s25+$0x0];
	_ =	sdelay $0x1  }
0x42f: {  	v5 =	vld [tilespmem:s25+$0xFFFFFF80]  }
0x430: {  	v0 =	vld.idx.msk [tilespmem:v0+s3+$0x0], $0xffff  }
0x431: {  	v3 =	vld.idx.msk [tilespmem:v3+s3+$0x0], $0xffff  }
0x432: {  	v1 =	vld.idx.msk [tilespmem:v1+s3+$0x0], $0xffff  }
0x433: {  	v2 =	vld.idx.msk [tilespmem:v2+s3+$0x0], $0xffff;
	_ =	sdelay $0x1  }
0x434: {  	v4 =	vld.idx.msk [tilespmem:v4+s3+$0x0], $0xffff;
	[tilespmem:s0+$0x40] =	vst v0  }
0x435: {  	[tilespmem:s2+$0xFFFFFFA0] =	vst v3;
	v0 =	vld [tilespmem:s31+$0x50]  }
0x436: {  	[tilespmem:s0+$0xFFFFFFC0] =	vst v1;
	v1 =	vld.idx.msk [tilespmem:v5+s3+$0x0], $0xffff  }
0x437: {  	[tilespmem:s2+$0x20] =	vst v2;
	v3 =	vld [tilespmem:s7+$0xFFFFFFB0]  }
0x438: {  	s6 =	sadd.s32 $0x100, s2;
	v5 =	vld [tilespmem:s7+$0x30]  }
0x439: {  	[tilespmem:s6+$0x0] =	vst v4;
	v2 =	vld [tilespmem:s31+$0xFFFFFFD0]  }
0x43a: {  	v4 =	vld [tilespmem:s25+$0x10]  }
0x43b: {  	[tilespmem:s6+$0xFFFFFF80] =	vst v1  }
0x43c: {  	v1 =	vld [tilespmem:s25+$0xFFFFFF90]  }
0x43d: {  	v0 =	vld.idx.msk [tilespmem:v0+s3+$0x0], $0xffff;
	_ =	sdelay $0x1  }
0x43e: {  	v3 =	vld.idx.msk [tilespmem:v3+s3+$0x0], $0xffff  }
0x43f: {  	v5 =	vld.idx.msk [tilespmem:v5+s3+$0x0], $0xffff  }
0x440: {  	v2 =	vld.idx.msk [tilespmem:v2+s3+$0x0], $0xffff  }
0x441: {  	v4 =	vld.idx.msk [tilespmem:v4+s3+$0x0], $0xffff;
	[tilespmem:s0+$0x50] =	vst v0  }
0x442: {  	v6 =	vld [tilespmem:s31+$0x60]  }
0x443: {  	[tilespmem:s2+$0xFFFFFFB0] =	vst v3;
	v1 =	vld.idx.msk [tilespmem:v1+s3+$0x0], $0xffff  }
0x444: {  	[tilespmem:s2+$0x30] =	vst v5  }
0x445: {  	[tilespmem:s0+$0xFFFFFFD0] =	vst v2;
	v2 =	vld [tilespmem:s7+$0x40]  }
0x446: {  	[tilespmem:s6+$0x10] =	vst v4;
	v3 =	vld [tilespmem:s7+$0xFFFFFFC0]  }
0x447: {  	v4 =	vld [tilespmem:s25+$0x20]  }
0x448: {  	v0 =	vld [tilespmem:s31+$0xFFFFFFE0];
	[tilespmem:s6+$0xFFFFFF90] =	vst v1  }
0x449: {  	s10 =	simm.s32 $0x4;
	s4 =	smov.u32 s0;
	v5 =	vld [tilespmem:s25+$0xFFFFFFA0]  }
0x44a: {  	s5 =	smov.u32 s31;
	s8 =	sadd.s32 $0x100, s25;
	s1 =	smov.u32 s6;
	v1 =	vld.idx.msk [tilespmem:v6+s3+$0x0], $0xffff  }
.LBB2_28:
0x44b: {  	v6 =	vld [tilespmem:s8+$0x0]  }
0x44c: {  	v7 =	vld [tilespmem:s8+$0xFFFFFF80]  }
0x44d: {  	s10 =	sadd.s32 $0x2, s10;
	v2 =	vld.idx.msk [tilespmem:v2+s3+$0x0], $0xffff  }
0x44e: {  	p0 =	slt.u32 s10, $0x6;
	v3 =	vld.idx.msk [tilespmem:v3+s3+$0x0], $0xffff  }
0x44f: {  	v4 =	vld.idx.msk [tilespmem:v4+s3+$0x0], $0xffff;
	[tilespmem:s4+$0x60] =	vst v1  }
0x450: {  	v1 =	vld [tilespmem:s5+$0x70]  }
0x451: {  	v0 =	vld.idx.msk [tilespmem:v0+s3+$0x0], $0xffff  }
0x452: {  	v5 =	vld.idx.msk [tilespmem:v5+s3+$0x0], $0xffff  }
0x453: {  	v6 =	vld.idx.msk [tilespmem:v6+s3+$0x0], $0xffff;
	[tilespmem:s2+$0x40] =	vst v2  }
0x454: {  	[tilespmem:s2+$0xFFFFFFC0] =	vst v3;
	v2 =	vld [tilespmem:s7+$0x50]  }
0x455: {  	v3 =	vld.idx.msk [tilespmem:v7+s3+$0x0], $0xffff  }
0x456: {  	[tilespmem:s6+$0x20] =	vst v4;
	v4 =	vld [tilespmem:s7+$0xFFFFFFD0]  }
0x457: {  	v7 =	vld [tilespmem:s25+$0x30];
	[tilespmem:s4+$0xFFFFFFE0] =	vst v0  }
0x458: {  	s6 =	sadd.s32 $0x100, s6;
	[tilespmem:s1+$0xFFFFFFA0] =	vst v5;
	v0 =	vld.idx.msk [tilespmem:v1+s3+$0x0], $0xffff  }
0x459: {  	[tilespmem:s6+$0x0] =	vst v6;
	v1 =	vld [tilespmem:s25+$0xFFFFFFB0]  }
0x45a: {  	v5 =	vld [tilespmem:s8+$0x10]  }
0x45b: {  	[tilespmem:s6+$0xFFFFFF80] =	vst v3;
	v3 =	vld [tilespmem:s5+$0xFFFFFFF0];
	s5 =	smov.u32 s7;
	s7 =	smov.u32 s25;
	s25 =	smov.u32 s8  }
0x45c: {  	v2 =	vld.idx.msk [tilespmem:v2+s3+$0x0], $0xffff  }
0x45d: {  	v6 =	vld [tilespmem:s8+$0xFFFFFF90]  }
0x45e: {  	v4 =	vld.idx.msk [tilespmem:v4+s3+$0x0], $0xffff;
	[tilespmem:s4+$0x70] =	vst v0;
	_ =	sdelay $0x1  }
0x45f: {  	v0 =	vld.idx.msk [tilespmem:v7+s3+$0x0], $0xffff  }
0x460: {  	v1 =	vld.idx.msk [tilespmem:v1+s3+$0x0], $0xffff  }
0x461: {  	v5 =	vld.idx.msk [tilespmem:v5+s3+$0x0], $0xffff;
	[tilespmem:s2+$0x50] =	vst v2  }
0x462: {  	v7 =	vld [tilespmem:s5+$0x60]  }
0x463: {  	[tilespmem:s2+$0xFFFFFFD0] =	vst v4;
	v8 =	vld.idx.msk [tilespmem:v3+s3+$0x0], $0xffff  }
0x464: {  	v6 =	vld.idx.msk [tilespmem:v6+s3+$0x0], $0xffff  }
0x465: {  	[tilespmem:s1+$0x30] =	vst v0;
	v0 =	vld [tilespmem:s5+$0xFFFFFFE0]  }
0x466: {  	[tilespmem:s1+$0xFFFFFFB0] =	vst v1;
	v2 =	vld [tilespmem:s7+$0x40]  }
.Ltmp12:
0x467: {  	[tilespmem:s6+$0x10] =	vst v5;
	v3 =	vld [tilespmem:s7+$0xFFFFFFC0];
	(pc) =	sbr.rel @p0 .LBB2_28-.Ltmp12, $4  }
0x468: {  	v4 =	vld [tilespmem:s8+$0x20]  }
0x469: {  	[tilespmem:s4+$0xFFFFFFF0] =	vst v8;
	s4 =	smov.u32 s2;
	s2 =	smov.u32 s1;
	s1 =	smov.u32 s6  }
0x46a: {  	[tilespmem:s6+$0xFFFFFF90] =	vst v6;
	v1 =	vld.idx.msk [tilespmem:v7+s3+$0x0], $0xffff  }
0x46b: {  	s8 =	sadd.s32 $0x100, s8;
	v5 =	vld [tilespmem:s25+$0xFFFFFFA0]  }
0x46c: {  	_ =	sdelay $0x6  }
0x46d: {  	v4 =	vld.idx.msk [tilespmem:v4+s3+$0x0], $0xffff  }
0x46e: {  	v5 =	vld.idx.msk [tilespmem:v5+s3+$0x0], $0xffff;
	_ =	sdelay $0x3  }
0x46f: {  	[tilespmem:s6+$0x20] =	vst v4  }
0x470: {  	v4 =	vld [tilespmem:s25+$0x30];
	[tilespmem:s1+$0xFFFFFFA0] =	vst v5  }
0x471: {  	v5 =	vld [tilespmem:s25+$0xFFFFFFB0];
	_ =	sdelay $0x6  }
0x472: {  	v4 =	vld.idx.msk [tilespmem:v4+s3+$0x0], $0xffff  }
0x473: {  	v5 =	vld.idx.msk [tilespmem:v5+s3+$0x0], $0xffff;
	_ =	sdelay $0x3  }
0x474: {  	[tilespmem:s1+$0x30] =	vst v4  }
0x475: {  	v4 =	vld [tilespmem:s25+$0x40];
	[tilespmem:s1+$0xFFFFFFB0] =	vst v5  }
0x476: {  	v5 =	vld [tilespmem:s25+$0xFFFFFFC0];
	_ =	sdelay $0x3  }
0x477: {  	v2 =	vld.idx.msk [tilespmem:v2+s3+$0x0], $0xffff  }
0x478: {  	v3 =	vld.idx.msk [tilespmem:v3+s3+$0x0], $0xffff;
	_ =	sdelay $0x1  }
0x479: {  	v4 =	vld.idx.msk [tilespmem:v4+s3+$0x0], $0xffff  }
0x47a: {  	v5 =	vld.idx.msk [tilespmem:v5+s3+$0x0], $0xffff  }
0x47b: {  	[tilespmem:s2+$0x40] =	vst v2  }
0x47c: {  	[tilespmem:s2+$0xFFFFFFC0] =	vst v3;
	v2 =	vld [tilespmem:s7+$0x50]  }
0x47d: {  	v3 =	vld [tilespmem:s7+$0xFFFFFFD0]  }
0x47e: {  	[tilespmem:s1+$0x40] =	vst v4  }
0x47f: {  	v4 =	vld [tilespmem:s25+$0x50];
	[tilespmem:s1+$0xFFFFFFC0] =	vst v5  }
0x480: {  	v5 =	vld [tilespmem:s25+$0xFFFFFFD0];
	_ =	sdelay $0x3  }
0x481: {  	v2 =	vld.idx.msk [tilespmem:v2+s3+$0x0], $0xffff  }
0x482: {  	v3 =	vld.idx.msk [tilespmem:v3+s3+$0x0], $0xffff;
	_ =	sdelay $0x1  }
0x483: {  	v4 =	vld.idx.msk [tilespmem:v4+s3+$0x0], $0xffff  }
0x484: {  	v5 =	vld.idx.msk [tilespmem:v5+s3+$0x0], $0xffff  }
0x485: {  	[tilespmem:s2+$0x50] =	vst v2  }
0x486: {  	[tilespmem:s2+$0xFFFFFFD0] =	vst v3;
	v2 =	vld [tilespmem:s7+$0x60]  }
0x487: {  	v3 =	vld [tilespmem:s7+$0xFFFFFFE0]  }
0x488: {  	[tilespmem:s1+$0x50] =	vst v4  }
0x489: {  	v4 =	vld [tilespmem:s25+$0x60];
	[tilespmem:s1+$0xFFFFFFD0] =	vst v5  }
0x48a: {  	v5 =	vld [tilespmem:s25+$0xFFFFFFE0];
	_ =	sdelay $0x2  }
0x48b: {  	v0 =	vld.idx.msk [tilespmem:v0+s3+$0x0], $0xffff  }
0x48c: {  	v2 =	vld.idx.msk [tilespmem:v2+s3+$0x0], $0xffff  }
0x48d: {  	v3 =	vld.idx.msk [tilespmem:v3+s3+$0x0], $0xffff;
	_ =	sdelay $0x1  }
0x48e: {  	v4 =	vld.idx.msk [tilespmem:v4+s3+$0x0], $0xffff  }
0x48f: {  	[tilespmem:s4+$0xFFFFFFE0] =	vst v0;
	v62 =	vld.idx.msk [tilespmem:v5+s3+$0x0], $0xffff  }
0x490: {  	v0 =	vld [tilespmem:s5+$0xFFFFFFF0];
	[tilespmem:s2+$0x60] =	vst v2  }
0x491: {  	[tilespmem:s2+$0xFFFFFFE0] =	vst v3;
	v2 =	vld [tilespmem:s7+$0x70]  }
0x492: {  	[tilespmem:s4+$0x60] =	vst v1;
	v3 =	vld [tilespmem:s7+$0xFFFFFFF0]  }
0x493: {  	v63 =	vld [tilespmem:s5+$0x70];
	[tilespmem:s1+$0x60] =	vst v4  }
0x494: {  	v4 =	vld [tilespmem:s25+$0x70];
	[tilespmem:s1+$0xFFFFFFE0] =	vst v62  }
0x495: {  	v1 =	vld [tilespmem:s25+$0xFFFFFFF0];
	_ =	sdelay $0x2  }
0x496: {  	v0 =	vld.idx.msk [tilespmem:v0+s3+$0x0], $0xffff  }
0x497: {  	v2 =	vld.idx.msk [tilespmem:v2+s3+$0x0], $0xffff  }
0x498: {  	v3 =	vld.idx.msk [tilespmem:v3+s3+$0x0], $0xffff  }
0x499: {  	v5 =	vld.idx.msk [tilespmem:v63+s3+$0x0], $0xffff  }
0x49a: {  	s30 =	sadd.s32 $0x1, s30;
	v4 =	vld.idx.msk [tilespmem:v4+s3+$0x0], $0xffff  }
0x49b: {  	p0 =	sne.s32 s30, $0x5;
	[tilespmem:s4+$0xFFFFFFF0] =	vst v0;
	v1 =	vld.idx.msk [tilespmem:v1+s3+$0x0], $0xffff  }
.Ltmp13:
0x49c: {  	[tilespmem:s2+$0x70] =	vst v2;
	(pc) =	sbr.rel @p0 .LBB2_27-.Ltmp13, $4  }
0x49d: {  	[tilespmem:s2+$0xFFFFFFF0] =	vst v3  }
0x49e: {  	[tilespmem:s4+$0x70] =	vst v5  }
0x49f: {  	[tilespmem:s1+$0x70] =	vst v4  }
0x4a0: {  	s31 =	sadd.s32 $0x400, s31;
	s0 =	sadd.s32 $0x400, s0;
	[tilespmem:s1+$0xFFFFFFF0] =	vst v1  }
0x4a1: {  	s0 =	sadd.s32 $0x186000, s28  }
0x4a2: {  	[hbm4b:s0+s12] =	stream.strided.scatter [tilespmem:s14], [sflag:$0x3], $0x400, s13, s12, $0x38;
	[tilespmem:$0x1D6A0] =	vst v63  }
0x4a3: {  	s0 =	sadd.s32 $0xD000, s0  }
0x4a4: {  	[hbm4b:s0+s12] =	stream.strided.scatter [tilespmem:s15], [sflag:$0x3], $0x400, s13, s12, $0x38;
	[tilespmem:$0x1D6A0] =	vst v63  }
0x4a5: {  	s7 =	sadd.s32 $0x1A0000, s28  }
0x4a6: {  	[hbm4b:s7+s12] =	stream.strided.scatter [tilespmem:s16], [sflag:$0x3], $0x400, s13, s12, $0x38;
	[tilespmem:$0x1D6A0] =	vst v63  }
0x4a7: {  	s8 =	sadd.s32 $0x1AD000, s28  }
0x4a8: {  	[hbm4b:s8+s12] =	stream.strided.scatter [tilespmem:s17], [sflag:$0x3], $0x400, s13, s12, $0x38;
	[tilespmem:$0x1D6A0] =	vst v63  }
0x4a9: {  	s10 =	sadd.s32 $0x1BA000, s28  }
0x4aa: {  	[hbm4b:s10+s12] =	stream.strided.scatter [tilespmem:s18], [sflag:$0x3], $0x400, s13, s12, $0x38;
	[tilespmem:$0x1D6A0] =	vst v63  }
0x4ab: {  	s25 =	sadd.s32 $0x1400, s29;
	s30 =	simm.s32 $0x0;
	s1 =	simm.s32 $0x186A0  }
0x4ac: {  	[tilespmem:s1], [sflag:$0x2] =	stream.linear.gather [hbm4b:s25+s30], $0x1400, $0x38;
	[tilespmem:$0x1D6A0] =	vst v63  }
0x4ad: {  	_ =	swait.ge [sflag:s11], $0x1400  }
0x4ae: {  	[sflag:s11] =	ssyncset.done $0x0  }
0x4af: {  	[sflag:s11] =	ssyncadd.s32 $0xFFFFEC00  }
0x4b0: {  	_ =	swait.ge [sflag:s24], $0x1400  }
0x4b1: {  	[sflag:s24] =	ssyncset.done $0x0  }
0x4b2: {  	s31 =	simm.s32 $0x19B90;
	s0 =	simm.s32 $0x1C390;
	[sflag:s24] =	ssyncadd.s32 $0xFFFFEC00  }
.LBB2_31:
0x4b3: {  	v0 =	vld [tilespmem:s31+$0xFFFFFF90];
	_ =	sdelay $0x1  }
0x4b4: {  	v1 =	vld [tilespmem:s31+$0xFFFFFF10];
	_ =	sdelay $0x5  }
0x4b5: {  	v0 =	vld.idx.msk [tilespmem:v0+s3+$0x0], $0xffff;
	_ =	sdelay $0x1  }
0x4b6: {  	v1 =	vld.idx.msk [tilespmem:v1+s3+$0x0], $0xffff;
	_ =	sdelay $0x2  }
0x4b7: {  	[tilespmem:s0+$0xFFFFFF90] =	vst v0  }
0x4b8: {  	v0 =	vld [tilespmem:s31+$0xFFFFFFA0]  }
0x4b9: {  	[tilespmem:s0+$0xFFFFFF10] =	vst v1  }
0x4ba: {  	v1 =	vld [tilespmem:s31+$0xFFFFFF20];
	_ =	sdelay $0x5  }
0x4bb: {  	v0 =	vld.idx.msk [tilespmem:v0+s3+$0x0], $0xffff;
	_ =	sdelay $0x1  }
0x4bc: {  	v1 =	vld.idx.msk [tilespmem:v1+s3+$0x0], $0xffff;
	_ =	sdelay $0x2  }
0x4bd: {  	[tilespmem:s0+$0xFFFFFFA0] =	vst v0  }
0x4be: {  	s7 =	sadd.s32 $0x100, s31;
	v0 =	vld [tilespmem:s31+$0xFFFFFFB0]  }
0x4bf: {  	v3 =	vld [tilespmem:s7+$0xFFFFFF10];
	[tilespmem:s0+$0xFFFFFF20] =	vst v1  }
0x4c0: {  	v1 =	vld [tilespmem:s31+$0xFFFFFF30]  }
0x4c1: {  	v2 =	vld [tilespmem:s7+$0xFFFFFF90];
	_ =	sdelay $0x4  }
0x4c2: {  	v0 =	vld.idx.msk [tilespmem:v0+s3+$0x0], $0xffff  }
0x4c3: {  	v3 =	vld.idx.msk [tilespmem:v3+s3+$0x0], $0xffff  }
0x4c4: {  	v1 =	vld.idx.msk [tilespmem:v1+s3+$0x0], $0xffff  }
0x4c5: {  	v2 =	vld.idx.msk [tilespmem:v2+s3+$0x0], $0xffff;
	_ =	sdelay $0x1  }
0x4c6: {  	s2 =	sadd.s32 $0x100, s0;
	[tilespmem:s0+$0xFFFFFFB0] =	vst v0  }
0x4c7: {  	[tilespmem:s2+$0xFFFFFF10] =	vst v3;
	v0 =	vld [tilespmem:s31+$0xFFFFFFC0]  }
0x4c8: {  	v3 =	vld [tilespmem:s7+$0xFFFFFF20];
	[tilespmem:s0+$0xFFFFFF30] =	vst v1  }
0x4c9: {  	[tilespmem:s2+$0xFFFFFF90] =	vst v2;
	v1 =	vld [tilespmem:s31+$0xFFFFFF40]  }
0x4ca: {  	v2 =	vld [tilespmem:s7+$0xFFFFFFA0];
	_ =	sdelay $0x4  }
0x4cb: {  	v0 =	vld.idx.msk [tilespmem:v0+s3+$0x0], $0xffff  }
0x4cc: {  	v3 =	vld.idx.msk [tilespmem:v3+s3+$0x0], $0xffff  }
0x4cd: {  	v1 =	vld.idx.msk [tilespmem:v1+s3+$0x0], $0xffff  }
0x4ce: {  	v2 =	vld.idx.msk [tilespmem:v2+s3+$0x0], $0xffff;
	_ =	sdelay $0x1  }
0x4cf: {  	[tilespmem:s0+$0xFFFFFFC0] =	vst v0  }
0x4d0: {  	[tilespmem:s2+$0xFFFFFF20] =	vst v3;
	v0 =	vld [tilespmem:s31+$0xFFFFFFD0]  }
0x4d1: {  	v3 =	vld [tilespmem:s7+$0xFFFFFF30];
	[tilespmem:s0+$0xFFFFFF40] =	vst v1  }
0x4d2: {  	[tilespmem:s2+$0xFFFFFFA0] =	vst v2;
	v1 =	vld [tilespmem:s31+$0xFFFFFF50]  }
0x4d3: {  	v2 =	vld [tilespmem:s7+$0xFFFFFFB0]  }
0x4d4: {  	s25 =	sadd.s32 $0x100, s7  }
0x4d5: {  	v4 =	vld [tilespmem:s25+$0xFFFFFF90];
	_ =	sdelay $0x1  }
0x4d6: {  	v5 =	vld [tilespmem:s25+$0xFFFFFF10]  }
0x4d7: {  	v0 =	vld.idx.msk [tilespmem:v0+s3+$0x0], $0xffff  }
0x4d8: {  	v3 =	vld.idx.msk [tilespmem:v3+s3+$0x0], $0xffff  }
0x4d9: {  	v1 =	vld.idx.msk [tilespmem:v1+s3+$0x0], $0xffff  }
0x4da: {  	v2 =	vld.idx.msk [tilespmem:v2+s3+$0x0], $0xffff;
	_ =	sdelay $0x1  }
0x4db: {  	v4 =	vld.idx.msk [tilespmem:v4+s3+$0x0], $0xffff;
	[tilespmem:s0+$0xFFFFFFD0] =	vst v0  }
0x4dc: {  	[tilespmem:s2+$0xFFFFFF30] =	vst v3;
	v0 =	vld [tilespmem:s31+$0xFFFFFFE0]  }
0x4dd: {  	[tilespmem:s0+$0xFFFFFF50] =	vst v1;
	v1 =	vld.idx.msk [tilespmem:v5+s3+$0x0], $0xffff  }
0x4de: {  	[tilespmem:s2+$0xFFFFFFB0] =	vst v2;
	v3 =	vld [tilespmem:s7+$0xFFFFFF40]  }
0x4df: {  	s6 =	sadd.s32 $0x100, s2;
	v5 =	vld [tilespmem:s7+$0xFFFFFFC0]  }
0x4e0: {  	[tilespmem:s6+$0xFFFFFF90] =	vst v4;
	v2 =	vld [tilespmem:s31+$0xFFFFFF60]  }
0x4e1: {  	v4 =	vld [tilespmem:s25+$0xFFFFFFA0]  }
0x4e2: {  	[tilespmem:s6+$0xFFFFFF10] =	vst v1  }
0x4e3: {  	v1 =	vld [tilespmem:s25+$0xFFFFFF20]  }
0x4e4: {  	v0 =	vld.idx.msk [tilespmem:v0+s3+$0x0], $0xffff;
	_ =	sdelay $0x1  }
0x4e5: {  	v3 =	vld.idx.msk [tilespmem:v3+s3+$0x0], $0xffff  }
0x4e6: {  	v5 =	vld.idx.msk [tilespmem:v5+s3+$0x0], $0xffff  }
0x4e7: {  	v2 =	vld.idx.msk [tilespmem:v2+s3+$0x0], $0xffff  }
0x4e8: {  	v4 =	vld.idx.msk [tilespmem:v4+s3+$0x0], $0xffff;
	[tilespmem:s0+$0xFFFFFFE0] =	vst v0  }
0x4e9: {  	v6 =	vld [tilespmem:s31+$0xFFFFFFF0]  }
0x4ea: {  	[tilespmem:s2+$0xFFFFFF40] =	vst v3;
	v1 =	vld.idx.msk [tilespmem:v1+s3+$0x0], $0xffff  }
0x4eb: {  	[tilespmem:s2+$0xFFFFFFC0] =	vst v5  }
0x4ec: {  	[tilespmem:s0+$0xFFFFFF60] =	vst v2;
	v2 =	vld [tilespmem:s7+$0xFFFFFFD0]  }
0x4ed: {  	[tilespmem:s6+$0xFFFFFFA0] =	vst v4;
	v3 =	vld [tilespmem:s7+$0xFFFFFF50]  }
0x4ee: {  	v4 =	vld [tilespmem:s25+$0xFFFFFFB0]  }
0x4ef: {  	v0 =	vld [tilespmem:s31+$0xFFFFFF70];
	[tilespmem:s6+$0xFFFFFF20] =	vst v1  }
0x4f0: {  	s10 =	simm.s32 $0x4;
	s4 =	smov.u32 s0;
	v5 =	vld [tilespmem:s25+$0xFFFFFF30]  }
0x4f1: {  	s5 =	smov.u32 s31;
	s8 =	sadd.s32 $0x100, s25;
	s1 =	smov.u32 s6;
	v1 =	vld.idx.msk [tilespmem:v6+s3+$0x0], $0xffff  }
.LBB2_32:
0x4f2: {  	v6 =	vld [tilespmem:s8+$0xFFFFFF90]  }
0x4f3: {  	v7 =	vld [tilespmem:s8+$0xFFFFFF10]  }
0x4f4: {  	s10 =	sadd.s32 $0x2, s10;
	v2 =	vld.idx.msk [tilespmem:v2+s3+$0x0], $0xffff  }
0x4f5: {  	p0 =	slt.u32 s10, $0x6;
	v3 =	vld.idx.msk [tilespmem:v3+s3+$0x0], $0xffff  }
0x4f6: {  	v4 =	vld.idx.msk [tilespmem:v4+s3+$0x0], $0xffff;
	[tilespmem:s4+$0xFFFFFFF0] =	vst v1  }
0x4f7: {  	v1 =	vld [tilespmem:s5+$0x0]  }
0x4f8: {  	v0 =	vld.idx.msk [tilespmem:v0+s3+$0x0], $0xffff  }
0x4f9: {  	v5 =	vld.idx.msk [tilespmem:v5+s3+$0x0], $0xffff  }
0x4fa: {  	v6 =	vld.idx.msk [tilespmem:v6+s3+$0x0], $0xffff;
	[tilespmem:s2+$0xFFFFFFD0] =	vst v2  }
0x4fb: {  	[tilespmem:s2+$0xFFFFFF50] =	vst v3;
	v2 =	vld [tilespmem:s7+$0xFFFFFFE0]  }
0x4fc: {  	v3 =	vld.idx.msk [tilespmem:v7+s3+$0x0], $0xffff  }
0x4fd: {  	[tilespmem:s6+$0xFFFFFFB0] =	vst v4;
	v4 =	vld [tilespmem:s7+$0xFFFFFF60]  }
0x4fe: {  	v7 =	vld [tilespmem:s25+$0xFFFFFFC0];
	[tilespmem:s4+$0xFFFFFF70] =	vst v0  }
0x4ff: {  	s6 =	sadd.s32 $0x100, s6;
	[tilespmem:s1+$0xFFFFFF30] =	vst v5;
	v0 =	vld.idx.msk [tilespmem:v1+s3+$0x0], $0xffff  }
0x500: {  	[tilespmem:s6+$0xFFFFFF90] =	vst v6;
	v1 =	vld [tilespmem:s25+$0xFFFFFF40]  }
0x501: {  	v5 =	vld [tilespmem:s8+$0xFFFFFFA0]  }
0x502: {  	[tilespmem:s6+$0xFFFFFF10] =	vst v3;
	v3 =	vld [tilespmem:s5+$0xFFFFFF80];
	s5 =	smov.u32 s7;
	s7 =	smov.u32 s25;
	s25 =	smov.u32 s8  }
0x503: {  	v2 =	vld.idx.msk [tilespmem:v2+s3+$0x0], $0xffff  }
0x504: {  	v6 =	vld [tilespmem:s8+$0xFFFFFF20]  }
0x505: {  	v4 =	vld.idx.msk [tilespmem:v4+s3+$0x0], $0xffff;
	[tilespmem:s4+$0x0] =	vst v0;
	_ =	sdelay $0x1  }
0x506: {  	v0 =	vld.idx.msk [tilespmem:v7+s3+$0x0], $0xffff  }
0x507: {  	v1 =	vld.idx.msk [tilespmem:v1+s3+$0x0], $0xffff  }
0x508: {  	v5 =	vld.idx.msk [tilespmem:v5+s3+$0x0], $0xffff;
	[tilespmem:s2+$0xFFFFFFE0] =	vst v2  }
0x509: {  	v7 =	vld [tilespmem:s5+$0xFFFFFFF0]  }
0x50a: {  	[tilespmem:s2+$0xFFFFFF60] =	vst v4;
	v8 =	vld.idx.msk [tilespmem:v3+s3+$0x0], $0xffff  }
0x50b: {  	v6 =	vld.idx.msk [tilespmem:v6+s3+$0x0], $0xffff  }
0x50c: {  	[tilespmem:s1+$0xFFFFFFC0] =	vst v0;
	v0 =	vld [tilespmem:s5+$0xFFFFFF70]  }
0x50d: {  	[tilespmem:s1+$0xFFFFFF40] =	vst v1;
	v2 =	vld [tilespmem:s7+$0xFFFFFFD0]  }
.Ltmp14:
0x50e: {  	[tilespmem:s6+$0xFFFFFFA0] =	vst v5;
	v3 =	vld [tilespmem:s7+$0xFFFFFF50];
	(pc) =	sbr.rel @p0 .LBB2_32-.Ltmp14, $4  }
0x50f: {  	v4 =	vld [tilespmem:s8+$0xFFFFFFB0]  }
0x510: {  	[tilespmem:s4+$0xFFFFFF80] =	vst v8;
	s4 =	smov.u32 s2;
	s2 =	smov.u32 s1;
	s1 =	smov.u32 s6  }
0x511: {  	[tilespmem:s6+$0xFFFFFF20] =	vst v6;
	v1 =	vld.idx.msk [tilespmem:v7+s3+$0x0], $0xffff  }
0x512: {  	s8 =	sadd.s32 $0x100, s8;
	v5 =	vld [tilespmem:s25+$0xFFFFFF30]  }
0x513: {  	_ =	sdelay $0x6  }
0x514: {  	v4 =	vld.idx.msk [tilespmem:v4+s3+$0x0], $0xffff  }
0x515: {  	v5 =	vld.idx.msk [tilespmem:v5+s3+$0x0], $0xffff;
	_ =	sdelay $0x3  }
0x516: {  	[tilespmem:s6+$0xFFFFFFB0] =	vst v4  }
0x517: {  	v4 =	vld [tilespmem:s25+$0xFFFFFFC0];
	[tilespmem:s1+$0xFFFFFF30] =	vst v5  }
0x518: {  	v5 =	vld [tilespmem:s25+$0xFFFFFF40];
	_ =	sdelay $0x6  }
0x519: {  	v4 =	vld.idx.msk [tilespmem:v4+s3+$0x0], $0xffff  }
0x51a: {  	v5 =	vld.idx.msk [tilespmem:v5+s3+$0x0], $0xffff;
	_ =	sdelay $0x3  }
0x51b: {  	[tilespmem:s1+$0xFFFFFFC0] =	vst v4  }
0x51c: {  	v4 =	vld [tilespmem:s25+$0xFFFFFFD0];
	[tilespmem:s1+$0xFFFFFF40] =	vst v5  }
0x51d: {  	v5 =	vld [tilespmem:s25+$0xFFFFFF50];
	_ =	sdelay $0x3  }
0x51e: {  	v2 =	vld.idx.msk [tilespmem:v2+s3+$0x0], $0xffff  }
0x51f: {  	v3 =	vld.idx.msk [tilespmem:v3+s3+$0x0], $0xffff;
	_ =	sdelay $0x1  }
0x520: {  	v4 =	vld.idx.msk [tilespmem:v4+s3+$0x0], $0xffff  }
0x521: {  	v5 =	vld.idx.msk [tilespmem:v5+s3+$0x0], $0xffff  }
0x522: {  	[tilespmem:s2+$0xFFFFFFD0] =	vst v2  }
0x523: {  	[tilespmem:s2+$0xFFFFFF50] =	vst v3;
	v2 =	vld [tilespmem:s7+$0xFFFFFFE0]  }
0x524: {  	v3 =	vld [tilespmem:s7+$0xFFFFFF60]  }
0x525: {  	[tilespmem:s1+$0xFFFFFFD0] =	vst v4  }
0x526: {  	v4 =	vld [tilespmem:s25+$0xFFFFFFE0];
	[tilespmem:s1+$0xFFFFFF50] =	vst v5  }
0x527: {  	v5 =	vld [tilespmem:s25+$0xFFFFFF60];
	_ =	sdelay $0x3  }
0x528: {  	v2 =	vld.idx.msk [tilespmem:v2+s3+$0x0], $0xffff  }
0x529: {  	v3 =	vld.idx.msk [tilespmem:v3+s3+$0x0], $0xffff;
	_ =	sdelay $0x1  }
0x52a: {  	v4 =	vld.idx.msk [tilespmem:v4+s3+$0x0], $0xffff  }
0x52b: {  	v5 =	vld.idx.msk [tilespmem:v5+s3+$0x0], $0xffff  }
0x52c: {  	[tilespmem:s2+$0xFFFFFFE0] =	vst v2  }
0x52d: {  	[tilespmem:s2+$0xFFFFFF60] =	vst v3;
	v2 =	vld [tilespmem:s7+$0xFFFFFFF0]  }
0x52e: {  	v3 =	vld [tilespmem:s7+$0xFFFFFF70]  }
0x52f: {  	[tilespmem:s1+$0xFFFFFFE0] =	vst v4  }
0x530: {  	v4 =	vld [tilespmem:s25+$0xFFFFFFF0];
	[tilespmem:s1+$0xFFFFFF60] =	vst v5  }
0x531: {  	v5 =	vld [tilespmem:s25+$0xFFFFFF70];
	_ =	sdelay $0x2  }
0x532: {  	v0 =	vld.idx.msk [tilespmem:v0+s3+$0x0], $0xffff  }
0x533: {  	v2 =	vld.idx.msk [tilespmem:v2+s3+$0x0], $0xffff  }
0x534: {  	v3 =	vld.idx.msk [tilespmem:v3+s3+$0x0], $0xffff;
	_ =	sdelay $0x1  }
0x535: {  	v4 =	vld.idx.msk [tilespmem:v4+s3+$0x0], $0xffff  }
0x536: {  	[tilespmem:s4+$0xFFFFFF70] =	vst v0;
	v62 =	vld.idx.msk [tilespmem:v5+s3+$0x0], $0xffff  }
0x537: {  	v0 =	vld [tilespmem:s5+$0xFFFFFF80];
	[tilespmem:s2+$0xFFFFFFF0] =	vst v2  }
0x538: {  	[tilespmem:s2+$0xFFFFFF70] =	vst v3;
	v2 =	vld [tilespmem:s7+$0x0]  }
0x539: {  	[tilespmem:s4+$0xFFFFFFF0] =	vst v1;
	v3 =	vld [tilespmem:s7+$0xFFFFFF80]  }
0x53a: {  	v63 =	vld [tilespmem:s5+$0x0];
	[tilespmem:s1+$0xFFFFFFF0] =	vst v4  }
0x53b: {  	v4 =	vld [tilespmem:s25+$0x0];
	[tilespmem:s1+$0xFFFFFF70] =	vst v62  }
0x53c: {  	v1 =	vld [tilespmem:s25+$0xFFFFFF80];
	_ =	sdelay $0x2  }
0x53d: {  	v0 =	vld.idx.msk [tilespmem:v0+s3+$0x0], $0xffff  }
0x53e: {  	v2 =	vld.idx.msk [tilespmem:v2+s3+$0x0], $0xffff  }
0x53f: {  	v3 =	vld.idx.msk [tilespmem:v3+s3+$0x0], $0xffff  }
0x540: {  	v5 =	vld.idx.msk [tilespmem:v63+s3+$0x0], $0xffff  }
0x541: {  	s30 =	sadd.s32 $0x1, s30;
	v4 =	vld.idx.msk [tilespmem:v4+s3+$0x0], $0xffff  }
0x542: {  	p0 =	sne.s32 s30, $0x5;
	[tilespmem:s4+$0xFFFFFF80] =	vst v0;
	v1 =	vld.idx.msk [tilespmem:v1+s3+$0x0], $0xffff  }
.Ltmp15:
0x543: {  	[tilespmem:s2+$0x0] =	vst v2;
	(pc) =	sbr.rel @p0 .LBB2_31-.Ltmp15, $4  }
0x544: {  	[tilespmem:s2+$0xFFFFFF80] =	vst v3  }
0x545: {  	[tilespmem:s4+$0x0] =	vst v5  }
0x546: {  	[tilespmem:s1+$0x0] =	vst v4  }
0x547: {  	s31 =	sadd.s32 $0x400, s31;
	s0 =	sadd.s32 $0x400, s0;
	[tilespmem:s1+$0xFFFFFF80] =	vst v1  }
0x548: {  	s0 =	sadd.s32 $0x1C7000, s28  }
0x549: {  	[hbm4b:s0+s12] =	stream.strided.scatter [tilespmem:s19], [sflag:$0x3], $0x400, s13, s12, $0x38;
	[tilespmem:$0x1D6A0] =	vst v63  }
0x54a: {  	s0 =	sadd.s32 $0xD000, s0  }
0x54b: {  	[hbm4b:s0+s12] =	stream.strided.scatter [tilespmem:s20], [sflag:$0x3], $0x400, s13, s12, $0x38;
	[tilespmem:$0x1D6A0] =	vst v63  }
0x54c: {  	s8 =	sadd.s32 $0x1E1000, s28  }
0x54d: {  	[hbm4b:s8+s12] =	stream.strided.scatter [tilespmem:s21], [sflag:$0x3], $0x400, s13, s12, $0x38;
	[tilespmem:$0x1D6A0] =	vst v63  }
0x54e: {  	s10 =	sadd.s32 $0x1EE000, s28  }
0x54f: {  	[hbm4b:s10+s12] =	stream.strided.scatter [tilespmem:s22], [sflag:$0x3], $0x400, s13, s12, $0x38;
	[tilespmem:$0x1D6A0] =	vst v63  }
0x550: {  	s25 =	sadd.s32 $0x1FB000, s28  }
0x551: {  	[hbm4b:s25+s12] =	stream.strided.scatter [tilespmem:s23], [sflag:$0x3], $0x400, s13, s12, $0x38;
	[tilespmem:$0x1D6A0] =	vst v63  }
0x552: {  	s31 =	sadd.s32 $0x1680, s29;
	s29 =	simm.s32 $0x0  }
0x553: {  	[tilespmem:s9], [sflag:$0x2] =	stream.linear.gather [hbm4b:s31+s29], $0x1400, $0x38;
	[tilespmem:$0x1D6A0] =	vst v63  }
0x554: {  	_ =	swait.ge [sflag:s11], $0x1400  }
0x555: {  	[sflag:s11] =	ssyncset.done $0x0  }
0x556: {  	[sflag:s11] =	ssyncadd.s32 $0xFFFFEC00  }
0x557: {  	_ =	swait.ge [sflag:s24], $0x1400  }
0x558: {  	[sflag:s24] =	ssyncset.done $0x0  }
0x559: {  	s30 =	simm.s32 $0x18720;
	s0 =	simm.s32 $0x1AF20;
	[sflag:s24] =	ssyncadd.s32 $0xFFFFEC00  }
.LBB2_35:
0x55a: {  	v0 =	vld [tilespmem:s30+$0x0];
	_ =	sdelay $0x1  }
0x55b: {  	v1 =	vld [tilespmem:s30+$0xFFFFFF80];
	_ =	sdelay $0x5  }
0x55c: {  	v0 =	vld.idx.msk [tilespmem:v0+s3+$0x0], $0xffff;
	_ =	sdelay $0x1  }
0x55d: {  	v1 =	vld.idx.msk [tilespmem:v1+s3+$0x0], $0xffff;
	_ =	sdelay $0x2  }
0x55e: {  	[tilespmem:s0+$0x0] =	vst v0  }
0x55f: {  	v0 =	vld [tilespmem:s30+$0x10]  }
0x560: {  	[tilespmem:s0+$0xFFFFFF80] =	vst v1  }
0x561: {  	v1 =	vld [tilespmem:s30+$0xFFFFFF90];
	_ =	sdelay $0x5  }
0x562: {  	v0 =	vld.idx.msk [tilespmem:v0+s3+$0x0], $0xffff;
	_ =	sdelay $0x1  }
0x563: {  	v1 =	vld.idx.msk [tilespmem:v1+s3+$0x0], $0xffff;
	_ =	sdelay $0x2  }
0x564: {  	[tilespmem:s0+$0x10] =	vst v0  }
0x565: {  	s7 =	sadd.s32 $0x100, s30;
	v0 =	vld [tilespmem:s30+$0x20]  }
0x566: {  	v3 =	vld [tilespmem:s7+$0xFFFFFF80];
	[tilespmem:s0+$0xFFFFFF90] =	vst v1  }
0x567: {  	v1 =	vld [tilespmem:s30+$0xFFFFFFA0]  }
0x568: {  	v2 =	vld [tilespmem:s7+$0x0];
	_ =	sdelay $0x4  }
0x569: {  	v0 =	vld.idx.msk [tilespmem:v0+s3+$0x0], $0xffff  }
0x56a: {  	v3 =	vld.idx.msk [tilespmem:v3+s3+$0x0], $0xffff  }
0x56b: {  	v1 =	vld.idx.msk [tilespmem:v1+s3+$0x0], $0xffff  }
0x56c: {  	v2 =	vld.idx.msk [tilespmem:v2+s3+$0x0], $0xffff;
	_ =	sdelay $0x1  }
0x56d: {  	s2 =	sadd.s32 $0x100, s0;
	[tilespmem:s0+$0x20] =	vst v0  }
0x56e: {  	[tilespmem:s2+$0xFFFFFF80] =	vst v3;
	v0 =	vld [tilespmem:s30+$0x30]  }
0x56f: {  	v3 =	vld [tilespmem:s7+$0xFFFFFF90];
	[tilespmem:s0+$0xFFFFFFA0] =	vst v1  }
0x570: {  	[tilespmem:s2+$0x0] =	vst v2;
	v1 =	vld [tilespmem:s30+$0xFFFFFFB0]  }
0x571: {  	v2 =	vld [tilespmem:s7+$0x10];
	_ =	sdelay $0x4  }
0x572: {  	v0 =	vld.idx.msk [tilespmem:v0+s3+$0x0], $0xffff  }
0x573: {  	v3 =	vld.idx.msk [tilespmem:v3+s3+$0x0], $0xffff  }
0x574: {  	v1 =	vld.idx.msk [tilespmem:v1+s3+$0x0], $0xffff  }
0x575: {  	v2 =	vld.idx.msk [tilespmem:v2+s3+$0x0], $0xffff;
	_ =	sdelay $0x1  }
0x576: {  	[tilespmem:s0+$0x30] =	vst v0  }
0x577: {  	[tilespmem:s2+$0xFFFFFF90] =	vst v3;
	v0 =	vld [tilespmem:s30+$0x40]  }
0x578: {  	v3 =	vld [tilespmem:s7+$0xFFFFFFA0];
	[tilespmem:s0+$0xFFFFFFB0] =	vst v1  }
0x579: {  	[tilespmem:s2+$0x10] =	vst v2;
	v1 =	vld [tilespmem:s30+$0xFFFFFFC0]  }
0x57a: {  	v2 =	vld [tilespmem:s7+$0x20]  }
0x57b: {  	s25 =	sadd.s32 $0x100, s7  }
0x57c: {  	v4 =	vld [tilespmem:s25+$0x0];
	_ =	sdelay $0x1  }
0x57d: {  	v5 =	vld [tilespmem:s25+$0xFFFFFF80]  }
0x57e: {  	v0 =	vld.idx.msk [tilespmem:v0+s3+$0x0], $0xffff  }
0x57f: {  	v3 =	vld.idx.msk [tilespmem:v3+s3+$0x0], $0xffff  }
0x580: {  	v1 =	vld.idx.msk [tilespmem:v1+s3+$0x0], $0xffff  }
0x581: {  	v2 =	vld.idx.msk [tilespmem:v2+s3+$0x0], $0xffff;
	_ =	sdelay $0x1  }
0x582: {  	v4 =	vld.idx.msk [tilespmem:v4+s3+$0x0], $0xffff;
	[tilespmem:s0+$0x40] =	vst v0  }
0x583: {  	[tilespmem:s2+$0xFFFFFFA0] =	vst v3;
	v0 =	vld [tilespmem:s30+$0x50]  }
0x584: {  	[tilespmem:s0+$0xFFFFFFC0] =	vst v1;
	v1 =	vld.idx.msk [tilespmem:v5+s3+$0x0], $0xffff  }
0x585: {  	[tilespmem:s2+$0x20] =	vst v2;
	v3 =	vld [tilespmem:s7+$0xFFFFFFB0]  }
0x586: {  	s6 =	sadd.s32 $0x100, s2;
	v5 =	vld [tilespmem:s7+$0x30]  }
0x587: {  	[tilespmem:s6+$0x0] =	vst v4;
	v2 =	vld [tilespmem:s30+$0xFFFFFFD0]  }
0x588: {  	v4 =	vld [tilespmem:s25+$0x10]  }
0x589: {  	[tilespmem:s6+$0xFFFFFF80] =	vst v1  }
0x58a: {  	v1 =	vld [tilespmem:s25+$0xFFFFFF90]  }
0x58b: {  	v0 =	vld.idx.msk [tilespmem:v0+s3+$0x0], $0xffff;
	_ =	sdelay $0x1  }
0x58c: {  	v3 =	vld.idx.msk [tilespmem:v3+s3+$0x0], $0xffff  }
0x58d: {  	v5 =	vld.idx.msk [tilespmem:v5+s3+$0x0], $0xffff  }
0x58e: {  	v2 =	vld.idx.msk [tilespmem:v2+s3+$0x0], $0xffff  }
0x58f: {  	v4 =	vld.idx.msk [tilespmem:v4+s3+$0x0], $0xffff;
	[tilespmem:s0+$0x50] =	vst v0  }
0x590: {  	v6 =	vld [tilespmem:s30+$0x60]  }
0x591: {  	[tilespmem:s2+$0xFFFFFFB0] =	vst v3;
	v1 =	vld.idx.msk [tilespmem:v1+s3+$0x0], $0xffff  }
0x592: {  	[tilespmem:s2+$0x30] =	vst v5  }
0x593: {  	[tilespmem:s0+$0xFFFFFFD0] =	vst v2;
	v2 =	vld [tilespmem:s7+$0x40]  }
0x594: {  	[tilespmem:s6+$0x10] =	vst v4;
	v3 =	vld [tilespmem:s7+$0xFFFFFFC0]  }
0x595: {  	v4 =	vld [tilespmem:s25+$0x20]  }
0x596: {  	v0 =	vld [tilespmem:s30+$0xFFFFFFE0];
	[tilespmem:s6+$0xFFFFFF90] =	vst v1  }
0x597: {  	s10 =	simm.s32 $0x4;
	s4 =	smov.u32 s0;
	v5 =	vld [tilespmem:s25+$0xFFFFFFA0]  }
0x598: {  	s5 =	smov.u32 s30;
	s8 =	sadd.s32 $0x100, s25;
	s1 =	smov.u32 s6;
	v1 =	vld.idx.msk [tilespmem:v6+s3+$0x0], $0xffff  }
.LBB2_36:
0x599: {  	v6 =	vld [tilespmem:s8+$0x0]  }
0x59a: {  	v7 =	vld [tilespmem:s8+$0xFFFFFF80]  }
0x59b: {  	s10 =	sadd.s32 $0x2, s10;
	v2 =	vld.idx.msk [tilespmem:v2+s3+$0x0], $0xffff  }
0x59c: {  	p0 =	slt.u32 s10, $0x6;
	v3 =	vld.idx.msk [tilespmem:v3+s3+$0x0], $0xffff  }
0x59d: {  	v4 =	vld.idx.msk [tilespmem:v4+s3+$0x0], $0xffff;
	[tilespmem:s4+$0x60] =	vst v1  }
0x59e: {  	v1 =	vld [tilespmem:s5+$0x70]  }
0x59f: {  	v0 =	vld.idx.msk [tilespmem:v0+s3+$0x0], $0xffff  }
0x5a0: {  	v5 =	vld.idx.msk [tilespmem:v5+s3+$0x0], $0xffff  }
0x5a1: {  	v6 =	vld.idx.msk [tilespmem:v6+s3+$0x0], $0xffff;
	[tilespmem:s2+$0x40] =	vst v2  }
0x5a2: {  	[tilespmem:s2+$0xFFFFFFC0] =	vst v3;
	v2 =	vld [tilespmem:s7+$0x50]  }
0x5a3: {  	v3 =	vld.idx.msk [tilespmem:v7+s3+$0x0], $0xffff  }
0x5a4: {  	[tilespmem:s6+$0x20] =	vst v4;
	v4 =	vld [tilespmem:s7+$0xFFFFFFD0]  }
0x5a5: {  	v7 =	vld [tilespmem:s25+$0x30];
	[tilespmem:s4+$0xFFFFFFE0] =	vst v0  }
0x5a6: {  	s6 =	sadd.s32 $0x100, s6;
	[tilespmem:s1+$0xFFFFFFA0] =	vst v5;
	v0 =	vld.idx.msk [tilespmem:v1+s3+$0x0], $0xffff  }
0x5a7: {  	[tilespmem:s6+$0x0] =	vst v6;
	v1 =	vld [tilespmem:s25+$0xFFFFFFB0]  }
0x5a8: {  	v5 =	vld [tilespmem:s8+$0x10]  }
0x5a9: {  	[tilespmem:s6+$0xFFFFFF80] =	vst v3;
	v3 =	vld [tilespmem:s5+$0xFFFFFFF0];
	s5 =	smov.u32 s7;
	s7 =	smov.u32 s25;
	s25 =	smov.u32 s8  }
0x5aa: {  	v2 =	vld.idx.msk [tilespmem:v2+s3+$0x0], $0xffff  }
0x5ab: {  	v6 =	vld [tilespmem:s8+$0xFFFFFF90]  }
0x5ac: {  	v4 =	vld.idx.msk [tilespmem:v4+s3+$0x0], $0xffff;
	[tilespmem:s4+$0x70] =	vst v0;
	_ =	sdelay $0x1  }
0x5ad: {  	v0 =	vld.idx.msk [tilespmem:v7+s3+$0x0], $0xffff  }
0x5ae: {  	v1 =	vld.idx.msk [tilespmem:v1+s3+$0x0], $0xffff  }
0x5af: {  	v5 =	vld.idx.msk [tilespmem:v5+s3+$0x0], $0xffff;
	[tilespmem:s2+$0x50] =	vst v2  }
0x5b0: {  	v7 =	vld [tilespmem:s5+$0x60]  }
0x5b1: {  	[tilespmem:s2+$0xFFFFFFD0] =	vst v4;
	v8 =	vld.idx.msk [tilespmem:v3+s3+$0x0], $0xffff  }
0x5b2: {  	v6 =	vld.idx.msk [tilespmem:v6+s3+$0x0], $0xffff  }
0x5b3: {  	[tilespmem:s1+$0x30] =	vst v0;
	v0 =	vld [tilespmem:s5+$0xFFFFFFE0]  }
0x5b4: {  	[tilespmem:s1+$0xFFFFFFB0] =	vst v1;
	v2 =	vld [tilespmem:s7+$0x40]  }
.Ltmp16:
0x5b5: {  	[tilespmem:s6+$0x10] =	vst v5;
	v3 =	vld [tilespmem:s7+$0xFFFFFFC0];
	(pc) =	sbr.rel @p0 .LBB2_36-.Ltmp16, $4  }
0x5b6: {  	v4 =	vld [tilespmem:s8+$0x20]  }
0x5b7: {  	[tilespmem:s4+$0xFFFFFFF0] =	vst v8;
	s4 =	smov.u32 s2;
	s2 =	smov.u32 s1;
	s1 =	smov.u32 s6  }
0x5b8: {  	[tilespmem:s6+$0xFFFFFF90] =	vst v6;
	v1 =	vld.idx.msk [tilespmem:v7+s3+$0x0], $0xffff  }
0x5b9: {  	s8 =	sadd.s32 $0x100, s8;
	v5 =	vld [tilespmem:s25+$0xFFFFFFA0]  }
0x5ba: {  	_ =	sdelay $0x6  }
0x5bb: {  	v4 =	vld.idx.msk [tilespmem:v4+s3+$0x0], $0xffff  }
0x5bc: {  	v5 =	vld.idx.msk [tilespmem:v5+s3+$0x0], $0xffff;
	_ =	sdelay $0x3  }
0x5bd: {  	[tilespmem:s6+$0x20] =	vst v4  }
0x5be: {  	v4 =	vld [tilespmem:s25+$0x30];
	[tilespmem:s1+$0xFFFFFFA0] =	vst v5  }
0x5bf: {  	v5 =	vld [tilespmem:s25+$0xFFFFFFB0];
	_ =	sdelay $0x6  }
0x5c0: {  	v4 =	vld.idx.msk [tilespmem:v4+s3+$0x0], $0xffff  }
0x5c1: {  	v5 =	vld.idx.msk [tilespmem:v5+s3+$0x0], $0xffff;
	_ =	sdelay $0x3  }
0x5c2: {  	[tilespmem:s1+$0x30] =	vst v4  }
0x5c3: {  	v4 =	vld [tilespmem:s25+$0x40];
	[tilespmem:s1+$0xFFFFFFB0] =	vst v5  }
0x5c4: {  	v5 =	vld [tilespmem:s25+$0xFFFFFFC0];
	_ =	sdelay $0x3  }
0x5c5: {  	v2 =	vld.idx.msk [tilespmem:v2+s3+$0x0], $0xffff  }
0x5c6: {  	v3 =	vld.idx.msk [tilespmem:v3+s3+$0x0], $0xffff;
	_ =	sdelay $0x1  }
0x5c7: {  	v4 =	vld.idx.msk [tilespmem:v4+s3+$0x0], $0xffff  }
0x5c8: {  	v5 =	vld.idx.msk [tilespmem:v5+s3+$0x0], $0xffff  }
0x5c9: {  	[tilespmem:s2+$0x40] =	vst v2  }
0x5ca: {  	[tilespmem:s2+$0xFFFFFFC0] =	vst v3;
	v2 =	vld [tilespmem:s7+$0x50]  }
0x5cb: {  	v3 =	vld [tilespmem:s7+$0xFFFFFFD0]  }
0x5cc: {  	[tilespmem:s1+$0x40] =	vst v4  }
0x5cd: {  	v4 =	vld [tilespmem:s25+$0x50];
	[tilespmem:s1+$0xFFFFFFC0] =	vst v5  }
0x5ce: {  	v5 =	vld [tilespmem:s25+$0xFFFFFFD0];
	_ =	sdelay $0x3  }
0x5cf: {  	v2 =	vld.idx.msk [tilespmem:v2+s3+$0x0], $0xffff  }
0x5d0: {  	v3 =	vld.idx.msk [tilespmem:v3+s3+$0x0], $0xffff;
	_ =	sdelay $0x1  }
0x5d1: {  	v4 =	vld.idx.msk [tilespmem:v4+s3+$0x0], $0xffff  }
0x5d2: {  	v5 =	vld.idx.msk [tilespmem:v5+s3+$0x0], $0xffff  }
0x5d3: {  	[tilespmem:s2+$0x50] =	vst v2  }
0x5d4: {  	[tilespmem:s2+$0xFFFFFFD0] =	vst v3;
	v2 =	vld [tilespmem:s7+$0x60]  }
0x5d5: {  	v3 =	vld [tilespmem:s7+$0xFFFFFFE0]  }
0x5d6: {  	[tilespmem:s1+$0x50] =	vst v4  }
0x5d7: {  	v4 =	vld [tilespmem:s25+$0x60];
	[tilespmem:s1+$0xFFFFFFD0] =	vst v5  }
0x5d8: {  	v5 =	vld [tilespmem:s25+$0xFFFFFFE0];
	_ =	sdelay $0x2  }
0x5d9: {  	v0 =	vld.idx.msk [tilespmem:v0+s3+$0x0], $0xffff  }
0x5da: {  	v2 =	vld.idx.msk [tilespmem:v2+s3+$0x0], $0xffff  }
0x5db: {  	v3 =	vld.idx.msk [tilespmem:v3+s3+$0x0], $0xffff;
	_ =	sdelay $0x1  }
0x5dc: {  	v4 =	vld.idx.msk [tilespmem:v4+s3+$0x0], $0xffff  }
0x5dd: {  	[tilespmem:s4+$0xFFFFFFE0] =	vst v0;
	v62 =	vld.idx.msk [tilespmem:v5+s3+$0x0], $0xffff  }
0x5de: {  	v0 =	vld [tilespmem:s5+$0xFFFFFFF0];
	[tilespmem:s2+$0x60] =	vst v2  }
0x5df: {  	[tilespmem:s2+$0xFFFFFFE0] =	vst v3;
	v2 =	vld [tilespmem:s7+$0x70]  }
0x5e0: {  	[tilespmem:s4+$0x60] =	vst v1;
	v3 =	vld [tilespmem:s7+$0xFFFFFFF0]  }
0x5e1: {  	v63 =	vld [tilespmem:s5+$0x70];
	[tilespmem:s1+$0x60] =	vst v4  }
0x5e2: {  	v4 =	vld [tilespmem:s25+$0x70];
	[tilespmem:s1+$0xFFFFFFE0] =	vst v62  }
0x5e3: {  	v1 =	vld [tilespmem:s25+$0xFFFFFFF0];
	_ =	sdelay $0x2  }
0x5e4: {  	v0 =	vld.idx.msk [tilespmem:v0+s3+$0x0], $0xffff  }
0x5e5: {  	v2 =	vld.idx.msk [tilespmem:v2+s3+$0x0], $0xffff  }
0x5e6: {  	v3 =	vld.idx.msk [tilespmem:v3+s3+$0x0], $0xffff  }
0x5e7: {  	v5 =	vld.idx.msk [tilespmem:v63+s3+$0x0], $0xffff  }
0x5e8: {  	s29 =	sadd.s32 $0x1, s29;
	v4 =	vld.idx.msk [tilespmem:v4+s3+$0x0], $0xffff  }
0x5e9: {  	p0 =	sne.s32 s29, $0x5;
	[tilespmem:s4+$0xFFFFFFF0] =	vst v0;
	v1 =	vld.idx.msk [tilespmem:v1+s3+$0x0], $0xffff  }
.Ltmp17:
0x5ea: {  	[tilespmem:s2+$0x70] =	vst v2;
	(pc) =	sbr.rel @p0 .LBB2_35-.Ltmp17, $4  }
0x5eb: {  	[tilespmem:s2+$0xFFFFFFF0] =	vst v3  }
0x5ec: {  	[tilespmem:s4+$0x70] =	vst v5  }
0x5ed: {  	[tilespmem:s1+$0x70] =	vst v4  }
0x5ee: {  	s30 =	sadd.s32 $0x400, s30;
	s0 =	sadd.s32 $0x400, s0;
	[tilespmem:s1+$0xFFFFFFF0] =	vst v1  }
0x5ef: {  	s0 =	sadd.s32 $0x208000, s28  }
0x5f0: {  	[hbm4b:s0+s12] =	stream.strided.scatter [tilespmem:s14], [sflag:$0x3], $0x400, s13, s12, $0x38;
	[tilespmem:$0x1D6A0] =	vst v63  }
0x5f1: {  	s0 =	sadd.s32 $0xD000, s0  }
0x5f2: {  	[hbm4b:s0+s12] =	stream.strided.scatter [tilespmem:s15], [sflag:$0x3], $0x400, s13, s12, $0x38;
	[tilespmem:$0x1D6A0] =	vst v63  }
0x5f3: {  	s10 =	sadd.s32 $0x222000, s28  }
0x5f4: {  	[hbm4b:s10+s12] =	stream.strided.scatter [tilespmem:s16], [sflag:$0x3], $0x400, s13, s12, $0x38;
	[tilespmem:$0x1D6A0] =	vst v63  }
0x5f5: {  	s25 =	sadd.s32 $0x22F000, s28  }
0x5f6: {  	[hbm4b:s25+s12] =	stream.strided.scatter [tilespmem:s17], [sflag:$0x3], $0x400, s13, s12, $0x38;
	[tilespmem:$0x1D6A0] =	vst v63  }
0x5f7: {  	s31 =	sadd.s32 $0x23C000, s28  }
0x5f8: {  	[hbm4b:s31+s12] =	stream.strided.scatter [tilespmem:s18], [sflag:$0x3], $0x400, s13, s12, $0x38;
	[tilespmem:$0x1D6A0] =	vst v63  }
0x5f9: {  	_ =	swait.ge [sflag:s11], $0x1400  }
0x5fa: {  	[sflag:s11] =	ssyncset.done $0x0  }
0x5fb: {  	[sflag:s11] =	ssyncadd.s32 $0xFFFFEC00  }
0x5fc: {  	_ =	swait.ge [sflag:s24], $0x1400  }
0x5fd: {  	s29 =	simm.s32 $0x0;
	[sflag:s24] =	ssyncset.done $0x0  }
0x5fe: {  	s30 =	simm.s32 $0x19B90;
	s0 =	simm.s32 $0x1C390;
	[sflag:s24] =	ssyncadd.s32 $0xFFFFEC00  }
.LBB2_39:
0x5ff: {  	v0 =	vld [tilespmem:s30+$0xFFFFFF90];
	_ =	sdelay $0x1  }
0x600: {  	v1 =	vld [tilespmem:s30+$0xFFFFFF10];
	_ =	sdelay $0x5  }
0x601: {  	v0 =	vld.idx.msk [tilespmem:v0+s3+$0x0], $0xffff;
	_ =	sdelay $0x1  }
0x602: {  	v1 =	vld.idx.msk [tilespmem:v1+s3+$0x0], $0xffff;
	_ =	sdelay $0x2  }
0x603: {  	[tilespmem:s0+$0xFFFFFF90] =	vst v0  }
0x604: {  	v0 =	vld [tilespmem:s30+$0xFFFFFFA0]  }
0x605: {  	[tilespmem:s0+$0xFFFFFF10] =	vst v1  }
0x606: {  	v1 =	vld [tilespmem:s30+$0xFFFFFF20];
	_ =	sdelay $0x5  }
0x607: {  	v0 =	vld.idx.msk [tilespmem:v0+s3+$0x0], $0xffff;
	_ =	sdelay $0x1  }
0x608: {  	v1 =	vld.idx.msk [tilespmem:v1+s3+$0x0], $0xffff;
	_ =	sdelay $0x2  }
0x609: {  	[tilespmem:s0+$0xFFFFFFA0] =	vst v0  }
0x60a: {  	s7 =	sadd.s32 $0x100, s30;
	v0 =	vld [tilespmem:s30+$0xFFFFFFB0]  }
0x60b: {  	v3 =	vld [tilespmem:s7+$0xFFFFFF10];
	[tilespmem:s0+$0xFFFFFF20] =	vst v1  }
0x60c: {  	v1 =	vld [tilespmem:s30+$0xFFFFFF30]  }
0x60d: {  	v2 =	vld [tilespmem:s7+$0xFFFFFF90];
	_ =	sdelay $0x4  }
0x60e: {  	v0 =	vld.idx.msk [tilespmem:v0+s3+$0x0], $0xffff  }
0x60f: {  	v3 =	vld.idx.msk [tilespmem:v3+s3+$0x0], $0xffff  }
0x610: {  	v1 =	vld.idx.msk [tilespmem:v1+s3+$0x0], $0xffff  }
0x611: {  	v2 =	vld.idx.msk [tilespmem:v2+s3+$0x0], $0xffff;
	_ =	sdelay $0x1  }
0x612: {  	s2 =	sadd.s32 $0x100, s0;
	[tilespmem:s0+$0xFFFFFFB0] =	vst v0  }
0x613: {  	[tilespmem:s2+$0xFFFFFF10] =	vst v3;
	v0 =	vld [tilespmem:s30+$0xFFFFFFC0]  }
0x614: {  	v3 =	vld [tilespmem:s7+$0xFFFFFF20];
	[tilespmem:s0+$0xFFFFFF30] =	vst v1  }
0x615: {  	[tilespmem:s2+$0xFFFFFF90] =	vst v2;
	v1 =	vld [tilespmem:s30+$0xFFFFFF40]  }
0x616: {  	v2 =	vld [tilespmem:s7+$0xFFFFFFA0];
	_ =	sdelay $0x4  }
0x617: {  	v0 =	vld.idx.msk [tilespmem:v0+s3+$0x0], $0xffff  }
0x618: {  	v3 =	vld.idx.msk [tilespmem:v3+s3+$0x0], $0xffff  }
0x619: {  	v1 =	vld.idx.msk [tilespmem:v1+s3+$0x0], $0xffff  }
0x61a: {  	v2 =	vld.idx.msk [tilespmem:v2+s3+$0x0], $0xffff;
	_ =	sdelay $0x1  }
0x61b: {  	[tilespmem:s0+$0xFFFFFFC0] =	vst v0  }
0x61c: {  	[tilespmem:s2+$0xFFFFFF20] =	vst v3;
	v0 =	vld [tilespmem:s30+$0xFFFFFFD0]  }
0x61d: {  	v3 =	vld [tilespmem:s7+$0xFFFFFF30];
	[tilespmem:s0+$0xFFFFFF40] =	vst v1  }
0x61e: {  	[tilespmem:s2+$0xFFFFFFA0] =	vst v2;
	v1 =	vld [tilespmem:s30+$0xFFFFFF50]  }
0x61f: {  	v2 =	vld [tilespmem:s7+$0xFFFFFFB0]  }
0x620: {  	s25 =	sadd.s32 $0x100, s7  }
0x621: {  	v4 =	vld [tilespmem:s25+$0xFFFFFF90];
	_ =	sdelay $0x1  }
0x622: {  	v5 =	vld [tilespmem:s25+$0xFFFFFF10]  }
0x623: {  	v0 =	vld.idx.msk [tilespmem:v0+s3+$0x0], $0xffff  }
0x624: {  	v3 =	vld.idx.msk [tilespmem:v3+s3+$0x0], $0xffff  }
0x625: {  	v1 =	vld.idx.msk [tilespmem:v1+s3+$0x0], $0xffff  }
0x626: {  	v2 =	vld.idx.msk [tilespmem:v2+s3+$0x0], $0xffff;
	_ =	sdelay $0x1  }
0x627: {  	v4 =	vld.idx.msk [tilespmem:v4+s3+$0x0], $0xffff;
	[tilespmem:s0+$0xFFFFFFD0] =	vst v0  }
0x628: {  	[tilespmem:s2+$0xFFFFFF30] =	vst v3;
	v0 =	vld [tilespmem:s30+$0xFFFFFFE0]  }
0x629: {  	[tilespmem:s0+$0xFFFFFF50] =	vst v1;
	v1 =	vld.idx.msk [tilespmem:v5+s3+$0x0], $0xffff  }
0x62a: {  	[tilespmem:s2+$0xFFFFFFB0] =	vst v2;
	v3 =	vld [tilespmem:s7+$0xFFFFFF40]  }
0x62b: {  	s6 =	sadd.s32 $0x100, s2;
	v5 =	vld [tilespmem:s7+$0xFFFFFFC0]  }
0x62c: {  	[tilespmem:s6+$0xFFFFFF90] =	vst v4;
	v2 =	vld [tilespmem:s30+$0xFFFFFF60]  }
0x62d: {  	v4 =	vld [tilespmem:s25+$0xFFFFFFA0]  }
0x62e: {  	[tilespmem:s6+$0xFFFFFF10] =	vst v1  }
0x62f: {  	v1 =	vld [tilespmem:s25+$0xFFFFFF20]  }
0x630: {  	v0 =	vld.idx.msk [tilespmem:v0+s3+$0x0], $0xffff;
	_ =	sdelay $0x1  }
0x631: {  	v3 =	vld.idx.msk [tilespmem:v3+s3+$0x0], $0xffff  }
0x632: {  	v5 =	vld.idx.msk [tilespmem:v5+s3+$0x0], $0xffff  }
0x633: {  	v2 =	vld.idx.msk [tilespmem:v2+s3+$0x0], $0xffff  }
0x634: {  	v4 =	vld.idx.msk [tilespmem:v4+s3+$0x0], $0xffff;
	[tilespmem:s0+$0xFFFFFFE0] =	vst v0  }
0x635: {  	v6 =	vld [tilespmem:s30+$0xFFFFFFF0]  }
0x636: {  	[tilespmem:s2+$0xFFFFFF40] =	vst v3;
	v1 =	vld.idx.msk [tilespmem:v1+s3+$0x0], $0xffff  }
0x637: {  	[tilespmem:s2+$0xFFFFFFC0] =	vst v5  }
0x638: {  	[tilespmem:s0+$0xFFFFFF60] =	vst v2;
	v2 =	vld [tilespmem:s7+$0xFFFFFFD0]  }
0x639: {  	[tilespmem:s6+$0xFFFFFFA0] =	vst v4;
	v3 =	vld [tilespmem:s7+$0xFFFFFF50]  }
0x63a: {  	v4 =	vld [tilespmem:s25+$0xFFFFFFB0]  }
0x63b: {  	v0 =	vld [tilespmem:s30+$0xFFFFFF70];
	[tilespmem:s6+$0xFFFFFF20] =	vst v1  }
0x63c: {  	s10 =	simm.s32 $0x4;
	s4 =	smov.u32 s0;
	v5 =	vld [tilespmem:s25+$0xFFFFFF30]  }
0x63d: {  	s5 =	smov.u32 s30;
	s8 =	sadd.s32 $0x100, s25;
	s1 =	smov.u32 s6;
	v1 =	vld.idx.msk [tilespmem:v6+s3+$0x0], $0xffff  }
.LBB2_40:
0x63e: {  	v6 =	vld [tilespmem:s8+$0xFFFFFF90]  }
0x63f: {  	v7 =	vld [tilespmem:s8+$0xFFFFFF10]  }
0x640: {  	s10 =	sadd.s32 $0x2, s10;
	v2 =	vld.idx.msk [tilespmem:v2+s3+$0x0], $0xffff  }
0x641: {  	p0 =	slt.u32 s10, $0x6;
	v3 =	vld.idx.msk [tilespmem:v3+s3+$0x0], $0xffff  }
0x642: {  	v4 =	vld.idx.msk [tilespmem:v4+s3+$0x0], $0xffff;
	[tilespmem:s4+$0xFFFFFFF0] =	vst v1  }
0x643: {  	v1 =	vld [tilespmem:s5+$0x0]  }
0x644: {  	v0 =	vld.idx.msk [tilespmem:v0+s3+$0x0], $0xffff  }
0x645: {  	v5 =	vld.idx.msk [tilespmem:v5+s3+$0x0], $0xffff  }
0x646: {  	v6 =	vld.idx.msk [tilespmem:v6+s3+$0x0], $0xffff;
	[tilespmem:s2+$0xFFFFFFD0] =	vst v2  }
0x647: {  	[tilespmem:s2+$0xFFFFFF50] =	vst v3;
	v2 =	vld [tilespmem:s7+$0xFFFFFFE0]  }
0x648: {  	v3 =	vld.idx.msk [tilespmem:v7+s3+$0x0], $0xffff  }
0x649: {  	[tilespmem:s6+$0xFFFFFFB0] =	vst v4;
	v4 =	vld [tilespmem:s7+$0xFFFFFF60]  }
0x64a: {  	v7 =	vld [tilespmem:s25+$0xFFFFFFC0];
	[tilespmem:s4+$0xFFFFFF70] =	vst v0  }
0x64b: {  	s6 =	sadd.s32 $0x100, s6;
	[tilespmem:s1+$0xFFFFFF30] =	vst v5;
	v0 =	vld.idx.msk [tilespmem:v1+s3+$0x0], $0xffff  }
0x64c: {  	[tilespmem:s6+$0xFFFFFF90] =	vst v6;
	v1 =	vld [tilespmem:s25+$0xFFFFFF40]  }
0x64d: {  	v5 =	vld [tilespmem:s8+$0xFFFFFFA0]  }
0x64e: {  	[tilespmem:s6+$0xFFFFFF10] =	vst v3;
	v3 =	vld [tilespmem:s5+$0xFFFFFF80];
	s5 =	smov.u32 s7;
	s7 =	smov.u32 s25;
	s25 =	smov.u32 s8  }
0x64f: {  	v2 =	vld.idx.msk [tilespmem:v2+s3+$0x0], $0xffff  }
0x650: {  	v6 =	vld [tilespmem:s8+$0xFFFFFF20]  }
0x651: {  	v4 =	vld.idx.msk [tilespmem:v4+s3+$0x0], $0xffff;
	[tilespmem:s4+$0x0] =	vst v0;
	_ =	sdelay $0x1  }
0x652: {  	v0 =	vld.idx.msk [tilespmem:v7+s3+$0x0], $0xffff  }
0x653: {  	v1 =	vld.idx.msk [tilespmem:v1+s3+$0x0], $0xffff  }
0x654: {  	v5 =	vld.idx.msk [tilespmem:v5+s3+$0x0], $0xffff;
	[tilespmem:s2+$0xFFFFFFE0] =	vst v2  }
0x655: {  	v7 =	vld [tilespmem:s5+$0xFFFFFFF0]  }
0x656: {  	[tilespmem:s2+$0xFFFFFF60] =	vst v4;
	v8 =	vld.idx.msk [tilespmem:v3+s3+$0x0], $0xffff  }
0x657: {  	v6 =	vld.idx.msk [tilespmem:v6+s3+$0x0], $0xffff  }
0x658: {  	[tilespmem:s1+$0xFFFFFFC0] =	vst v0;
	v0 =	vld [tilespmem:s5+$0xFFFFFF70]  }
0x659: {  	[tilespmem:s1+$0xFFFFFF40] =	vst v1;
	v2 =	vld [tilespmem:s7+$0xFFFFFFD0]  }
.Ltmp18:
0x65a: {  	[tilespmem:s6+$0xFFFFFFA0] =	vst v5;
	v3 =	vld [tilespmem:s7+$0xFFFFFF50];
	(pc) =	sbr.rel @p0 .LBB2_40-.Ltmp18, $4  }
0x65b: {  	v4 =	vld [tilespmem:s8+$0xFFFFFFB0]  }
0x65c: {  	[tilespmem:s4+$0xFFFFFF80] =	vst v8;
	s4 =	smov.u32 s2;
	s2 =	smov.u32 s1;
	s1 =	smov.u32 s6  }
0x65d: {  	[tilespmem:s6+$0xFFFFFF20] =	vst v6;
	v1 =	vld.idx.msk [tilespmem:v7+s3+$0x0], $0xffff  }
0x65e: {  	s8 =	sadd.s32 $0x100, s8;
	v5 =	vld [tilespmem:s25+$0xFFFFFF30]  }
0x65f: {  	_ =	sdelay $0x6  }
0x660: {  	v4 =	vld.idx.msk [tilespmem:v4+s3+$0x0], $0xffff  }
0x661: {  	v5 =	vld.idx.msk [tilespmem:v5+s3+$0x0], $0xffff;
	_ =	sdelay $0x3  }
0x662: {  	[tilespmem:s6+$0xFFFFFFB0] =	vst v4  }
0x663: {  	v4 =	vld [tilespmem:s25+$0xFFFFFFC0];
	[tilespmem:s1+$0xFFFFFF30] =	vst v5  }
0x664: {  	v5 =	vld [tilespmem:s25+$0xFFFFFF40];
	_ =	sdelay $0x6  }
0x665: {  	v4 =	vld.idx.msk [tilespmem:v4+s3+$0x0], $0xffff  }
0x666: {  	v5 =	vld.idx.msk [tilespmem:v5+s3+$0x0], $0xffff;
	_ =	sdelay $0x3  }
0x667: {  	[tilespmem:s1+$0xFFFFFFC0] =	vst v4  }
0x668: {  	v4 =	vld [tilespmem:s25+$0xFFFFFFD0];
	[tilespmem:s1+$0xFFFFFF40] =	vst v5  }
0x669: {  	v5 =	vld [tilespmem:s25+$0xFFFFFF50];
	_ =	sdelay $0x3  }
0x66a: {  	v2 =	vld.idx.msk [tilespmem:v2+s3+$0x0], $0xffff  }
0x66b: {  	v3 =	vld.idx.msk [tilespmem:v3+s3+$0x0], $0xffff;
	_ =	sdelay $0x1  }
0x66c: {  	v4 =	vld.idx.msk [tilespmem:v4+s3+$0x0], $0xffff  }
0x66d: {  	v5 =	vld.idx.msk [tilespmem:v5+s3+$0x0], $0xffff  }
0x66e: {  	[tilespmem:s2+$0xFFFFFFD0] =	vst v2  }
0x66f: {  	[tilespmem:s2+$0xFFFFFF50] =	vst v3;
	v2 =	vld [tilespmem:s7+$0xFFFFFFE0]  }
0x670: {  	v3 =	vld [tilespmem:s7+$0xFFFFFF60]  }
0x671: {  	[tilespmem:s1+$0xFFFFFFD0] =	vst v4  }
0x672: {  	v4 =	vld [tilespmem:s25+$0xFFFFFFE0];
	[tilespmem:s1+$0xFFFFFF50] =	vst v5  }
0x673: {  	v5 =	vld [tilespmem:s25+$0xFFFFFF60];
	_ =	sdelay $0x3  }
0x674: {  	v2 =	vld.idx.msk [tilespmem:v2+s3+$0x0], $0xffff  }
0x675: {  	v3 =	vld.idx.msk [tilespmem:v3+s3+$0x0], $0xffff;
	_ =	sdelay $0x1  }
0x676: {  	v4 =	vld.idx.msk [tilespmem:v4+s3+$0x0], $0xffff  }
0x677: {  	v5 =	vld.idx.msk [tilespmem:v5+s3+$0x0], $0xffff  }
0x678: {  	[tilespmem:s2+$0xFFFFFFE0] =	vst v2  }
0x679: {  	[tilespmem:s2+$0xFFFFFF60] =	vst v3;
	v2 =	vld [tilespmem:s7+$0xFFFFFFF0]  }
0x67a: {  	v3 =	vld [tilespmem:s7+$0xFFFFFF70]  }
0x67b: {  	[tilespmem:s1+$0xFFFFFFE0] =	vst v4  }
0x67c: {  	v4 =	vld [tilespmem:s25+$0xFFFFFFF0];
	[tilespmem:s1+$0xFFFFFF60] =	vst v5  }
0x67d: {  	v5 =	vld [tilespmem:s25+$0xFFFFFF70];
	_ =	sdelay $0x2  }
0x67e: {  	v0 =	vld.idx.msk [tilespmem:v0+s3+$0x0], $0xffff  }
0x67f: {  	v2 =	vld.idx.msk [tilespmem:v2+s3+$0x0], $0xffff  }
0x680: {  	v3 =	vld.idx.msk [tilespmem:v3+s3+$0x0], $0xffff;
	_ =	sdelay $0x1  }
0x681: {  	v4 =	vld.idx.msk [tilespmem:v4+s3+$0x0], $0xffff  }
0x682: {  	[tilespmem:s4+$0xFFFFFF70] =	vst v0;
	v62 =	vld.idx.msk [tilespmem:v5+s3+$0x0], $0xffff  }
0x683: {  	v0 =	vld [tilespmem:s5+$0xFFFFFF80];
	[tilespmem:s2+$0xFFFFFFF0] =	vst v2  }
0x684: {  	[tilespmem:s2+$0xFFFFFF70] =	vst v3;
	v2 =	vld [tilespmem:s7+$0x0]  }
0x685: {  	[tilespmem:s4+$0xFFFFFFF0] =	vst v1;
	v3 =	vld [tilespmem:s7+$0xFFFFFF80]  }
0x686: {  	v63 =	vld [tilespmem:s5+$0x0];
	[tilespmem:s1+$0xFFFFFFF0] =	vst v4  }
0x687: {  	v4 =	vld [tilespmem:s25+$0x0];
	[tilespmem:s1+$0xFFFFFF70] =	vst v62  }
0x688: {  	v1 =	vld [tilespmem:s25+$0xFFFFFF80];
	_ =	sdelay $0x2  }
0x689: {  	v0 =	vld.idx.msk [tilespmem:v0+s3+$0x0], $0xffff  }
0x68a: {  	v2 =	vld.idx.msk [tilespmem:v2+s3+$0x0], $0xffff  }
0x68b: {  	v3 =	vld.idx.msk [tilespmem:v3+s3+$0x0], $0xffff  }
0x68c: {  	v5 =	vld.idx.msk [tilespmem:v63+s3+$0x0], $0xffff  }
0x68d: {  	s29 =	sadd.s32 $0x1, s29;
	v4 =	vld.idx.msk [tilespmem:v4+s3+$0x0], $0xffff  }
0x68e: {  	p0 =	sne.s32 s29, $0x5;
	[tilespmem:s4+$0xFFFFFF80] =	vst v0;
	v1 =	vld.idx.msk [tilespmem:v1+s3+$0x0], $0xffff  }
.Ltmp19:
0x68f: {  	[tilespmem:s2+$0x0] =	vst v2;
	(pc) =	sbr.rel @p0 .LBB2_39-.Ltmp19, $4  }
0x690: {  	[tilespmem:s2+$0xFFFFFF80] =	vst v3  }
0x691: {  	[tilespmem:s4+$0x0] =	vst v5  }
0x692: {  	[tilespmem:s1+$0x0] =	vst v4  }
0x693: {  	s30 =	sadd.s32 $0x400, s30;
	s0 =	sadd.s32 $0x400, s0;
	[tilespmem:s1+$0xFFFFFF80] =	vst v1  }
0x694: {  	s0 =	sadd.s32 $0x249000, s28  }
0x695: {  	[hbm4b:s0+s12] =	stream.strided.scatter [tilespmem:s19], [sflag:$0x3], $0x400, s13, s12, $0x38;
	[tilespmem:$0x1D6A0] =	vst v63  }
0x696: {  	s0 =	sadd.s32 $0xD000, s0  }
0x697: {  	[hbm4b:s0+s12] =	stream.strided.scatter [tilespmem:s20], [sflag:$0x3], $0x400, s13, s12, $0x38;
	[tilespmem:$0x1D6A0] =	vst v63  }
0x698: {  	s29 =	sadd.s32 $0x263000, s28  }
0x699: {  	[hbm4b:s29+s12] =	stream.strided.scatter [tilespmem:s21], [sflag:$0x3], $0x400, s13, s12, $0x38;
	[tilespmem:$0x1D6A0] =	vst v63  }
0x69a: {  	s30 =	sadd.s32 $0x270000, s28  }
0x69b: {  	[hbm4b:s30+s12] =	stream.strided.scatter [tilespmem:s22], [sflag:$0x3], $0x400, s13, s12, $0x38;
	[tilespmem:$0x1D6A0] =	vst v63  }
0x69c: {  	s31 =	sadd.s32 $0x27D000, s28;
	s26 =	sadd.s32 $0x1, s26  }
0x69d: {  	[hbm4b:s31+s12] =	stream.strided.scatter [tilespmem:s23], [sflag:$0x3], $0x400, s13, s12, $0x38;
	[tilespmem:$0x1D6A0] =	vst v63  }
0x69e: {  	p0 =	sne.s32 s26, $0xD;
	_ =	swait.ge [sflag:s24], $0x1400  }
.Ltmp20:
0x69f: {  	[sflag:s24] =	ssyncset.done $0x0;
	(pc) =	sbr.rel @p0 .LBB2_2-.Ltmp20, $4  }
0x6a0: {  	[sflag:s24] =	ssyncadd.s32 $0xFFFFEC00  }
0x6a1: {  	_ =	swait.ge [sflag:s24], $0x1400  }
0x6a2: {  	[sflag:s24] =	ssyncset.done $0x0  }
0x6a3: {  	[sflag:s24] =	ssyncadd.s32 $0xFFFFEC00  }
0x6a4: {  	s1 =	rddreg [dreg:$0x7]  }
0x6a5: {  	s0 =	rddreg [dreg:$0x6];
	s1 =	sadd.s32 $0x1, s1  }
0x6a6: {  	p0 =	sne.s32 s1, s0  }
.Ltmp21:
0x6a7: {  	_ = 	snop;
	(pc) =	sbr.rel @p0 .LBB2_1-.Ltmp21, $1  }
0x6a8: {  	_ =	sdelay $0x3  }
0x6a9: {  	_ =	sfence.sel $0x180000  }
0x6aa: {  	[bflag:$0x0] =	sbarrier.arrive $0xFFFF  }
0x6ab: {  	_ =	strace $0x90000047  }
0x6ac: {  	s0 =	stileid.u32;
	[bflag:$0x2] =	sbarrier.arrive $0xFFFF  }
0x6ad: {  	p0 =	sne.s32 s0, $0x0;
	s0 =	rddreg [dreg:$0x2]  }
0x6ae: {  	s0 =	sadd.s32 @!p0 $0x100000, s0  }
0x6af: {  	[sflag:s0] =	ssyncadd.tile.s32 @!p0 $0x1;
	_ =	shalt  }
.Lfunc_end2:
_tile_overlayer_lowered:
.L_overlay_start_2:
0x6b0: {  	(tag) =	ssettag $0x2  }
0x6b1: {  	s0 =	rddreg [dreg:$0x0];
	s2 =	stileid.u32  }
0x6b2: {  	s1 =	rddreg [dreg:$0x1];
	p0 =	sne.s32 s2, $0x0  }
0x6b3: {  	s3 =	rddreg [dreg:$0x2];
	[bflag:$0x3] =	sbarrier.arrive $0xFFFF;
	s2 =	simm.s32 @!p0 $0x1C04  }
0x6b4: {  	[timem:s3], [sflag:s2] =	dma.local @!p0 [hbm:s0], s1  }
0x6b5: {  	s0 =	simm.s32 @!p0 $0x4  }
0x6b6: {  	_ =	swait.ge @!p0 [sflag:s0], s1  }
0x6b7: {  	s1 =	ssub.s32 @!p0 $0x0, s1;
	[sflag:s0] =	ssyncset.done @!p0 $0x0  }
0x6b8: {  	[sflag:s0] =	ssyncadd.s32 @!p0 s1  }
0x6b9: {  	[bflag:$0x3] =	sbarrier.arrive $0xFFFF  }
0x6ba: {  	_ =	shalt  }

</sc_bundles>
